<compile_context>
chip_gen: v7x
topology: tpu7x:2x2x1
jax: 0.10.2.dev20260603
libtpu: 0.0.44.dev20260713+nightly
codegen_flags: <defaults>
</compile_context>

<pallas_src>
import jax
import jax.numpy as jnp
from jax import lax
from jax.experimental import pallas as pl
from jax.experimental.pallas import tpu as pltpu
from jax.experimental.pallas import tpu_sc as plsc

NUM_TABLES = 26
VOCAB = 100000
DIM = 32
BATCH = 4096
HIST = 20

NC = 2
NS = 16
NW = NC * NS
PIECE = 512
NPIECE = BATCH // PIECE
NCHUNK = PIECE // 16


def _emb_body(idx_hbm, w_hbm, out_hbm, idxp, wcol, outv, sem0, sem1, semo):
    col = lax.axis_index("s") * NC + lax.axis_index("c")
    off = (col * NUM_TABLES) // NW
    sems = (sem0, sem1)

    def fetch_idx(t, p, buf):
        return pltpu.async_copy(
            idx_hbm.at[t, :, pl.ds(p * PIECE, PIECE)], idxp.at[buf], sems[buf]
        )

    fetch_idx(off, 0, 0)

    def table_body(tl, carry):
        t = lax.rem(tl + off, NUM_TABLES)
        tn = lax.rem(tl + 1 + off, NUM_TABLES)
        pltpu.sync_copy(w_hbm.at[t, col], wcol)

        @pl.when(tl > 0)
        def _():
            pltpu.make_async_copy(out_hbm.at[t, col], outv, semo).wait()

        for p in range(NPIECE):
            buf = p % 2
            nbuf = (p + 1) % 2
            if p < NPIECE - 1:
                fetch_idx(t, p + 1, nbuf)
            else:
                @pl.when(tl < NUM_TABLES - 1)
                def _():
                    fetch_idx(tn, 0, 0)

            pltpu.make_async_copy(
                idx_hbm.at[t, :, pl.ds(p * PIECE, PIECE)], idxp.at[buf], sems[buf]
            ).wait()

            @plsc.parallel_loop(0, NCHUNK, unroll=3)
            def _(c):
                lanes = pl.ds(c * 16, 16)
                accs = [
                    plsc.load_gather(wcol, [idxp[buf, j, lanes]])
                    for j in range(4)
                ]
                for j in range(4, HIST):
                    accs[j % 4] = accs[j % 4] + plsc.load_gather(
                        wcol, [idxp[buf, j, lanes]]
                    )
                outv[pl.ds(p * PIECE + c * 16, 16)] = (
                    (accs[0] + accs[1]) + (accs[2] + accs[3])
                )

        pltpu.async_copy(outv, out_hbm.at[t, col], semo)
        return carry

    lax.fori_loop(0, NUM_TABLES, table_body, 0)
    pltpu.make_async_copy(
        out_hbm.at[lax.rem(NUM_TABLES - 1 + off, NUM_TABLES), col], outv, semo
    ).wait()


def kernel(lS_i, W):
    idx_t = jnp.swapaxes(lS_i.astype(jnp.int32), 1, 2)
    w_t = jnp.swapaxes(W, 1, 2)
    mesh = plsc.VectorSubcoreMesh(core_axis_name="c", subcore_axis_name="s")
    run = pl.kernel(
        _emb_body,
        mesh=mesh,
        compiler_params=pltpu.CompilerParams(needs_layout_passes=False),
        out_type=jax.ShapeDtypeStruct((NUM_TABLES, DIM, BATCH), jnp.float32),
        scratch_types=[
            pltpu.VMEM((2, HIST, PIECE), jnp.int32),
            pltpu.VMEM((VOCAB,), jnp.float32),
            pltpu.VMEM((BATCH,), jnp.float32),
            pltpu.SemaphoreType.DMA,
            pltpu.SemaphoreType.DMA,
            pltpu.SemaphoreType.DMA,
        ],
    )
    out_t = run(idx_t, w_t)
    return jnp.swapaxes(out_t, 1, 2)

# --- scband reference (transcript-rebuilt; emitter-appended) ---
"""Pipeline reference for scband-emb-tables-46694884442287 (READ-ONLY COPY).

The authoritative reference and input builder live on the scoring server;
editing this copy changes nothing except your own understanding.
"""

import jax, jax.numpy as jnp
import numpy as np

NUM_TABLES = 26
VOCAB = 100000
DIM = 32
BATCH = 4096
HIST = 20

def setup_inputs(seed: int = 0) -> dict:
    key = jax.random.key(seed)
    k1, k2 = jax.random.split(key)
    lS_i = jax.random.randint(k1, (NUM_TABLES, BATCH, HIST), 0, VOCAB, dtype=jnp.int64 if jax.config.jax_enable_x64 else jnp.int32)
    scale = float(np.sqrt(1.0 / VOCAB))
    W = jax.random.uniform(k2, (NUM_TABLES, VOCAB, DIM), minval=-scale, maxval=scale, dtype=jnp.float32)
    return {"lS_i": lS_i, "W": W}

def reference(lS_i, W):
    # EMB_Tables.forward: for each table i, EmbeddingBag(mode='sum') over lS_i[i]
    # which is gather table_i[idx] -> [B, L, D] followed by sum over L -> [B, D].
    def one_table(w, idx):
        return jnp.take(w, idx, axis=0).sum(axis=1)  # [B, DIM]
    out = jax.vmap(one_table)(W, lS_i)  # [NUM_TABLES, B, DIM] (list ly stacked)
    return out

if __name__ == "__main__":
    import jax
    _d = setup_inputs()
    print(jax.jit(kernel)(*tuple(_d.values())))

</pallas_src>

<mosaic_0001>
#map = affine_map<(d0, d1) -> (0, 0, 0)>
module attributes {stable_mosaic.version = 14 : i64} {
  func.func @_emb_body(%arg0: i32, %arg1: i32, %arg2: memref<26x20x4096xi32, #tpu.memory_space<hbm>>, %arg3: memref<26x32x100000xf32, #tpu.memory_space<hbm>>, %arg4: memref<26x32x4096xf32, #tpu.memory_space<hbm>>, %arg5: memref<2x20x512xi32, #tpu.memory_space<vmem>>, %arg6: memref<100000xf32, #tpu.memory_space<vmem>>, %arg7: memref<4096xf32, #tpu.memory_space<vmem>>, %arg8: memref<!tpu.dma_semaphore, #tpu.memory_space<semaphore_mem>>, %arg9: memref<!tpu.dma_semaphore, #tpu.memory_space<semaphore_mem>>, %arg10: memref<!tpu.dma_semaphore, #tpu.memory_space<semaphore_mem>>) attributes {dimension_semantics = [#tpu.dimension_semantics<core_parallel>, #tpu.dimension_semantics<subcore_parallel>], iteration_bounds = array<i64: 2, 16>, scalar_prefetch = 0 : i64, scratch_operands = 6 : i64, tpu.core_type = #tpu.core_type<sc_vector_subcore>, window_params = [{transform_indices = #map}, {transform_indices = #map}, {transform_indices = #map}]} {
    %mul3A = arith.constant 2 : i32
    %mul3A_0 = arith.muli %arg1, %mul3A : i32
    %add3A = arith.addi %mul3A_0, %arg0 : i32
    %mul3A_1 = arith.constant 26 : i32
    %mul3A_2 = arith.muli %add3A, %mul3A_1 : i32
    %jit3A = arith.constant 32 : i32
    %div3A = arith.divsi %mul3A_2, %jit3A : i32
    %sign3A = arith.constant 0 : i32
    %sign3A_3 = arith.cmpi sgt, %mul3A_2, %sign3A : i32
    %sign3A_4 = arith.extui %sign3A_3 : i1 to i32
    %sign3A_5 = arith.constant 0 : i32
    %sign3A_6 = arith.cmpi slt, %mul3A_2, %sign3A_5 : i32
    %sign3A_7 = arith.extui %sign3A_6 : i1 to i32
    %sign3A_8 = arith.subi %sign3A_4, %sign3A_7 : i32
    %sign3A_9 = arith.constant 0 : i32
    %sign3A_10 = arith.cmpi sgt, %jit3A, %sign3A_9 : i32
    %sign3A_11 = arith.extui %sign3A_10 : i1 to i32
    %sign3A_12 = arith.constant 0 : i32
    %sign3A_13 = arith.cmpi slt, %jit3A, %sign3A_12 : i32
    %sign3A_14 = arith.extui %sign3A_13 : i1 to i32
    %sign3A_15 = arith.subi %sign3A_11, %sign3A_14 : i32
    %ne3A = arith.cmpi ne, %sign3A_8, %sign3A_15 : i32
    %rem3A = arith.remsi %mul3A_2, %jit3A : i32
    %ne3A_16 = arith.constant 0 : i32
    %ne3A_17 = arith.cmpi ne, %rem3A, %ne3A_16 : i32
    %and3A = arith.andi %ne3A, %ne3A_17 : i1
    %sub3A = arith.constant 1 : i32
    %sub3A_18 = arith.subi %div3A, %sub3A : i32
    %select_n3A = arith.select %and3A, %sub3A_18, %div3A : i32
    %dma_start3A = arith.constant 0 : i32
    %dma_start3A_19 = arith.constant 0 : i32
    %dma_start3A_20 = arith.constant 0 : i32
    %dma_start3A_21 = tpu.memref_slice %arg5[%dma_start3A, %dma_start3A_19, %dma_start3A_20] : memref<2x20x512xi32, #tpu.memory_space<vmem>> -> memref<1x20x512xi32, #tpu.memory_space<vmem>>
    %dma_start3A_22 = tpu.memref_squeeze %dma_start3A_21 : memref<1x20x512xi32, #tpu.memory_space<vmem>> -> memref<20x512xi32, #tpu.memory_space<vmem>>
    %dma_start3A_23 = arith.constant 0 : i32
    %dma_start3A_24 = arith.constant 0 : i32
    %dma_start3A_25 = tpu.memref_slice %arg2[%select_n3A, %dma_start3A_23, %dma_start3A_24] : memref<26x20x4096xi32, #tpu.memory_space<hbm>> -> memref<1x20x512xi32, #tpu.memory_space<hbm>>
    %dma_start3A_26 = tpu.memref_squeeze %dma_start3A_25 : memref<1x20x512xi32, #tpu.memory_space<hbm>> -> memref<20x512xi32, #tpu.memory_space<hbm>>
    %dma_start3A_27 = arith.constant 0 : i32
    %dma_start3A_28 = arith.constant 0 : i32
    %dma_start3A_29 = tpu.memref_slice %arg5[%dma_start3A, %dma_start3A_27, %dma_start3A_28] : memref<2x20x512xi32, #tpu.memory_space<vmem>> -> memref<1x20x512xi32, #tpu.memory_space<vmem>>
    %dma_start3A_30 = tpu.memref_squeeze %dma_start3A_29 : memref<1x20x512xi32, #tpu.memory_space<vmem>> -> memref<20x512xi32, #tpu.memory_space<vmem>>
    %dma_start3A_31 = arith.constant 0 : i32
    %dma_start3A_32 = arith.constant 0 : i32
    %dma_start3A_33 = tpu.memref_slice %arg2[%select_n3A, %dma_start3A_31, %dma_start3A_32] : memref<26x20x4096xi32, #tpu.memory_space<hbm>> -> memref<1x20x512xi32, #tpu.memory_space<hbm>>
    %dma_start3A_34 = tpu.memref_squeeze %dma_start3A_33 : memref<1x20x512xi32, #tpu.memory_space<hbm>> -> memref<20x512xi32, #tpu.memory_space<hbm>>
    tpu.enqueue_dma source(%dma_start3A_34 : memref<20x512xi32, #tpu.memory_space<hbm>>) target(%dma_start3A_30 : memref<20x512xi32, #tpu.memory_space<vmem>>) target_semaphore(%arg8 : memref<!tpu.dma_semaphore, #tpu.memory_space<semaphore_mem>>)
    %scan3A = arith.constant 0 : i32
    %scan3A_35 = arith.constant 0 : i32
    %scan3A_36 = arith.constant 26 : i32
    %scan3A_37 = arith.addi %scan3A_35, %scan3A_36 : i32
    %scan3A_38 = arith.constant 1 : i32
    scf.for %scan3A_49 = %scan3A_35 to %scan3A_37 step %scan3A_38  : i32 {
      %add3A_50 = arith.addi %scan3A_49, %select_n3A : i32
      %rem3A_51 = arith.constant 26 : i32
      %rem3A_52 = arith.remsi %add3A_50, %rem3A_51 : i32
      %add3A_53 = arith.constant 1 : i32
      %add3A_54 = arith.addi %scan3A_49, %add3A_53 : i32
      %add3A_55 = arith.addi %add3A_54, %select_n3A : i32
      %rem3A_56 = arith.constant 26 : i32
      %rem3A_57 = arith.remsi %add3A_55, %rem3A_56 : i32
      "tpu.region"() ({
        %run_scoped3A = tpu.sem_alloc : memref<!tpu.dma_semaphore, #tpu.memory_space<semaphore_mem>>
        %dma_start3A_348 = arith.constant 0 : i32
        %dma_start3A_349 = tpu.memref_slice %arg3[%rem3A_52, %add3A, %dma_start3A_348] : memref<26x32x100000xf32, #tpu.memory_space<hbm>> -> memref<1x1x100000xf32, #tpu.memory_space<hbm>>
        %dma_start3A_350 = tpu.memref_squeeze %dma_start3A_349 : memref<1x1x100000xf32, #tpu.memory_space<hbm>> -> memref<100000xf32, #tpu.memory_space<hbm>>
        %dma_start3A_351 = arith.constant 0 : i32
        %dma_start3A_352 = tpu.memref_slice %arg3[%rem3A_52, %add3A, %dma_start3A_351] : memref<26x32x100000xf32, #tpu.memory_space<hbm>> -> memref<1x1x100000xf32, #tpu.memory_space<hbm>>
        %dma_start3A_353 = tpu.memref_squeeze %dma_start3A_352 : memref<1x1x100000xf32, #tpu.memory_space<hbm>> -> memref<100000xf32, #tpu.memory_space<hbm>>
        tpu.enqueue_dma source(%dma_start3A_353 : memref<100000xf32, #tpu.memory_space<hbm>>) target(%arg6 : memref<100000xf32, #tpu.memory_space<vmem>>) target_semaphore(%run_scoped3A : memref<!tpu.dma_semaphore, #tpu.memory_space<semaphore_mem>>)
        %dma_wait3A_354 = arith.constant 0 : i32
        %dma_wait3A_355 = tpu.memref_slice %arg3[%rem3A_52, %add3A, %dma_wait3A_354] : memref<26x32x100000xf32, #tpu.memory_space<hbm>> -> memref<1x1x100000xf32, #tpu.memory_space<hbm>>
        %dma_wait3A_356 = tpu.memref_squeeze %dma_wait3A_355 : memref<1x1x100000xf32, #tpu.memory_space<hbm>> -> memref<100000xf32, #tpu.memory_space<hbm>>
        %dma_wait3A_357 = arith.constant 0 : i32
        %dma_wait3A_358 = tpu.memref_slice %arg3[%rem3A_52, %add3A, %dma_wait3A_357] : memref<26x32x100000xf32, #tpu.memory_space<hbm>> -> memref<1x1x100000xf32, #tpu.memory_space<hbm>>
        %dma_wait3A_359 = tpu.memref_squeeze %dma_wait3A_358 : memref<1x1x100000xf32, #tpu.memory_space<hbm>> -> memref<100000xf32, #tpu.memory_space<hbm>>
        tpu.wait_dma2 semaphore(%run_scoped3A : memref<!tpu.dma_semaphore, #tpu.memory_space<semaphore_mem>>) src(%dma_wait3A_359 : memref<100000xf32, #tpu.memory_space<hbm>>) dst(%arg6 : memref<100000xf32, #tpu.memory_space<vmem>>)
        tpu.yield
      }) : () -> ()
      %gt3A = arith.constant 0 : i32
      %gt3A_58 = arith.cmpi sgt, %scan3A_49, %gt3A : i32
      %convert_element_type3A = arith.extui %gt3A_58 : i1 to i32
      %cond3A = arith.constant 0 : i32
      %cond3A_59 = arith.cmpi ne, %convert_element_type3A, %cond3A : i32
      scf.if %cond3A_59 {
        %dma_wait3A_348 = arith.constant 0 : i32
        %dma_wait3A_349 = tpu.memref_slice %arg4[%rem3A_52, %add3A, %dma_wait3A_348] : memref<26x32x4096xf32, #tpu.memory_space<hbm>> -> memref<1x1x4096xf32, #tpu.memory_space<hbm>>
        %dma_wait3A_350 = tpu.memref_squeeze %dma_wait3A_349 : memref<1x1x4096xf32, #tpu.memory_space<hbm>> -> memref<4096xf32, #tpu.memory_space<hbm>>
        %dma_wait3A_351 = arith.constant 0 : i32
        %dma_wait3A_352 = tpu.memref_slice %arg4[%rem3A_52, %add3A, %dma_wait3A_351] : memref<26x32x4096xf32, #tpu.memory_space<hbm>> -> memref<1x1x4096xf32, #tpu.memory_space<hbm>>
        %dma_wait3A_353 = tpu.memref_squeeze %dma_wait3A_352 : memref<1x1x4096xf32, #tpu.memory_space<hbm>> -> memref<4096xf32, #tpu.memory_space<hbm>>
        tpu.wait_dma2 semaphore(%arg10 : memref<!tpu.dma_semaphore, #tpu.memory_space<semaphore_mem>>) src(%dma_wait3A_353 : memref<4096xf32, #tpu.memory_space<hbm>>) dst(%arg7 : memref<4096xf32, #tpu.memory_space<vmem>>)
      } else {
      }
      %dma_start3A_60 = arith.constant 1 : i32
      %dma_start3A_61 = arith.constant 0 : i32
      %dma_start3A_62 = arith.constant 0 : i32
      %dma_start3A_63 = tpu.memref_slice %arg5[%dma_start3A_60, %dma_start3A_61, %dma_start3A_62] : memref<2x20x512xi32, #tpu.memory_space<vmem>> -> memref<1x20x512xi32, #tpu.memory_space<vmem>>
      %dma_start3A_64 = tpu.memref_squeeze %dma_start3A_63 : memref<1x20x512xi32, #tpu.memory_space<vmem>> -> memref<20x512xi32, #tpu.memory_space<vmem>>
      %dma_start3A_65 = arith.constant 0 : i32
      %dma_start3A_66 = arith.constant 512 : i32
      %dma_start3A_67 = tpu.memref_slice %arg2[%rem3A_52, %dma_start3A_65, %dma_start3A_66] : memref<26x20x4096xi32, #tpu.memory_space<hbm>> -> memref<1x20x512xi32, #tpu.memory_space<hbm>>
      %dma_start3A_68 = tpu.memref_squeeze %dma_start3A_67 : memref<1x20x512xi32, #tpu.memory_space<hbm>> -> memref<20x512xi32, #tpu.memory_space<hbm>>
      %dma_start3A_69 = arith.constant 0 : i32
      %dma_start3A_70 = arith.constant 0 : i32
      %dma_start3A_71 = tpu.memref_slice %arg5[%dma_start3A_60, %dma_start3A_69, %dma_start3A_70] : memref<2x20x512xi32, #tpu.memory_space<vmem>> -> memref<1x20x512xi32, #tpu.memory_space<vmem>>
      %dma_start3A_72 = tpu.memref_squeeze %dma_start3A_71 : memref<1x20x512xi32, #tpu.memory_space<vmem>> -> memref<20x512xi32, #tpu.memory_space<vmem>>
      %dma_start3A_73 = arith.constant 0 : i32
      %dma_start3A_74 = arith.constant 512 : i32
      %dma_start3A_75 = tpu.memref_slice %arg2[%rem3A_52, %dma_start3A_73, %dma_start3A_74] : memref<26x20x4096xi32, #tpu.memory_space<hbm>> -> memref<1x20x512xi32, #tpu.memory_space<hbm>>
      %dma_start3A_76 = tpu.memref_squeeze %dma_start3A_75 : memref<1x20x512xi32, #tpu.memory_space<hbm>> -> memref<20x512xi32, #tpu.memory_space<hbm>>
      tpu.enqueue_dma source(%dma_start3A_76 : memref<20x512xi32, #tpu.memory_space<hbm>>) target(%dma_start3A_72 : memref<20x512xi32, #tpu.memory_space<vmem>>) target_semaphore(%arg9 : memref<!tpu.dma_semaphore, #tpu.memory_space<semaphore_mem>>)
      %dma_wait3A_77 = arith.constant 0 : i32
      %dma_wait3A_78 = arith.constant 0 : i32
      %dma_wait3A_79 = arith.constant 0 : i32
      %dma_wait3A_80 = tpu.memref_slice %arg5[%dma_wait3A_77, %dma_wait3A_78, %dma_wait3A_79] : memref<2x20x512xi32, #tpu.memory_space<vmem>> -> memref<1x20x512xi32, #tpu.memory_space<vmem>>
      %dma_wait3A_81 = tpu.memref_squeeze %dma_wait3A_80 : memref<1x20x512xi32, #tpu.memory_space<vmem>> -> memref<20x512xi32, #tpu.memory_space<vmem>>
      %dma_wait3A_82 = arith.constant 0 : i32
      %dma_wait3A_83 = arith.constant 0 : i32
      %dma_wait3A_84 = tpu.memref_slice %arg2[%rem3A_52, %dma_wait3A_82, %dma_wait3A_83] : memref<26x20x4096xi32, #tpu.memory_space<hbm>> -> memref<1x20x512xi32, #tpu.memory_space<hbm>>
      %dma_wait3A_85 = tpu.memref_squeeze %dma_wait3A_84 : memref<1x20x512xi32, #tpu.memory_space<hbm>> -> memref<20x512xi32, #tpu.memory_space<hbm>>
      %dma_wait3A_86 = arith.constant 0 : i32
      %dma_wait3A_87 = arith.constant 0 : i32
      %dma_wait3A_88 = tpu.memref_slice %arg5[%dma_wait3A_77, %dma_wait3A_86, %dma_wait3A_87] : memref<2x20x512xi32, #tpu.memory_space<vmem>> -> memref<1x20x512xi32, #tpu.memory_space<vmem>>
      %dma_wait3A_89 = tpu.memref_squeeze %dma_wait3A_88 : memref<1x20x512xi32, #tpu.memory_space<vmem>> -> memref<20x512xi32, #tpu.memory_space<vmem>>
      %dma_wait3A_90 = arith.constant 0 : i32
      %dma_wait3A_91 = arith.constant 0 : i32
      %dma_wait3A_92 = tpu.memref_slice %arg2[%rem3A_52, %dma_wait3A_90, %dma_wait3A_91] : memref<26x20x4096xi32, #tpu.memory_space<hbm>> -> memref<1x20x512xi32, #tpu.memory_space<hbm>>
      %dma_wait3A_93 = tpu.memref_squeeze %dma_wait3A_92 : memref<1x20x512xi32, #tpu.memory_space<hbm>> -> memref<20x512xi32, #tpu.memory_space<hbm>>
      tpu.wait_dma2 semaphore(%arg8 : memref<!tpu.dma_semaphore, #tpu.memory_space<semaphore_mem>>) src(%dma_wait3A_93 : memref<20x512xi32, #tpu.memory_space<hbm>>) dst(%dma_wait3A_89 : memref<20x512xi32, #tpu.memory_space<vmem>>)
      %parallel_loop3A = arith.constant 0 : i32
      %parallel_loop3A_94 = arith.constant 32 : i32
      %parallel_loop3A_95 = arith.constant 1 : i32
      scf.for %parallel_loop3A_348 = %parallel_loop3A to %parallel_loop3A_94 step %parallel_loop3A_95  : i32 {
        %parallel_loop3A_349 = arith.constant 16 : i32
        %parallel_loop3A_350 = arith.muli %parallel_loop3A_348, %parallel_loop3A_349 : i32
        %parallel_loop3A_351 = arith.constant 0 : i32
        %parallel_loop3A_352 = arith.constant 0 : i32
        %parallel_loop3A_353 = arith.index_cast %parallel_loop3A_351 : i32 to index
        %parallel_loop3A_354 = arith.index_cast %parallel_loop3A_352 : i32 to index
        %parallel_loop3A_355 = arith.index_cast %parallel_loop3A_350 : i32 to index
        %parallel_loop3A_356 = tpu.vector_load %arg5[%parallel_loop3A_353, %parallel_loop3A_354, %parallel_loop3A_355] {strides = array<i32>} : memref<2x20x512xi32, #tpu.memory_space<vmem>>, vector<16xi32>,
        %parallel_loop3A_357 = tpu.vector_load_idx %arg6[%parallel_loop3A_356] : memref<100000xf32, #tpu.memory_space<vmem>>[vector<16xi32>], vector<16xf32>,
        %parallel_loop3A_358 = arith.constant 0 : i32
        %parallel_loop3A_359 = arith.constant 1 : i32
        %parallel_loop3A_360 = arith.index_cast %parallel_loop3A_358 : i32 to index
        %parallel_loop3A_361 = arith.index_cast %parallel_loop3A_359 : i32 to index
        %parallel_loop3A_362 = arith.index_cast %parallel_loop3A_350 : i32 to index
        %parallel_loop3A_363 = tpu.vector_load %arg5[%parallel_loop3A_360, %parallel_loop3A_361, %parallel_loop3A_362] {strides = array<i32>} : memref<2x20x512xi32, #tpu.memory_space<vmem>>, vector<16xi32>,
        %parallel_loop3A_364 = tpu.vector_load_idx %arg6[%parallel_loop3A_363] : memref<100000xf32, #tpu.memory_space<vmem>>[vector<16xi32>], vector<16xf32>,
        %parallel_loop3A_365 = arith.constant 0 : i32
        %parallel_loop3A_366 = arith.constant 2 : i32
        %parallel_loop3A_367 = arith.index_cast %parallel_loop3A_365 : i32 to index
        %parallel_loop3A_368 = arith.index_cast %parallel_loop3A_366 : i32 to index
        %parallel_loop3A_369 = arith.index_cast %parallel_loop3A_350 : i32 to index
        %parallel_loop3A_370 = tpu.vector_load %arg5[%parallel_loop3A_367, %parallel_loop3A_368, %parallel_loop3A_369] {strides = array<i32>} : memref<2x20x512xi32, #tpu.memory_space<vmem>>, vector<16xi32>,
        %parallel_loop3A_371 = tpu.vector_load_idx %arg6[%parallel_loop3A_370] : memref<100000xf32, #tpu.memory_space<vmem>>[vector<16xi32>], vector<16xf32>,
        %parallel_loop3A_372 = arith.constant 0 : i32
        %parallel_loop3A_373 = arith.constant 3 : i32
        %parallel_loop3A_374 = arith.index_cast %parallel_loop3A_372 : i32 to index
        %parallel_loop3A_375 = arith.index_cast %parallel_loop3A_373 : i32 to index
        %parallel_loop3A_376 = arith.index_cast %parallel_loop3A_350 : i32 to index
        %parallel_loop3A_377 = tpu.vector_load %arg5[%parallel_loop3A_374, %parallel_loop3A_375, %parallel_loop3A_376] {strides = array<i32>} : memref<2x20x512xi32, #tpu.memory_space<vmem>>, vector<16xi32>,
        %parallel_loop3A_378 = tpu.vector_load_idx %arg6[%parallel_loop3A_377] : memref<100000xf32, #tpu.memory_space<vmem>>[vector<16xi32>], vector<16xf32>,
        %parallel_loop3A_379 = arith.constant 0 : i32
        %parallel_loop3A_380 = arith.constant 4 : i32
        %parallel_loop3A_381 = arith.index_cast %parallel_loop3A_379 : i32 to index
        %parallel_loop3A_382 = arith.index_cast %parallel_loop3A_380 : i32 to index
        %parallel_loop3A_383 = arith.index_cast %parallel_loop3A_350 : i32 to index
        %parallel_loop3A_384 = tpu.vector_load %arg5[%parallel_loop3A_381, %parallel_loop3A_382, %parallel_loop3A_383] {strides = array<i32>} : memref<2x20x512xi32, #tpu.memory_space<vmem>>, vector<16xi32>,
        %parallel_loop3A_385 = tpu.vector_load_idx %arg6[%parallel_loop3A_384] : memref<100000xf32, #tpu.memory_space<vmem>>[vector<16xi32>], vector<16xf32>,
        %parallel_loop3A_386 = arith.addf %parallel_loop3A_357, %parallel_loop3A_385 : vector<16xf32>
        %parallel_loop3A_387 = arith.constant 0 : i32
        %parallel_loop3A_388 = arith.constant 5 : i32
        %parallel_loop3A_389 = arith.index_cast %parallel_loop3A_387 : i32 to index
        %parallel_loop3A_390 = arith.index_cast %parallel_loop3A_388 : i32 to index
        %parallel_loop3A_391 = arith.index_cast %parallel_loop3A_350 : i32 to index
        %parallel_loop3A_392 = tpu.vector_load %arg5[%parallel_loop3A_389, %parallel_loop3A_390, %parallel_loop3A_391] {strides = array<i32>} : memref<2x20x512xi32, #tpu.memory_space<vmem>>, vector<16xi32>,
        %parallel_loop3A_393 = tpu.vector_load_idx %arg6[%parallel_loop3A_392] : memref<100000xf32, #tpu.memory_space<vmem>>[vector<16xi32>], vector<16xf32>,
        %parallel_loop3A_394 = arith.addf %parallel_loop3A_364, %parallel_loop3A_393 : vector<16xf32>
        %parallel_loop3A_395 = arith.constant 0 : i32
        %parallel_loop3A_396 = arith.constant 6 : i32
        %parallel_loop3A_397 = arith.index_cast %parallel_loop3A_395 : i32 to index
        %parallel_loop3A_398 = arith.index_cast %parallel_loop3A_396 : i32 to index
        %parallel_loop3A_399 = arith.index_cast %parallel_loop3A_350 : i32 to index
        %parallel_loop3A_400 = tpu.vector_load %arg5[%parallel_loop3A_397, %parallel_loop3A_398, %parallel_loop3A_399] {strides = array<i32>} : memref<2x20x512xi32, #tpu.memory_space<vmem>>, vector<16xi32>,
        %parallel_loop3A_401 = tpu.vector_load_idx %arg6[%parallel_loop3A_400] : memref<100000xf32, #tpu.memory_space<vmem>>[vector<16xi32>], vector<16xf32>,
        %parallel_loop3A_402 = arith.addf %parallel_loop3A_371, %parallel_loop3A_401 : vector<16xf32>
        %parallel_loop3A_403 = arith.constant 0 : i32
        %parallel_loop3A_404 = arith.constant 7 : i32
        %parallel_loop3A_405 = arith.index_cast %parallel_loop3A_403 : i32 to index
        %parallel_loop3A_406 = arith.index_cast %parallel_loop3A_404 : i32 to index
        %parallel_loop3A_407 = arith.index_cast %parallel_loop3A_350 : i32 to index
        %parallel_loop3A_408 = tpu.vector_load %arg5[%parallel_loop3A_405, %parallel_loop3A_406, %parallel_loop3A_407] {strides = array<i32>} : memref<2x20x512xi32, #tpu.memory_space<vmem>>, vector<16xi32>,
        %parallel_loop3A_409 = tpu.vector_load_idx %arg6[%parallel_loop3A_408] : memref<100000xf32, #tpu.memory_space<vmem>>[vector<16xi32>], vector<16xf32>,
        %parallel_loop3A_410 = arith.addf %parallel_loop3A_378, %parallel_loop3A_409 : vector<16xf32>
        %parallel_loop3A_411 = arith.constant 0 : i32
        %parallel_loop3A_412 = arith.constant 8 : i32
        %parallel_loop3A_413 = arith.index_cast %parallel_loop3A_411 : i32 to index
        %parallel_loop3A_414 = arith.index_cast %parallel_loop3A_412 : i32 to index
        %parallel_loop3A_415 = arith.index_cast %parallel_loop3A_350 : i32 to index
        %parallel_loop3A_416 = tpu.vector_load %arg5[%parallel_loop3A_413, %parallel_loop3A_414, %parallel_loop3A_415] {strides = array<i32>} : memref<2x20x512xi32, #tpu.memory_space<vmem>>, vector<16xi32>,
        %parallel_loop3A_417 = tpu.vector_load_idx %arg6[%parallel_loop3A_416] : memref<100000xf32, #tpu.memory_space<vmem>>[vector<16xi32>], vector<16xf32>,
        %parallel_loop3A_418 = arith.addf %parallel_loop3A_386, %parallel_loop3A_417 : vector<16xf32>
        %parallel_loop3A_419 = arith.constant 0 : i32
        %parallel_loop3A_420 = arith.constant 9 : i32
        %parallel_loop3A_421 = arith.index_cast %parallel_loop3A_419 : i32 to index
        %parallel_loop3A_422 = arith.index_cast %parallel_loop3A_420 : i32 to index
        %parallel_loop3A_423 = arith.index_cast %parallel_loop3A_350 : i32 to index
        %parallel_loop3A_424 = tpu.vector_load %arg5[%parallel_loop3A_421, %parallel_loop3A_422, %parallel_loop3A_423] {strides = array<i32>} : memref<2x20x512xi32, #tpu.memory_space<vmem>>, vector<16xi32>,
        %parallel_loop3A_425 = tpu.vector_load_idx %arg6[%parallel_loop3A_424] : memref<100000xf32, #tpu.memory_space<vmem>>[vector<16xi32>], vector<16xf32>,
        %parallel_loop3A_426 = arith.addf %parallel_loop3A_394, %parallel_loop3A_425 : vector<16xf32>
        %parallel_loop3A_427 = arith.constant 0 : i32
        %parallel_loop3A_428 = arith.constant 10 : i32
        %parallel_loop3A_429 = arith.index_cast %parallel_loop3A_427 : i32 to index
        %parallel_loop3A_430 = arith.index_cast %parallel_loop3A_428 : i32 to index
        %parallel_loop3A_431 = arith.index_cast %parallel_loop3A_350 : i32 to index
        %parallel_loop3A_432 = tpu.vector_load %arg5[%parallel_loop3A_429, %parallel_loop3A_430, %parallel_loop3A_431] {strides = array<i32>} : memref<2x20x512xi32, #tpu.memory_space<vmem>>, vector<16xi32>,
        %parallel_loop3A_433 = tpu.vector_load_idx %arg6[%parallel_loop3A_432] : memref<100000xf32, #tpu.memory_space<vmem>>[vector<16xi32>], vector<16xf32>,
        %parallel_loop3A_434 = arith.addf %parallel_loop3A_402, %parallel_loop3A_433 : vector<16xf32>
        %parallel_loop3A_435 = arith.constant 0 : i32
        %parallel_loop3A_436 = arith.constant 11 : i32
        %parallel_loop3A_437 = arith.index_cast %parallel_loop3A_435 : i32 to index
        %parallel_loop3A_438 = arith.index_cast %parallel_loop3A_436 : i32 to index
        %parallel_loop3A_439 = arith.index_cast %parallel_loop3A_350 : i32 to index
        %parallel_loop3A_440 = tpu.vector_load %arg5[%parallel_loop3A_437, %parallel_loop3A_438, %parallel_loop3A_439] {strides = array<i32>} : memref<2x20x512xi32, #tpu.memory_space<vmem>>, vector<16xi32>,
        %parallel_loop3A_441 = tpu.vector_load_idx %arg6[%parallel_loop3A_440] : memref<100000xf32, #tpu.memory_space<vmem>>[vector<16xi32>], vector<16xf32>,
        %parallel_loop3A_442 = arith.addf %parallel_loop3A_410, %parallel_loop3A_441 : vector<16xf32>
        %parallel_loop3A_443 = arith.constant 0 : i32
        %parallel_loop3A_444 = arith.constant 12 : i32
        %parallel_loop3A_445 = arith.index_cast %parallel_loop3A_443 : i32 to index
        %parallel_loop3A_446 = arith.index_cast %parallel_loop3A_444 : i32 to index
        %parallel_loop3A_447 = arith.index_cast %parallel_loop3A_350 : i32 to index
        %parallel_loop3A_448 = tpu.vector_load %arg5[%parallel_loop3A_445, %parallel_loop3A_446, %parallel_loop3A_447] {strides = array<i32>} : memref<2x20x512xi32, #tpu.memory_space<vmem>>, vector<16xi32>,
        %parallel_loop3A_449 = tpu.vector_load_idx %arg6[%parallel_loop3A_448] : memref<100000xf32, #tpu.memory_space<vmem>>[vector<16xi32>], vector<16xf32>,
        %parallel_loop3A_450 = arith.addf %parallel_loop3A_418, %parallel_loop3A_449 : vector<16xf32>
        %parallel_loop3A_451 = arith.constant 0 : i32
        %parallel_loop3A_452 = arith.constant 13 : i32
        %parallel_loop3A_453 = arith.index_cast %parallel_loop3A_451 : i32 to index
        %parallel_loop3A_454 = arith.index_cast %parallel_loop3A_452 : i32 to index
        %parallel_loop3A_455 = arith.index_cast %parallel_loop3A_350 : i32 to index
        %parallel_loop3A_456 = tpu.vector_load %arg5[%parallel_loop3A_453, %parallel_loop3A_454, %parallel_loop3A_455] {strides = array<i32>} : memref<2x20x512xi32, #tpu.memory_space<vmem>>, vector<16xi32>,
        %parallel_loop3A_457 = tpu.vector_load_idx %arg6[%parallel_loop3A_456] : memref<100000xf32, #tpu.memory_space<vmem>>[vector<16xi32>], vector<16xf32>,
        %parallel_loop3A_458 = arith.addf %parallel_loop3A_426, %parallel_loop3A_457 : vector<16xf32>
        %parallel_loop3A_459 = arith.constant 0 : i32
        %parallel_loop3A_460 = arith.constant 14 : i32
        %parallel_loop3A_461 = arith.index_cast %parallel_loop3A_459 : i32 to index
        %parallel_loop3A_462 = arith.index_cast %parallel_loop3A_460 : i32 to index
        %parallel_loop3A_463 = arith.index_cast %parallel_loop3A_350 : i32 to index
        %parallel_loop3A_464 = tpu.vector_load %arg5[%parallel_loop3A_461, %parallel_loop3A_462, %parallel_loop3A_463] {strides = array<i32>} : memref<2x20x512xi32, #tpu.memory_space<vmem>>, vector<16xi32>,
        %parallel_loop3A_465 = tpu.vector_load_idx %arg6[%parallel_loop3A_464] : memref<100000xf32, #tpu.memory_space<vmem>>[vector<16xi32>], vector<16xf32>,
        %parallel_loop3A_466 = arith.addf %parallel_loop3A_434, %parallel_loop3A_465 : vector<16xf32>
        %parallel_loop3A_467 = arith.constant 0 : i32
        %parallel_loop3A_468 = arith.constant 15 : i32
        %parallel_loop3A_469 = arith.index_cast %parallel_loop3A_467 : i32 to index
        %parallel_loop3A_470 = arith.index_cast %parallel_loop3A_468 : i32 to index
        %parallel_loop3A_471 = arith.index_cast %parallel_loop3A_350 : i32 to index
        %parallel_loop3A_472 = tpu.vector_load %arg5[%parallel_loop3A_469, %parallel_loop3A_470, %parallel_loop3A_471] {strides = array<i32>} : memref<2x20x512xi32, #tpu.memory_space<vmem>>, vector<16xi32>,
        %parallel_loop3A_473 = tpu.vector_load_idx %arg6[%parallel_loop3A_472] : memref<100000xf32, #tpu.memory_space<vmem>>[vector<16xi32>], vector<16xf32>,
        %parallel_loop3A_474 = arith.addf %parallel_loop3A_442, %parallel_loop3A_473 : vector<16xf32>
        %parallel_loop3A_475 = arith.constant 0 : i32
        %parallel_loop3A_476 = arith.constant 16 : i32
        %parallel_loop3A_477 = arith.index_cast %parallel_loop3A_475 : i32 to index
        %parallel_loop3A_478 = arith.index_cast %parallel_loop3A_476 : i32 to index
        %parallel_loop3A_479 = arith.index_cast %parallel_loop3A_350 : i32 to index
        %parallel_loop3A_480 = tpu.vector_load %arg5[%parallel_loop3A_477, %parallel_loop3A_478, %parallel_loop3A_479] {strides = array<i32>} : memref<2x20x512xi32, #tpu.memory_space<vmem>>, vector<16xi32>,
        %parallel_loop3A_481 = tpu.vector_load_idx %arg6[%parallel_loop3A_480] : memref<100000xf32, #tpu.memory_space<vmem>>[vector<16xi32>], vector<16xf32>,
        %parallel_loop3A_482 = arith.addf %parallel_loop3A_450, %parallel_loop3A_481 : vector<16xf32>
        %parallel_loop3A_483 = arith.constant 0 : i32
        %parallel_loop3A_484 = arith.constant 17 : i32
        %parallel_loop3A_485 = arith.index_cast %parallel_loop3A_483 : i32 to index
        %parallel_loop3A_486 = arith.index_cast %parallel_loop3A_484 : i32 to index
        %parallel_loop3A_487 = arith.index_cast %parallel_loop3A_350 : i32 to index
        %parallel_loop3A_488 = tpu.vector_load %arg5[%parallel_loop3A_485, %parallel_loop3A_486, %parallel_loop3A_487] {strides = array<i32>} : memref<2x20x512xi32, #tpu.memory_space<vmem>>, vector<16xi32>,
        %parallel_loop3A_489 = tpu.vector_load_idx %arg6[%parallel_loop3A_488] : memref<100000xf32, #tpu.memory_space<vmem>>[vector<16xi32>], vector<16xf32>,
        %parallel_loop3A_490 = arith.addf %parallel_loop3A_458, %parallel_loop3A_489 : vector<16xf32>
        %parallel_loop3A_491 = arith.constant 0 : i32
        %parallel_loop3A_492 = arith.constant 18 : i32
        %parallel_loop3A_493 = arith.index_cast %parallel_loop3A_491 : i32 to index
        %parallel_loop3A_494 = arith.index_cast %parallel_loop3A_492 : i32 to index
        %parallel_loop3A_495 = arith.index_cast %parallel_loop3A_350 : i32 to index
        %parallel_loop3A_496 = tpu.vector_load %arg5[%parallel_loop3A_493, %parallel_loop3A_494, %parallel_loop3A_495] {strides = array<i32>} : memref<2x20x512xi32, #tpu.memory_space<vmem>>, vector<16xi32>,
        %parallel_loop3A_497 = tpu.vector_load_idx %arg6[%parallel_loop3A_496] : memref<100000xf32, #tpu.memory_space<vmem>>[vector<16xi32>], vector<16xf32>,
        %parallel_loop3A_498 = arith.addf %parallel_loop3A_466, %parallel_loop3A_497 : vector<16xf32>
        %parallel_loop3A_499 = arith.constant 0 : i32
        %parallel_loop3A_500 = arith.constant 19 : i32
        %parallel_loop3A_501 = arith.index_cast %parallel_loop3A_499 : i32 to index
        %parallel_loop3A_502 = arith.index_cast %parallel_loop3A_500 : i32 to index
        %parallel_loop3A_503 = arith.index_cast %parallel_loop3A_350 : i32 to index
        %parallel_loop3A_504 = tpu.vector_load %arg5[%parallel_loop3A_501, %parallel_loop3A_502, %parallel_loop3A_503] {strides = array<i32>} : memref<2x20x512xi32, #tpu.memory_space<vmem>>, vector<16xi32>,
        %parallel_loop3A_505 = tpu.vector_load_idx %arg6[%parallel_loop3A_504] : memref<100000xf32, #tpu.memory_space<vmem>>[vector<16xi32>], vector<16xf32>,
        %parallel_loop3A_506 = arith.addf %parallel_loop3A_474, %parallel_loop3A_505 : vector<16xf32>
        %parallel_loop3A_507 = arith.addf %parallel_loop3A_482, %parallel_loop3A_490 : vector<16xf32>
        %parallel_loop3A_508 = arith.addf %parallel_loop3A_498, %parallel_loop3A_506 : vector<16xf32>
        %parallel_loop3A_509 = arith.addf %parallel_loop3A_507, %parallel_loop3A_508 : vector<16xf32>
        %parallel_loop3A_510 = arith.constant 16 : i32
        %parallel_loop3A_511 = arith.muli %parallel_loop3A_348, %parallel_loop3A_510 : i32
        %parallel_loop3A_512 = arith.constant 0 : i32
        %parallel_loop3A_513 = arith.addi %parallel_loop3A_512, %parallel_loop3A_511 : i32
        %parallel_loop3A_514 = arith.index_cast %parallel_loop3A_513 : i32 to index
        %parallel_loop3A_515 = tpu.vector_load %arg7[%parallel_loop3A_514] {strides = array<i32>} : memref<4096xf32, #tpu.memory_space<vmem>>, vector<16xf32>,
        tpu.vector_store %arg7[%parallel_loop3A_514], %parallel_loop3A_509 {strides = array<i32>} : memref<4096xf32, #tpu.memory_space<vmem>>, vector<16xf32>,
      } {sc.loop_unroll_factor = 3 : i64, sc.parallel_access}
      %dma_start3A_96 = arith.constant 0 : i32
      %dma_start3A_97 = arith.constant 0 : i32
      %dma_start3A_98 = arith.constant 0 : i32
      %dma_start3A_99 = tpu.memref_slice %arg5[%dma_start3A_96, %dma_start3A_97, %dma_start3A_98] : memref<2x20x512xi32, #tpu.memory_space<vmem>> -> memref<1x20x512xi32, #tpu.memory_space<vmem>>
      %dma_start3A_100 = tpu.memref_squeeze %dma_start3A_99 : memref<1x20x512xi32, #tpu.memory_space<vmem>> -> memref<20x512xi32, #tpu.memory_space<vmem>>
      %dma_start3A_101 = arith.constant 0 : i32
      %dma_start3A_102 = arith.constant 1024 : i32
      %dma_start3A_103 = tpu.memref_slice %arg2[%rem3A_52, %dma_start3A_101, %dma_start3A_102] : memref<26x20x4096xi32, #tpu.memory_space<hbm>> -> memref<1x20x512xi32, #tpu.memory_space<hbm>>
      %dma_start3A_104 = tpu.memref_squeeze %dma_start3A_103 : memref<1x20x512xi32, #tpu.memory_space<hbm>> -> memref<20x512xi32, #tpu.memory_space<hbm>>
      %dma_start3A_105 = arith.constant 0 : i32
      %dma_start3A_106 = arith.constant 0 : i32
      %dma_start3A_107 = tpu.memref_slice %arg5[%dma_start3A_96, %dma_start3A_105, %dma_start3A_106] : memref<2x20x512xi32, #tpu.memory_space<vmem>> -> memref<1x20x512xi32, #tpu.memory_space<vmem>>
      %dma_start3A_108 = tpu.memref_squeeze %dma_start3A_107 : memref<1x20x512xi32, #tpu.memory_space<vmem>> -> memref<20x512xi32, #tpu.memory_space<vmem>>
      %dma_start3A_109 = arith.constant 0 : i32
      %dma_start3A_110 = arith.constant 1024 : i32
      %dma_start3A_111 = tpu.memref_slice %arg2[%rem3A_52, %dma_start3A_109, %dma_start3A_110] : memref<26x20x4096xi32, #tpu.memory_space<hbm>> -> memref<1x20x512xi32, #tpu.memory_space<hbm>>
      %dma_start3A_112 = tpu.memref_squeeze %dma_start3A_111 : memref<1x20x512xi32, #tpu.memory_space<hbm>> -> memref<20x512xi32, #tpu.memory_space<hbm>>
      tpu.enqueue_dma source(%dma_start3A_112 : memref<20x512xi32, #tpu.memory_space<hbm>>) target(%dma_start3A_108 : memref<20x512xi32, #tpu.memory_space<vmem>>) target_semaphore(%arg8 : memref<!tpu.dma_semaphore, #tpu.memory_space<semaphore_mem>>)
      %dma_wait3A_113 = arith.constant 1 : i32
      %dma_wait3A_114 = arith.constant 0 : i32
      %dma_wait3A_115 = arith.constant 0 : i32
      %dma_wait3A_116 = tpu.memref_slice %arg5[%dma_wait3A_113, %dma_wait3A_114, %dma_wait3A_115] : memref<2x20x512xi32, #tpu.memory_space<vmem>> -> memref<1x20x512xi32, #tpu.memory_space<vmem>>
      %dma_wait3A_117 = tpu.memref_squeeze %dma_wait3A_116 : memref<1x20x512xi32, #tpu.memory_space<vmem>> -> memref<20x512xi32, #tpu.memory_space<vmem>>
      %dma_wait3A_118 = arith.constant 0 : i32
      %dma_wait3A_119 = arith.constant 512 : i32
      %dma_wait3A_120 = tpu.memref_slice %arg2[%rem3A_52, %dma_wait3A_118, %dma_wait3A_119] : memref<26x20x4096xi32, #tpu.memory_space<hbm>> -> memref<1x20x512xi32, #tpu.memory_space<hbm>>
      %dma_wait3A_121 = tpu.memref_squeeze %dma_wait3A_120 : memref<1x20x512xi32, #tpu.memory_space<hbm>> -> memref<20x512xi32, #tpu.memory_space<hbm>>
      %dma_wait3A_122 = arith.constant 0 : i32
      %dma_wait3A_123 = arith.constant 0 : i32
      %dma_wait3A_124 = tpu.memref_slice %arg5[%dma_wait3A_113, %dma_wait3A_122, %dma_wait3A_123] : memref<2x20x512xi32, #tpu.memory_space<vmem>> -> memref<1x20x512xi32, #tpu.memory_space<vmem>>
      %dma_wait3A_125 = tpu.memref_squeeze %dma_wait3A_124 : memref<1x20x512xi32, #tpu.memory_space<vmem>> -> memref<20x512xi32, #tpu.memory_space<vmem>>
      %dma_wait3A_126 = arith.constant 0 : i32
      %dma_wait3A_127 = arith.constant 512 : i32
      %dma_wait3A_128 = tpu.memref_slice %arg2[%rem3A_52, %dma_wait3A_126, %dma_wait3A_127] : memref<26x20x4096xi32, #tpu.memory_space<hbm>> -> memref<1x20x512xi32, #tpu.memory_space<hbm>>
      %dma_wait3A_129 = tpu.memref_squeeze %dma_wait3A_128 : memref<1x20x512xi32, #tpu.memory_space<hbm>> -> memref<20x512xi32, #tpu.memory_space<hbm>>
      tpu.wait_dma2 semaphore(%arg9 : memref<!tpu.dma_semaphore, #tpu.memory_space<semaphore_mem>>) src(%dma_wait3A_129 : memref<20x512xi32, #tpu.memory_space<hbm>>) dst(%dma_wait3A_125 : memref<20x512xi32, #tpu.memory_space<vmem>>)
      %parallel_loop3A_130 = arith.constant 0 : i32
      %parallel_loop3A_131 = arith.constant 32 : i32
      %parallel_loop3A_132 = arith.constant 1 : i32
      scf.for %parallel_loop3A_348 = %parallel_loop3A_130 to %parallel_loop3A_131 step %parallel_loop3A_132  : i32 {
        %parallel_loop3A_349 = arith.constant 16 : i32
        %parallel_loop3A_350 = arith.muli %parallel_loop3A_348, %parallel_loop3A_349 : i32
        %parallel_loop3A_351 = arith.constant 1 : i32
        %parallel_loop3A_352 = arith.constant 0 : i32
        %parallel_loop3A_353 = arith.index_cast %parallel_loop3A_351 : i32 to index
        %parallel_loop3A_354 = arith.index_cast %parallel_loop3A_352 : i32 to index
        %parallel_loop3A_355 = arith.index_cast %parallel_loop3A_350 : i32 to index
        %parallel_loop3A_356 = tpu.vector_load %arg5[%parallel_loop3A_353, %parallel_loop3A_354, %parallel_loop3A_355] {strides = array<i32>} : memref<2x20x512xi32, #tpu.memory_space<vmem>>, vector<16xi32>,
        %parallel_loop3A_357 = tpu.vector_load_idx %arg6[%parallel_loop3A_356] : memref<100000xf32, #tpu.memory_space<vmem>>[vector<16xi32>], vector<16xf32>,
        %parallel_loop3A_358 = arith.constant 1 : i32
        %parallel_loop3A_359 = arith.constant 1 : i32
        %parallel_loop3A_360 = arith.index_cast %parallel_loop3A_358 : i32 to index
        %parallel_loop3A_361 = arith.index_cast %parallel_loop3A_359 : i32 to index
        %parallel_loop3A_362 = arith.index_cast %parallel_loop3A_350 : i32 to index
        %parallel_loop3A_363 = tpu.vector_load %arg5[%parallel_loop3A_360, %parallel_loop3A_361, %parallel_loop3A_362] {strides = array<i32>} : memref<2x20x512xi32, #tpu.memory_space<vmem>>, vector<16xi32>,
        %parallel_loop3A_364 = tpu.vector_load_idx %arg6[%parallel_loop3A_363] : memref<100000xf32, #tpu.memory_space<vmem>>[vector<16xi32>], vector<16xf32>,
        %parallel_loop3A_365 = arith.constant 1 : i32
        %parallel_loop3A_366 = arith.constant 2 : i32
        %parallel_loop3A_367 = arith.index_cast %parallel_loop3A_365 : i32 to index
        %parallel_loop3A_368 = arith.index_cast %parallel_loop3A_366 : i32 to index
        %parallel_loop3A_369 = arith.index_cast %parallel_loop3A_350 : i32 to index
        %parallel_loop3A_370 = tpu.vector_load %arg5[%parallel_loop3A_367, %parallel_loop3A_368, %parallel_loop3A_369] {strides = array<i32>} : memref<2x20x512xi32, #tpu.memory_space<vmem>>, vector<16xi32>,
        %parallel_loop3A_371 = tpu.vector_load_idx %arg6[%parallel_loop3A_370] : memref<100000xf32, #tpu.memory_space<vmem>>[vector<16xi32>], vector<16xf32>,
        %parallel_loop3A_372 = arith.constant 1 : i32
        %parallel_loop3A_373 = arith.constant 3 : i32
        %parallel_loop3A_374 = arith.index_cast %parallel_loop3A_372 : i32 to index
        %parallel_loop3A_375 = arith.index_cast %parallel_loop3A_373 : i32 to index
        %parallel_loop3A_376 = arith.index_cast %parallel_loop3A_350 : i32 to index
        %parallel_loop3A_377 = tpu.vector_load %arg5[%parallel_loop3A_374, %parallel_loop3A_375, %parallel_loop3A_376] {strides = array<i32>} : memref<2x20x512xi32, #tpu.memory_space<vmem>>, vector<16xi32>,
        %parallel_loop3A_378 = tpu.vector_load_idx %arg6[%parallel_loop3A_377] : memref<100000xf32, #tpu.memory_space<vmem>>[vector<16xi32>], vector<16xf32>,
        %parallel_loop3A_379 = arith.constant 1 : i32
        %parallel_loop3A_380 = arith.constant 4 : i32
        %parallel_loop3A_381 = arith.index_cast %parallel_loop3A_379 : i32 to index
        %parallel_loop3A_382 = arith.index_cast %parallel_loop3A_380 : i32 to index
        %parallel_loop3A_383 = arith.index_cast %parallel_loop3A_350 : i32 to index
        %parallel_loop3A_384 = tpu.vector_load %arg5[%parallel_loop3A_381, %parallel_loop3A_382, %parallel_loop3A_383] {strides = array<i32>} : memref<2x20x512xi32, #tpu.memory_space<vmem>>, vector<16xi32>,
        %parallel_loop3A_385 = tpu.vector_load_idx %arg6[%parallel_loop3A_384] : memref<100000xf32, #tpu.memory_space<vmem>>[vector<16xi32>], vector<16xf32>,
        %parallel_loop3A_386 = arith.addf %parallel_loop3A_357, %parallel_loop3A_385 : vector<16xf32>
        %parallel_loop3A_387 = arith.constant 1 : i32
        %parallel_loop3A_388 = arith.constant 5 : i32
        %parallel_loop3A_389 = arith.index_cast %parallel_loop3A_387 : i32 to index
        %parallel_loop3A_390 = arith.index_cast %parallel_loop3A_388 : i32 to index
        %parallel_loop3A_391 = arith.index_cast %parallel_loop3A_350 : i32 to index
        %parallel_loop3A_392 = tpu.vector_load %arg5[%parallel_loop3A_389, %parallel_loop3A_390, %parallel_loop3A_391] {strides = array<i32>} : memref<2x20x512xi32, #tpu.memory_space<vmem>>, vector<16xi32>,
        %parallel_loop3A_393 = tpu.vector_load_idx %arg6[%parallel_loop3A_392] : memref<100000xf32, #tpu.memory_space<vmem>>[vector<16xi32>], vector<16xf32>,
        %parallel_loop3A_394 = arith.addf %parallel_loop3A_364, %parallel_loop3A_393 : vector<16xf32>
        %parallel_loop3A_395 = arith.constant 1 : i32
        %parallel_loop3A_396 = arith.constant 6 : i32
        %parallel_loop3A_397 = arith.index_cast %parallel_loop3A_395 : i32 to index
        %parallel_loop3A_398 = arith.index_cast %parallel_loop3A_396 : i32 to index
        %parallel_loop3A_399 = arith.index_cast %parallel_loop3A_350 : i32 to index
        %parallel_loop3A_400 = tpu.vector_load %arg5[%parallel_loop3A_397, %parallel_loop3A_398, %parallel_loop3A_399] {strides = array<i32>} : memref<2x20x512xi32, #tpu.memory_space<vmem>>, vector<16xi32>,
        %parallel_loop3A_401 = tpu.vector_load_idx %arg6[%parallel_loop3A_400] : memref<100000xf32, #tpu.memory_space<vmem>>[vector<16xi32>], vector<16xf32>,
        %parallel_loop3A_402 = arith.addf %parallel_loop3A_371, %parallel_loop3A_401 : vector<16xf32>
        %parallel_loop3A_403 = arith.constant 1 : i32
        %parallel_loop3A_404 = arith.constant 7 : i32
        %parallel_loop3A_405 = arith.index_cast %parallel_loop3A_403 : i32 to index
        %parallel_loop3A_406 = arith.index_cast %parallel_loop3A_404 : i32 to index
        %parallel_loop3A_407 = arith.index_cast %parallel_loop3A_350 : i32 to index
        %parallel_loop3A_408 = tpu.vector_load %arg5[%parallel_loop3A_405, %parallel_loop3A_406, %parallel_loop3A_407] {strides = array<i32>} : memref<2x20x512xi32, #tpu.memory_space<vmem>>, vector<16xi32>,
        %parallel_loop3A_409 = tpu.vector_load_idx %arg6[%parallel_loop3A_408] : memref<100000xf32, #tpu.memory_space<vmem>>[vector<16xi32>], vector<16xf32>,
        %parallel_loop3A_410 = arith.addf %parallel_loop3A_378, %parallel_loop3A_409 : vector<16xf32>
        %parallel_loop3A_411 = arith.constant 1 : i32
        %parallel_loop3A_412 = arith.constant 8 : i32
        %parallel_loop3A_413 = arith.index_cast %parallel_loop3A_411 : i32 to index
        %parallel_loop3A_414 = arith.index_cast %parallel_loop3A_412 : i32 to index
        %parallel_loop3A_415 = arith.index_cast %parallel_loop3A_350 : i32 to index
        %parallel_loop3A_416 = tpu.vector_load %arg5[%parallel_loop3A_413, %parallel_loop3A_414, %parallel_loop3A_415] {strides = array<i32>} : memref<2x20x512xi32, #tpu.memory_space<vmem>>, vector<16xi32>,
        %parallel_loop3A_417 = tpu.vector_load_idx %arg6[%parallel_loop3A_416] : memref<100000xf32, #tpu.memory_space<vmem>>[vector<16xi32>], vector<16xf32>,
        %parallel_loop3A_418 = arith.addf %parallel_loop3A_386, %parallel_loop3A_417 : vector<16xf32>
        %parallel_loop3A_419 = arith.constant 1 : i32
        %parallel_loop3A_420 = arith.constant 9 : i32
        %parallel_loop3A_421 = arith.index_cast %parallel_loop3A_419 : i32 to index
        %parallel_loop3A_422 = arith.index_cast %parallel_loop3A_420 : i32 to index
        %parallel_loop3A_423 = arith.index_cast %parallel_loop3A_350 : i32 to index
        %parallel_loop3A_424 = tpu.vector_load %arg5[%parallel_loop3A_421, %parallel_loop3A_422, %parallel_loop3A_423] {strides = array<i32>} : memref<2x20x512xi32, #tpu.memory_space<vmem>>, vector<16xi32>,
        %parallel_loop3A_425 = tpu.vector_load_idx %arg6[%parallel_loop3A_424] : memref<100000xf32, #tpu.memory_space<vmem>>[vector<16xi32>], vector<16xf32>,
        %parallel_loop3A_426 = arith.addf %parallel_loop3A_394, %parallel_loop3A_425 : vector<16xf32>
        %parallel_loop3A_427 = arith.constant 1 : i32
        %parallel_loop3A_428 = arith.constant 10 : i32
        %parallel_loop3A_429 = arith.index_cast %parallel_loop3A_427 : i32 to index
        %parallel_loop3A_430 = arith.index_cast %parallel_loop3A_428 : i32 to index
        %parallel_loop3A_431 = arith.index_cast %parallel_loop3A_350 : i32 to index
        %parallel_loop3A_432 = tpu.vector_load %arg5[%parallel_loop3A_429, %parallel_loop3A_430, %parallel_loop3A_431] {strides = array<i32>} : memref<2x20x512xi32, #tpu.memory_space<vmem>>, vector<16xi32>,
        %parallel_loop3A_433 = tpu.vector_load_idx %arg6[%parallel_loop3A_432] : memref<100000xf32, #tpu.memory_space<vmem>>[vector<16xi32>], vector<16xf32>,
        %parallel_loop3A_434 = arith.addf %parallel_loop3A_402, %parallel_loop3A_433 : vector<16xf32>
        %parallel_loop3A_435 = arith.constant 1 : i32
        %parallel_loop3A_436 = arith.constant 11 : i32
        %parallel_loop3A_437 = arith.index_cast %parallel_loop3A_435 : i32 to index
        %parallel_loop3A_438 = arith.index_cast %parallel_loop3A_436 : i32 to index
        %parallel_loop3A_439 = arith.index_cast %parallel_loop3A_350 : i32 to index
        %parallel_loop3A_440 = tpu.vector_load %arg5[%parallel_loop3A_437, %parallel_loop3A_438, %parallel_loop3A_439] {strides = array<i32>} : memref<2x20x512xi32, #tpu.memory_space<vmem>>, vector<16xi32>,
        %parallel_loop3A_441 = tpu.vector_load_idx %arg6[%parallel_loop3A_440] : memref<100000xf32, #tpu.memory_space<vmem>>[vector<16xi32>], vector<16xf32>,
        %parallel_loop3A_442 = arith.addf %parallel_loop3A_410, %parallel_loop3A_441 : vector<16xf32>
        %parallel_loop3A_443 = arith.constant 1 : i32
        %parallel_loop3A_444 = arith.constant 12 : i32
        %parallel_loop3A_445 = arith.index_cast %parallel_loop3A_443 : i32 to index
        %parallel_loop3A_446 = arith.index_cast %parallel_loop3A_444 : i32 to index
        %parallel_loop3A_447 = arith.index_cast %parallel_loop3A_350 : i32 to index
        %parallel_loop3A_448 = tpu.vector_load %arg5[%parallel_loop3A_445, %parallel_loop3A_446, %parallel_loop3A_447] {strides = array<i32>} : memref<2x20x512xi32, #tpu.memory_space<vmem>>, vector<16xi32>,
        %parallel_loop3A_449 = tpu.vector_load_idx %arg6[%parallel_loop3A_448] : memref<100000xf32, #tpu.memory_space<vmem>>[vector<16xi32>], vector<16xf32>,
        %parallel_loop3A_450 = arith.addf %parallel_loop3A_418, %parallel_loop3A_449 : vector<16xf32>
        %parallel_loop3A_451 = arith.constant 1 : i32
        %parallel_loop3A_452 = arith.constant 13 : i32
        %parallel_loop3A_453 = arith.index_cast %parallel_loop3A_451 : i32 to index
        %parallel_loop3A_454 = arith.index_cast %parallel_loop3A_452 : i32 to index
        %parallel_loop3A_455 = arith.index_cast %parallel_loop3A_350 : i32 to index
        %parallel_loop3A_456 = tpu.vector_load %arg5[%parallel_loop3A_453, %parallel_loop3A_454, %parallel_loop3A_455] {strides = array<i32>} : memref<2x20x512xi32, #tpu.memory_space<vmem>>, vector<16xi32>,
        %parallel_loop3A_457 = tpu.vector_load_idx %arg6[%parallel_loop3A_456] : memref<100000xf32, #tpu.memory_space<vmem>>[vector<16xi32>], vector<16xf32>,
        %parallel_loop3A_458 = arith.addf %parallel_loop3A_426, %parallel_loop3A_457 : vector<16xf32>
        %parallel_loop3A_459 = arith.constant 1 : i32
        %parallel_loop3A_460 = arith.constant 14 : i32
        %parallel_loop3A_461 = arith.index_cast %parallel_loop3A_459 : i32 to index
        %parallel_loop3A_462 = arith.index_cast %parallel_loop3A_460 : i32 to index
        %parallel_loop3A_463 = arith.index_cast %parallel_loop3A_350 : i32 to index
        %parallel_loop3A_464 = tpu.vector_load %arg5[%parallel_loop3A_461, %parallel_loop3A_462, %parallel_loop3A_463] {strides = array<i32>} : memref<2x20x512xi32, #tpu.memory_space<vmem>>, vector<16xi32>,
        %parallel_loop3A_465 = tpu.vector_load_idx %arg6[%parallel_loop3A_464] : memref<100000xf32, #tpu.memory_space<vmem>>[vector<16xi32>], vector<16xf32>,
        %parallel_loop3A_466 = arith.addf %parallel_loop3A_434, %parallel_loop3A_465 : vector<16xf32>
        %parallel_loop3A_467 = arith.constant 1 : i32
        %parallel_loop3A_468 = arith.constant 15 : i32
        %parallel_loop3A_469 = arith.index_cast %parallel_loop3A_467 : i32 to index
        %parallel_loop3A_470 = arith.index_cast %parallel_loop3A_468 : i32 to index
        %parallel_loop3A_471 = arith.index_cast %parallel_loop3A_350 : i32 to index
        %parallel_loop3A_472 = tpu.vector_load %arg5[%parallel_loop3A_469, %parallel_loop3A_470, %parallel_loop3A_471] {strides = array<i32>} : memref<2x20x512xi32, #tpu.memory_space<vmem>>, vector<16xi32>,
        %parallel_loop3A_473 = tpu.vector_load_idx %arg6[%parallel_loop3A_472] : memref<100000xf32, #tpu.memory_space<vmem>>[vector<16xi32>], vector<16xf32>,
        %parallel_loop3A_474 = arith.addf %parallel_loop3A_442, %parallel_loop3A_473 : vector<16xf32>
        %parallel_loop3A_475 = arith.constant 1 : i32
        %parallel_loop3A_476 = arith.constant 16 : i32
        %parallel_loop3A_477 = arith.index_cast %parallel_loop3A_475 : i32 to index
        %parallel_loop3A_478 = arith.index_cast %parallel_loop3A_476 : i32 to index
        %parallel_loop3A_479 = arith.index_cast %parallel_loop3A_350 : i32 to index
        %parallel_loop3A_480 = tpu.vector_load %arg5[%parallel_loop3A_477, %parallel_loop3A_478, %parallel_loop3A_479] {strides = array<i32>} : memref<2x20x512xi32, #tpu.memory_space<vmem>>, vector<16xi32>,
        %parallel_loop3A_481 = tpu.vector_load_idx %arg6[%parallel_loop3A_480] : memref<100000xf32, #tpu.memory_space<vmem>>[vector<16xi32>], vector<16xf32>,
        %parallel_loop3A_482 = arith.addf %parallel_loop3A_450, %parallel_loop3A_481 : vector<16xf32>
        %parallel_loop3A_483 = arith.constant 1 : i32
        %parallel_loop3A_484 = arith.constant 17 : i32
        %parallel_loop3A_485 = arith.index_cast %parallel_loop3A_483 : i32 to index
        %parallel_loop3A_486 = arith.index_cast %parallel_loop3A_484 : i32 to index
        %parallel_loop3A_487 = arith.index_cast %parallel_loop3A_350 : i32 to index
        %parallel_loop3A_488 = tpu.vector_load %arg5[%parallel_loop3A_485, %parallel_loop3A_486, %parallel_loop3A_487] {strides = array<i32>} : memref<2x20x512xi32, #tpu.memory_space<vmem>>, vector<16xi32>,
        %parallel_loop3A_489 = tpu.vector_load_idx %arg6[%parallel_loop3A_488] : memref<100000xf32, #tpu.memory_space<vmem>>[vector<16xi32>], vector<16xf32>,
        %parallel_loop3A_490 = arith.addf %parallel_loop3A_458, %parallel_loop3A_489 : vector<16xf32>
        %parallel_loop3A_491 = arith.constant 1 : i32
        %parallel_loop3A_492 = arith.constant 18 : i32
        %parallel_loop3A_493 = arith.index_cast %parallel_loop3A_491 : i32 to index
        %parallel_loop3A_494 = arith.index_cast %parallel_loop3A_492 : i32 to index
        %parallel_loop3A_495 = arith.index_cast %parallel_loop3A_350 : i32 to index
        %parallel_loop3A_496 = tpu.vector_load %arg5[%parallel_loop3A_493, %parallel_loop3A_494, %parallel_loop3A_495] {strides = array<i32>} : memref<2x20x512xi32, #tpu.memory_space<vmem>>, vector<16xi32>,
        %parallel_loop3A_497 = tpu.vector_load_idx %arg6[%parallel_loop3A_496] : memref<100000xf32, #tpu.memory_space<vmem>>[vector<16xi32>], vector<16xf32>,
        %parallel_loop3A_498 = arith.addf %parallel_loop3A_466, %parallel_loop3A_497 : vector<16xf32>
        %parallel_loop3A_499 = arith.constant 1 : i32
        %parallel_loop3A_500 = arith.constant 19 : i32
        %parallel_loop3A_501 = arith.index_cast %parallel_loop3A_499 : i32 to index
        %parallel_loop3A_502 = arith.index_cast %parallel_loop3A_500 : i32 to index
        %parallel_loop3A_503 = arith.index_cast %parallel_loop3A_350 : i32 to index
        %parallel_loop3A_504 = tpu.vector_load %arg5[%parallel_loop3A_501, %parallel_loop3A_502, %parallel_loop3A_503] {strides = array<i32>} : memref<2x20x512xi32, #tpu.memory_space<vmem>>, vector<16xi32>,
        %parallel_loop3A_505 = tpu.vector_load_idx %arg6[%parallel_loop3A_504] : memref<100000xf32, #tpu.memory_space<vmem>>[vector<16xi32>], vector<16xf32>,
        %parallel_loop3A_506 = arith.addf %parallel_loop3A_474, %parallel_loop3A_505 : vector<16xf32>
        %parallel_loop3A_507 = arith.addf %parallel_loop3A_482, %parallel_loop3A_490 : vector<16xf32>
        %parallel_loop3A_508 = arith.addf %parallel_loop3A_498, %parallel_loop3A_506 : vector<16xf32>
        %parallel_loop3A_509 = arith.addf %parallel_loop3A_507, %parallel_loop3A_508 : vector<16xf32>
        %parallel_loop3A_510 = arith.constant 16 : i32
        %parallel_loop3A_511 = arith.muli %parallel_loop3A_348, %parallel_loop3A_510 : i32
        %parallel_loop3A_512 = arith.constant 512 : i32
        %parallel_loop3A_513 = arith.addi %parallel_loop3A_512, %parallel_loop3A_511 : i32
        %parallel_loop3A_514 = arith.index_cast %parallel_loop3A_513 : i32 to index
        %parallel_loop3A_515 = tpu.vector_load %arg7[%parallel_loop3A_514] {strides = array<i32>} : memref<4096xf32, #tpu.memory_space<vmem>>, vector<16xf32>,
        tpu.vector_store %arg7[%parallel_loop3A_514], %parallel_loop3A_509 {strides = array<i32>} : memref<4096xf32, #tpu.memory_space<vmem>>, vector<16xf32>,
      } {sc.loop_unroll_factor = 3 : i64, sc.parallel_access}
      %dma_start3A_133 = arith.constant 1 : i32
      %dma_start3A_134 = arith.constant 0 : i32
      %dma_start3A_135 = arith.constant 0 : i32
      %dma_start3A_136 = tpu.memref_slice %arg5[%dma_start3A_133, %dma_start3A_134, %dma_start3A_135] : memref<2x20x512xi32, #tpu.memory_space<vmem>> -> memref<1x20x512xi32, #tpu.memory_space<vmem>>
      %dma_start3A_137 = tpu.memref_squeeze %dma_start3A_136 : memref<1x20x512xi32, #tpu.memory_space<vmem>> -> memref<20x512xi32, #tpu.memory_space<vmem>>
      %dma_start3A_138 = arith.constant 0 : i32
      %dma_start3A_139 = arith.constant 1536 : i32
      %dma_start3A_140 = tpu.memref_slice %arg2[%rem3A_52, %dma_start3A_138, %dma_start3A_139] : memref<26x20x4096xi32, #tpu.memory_space<hbm>> -> memref<1x20x512xi32, #tpu.memory_space<hbm>>
      %dma_start3A_141 = tpu.memref_squeeze %dma_start3A_140 : memref<1x20x512xi32, #tpu.memory_space<hbm>> -> memref<20x512xi32, #tpu.memory_space<hbm>>
      %dma_start3A_142 = arith.constant 0 : i32
      %dma_start3A_143 = arith.constant 0 : i32
      %dma_start3A_144 = tpu.memref_slice %arg5[%dma_start3A_133, %dma_start3A_142, %dma_start3A_143] : memref<2x20x512xi32, #tpu.memory_space<vmem>> -> memref<1x20x512xi32, #tpu.memory_space<vmem>>
      %dma_start3A_145 = tpu.memref_squeeze %dma_start3A_144 : memref<1x20x512xi32, #tpu.memory_space<vmem>> -> memref<20x512xi32, #tpu.memory_space<vmem>>
      %dma_start3A_146 = arith.constant 0 : i32
      %dma_start3A_147 = arith.constant 1536 : i32
      %dma_start3A_148 = tpu.memref_slice %arg2[%rem3A_52, %dma_start3A_146, %dma_start3A_147] : memref<26x20x4096xi32, #tpu.memory_space<hbm>> -> memref<1x20x512xi32, #tpu.memory_space<hbm>>
      %dma_start3A_149 = tpu.memref_squeeze %dma_start3A_148 : memref<1x20x512xi32, #tpu.memory_space<hbm>> -> memref<20x512xi32, #tpu.memory_space<hbm>>
      tpu.enqueue_dma source(%dma_start3A_149 : memref<20x512xi32, #tpu.memory_space<hbm>>) target(%dma_start3A_145 : memref<20x512xi32, #tpu.memory_space<vmem>>) target_semaphore(%arg9 : memref<!tpu.dma_semaphore, #tpu.memory_space<semaphore_mem>>)
      %dma_wait3A_150 = arith.constant 0 : i32
      %dma_wait3A_151 = arith.constant 0 : i32
      %dma_wait3A_152 = arith.constant 0 : i32
      %dma_wait3A_153 = tpu.memref_slice %arg5[%dma_wait3A_150, %dma_wait3A_151, %dma_wait3A_152] : memref<2x20x512xi32, #tpu.memory_space<vmem>> -> memref<1x20x512xi32, #tpu.memory_space<vmem>>
      %dma_wait3A_154 = tpu.memref_squeeze %dma_wait3A_153 : memref<1x20x512xi32, #tpu.memory_space<vmem>> -> memref<20x512xi32, #tpu.memory_space<vmem>>
      %dma_wait3A_155 = arith.constant 0 : i32
      %dma_wait3A_156 = arith.constant 1024 : i32
      %dma_wait3A_157 = tpu.memref_slice %arg2[%rem3A_52, %dma_wait3A_155, %dma_wait3A_156] : memref<26x20x4096xi32, #tpu.memory_space<hbm>> -> memref<1x20x512xi32, #tpu.memory_space<hbm>>
      %dma_wait3A_158 = tpu.memref_squeeze %dma_wait3A_157 : memref<1x20x512xi32, #tpu.memory_space<hbm>> -> memref<20x512xi32, #tpu.memory_space<hbm>>
      %dma_wait3A_159 = arith.constant 0 : i32
      %dma_wait3A_160 = arith.constant 0 : i32
      %dma_wait3A_161 = tpu.memref_slice %arg5[%dma_wait3A_150, %dma_wait3A_159, %dma_wait3A_160] : memref<2x20x512xi32, #tpu.memory_space<vmem>> -> memref<1x20x512xi32, #tpu.memory_space<vmem>>
      %dma_wait3A_162 = tpu.memref_squeeze %dma_wait3A_161 : memref<1x20x512xi32, #tpu.memory_space<vmem>> -> memref<20x512xi32, #tpu.memory_space<vmem>>
      %dma_wait3A_163 = arith.constant 0 : i32
      %dma_wait3A_164 = arith.constant 1024 : i32
      %dma_wait3A_165 = tpu.memref_slice %arg2[%rem3A_52, %dma_wait3A_163, %dma_wait3A_164] : memref<26x20x4096xi32, #tpu.memory_space<hbm>> -> memref<1x20x512xi32, #tpu.memory_space<hbm>>
      %dma_wait3A_166 = tpu.memref_squeeze %dma_wait3A_165 : memref<1x20x512xi32, #tpu.memory_space<hbm>> -> memref<20x512xi32, #tpu.memory_space<hbm>>
      tpu.wait_dma2 semaphore(%arg8 : memref<!tpu.dma_semaphore, #tpu.memory_space<semaphore_mem>>) src(%dma_wait3A_166 : memref<20x512xi32, #tpu.memory_space<hbm>>) dst(%dma_wait3A_162 : memref<20x512xi32, #tpu.memory_space<vmem>>)
      %parallel_loop3A_167 = arith.constant 0 : i32
      %parallel_loop3A_168 = arith.constant 32 : i32
      %parallel_loop3A_169 = arith.constant 1 : i32
      scf.for %parallel_loop3A_348 = %parallel_loop3A_167 to %parallel_loop3A_168 step %parallel_loop3A_169  : i32 {
        %parallel_loop3A_349 = arith.constant 16 : i32
        %parallel_loop3A_350 = arith.muli %parallel_loop3A_348, %parallel_loop3A_349 : i32
        %parallel_loop3A_351 = arith.constant 0 : i32
        %parallel_loop3A_352 = arith.constant 0 : i32
        %parallel_loop3A_353 = arith.index_cast %parallel_loop3A_351 : i32 to index
        %parallel_loop3A_354 = arith.index_cast %parallel_loop3A_352 : i32 to index
        %parallel_loop3A_355 = arith.index_cast %parallel_loop3A_350 : i32 to index
        %parallel_loop3A_356 = tpu.vector_load %arg5[%parallel_loop3A_353, %parallel_loop3A_354, %parallel_loop3A_355] {strides = array<i32>} : memref<2x20x512xi32, #tpu.memory_space<vmem>>, vector<16xi32>,
        %parallel_loop3A_357 = tpu.vector_load_idx %arg6[%parallel_loop3A_356] : memref<100000xf32, #tpu.memory_space<vmem>>[vector<16xi32>], vector<16xf32>,
        %parallel_loop3A_358 = arith.constant 0 : i32
        %parallel_loop3A_359 = arith.constant 1 : i32
        %parallel_loop3A_360 = arith.index_cast %parallel_loop3A_358 : i32 to index
        %parallel_loop3A_361 = arith.index_cast %parallel_loop3A_359 : i32 to index
        %parallel_loop3A_362 = arith.index_cast %parallel_loop3A_350 : i32 to index
        %parallel_loop3A_363 = tpu.vector_load %arg5[%parallel_loop3A_360, %parallel_loop3A_361, %parallel_loop3A_362] {strides = array<i32>} : memref<2x20x512xi32, #tpu.memory_space<vmem>>, vector<16xi32>,
        %parallel_loop3A_364 = tpu.vector_load_idx %arg6[%parallel_loop3A_363] : memref<100000xf32, #tpu.memory_space<vmem>>[vector<16xi32>], vector<16xf32>,
        %parallel_loop3A_365 = arith.constant 0 : i32
        %parallel_loop3A_366 = arith.constant 2 : i32
        %parallel_loop3A_367 = arith.index_cast %parallel_loop3A_365 : i32 to index
        %parallel_loop3A_368 = arith.index_cast %parallel_loop3A_366 : i32 to index
        %parallel_loop3A_369 = arith.index_cast %parallel_loop3A_350 : i32 to index
        %parallel_loop3A_370 = tpu.vector_load %arg5[%parallel_loop3A_367, %parallel_loop3A_368, %parallel_loop3A_369] {strides = array<i32>} : memref<2x20x512xi32, #tpu.memory_space<vmem>>, vector<16xi32>,
        %parallel_loop3A_371 = tpu.vector_load_idx %arg6[%parallel_loop3A_370] : memref<100000xf32, #tpu.memory_space<vmem>>[vector<16xi32>], vector<16xf32>,
        %parallel_loop3A_372 = arith.constant 0 : i32
        %parallel_loop3A_373 = arith.constant 3 : i32
        %parallel_loop3A_374 = arith.index_cast %parallel_loop3A_372 : i32 to index
        %parallel_loop3A_375 = arith.index_cast %parallel_loop3A_373 : i32 to index
        %parallel_loop3A_376 = arith.index_cast %parallel_loop3A_350 : i32 to index
        %parallel_loop3A_377 = tpu.vector_load %arg5[%parallel_loop3A_374, %parallel_loop3A_375, %parallel_loop3A_376] {strides = array<i32>} : memref<2x20x512xi32, #tpu.memory_space<vmem>>, vector<16xi32>,
        %parallel_loop3A_378 = tpu.vector_load_idx %arg6[%parallel_loop3A_377] : memref<100000xf32, #tpu.memory_space<vmem>>[vector<16xi32>], vector<16xf32>,
        %parallel_loop3A_379 = arith.constant 0 : i32
        %parallel_loop3A_380 = arith.constant 4 : i32
        %parallel_loop3A_381 = arith.index_cast %parallel_loop3A_379 : i32 to index
        %parallel_loop3A_382 = arith.index_cast %parallel_loop3A_380 : i32 to index
        %parallel_loop3A_383 = arith.index_cast %parallel_loop3A_350 : i32 to index
        %parallel_loop3A_384 = tpu.vector_load %arg5[%parallel_loop3A_381, %parallel_loop3A_382, %parallel_loop3A_383] {strides = array<i32>} : memref<2x20x512xi32, #tpu.memory_space<vmem>>, vector<16xi32>,
        %parallel_loop3A_385 = tpu.vector_load_idx %arg6[%parallel_loop3A_384] : memref<100000xf32, #tpu.memory_space<vmem>>[vector<16xi32>], vector<16xf32>,
        %parallel_loop3A_386 = arith.addf %parallel_loop3A_357, %parallel_loop3A_385 : vector<16xf32>
        %parallel_loop3A_387 = arith.constant 0 : i32
        %parallel_loop3A_388 = arith.constant 5 : i32
        %parallel_loop3A_389 = arith.index_cast %parallel_loop3A_387 : i32 to index
        %parallel_loop3A_390 = arith.index_cast %parallel_loop3A_388 : i32 to index
        %parallel_loop3A_391 = arith.index_cast %parallel_loop3A_350 : i32 to index
        %parallel_loop3A_392 = tpu.vector_load %arg5[%parallel_loop3A_389, %parallel_loop3A_390, %parallel_loop3A_391] {strides = array<i32>} : memref<2x20x512xi32, #tpu.memory_space<vmem>>, vector<16xi32>,
        %parallel_loop3A_393 = tpu.vector_load_idx %arg6[%parallel_loop3A_392] : memref<100000xf32, #tpu.memory_space<vmem>>[vector<16xi32>], vector<16xf32>,
        %parallel_loop3A_394 = arith.addf %parallel_loop3A_364, %parallel_loop3A_393 : vector<16xf32>
        %parallel_loop3A_395 = arith.constant 0 : i32
        %parallel_loop3A_396 = arith.constant 6 : i32
        %parallel_loop3A_397 = arith.index_cast %parallel_loop3A_395 : i32 to index
        %parallel_loop3A_398 = arith.index_cast %parallel_loop3A_396 : i32 to index
        %parallel_loop3A_399 = arith.index_cast %parallel_loop3A_350 : i32 to index
        %parallel_loop3A_400 = tpu.vector_load %arg5[%parallel_loop3A_397, %parallel_loop3A_398, %parallel_loop3A_399] {strides = array<i32>} : memref<2x20x512xi32, #tpu.memory_space<vmem>>, vector<16xi32>,
        %parallel_loop3A_401 = tpu.vector_load_idx %arg6[%parallel_loop3A_400] : memref<100000xf32, #tpu.memory_space<vmem>>[vector<16xi32>], vector<16xf32>,
        %parallel_loop3A_402 = arith.addf %parallel_loop3A_371, %parallel_loop3A_401 : vector<16xf32>
        %parallel_loop3A_403 = arith.constant 0 : i32
        %parallel_loop3A_404 = arith.constant 7 : i32
        %parallel_loop3A_405 = arith.index_cast %parallel_loop3A_403 : i32 to index
        %parallel_loop3A_406 = arith.index_cast %parallel_loop3A_404 : i32 to index
        %parallel_loop3A_407 = arith.index_cast %parallel_loop3A_350 : i32 to index
        %parallel_loop3A_408 = tpu.vector_load %arg5[%parallel_loop3A_405, %parallel_loop3A_406, %parallel_loop3A_407] {strides = array<i32>} : memref<2x20x512xi32, #tpu.memory_space<vmem>>, vector<16xi32>,
        %parallel_loop3A_409 = tpu.vector_load_idx %arg6[%parallel_loop3A_408] : memref<100000xf32, #tpu.memory_space<vmem>>[vector<16xi32>], vector<16xf32>,
        %parallel_loop3A_410 = arith.addf %parallel_loop3A_378, %parallel_loop3A_409 : vector<16xf32>
        %parallel_loop3A_411 = arith.constant 0 : i32
        %parallel_loop3A_412 = arith.constant 8 : i32
        %parallel_loop3A_413 = arith.index_cast %parallel_loop3A_411 : i32 to index
        %parallel_loop3A_414 = arith.index_cast %parallel_loop3A_412 : i32 to index
        %parallel_loop3A_415 = arith.index_cast %parallel_loop3A_350 : i32 to index
        %parallel_loop3A_416 = tpu.vector_load %arg5[%parallel_loop3A_413, %parallel_loop3A_414, %parallel_loop3A_415] {strides = array<i32>} : memref<2x20x512xi32, #tpu.memory_space<vmem>>, vector<16xi32>,
        %parallel_loop3A_417 = tpu.vector_load_idx %arg6[%parallel_loop3A_416] : memref<100000xf32, #tpu.memory_space<vmem>>[vector<16xi32>], vector<16xf32>,
        %parallel_loop3A_418 = arith.addf %parallel_loop3A_386, %parallel_loop3A_417 : vector<16xf32>
        %parallel_loop3A_419 = arith.constant 0 : i32
        %parallel_loop3A_420 = arith.constant 9 : i32
        %parallel_loop3A_421 = arith.index_cast %parallel_loop3A_419 : i32 to index
        %parallel_loop3A_422 = arith.index_cast %parallel_loop3A_420 : i32 to index
        %parallel_loop3A_423 = arith.index_cast %parallel_loop3A_350 : i32 to index
        %parallel_loop3A_424 = tpu.vector_load %arg5[%parallel_loop3A_421, %parallel_loop3A_422, %parallel_loop3A_423] {strides = array<i32>} : memref<2x20x512xi32, #tpu.memory_space<vmem>>, vector<16xi32>,
        %parallel_loop3A_425 = tpu.vector_load_idx %arg6[%parallel_loop3A_424] : memref<100000xf32, #tpu.memory_space<vmem>>[vector<16xi32>], vector<16xf32>,
        %parallel_loop3A_426 = arith.addf %parallel_loop3A_394, %parallel_loop3A_425 : vector<16xf32>
        %parallel_loop3A_427 = arith.constant 0 : i32
        %parallel_loop3A_428 = arith.constant 10 : i32
        %parallel_loop3A_429 = arith.index_cast %parallel_loop3A_427 : i32 to index
        %parallel_loop3A_430 = arith.index_cast %parallel_loop3A_428 : i32 to index
        %parallel_loop3A_431 = arith.index_cast %parallel_loop3A_350 : i32 to index
        %parallel_loop3A_432 = tpu.vector_load %arg5[%parallel_loop3A_429, %parallel_loop3A_430, %parallel_loop3A_431] {strides = array<i32>} : memref<2x20x512xi32, #tpu.memory_space<vmem>>, vector<16xi32>,
        %parallel_loop3A_433 = tpu.vector_load_idx %arg6[%parallel_loop3A_432] : memref<100000xf32, #tpu.memory_space<vmem>>[vector<16xi32>], vector<16xf32>,
        %parallel_loop3A_434 = arith.addf %parallel_loop3A_402, %parallel_loop3A_433 : vector<16xf32>
        %parallel_loop3A_435 = arith.constant 0 : i32
        %parallel_loop3A_436 = arith.constant 11 : i32
        %parallel_loop3A_437 = arith.index_cast %parallel_loop3A_435 : i32 to index
        %parallel_loop3A_438 = arith.index_cast %parallel_loop3A_436 : i32 to index
        %parallel_loop3A_439 = arith.index_cast %parallel_loop3A_350 : i32 to index
        %parallel_loop3A_440 = tpu.vector_load %arg5[%parallel_loop3A_437, %parallel_loop3A_438, %parallel_loop3A_439] {strides = array<i32>} : memref<2x20x512xi32, #tpu.memory_space<vmem>>, vector<16xi32>,
        %parallel_loop3A_441 = tpu.vector_load_idx %arg6[%parallel_loop3A_440] : memref<100000xf32, #tpu.memory_space<vmem>>[vector<16xi32>], vector<16xf32>,
        %parallel_loop3A_442 = arith.addf %parallel_loop3A_410, %parallel_loop3A_441 : vector<16xf32>
        %parallel_loop3A_443 = arith.constant 0 : i32
        %parallel_loop3A_444 = arith.constant 12 : i32
        %parallel_loop3A_445 = arith.index_cast %parallel_loop3A_443 : i32 to index
        %parallel_loop3A_446 = arith.index_cast %parallel_loop3A_444 : i32 to index
        %parallel_loop3A_447 = arith.index_cast %parallel_loop3A_350 : i32 to index
        %parallel_loop3A_448 = tpu.vector_load %arg5[%parallel_loop3A_445, %parallel_loop3A_446, %parallel_loop3A_447] {strides = array<i32>} : memref<2x20x512xi32, #tpu.memory_space<vmem>>, vector<16xi32>,
        %parallel_loop3A_449 = tpu.vector_load_idx %arg6[%parallel_loop3A_448] : memref<100000xf32, #tpu.memory_space<vmem>>[vector<16xi32>], vector<16xf32>,
        %parallel_loop3A_450 = arith.addf %parallel_loop3A_418, %parallel_loop3A_449 : vector<16xf32>
        %parallel_loop3A_451 = arith.constant 0 : i32
        %parallel_loop3A_452 = arith.constant 13 : i32
        %parallel_loop3A_453 = arith.index_cast %parallel_loop3A_451 : i32 to index
        %parallel_loop3A_454 = arith.index_cast %parallel_loop3A_452 : i32 to index
        %parallel_loop3A_455 = arith.index_cast %parallel_loop3A_350 : i32 to index
        %parallel_loop3A_456 = tpu.vector_load %arg5[%parallel_loop3A_453, %parallel_loop3A_454, %parallel_loop3A_455] {strides = array<i32>} : memref<2x20x512xi32, #tpu.memory_space<vmem>>, vector<16xi32>,
        %parallel_loop3A_457 = tpu.vector_load_idx %arg6[%parallel_loop3A_456] : memref<100000xf32, #tpu.memory_space<vmem>>[vector<16xi32>], vector<16xf32>,
        %parallel_loop3A_458 = arith.addf %parallel_loop3A_426, %parallel_loop3A_457 : vector<16xf32>
        %parallel_loop3A_459 = arith.constant 0 : i32
        %parallel_loop3A_460 = arith.constant 14 : i32
        %parallel_loop3A_461 = arith.index_cast %parallel_loop3A_459 : i32 to index
        %parallel_loop3A_462 = arith.index_cast %parallel_loop3A_460 : i32 to index
        %parallel_loop3A_463 = arith.index_cast %parallel_loop3A_350 : i32 to index
        %parallel_loop3A_464 = tpu.vector_load %arg5[%parallel_loop3A_461, %parallel_loop3A_462, %parallel_loop3A_463] {strides = array<i32>} : memref<2x20x512xi32, #tpu.memory_space<vmem>>, vector<16xi32>,
        %parallel_loop3A_465 = tpu.vector_load_idx %arg6[%parallel_loop3A_464] : memref<100000xf32, #tpu.memory_space<vmem>>[vector<16xi32>], vector<16xf32>,
        %parallel_loop3A_466 = arith.addf %parallel_loop3A_434, %parallel_loop3A_465 : vector<16xf32>
        %parallel_loop3A_467 = arith.constant 0 : i32
        %parallel_loop3A_468 = arith.constant 15 : i32
        %parallel_loop3A_469 = arith.index_cast %parallel_loop3A_467 : i32 to index
        %parallel_loop3A_470 = arith.index_cast %parallel_loop3A_468 : i32 to index
        %parallel_loop3A_471 = arith.index_cast %parallel_loop3A_350 : i32 to index
        %parallel_loop3A_472 = tpu.vector_load %arg5[%parallel_loop3A_469, %parallel_loop3A_470, %parallel_loop3A_471] {strides = array<i32>} : memref<2x20x512xi32, #tpu.memory_space<vmem>>, vector<16xi32>,
        %parallel_loop3A_473 = tpu.vector_load_idx %arg6[%parallel_loop3A_472] : memref<100000xf32, #tpu.memory_space<vmem>>[vector<16xi32>], vector<16xf32>,
        %parallel_loop3A_474 = arith.addf %parallel_loop3A_442, %parallel_loop3A_473 : vector<16xf32>
        %parallel_loop3A_475 = arith.constant 0 : i32
        %parallel_loop3A_476 = arith.constant 16 : i32
        %parallel_loop3A_477 = arith.index_cast %parallel_loop3A_475 : i32 to index
        %parallel_loop3A_478 = arith.index_cast %parallel_loop3A_476 : i32 to index
        %parallel_loop3A_479 = arith.index_cast %parallel_loop3A_350 : i32 to index
        %parallel_loop3A_480 = tpu.vector_load %arg5[%parallel_loop3A_477, %parallel_loop3A_478, %parallel_loop3A_479] {strides = array<i32>} : memref<2x20x512xi32, #tpu.memory_space<vmem>>, vector<16xi32>,
        %parallel_loop3A_481 = tpu.vector_load_idx %arg6[%parallel_loop3A_480] : memref<100000xf32, #tpu.memory_space<vmem>>[vector<16xi32>], vector<16xf32>,
        %parallel_loop3A_482 = arith.addf %parallel_loop3A_450, %parallel_loop3A_481 : vector<16xf32>
        %parallel_loop3A_483 = arith.constant 0 : i32
        %parallel_loop3A_484 = arith.constant 17 : i32
        %parallel_loop3A_485 = arith.index_cast %parallel_loop3A_483 : i32 to index
        %parallel_loop3A_486 = arith.index_cast %parallel_loop3A_484 : i32 to index
        %parallel_loop3A_487 = arith.index_cast %parallel_loop3A_350 : i32 to index
        %parallel_loop3A_488 = tpu.vector_load %arg5[%parallel_loop3A_485, %parallel_loop3A_486, %parallel_loop3A_487] {strides = array<i32>} : memref<2x20x512xi32, #tpu.memory_space<vmem>>, vector<16xi32>,
        %parallel_loop3A_489 = tpu.vector_load_idx %arg6[%parallel_loop3A_488] : memref<100000xf32, #tpu.memory_space<vmem>>[vector<16xi32>], vector<16xf32>,
        %parallel_loop3A_490 = arith.addf %parallel_loop3A_458, %parallel_loop3A_489 : vector<16xf32>
        %parallel_loop3A_491 = arith.constant 0 : i32
        %parallel_loop3A_492 = arith.constant 18 : i32
        %parallel_loop3A_493 = arith.index_cast %parallel_loop3A_491 : i32 to index
        %parallel_loop3A_494 = arith.index_cast %parallel_loop3A_492 : i32 to index
        %parallel_loop3A_495 = arith.index_cast %parallel_loop3A_350 : i32 to index
        %parallel_loop3A_496 = tpu.vector_load %arg5[%parallel_loop3A_493, %parallel_loop3A_494, %parallel_loop3A_495] {strides = array<i32>} : memref<2x20x512xi32, #tpu.memory_space<vmem>>, vector<16xi32>,
        %parallel_loop3A_497 = tpu.vector_load_idx %arg6[%parallel_loop3A_496] : memref<100000xf32, #tpu.memory_space<vmem>>[vector<16xi32>], vector<16xf32>,
        %parallel_loop3A_498 = arith.addf %parallel_loop3A_466, %parallel_loop3A_497 : vector<16xf32>
        %parallel_loop3A_499 = arith.constant 0 : i32
        %parallel_loop3A_500 = arith.constant 19 : i32
        %parallel_loop3A_501 = arith.index_cast %parallel_loop3A_499 : i32 to index
        %parallel_loop3A_502 = arith.index_cast %parallel_loop3A_500 : i32 to index
        %parallel_loop3A_503 = arith.index_cast %parallel_loop3A_350 : i32 to index
        %parallel_loop3A_504 = tpu.vector_load %arg5[%parallel_loop3A_501, %parallel_loop3A_502, %parallel_loop3A_503] {strides = array<i32>} : memref<2x20x512xi32, #tpu.memory_space<vmem>>, vector<16xi32>,
        %parallel_loop3A_505 = tpu.vector_load_idx %arg6[%parallel_loop3A_504] : memref<100000xf32, #tpu.memory_space<vmem>>[vector<16xi32>], vector<16xf32>,
        %parallel_loop3A_506 = arith.addf %parallel_loop3A_474, %parallel_loop3A_505 : vector<16xf32>
        %parallel_loop3A_507 = arith.addf %parallel_loop3A_482, %parallel_loop3A_490 : vector<16xf32>
        %parallel_loop3A_508 = arith.addf %parallel_loop3A_498, %parallel_loop3A_506 : vector<16xf32>
        %parallel_loop3A_509 = arith.addf %parallel_loop3A_507, %parallel_loop3A_508 : vector<16xf32>
        %parallel_loop3A_510 = arith.constant 16 : i32
        %parallel_loop3A_511 = arith.muli %parallel_loop3A_348, %parallel_loop3A_510 : i32
        %parallel_loop3A_512 = arith.constant 1024 : i32
        %parallel_loop3A_513 = arith.addi %parallel_loop3A_512, %parallel_loop3A_511 : i32
        %parallel_loop3A_514 = arith.index_cast %parallel_loop3A_513 : i32 to index
        %parallel_loop3A_515 = tpu.vector_load %arg7[%parallel_loop3A_514] {strides = array<i32>} : memref<4096xf32, #tpu.memory_space<vmem>>, vector<16xf32>,
        tpu.vector_store %arg7[%parallel_loop3A_514], %parallel_loop3A_509 {strides = array<i32>} : memref<4096xf32, #tpu.memory_space<vmem>>, vector<16xf32>,
      } {sc.loop_unroll_factor = 3 : i64, sc.parallel_access}
      %dma_start3A_170 = arith.constant 0 : i32
      %dma_start3A_171 = arith.constant 0 : i32
      %dma_start3A_172 = arith.constant 0 : i32
      %dma_start3A_173 = tpu.memref_slice %arg5[%dma_start3A_170, %dma_start3A_171, %dma_start3A_172] : memref<2x20x512xi32, #tpu.memory_space<vmem>> -> memref<1x20x512xi32, #tpu.memory_space<vmem>>
      %dma_start3A_174 = tpu.memref_squeeze %dma_start3A_173 : memref<1x20x512xi32, #tpu.memory_space<vmem>> -> memref<20x512xi32, #tpu.memory_space<vmem>>
      %dma_start3A_175 = arith.constant 0 : i32
      %dma_start3A_176 = arith.constant 2048 : i32
      %dma_start3A_177 = tpu.memref_slice %arg2[%rem3A_52, %dma_start3A_175, %dma_start3A_176] : memref<26x20x4096xi32, #tpu.memory_space<hbm>> -> memref<1x20x512xi32, #tpu.memory_space<hbm>>
      %dma_start3A_178 = tpu.memref_squeeze %dma_start3A_177 : memref<1x20x512xi32, #tpu.memory_space<hbm>> -> memref<20x512xi32, #tpu.memory_space<hbm>>
      %dma_start3A_179 = arith.constant 0 : i32
      %dma_start3A_180 = arith.constant 0 : i32
      %dma_start3A_181 = tpu.memref_slice %arg5[%dma_start3A_170, %dma_start3A_179, %dma_start3A_180] : memref<2x20x512xi32, #tpu.memory_space<vmem>> -> memref<1x20x512xi32, #tpu.memory_space<vmem>>
      %dma_start3A_182 = tpu.memref_squeeze %dma_start3A_181 : memref<1x20x512xi32, #tpu.memory_space<vmem>> -> memref<20x512xi32, #tpu.memory_space<vmem>>
      %dma_start3A_183 = arith.constant 0 : i32
      %dma_start3A_184 = arith.constant 2048 : i32
      %dma_start3A_185 = tpu.memref_slice %arg2[%rem3A_52, %dma_start3A_183, %dma_start3A_184] : memref<26x20x4096xi32, #tpu.memory_space<hbm>> -> memref<1x20x512xi32, #tpu.memory_space<hbm>>
      %dma_start3A_186 = tpu.memref_squeeze %dma_start3A_185 : memref<1x20x512xi32, #tpu.memory_space<hbm>> -> memref<20x512xi32, #tpu.memory_space<hbm>>
      tpu.enqueue_dma source(%dma_start3A_186 : memref<20x512xi32, #tpu.memory_space<hbm>>) target(%dma_start3A_182 : memref<20x512xi32, #tpu.memory_space<vmem>>) target_semaphore(%arg8 : memref<!tpu.dma_semaphore, #tpu.memory_space<semaphore_mem>>)
      %dma_wait3A_187 = arith.constant 1 : i32
      %dma_wait3A_188 = arith.constant 0 : i32
      %dma_wait3A_189 = arith.constant 0 : i32
      %dma_wait3A_190 = tpu.memref_slice %arg5[%dma_wait3A_187, %dma_wait3A_188, %dma_wait3A_189] : memref<2x20x512xi32, #tpu.memory_space<vmem>> -> memref<1x20x512xi32, #tpu.memory_space<vmem>>
      %dma_wait3A_191 = tpu.memref_squeeze %dma_wait3A_190 : memref<1x20x512xi32, #tpu.memory_space<vmem>> -> memref<20x512xi32, #tpu.memory_space<vmem>>
      %dma_wait3A_192 = arith.constant 0 : i32
      %dma_wait3A_193 = arith.constant 1536 : i32
      %dma_wait3A_194 = tpu.memref_slice %arg2[%rem3A_52, %dma_wait3A_192, %dma_wait3A_193] : memref<26x20x4096xi32, #tpu.memory_space<hbm>> -> memref<1x20x512xi32, #tpu.memory_space<hbm>>
      %dma_wait3A_195 = tpu.memref_squeeze %dma_wait3A_194 : memref<1x20x512xi32, #tpu.memory_space<hbm>> -> memref<20x512xi32, #tpu.memory_space<hbm>>
      %dma_wait3A_196 = arith.constant 0 : i32
      %dma_wait3A_197 = arith.constant 0 : i32
      %dma_wait3A_198 = tpu.memref_slice %arg5[%dma_wait3A_187, %dma_wait3A_196, %dma_wait3A_197] : memref<2x20x512xi32, #tpu.memory_space<vmem>> -> memref<1x20x512xi32, #tpu.memory_space<vmem>>
      %dma_wait3A_199 = tpu.memref_squeeze %dma_wait3A_198 : memref<1x20x512xi32, #tpu.memory_space<vmem>> -> memref<20x512xi32, #tpu.memory_space<vmem>>
      %dma_wait3A_200 = arith.constant 0 : i32
      %dma_wait3A_201 = arith.constant 1536 : i32
      %dma_wait3A_202 = tpu.memref_slice %arg2[%rem3A_52, %dma_wait3A_200, %dma_wait3A_201] : memref<26x20x4096xi32, #tpu.memory_space<hbm>> -> memref<1x20x512xi32, #tpu.memory_space<hbm>>
      %dma_wait3A_203 = tpu.memref_squeeze %dma_wait3A_202 : memref<1x20x512xi32, #tpu.memory_space<hbm>> -> memref<20x512xi32, #tpu.memory_space<hbm>>
      tpu.wait_dma2 semaphore(%arg9 : memref<!tpu.dma_semaphore, #tpu.memory_space<semaphore_mem>>) src(%dma_wait3A_203 : memref<20x512xi32, #tpu.memory_space<hbm>>) dst(%dma_wait3A_199 : memref<20x512xi32, #tpu.memory_space<vmem>>)
      %parallel_loop3A_204 = arith.constant 0 : i32
      %parallel_loop3A_205 = arith.constant 32 : i32
      %parallel_loop3A_206 = arith.constant 1 : i32
      scf.for %parallel_loop3A_348 = %parallel_loop3A_204 to %parallel_loop3A_205 step %parallel_loop3A_206  : i32 {
        %parallel_loop3A_349 = arith.constant 16 : i32
        %parallel_loop3A_350 = arith.muli %parallel_loop3A_348, %parallel_loop3A_349 : i32
        %parallel_loop3A_351 = arith.constant 1 : i32
        %parallel_loop3A_352 = arith.constant 0 : i32
        %parallel_loop3A_353 = arith.index_cast %parallel_loop3A_351 : i32 to index
        %parallel_loop3A_354 = arith.index_cast %parallel_loop3A_352 : i32 to index
        %parallel_loop3A_355 = arith.index_cast %parallel_loop3A_350 : i32 to index
        %parallel_loop3A_356 = tpu.vector_load %arg5[%parallel_loop3A_353, %parallel_loop3A_354, %parallel_loop3A_355] {strides = array<i32>} : memref<2x20x512xi32, #tpu.memory_space<vmem>>, vector<16xi32>,
        %parallel_loop3A_357 = tpu.vector_load_idx %arg6[%parallel_loop3A_356] : memref<100000xf32, #tpu.memory_space<vmem>>[vector<16xi32>], vector<16xf32>,
        %parallel_loop3A_358 = arith.constant 1 : i32
        %parallel_loop3A_359 = arith.constant 1 : i32
        %parallel_loop3A_360 = arith.index_cast %parallel_loop3A_358 : i32 to index
        %parallel_loop3A_361 = arith.index_cast %parallel_loop3A_359 : i32 to index
        %parallel_loop3A_362 = arith.index_cast %parallel_loop3A_350 : i32 to index
        %parallel_loop3A_363 = tpu.vector_load %arg5[%parallel_loop3A_360, %parallel_loop3A_361, %parallel_loop3A_362] {strides = array<i32>} : memref<2x20x512xi32, #tpu.memory_space<vmem>>, vector<16xi32>,
        %parallel_loop3A_364 = tpu.vector_load_idx %arg6[%parallel_loop3A_363] : memref<100000xf32, #tpu.memory_space<vmem>>[vector<16xi32>], vector<16xf32>,
        %parallel_loop3A_365 = arith.constant 1 : i32
        %parallel_loop3A_366 = arith.constant 2 : i32
        %parallel_loop3A_367 = arith.index_cast %parallel_loop3A_365 : i32 to index
        %parallel_loop3A_368 = arith.index_cast %parallel_loop3A_366 : i32 to index
        %parallel_loop3A_369 = arith.index_cast %parallel_loop3A_350 : i32 to index
        %parallel_loop3A_370 = tpu.vector_load %arg5[%parallel_loop3A_367, %parallel_loop3A_368, %parallel_loop3A_369] {strides = array<i32>} : memref<2x20x512xi32, #tpu.memory_space<vmem>>, vector<16xi32>,
        %parallel_loop3A_371 = tpu.vector_load_idx %arg6[%parallel_loop3A_370] : memref<100000xf32, #tpu.memory_space<vmem>>[vector<16xi32>], vector<16xf32>,
        %parallel_loop3A_372 = arith.constant 1 : i32
        %parallel_loop3A_373 = arith.constant 3 : i32
        %parallel_loop3A_374 = arith.index_cast %parallel_loop3A_372 : i32 to index
        %parallel_loop3A_375 = arith.index_cast %parallel_loop3A_373 : i32 to index
        %parallel_loop3A_376 = arith.index_cast %parallel_loop3A_350 : i32 to index
        %parallel_loop3A_377 = tpu.vector_load %arg5[%parallel_loop3A_374, %parallel_loop3A_375, %parallel_loop3A_376] {strides = array<i32>} : memref<2x20x512xi32, #tpu.memory_space<vmem>>, vector<16xi32>,
        %parallel_loop3A_378 = tpu.vector_load_idx %arg6[%parallel_loop3A_377] : memref<100000xf32, #tpu.memory_space<vmem>>[vector<16xi32>], vector<16xf32>,
        %parallel_loop3A_379 = arith.constant 1 : i32
        %parallel_loop3A_380 = arith.constant 4 : i32
        %parallel_loop3A_381 = arith.index_cast %parallel_loop3A_379 : i32 to index
        %parallel_loop3A_382 = arith.index_cast %parallel_loop3A_380 : i32 to index
        %parallel_loop3A_383 = arith.index_cast %parallel_loop3A_350 : i32 to index
        %parallel_loop3A_384 = tpu.vector_load %arg5[%parallel_loop3A_381, %parallel_loop3A_382, %parallel_loop3A_383] {strides = array<i32>} : memref<2x20x512xi32, #tpu.memory_space<vmem>>, vector<16xi32>,
        %parallel_loop3A_385 = tpu.vector_load_idx %arg6[%parallel_loop3A_384] : memref<100000xf32, #tpu.memory_space<vmem>>[vector<16xi32>], vector<16xf32>,
        %parallel_loop3A_386 = arith.addf %parallel_loop3A_357, %parallel_loop3A_385 : vector<16xf32>
        %parallel_loop3A_387 = arith.constant 1 : i32
        %parallel_loop3A_388 = arith.constant 5 : i32
        %parallel_loop3A_389 = arith.index_cast %parallel_loop3A_387 : i32 to index
        %parallel_loop3A_390 = arith.index_cast %parallel_loop3A_388 : i32 to index
        %parallel_loop3A_391 = arith.index_cast %parallel_loop3A_350 : i32 to index
        %parallel_loop3A_392 = tpu.vector_load %arg5[%parallel_loop3A_389, %parallel_loop3A_390, %parallel_loop3A_391] {strides = array<i32>} : memref<2x20x512xi32, #tpu.memory_space<vmem>>, vector<16xi32>,
        %parallel_loop3A_393 = tpu.vector_load_idx %arg6[%parallel_loop3A_392] : memref<100000xf32, #tpu.memory_space<vmem>>[vector<16xi32>], vector<16xf32>,
        %parallel_loop3A_394 = arith.addf %parallel_loop3A_364, %parallel_loop3A_393 : vector<16xf32>
        %parallel_loop3A_395 = arith.constant 1 : i32
        %parallel_loop3A_396 = arith.constant 6 : i32
        %parallel_loop3A_397 = arith.index_cast %parallel_loop3A_395 : i32 to index
        %parallel_loop3A_398 = arith.index_cast %parallel_loop3A_396 : i32 to index
        %parallel_loop3A_399 = arith.index_cast %parallel_loop3A_350 : i32 to index
        %parallel_loop3A_400 = tpu.vector_load %arg5[%parallel_loop3A_397, %parallel_loop3A_398, %parallel_loop3A_399] {strides = array<i32>} : memref<2x20x512xi32, #tpu.memory_space<vmem>>, vector<16xi32>,
        %parallel_loop3A_401 = tpu.vector_load_idx %arg6[%parallel_loop3A_400] : memref<100000xf32, #tpu.memory_space<vmem>>[vector<16xi32>], vector<16xf32>,
        %parallel_loop3A_402 = arith.addf %parallel_loop3A_371, %parallel_loop3A_401 : vector<16xf32>
        %parallel_loop3A_403 = arith.constant 1 : i32
        %parallel_loop3A_404 = arith.constant 7 : i32
        %parallel_loop3A_405 = arith.index_cast %parallel_loop3A_403 : i32 to index
        %parallel_loop3A_406 = arith.index_cast %parallel_loop3A_404 : i32 to index
        %parallel_loop3A_407 = arith.index_cast %parallel_loop3A_350 : i32 to index
        %parallel_loop3A_408 = tpu.vector_load %arg5[%parallel_loop3A_405, %parallel_loop3A_406, %parallel_loop3A_407] {strides = array<i32>} : memref<2x20x512xi32, #tpu.memory_space<vmem>>, vector<16xi32>,
        %parallel_loop3A_409 = tpu.vector_load_idx %arg6[%parallel_loop3A_408] : memref<100000xf32, #tpu.memory_space<vmem>>[vector<16xi32>], vector<16xf32>,
        %parallel_loop3A_410 = arith.addf %parallel_loop3A_378, %parallel_loop3A_409 : vector<16xf32>
        %parallel_loop3A_411 = arith.constant 1 : i32
        %parallel_loop3A_412 = arith.constant 8 : i32
        %parallel_loop3A_413 = arith.index_cast %parallel_loop3A_411 : i32 to index
        %parallel_loop3A_414 = arith.index_cast %parallel_loop3A_412 : i32 to index
        %parallel_loop3A_415 = arith.index_cast %parallel_loop3A_350 : i32 to index
        %parallel_loop3A_416 = tpu.vector_load %arg5[%parallel_loop3A_413, %parallel_loop3A_414, %parallel_loop3A_415] {strides = array<i32>} : memref<2x20x512xi32, #tpu.memory_space<vmem>>, vector<16xi32>,
        %parallel_loop3A_417 = tpu.vector_load_idx %arg6[%parallel_loop3A_416] : memref<100000xf32, #tpu.memory_space<vmem>>[vector<16xi32>], vector<16xf32>,
        %parallel_loop3A_418 = arith.addf %parallel_loop3A_386, %parallel_loop3A_417 : vector<16xf32>
        %parallel_loop3A_419 = arith.constant 1 : i32
        %parallel_loop3A_420 = arith.constant 9 : i32
        %parallel_loop3A_421 = arith.index_cast %parallel_loop3A_419 : i32 to index
        %parallel_loop3A_422 = arith.index_cast %parallel_loop3A_420 : i32 to index
        %parallel_loop3A_423 = arith.index_cast %parallel_loop3A_350 : i32 to index
        %parallel_loop3A_424 = tpu.vector_load %arg5[%parallel_loop3A_421, %parallel_loop3A_422, %parallel_loop3A_423] {strides = array<i32>} : memref<2x20x512xi32, #tpu.memory_space<vmem>>, vector<16xi32>,
        %parallel_loop3A_425 = tpu.vector_load_idx %arg6[%parallel_loop3A_424] : memref<100000xf32, #tpu.memory_space<vmem>>[vector<16xi32>], vector<16xf32>,
        %parallel_loop3A_426 = arith.addf %parallel_loop3A_394, %parallel_loop3A_425 : vector<16xf32>
        %parallel_loop3A_427 = arith.constant 1 : i32
        %parallel_loop3A_428 = arith.constant 10 : i32
        %parallel_loop3A_429 = arith.index_cast %parallel_loop3A_427 : i32 to index
        %parallel_loop3A_430 = arith.index_cast %parallel_loop3A_428 : i32 to index
        %parallel_loop3A_431 = arith.index_cast %parallel_loop3A_350 : i32 to index
        %parallel_loop3A_432 = tpu.vector_load %arg5[%parallel_loop3A_429, %parallel_loop3A_430, %parallel_loop3A_431] {strides = array<i32>} : memref<2x20x512xi32, #tpu.memory_space<vmem>>, vector<16xi32>,
        %parallel_loop3A_433 = tpu.vector_load_idx %arg6[%parallel_loop3A_432] : memref<100000xf32, #tpu.memory_space<vmem>>[vector<16xi32>], vector<16xf32>,
        %parallel_loop3A_434 = arith.addf %parallel_loop3A_402, %parallel_loop3A_433 : vector<16xf32>
        %parallel_loop3A_435 = arith.constant 1 : i32
        %parallel_loop3A_436 = arith.constant 11 : i32
        %parallel_loop3A_437 = arith.index_cast %parallel_loop3A_435 : i32 to index
        %parallel_loop3A_438 = arith.index_cast %parallel_loop3A_436 : i32 to index
        %parallel_loop3A_439 = arith.index_cast %parallel_loop3A_350 : i32 to index
        %parallel_loop3A_440 = tpu.vector_load %arg5[%parallel_loop3A_437, %parallel_loop3A_438, %parallel_loop3A_439] {strides = array<i32>} : memref<2x20x512xi32, #tpu.memory_space<vmem>>, vector<16xi32>,
        %parallel_loop3A_441 = tpu.vector_load_idx %arg6[%parallel_loop3A_440] : memref<100000xf32, #tpu.memory_space<vmem>>[vector<16xi32>], vector<16xf32>,
        %parallel_loop3A_442 = arith.addf %parallel_loop3A_410, %parallel_loop3A_441 : vector<16xf32>
        %parallel_loop3A_443 = arith.constant 1 : i32
        %parallel_loop3A_444 = arith.constant 12 : i32
        %parallel_loop3A_445 = arith.index_cast %parallel_loop3A_443 : i32 to index
        %parallel_loop3A_446 = arith.index_cast %parallel_loop3A_444 : i32 to index
        %parallel_loop3A_447 = arith.index_cast %parallel_loop3A_350 : i32 to index
        %parallel_loop3A_448 = tpu.vector_load %arg5[%parallel_loop3A_445, %parallel_loop3A_446, %parallel_loop3A_447] {strides = array<i32>} : memref<2x20x512xi32, #tpu.memory_space<vmem>>, vector<16xi32>,
        %parallel_loop3A_449 = tpu.vector_load_idx %arg6[%parallel_loop3A_448] : memref<100000xf32, #tpu.memory_space<vmem>>[vector<16xi32>], vector<16xf32>,
        %parallel_loop3A_450 = arith.addf %parallel_loop3A_418, %parallel_loop3A_449 : vector<16xf32>
        %parallel_loop3A_451 = arith.constant 1 : i32
        %parallel_loop3A_452 = arith.constant 13 : i32
        %parallel_loop3A_453 = arith.index_cast %parallel_loop3A_451 : i32 to index
        %parallel_loop3A_454 = arith.index_cast %parallel_loop3A_452 : i32 to index
        %parallel_loop3A_455 = arith.index_cast %parallel_loop3A_350 : i32 to index
        %parallel_loop3A_456 = tpu.vector_load %arg5[%parallel_loop3A_453, %parallel_loop3A_454, %parallel_loop3A_455] {strides = array<i32>} : memref<2x20x512xi32, #tpu.memory_space<vmem>>, vector<16xi32>,
        %parallel_loop3A_457 = tpu.vector_load_idx %arg6[%parallel_loop3A_456] : memref<100000xf32, #tpu.memory_space<vmem>>[vector<16xi32>], vector<16xf32>,
        %parallel_loop3A_458 = arith.addf %parallel_loop3A_426, %parallel_loop3A_457 : vector<16xf32>
        %parallel_loop3A_459 = arith.constant 1 : i32
        %parallel_loop3A_460 = arith.constant 14 : i32
        %parallel_loop3A_461 = arith.index_cast %parallel_loop3A_459 : i32 to index
        %parallel_loop3A_462 = arith.index_cast %parallel_loop3A_460 : i32 to index
        %parallel_loop3A_463 = arith.index_cast %parallel_loop3A_350 : i32 to index
        %parallel_loop3A_464 = tpu.vector_load %arg5[%parallel_loop3A_461, %parallel_loop3A_462, %parallel_loop3A_463] {strides = array<i32>} : memref<2x20x512xi32, #tpu.memory_space<vmem>>, vector<16xi32>,
        %parallel_loop3A_465 = tpu.vector_load_idx %arg6[%parallel_loop3A_464] : memref<100000xf32, #tpu.memory_space<vmem>>[vector<16xi32>], vector<16xf32>,
        %parallel_loop3A_466 = arith.addf %parallel_loop3A_434, %parallel_loop3A_465 : vector<16xf32>
        %parallel_loop3A_467 = arith.constant 1 : i32
        %parallel_loop3A_468 = arith.constant 15 : i32
        %parallel_loop3A_469 = arith.index_cast %parallel_loop3A_467 : i32 to index
        %parallel_loop3A_470 = arith.index_cast %parallel_loop3A_468 : i32 to index
        %parallel_loop3A_471 = arith.index_cast %parallel_loop3A_350 : i32 to index
        %parallel_loop3A_472 = tpu.vector_load %arg5[%parallel_loop3A_469, %parallel_loop3A_470, %parallel_loop3A_471] {strides = array<i32>} : memref<2x20x512xi32, #tpu.memory_space<vmem>>, vector<16xi32>,
        %parallel_loop3A_473 = tpu.vector_load_idx %arg6[%parallel_loop3A_472] : memref<100000xf32, #tpu.memory_space<vmem>>[vector<16xi32>], vector<16xf32>,
        %parallel_loop3A_474 = arith.addf %parallel_loop3A_442, %parallel_loop3A_473 : vector<16xf32>
        %parallel_loop3A_475 = arith.constant 1 : i32
        %parallel_loop3A_476 = arith.constant 16 : i32
        %parallel_loop3A_477 = arith.index_cast %parallel_loop3A_475 : i32 to index
        %parallel_loop3A_478 = arith.index_cast %parallel_loop3A_476 : i32 to index
        %parallel_loop3A_479 = arith.index_cast %parallel_loop3A_350 : i32 to index
        %parallel_loop3A_480 = tpu.vector_load %arg5[%parallel_loop3A_477, %parallel_loop3A_478, %parallel_loop3A_479] {strides = array<i32>} : memref<2x20x512xi32, #tpu.memory_space<vmem>>, vector<16xi32>,
        %parallel_loop3A_481 = tpu.vector_load_idx %arg6[%parallel_loop3A_480] : memref<100000xf32, #tpu.memory_space<vmem>>[vector<16xi32>], vector<16xf32>,
        %parallel_loop3A_482 = arith.addf %parallel_loop3A_450, %parallel_loop3A_481 : vector<16xf32>
        %parallel_loop3A_483 = arith.constant 1 : i32
        %parallel_loop3A_484 = arith.constant 17 : i32
        %parallel_loop3A_485 = arith.index_cast %parallel_loop3A_483 : i32 to index
        %parallel_loop3A_486 = arith.index_cast %parallel_loop3A_484 : i32 to index
        %parallel_loop3A_487 = arith.index_cast %parallel_loop3A_350 : i32 to index
        %parallel_loop3A_488 = tpu.vector_load %arg5[%parallel_loop3A_485, %parallel_loop3A_486, %parallel_loop3A_487] {strides = array<i32>} : memref<2x20x512xi32, #tpu.memory_space<vmem>>, vector<16xi32>,
        %parallel_loop3A_489 = tpu.vector_load_idx %arg6[%parallel_loop3A_488] : memref<100000xf32, #tpu.memory_space<vmem>>[vector<16xi32>], vector<16xf32>,
        %parallel_loop3A_490 = arith.addf %parallel_loop3A_458, %parallel_loop3A_489 : vector<16xf32>
        %parallel_loop3A_491 = arith.constant 1 : i32
        %parallel_loop3A_492 = arith.constant 18 : i32
        %parallel_loop3A_493 = arith.index_cast %parallel_loop3A_491 : i32 to index
        %parallel_loop3A_494 = arith.index_cast %parallel_loop3A_492 : i32 to index
        %parallel_loop3A_495 = arith.index_cast %parallel_loop3A_350 : i32 to index
        %parallel_loop3A_496 = tpu.vector_load %arg5[%parallel_loop3A_493, %parallel_loop3A_494, %parallel_loop3A_495] {strides = array<i32>} : memref<2x20x512xi32, #tpu.memory_space<vmem>>, vector<16xi32>,
        %parallel_loop3A_497 = tpu.vector_load_idx %arg6[%parallel_loop3A_496] : memref<100000xf32, #tpu.memory_space<vmem>>[vector<16xi32>], vector<16xf32>,
        %parallel_loop3A_498 = arith.addf %parallel_loop3A_466, %parallel_loop3A_497 : vector<16xf32>
        %parallel_loop3A_499 = arith.constant 1 : i32
        %parallel_loop3A_500 = arith.constant 19 : i32
        %parallel_loop3A_501 = arith.index_cast %parallel_loop3A_499 : i32 to index
        %parallel_loop3A_502 = arith.index_cast %parallel_loop3A_500 : i32 to index
        %parallel_loop3A_503 = arith.index_cast %parallel_loop3A_350 : i32 to index
        %parallel_loop3A_504 = tpu.vector_load %arg5[%parallel_loop3A_501, %parallel_loop3A_502, %parallel_loop3A_503] {strides = array<i32>} : memref<2x20x512xi32, #tpu.memory_space<vmem>>, vector<16xi32>,
        %parallel_loop3A_505 = tpu.vector_load_idx %arg6[%parallel_loop3A_504] : memref<100000xf32, #tpu.memory_space<vmem>>[vector<16xi32>], vector<16xf32>,
        %parallel_loop3A_506 = arith.addf %parallel_loop3A_474, %parallel_loop3A_505 : vector<16xf32>
        %parallel_loop3A_507 = arith.addf %parallel_loop3A_482, %parallel_loop3A_490 : vector<16xf32>
        %parallel_loop3A_508 = arith.addf %parallel_loop3A_498, %parallel_loop3A_506 : vector<16xf32>
        %parallel_loop3A_509 = arith.addf %parallel_loop3A_507, %parallel_loop3A_508 : vector<16xf32>
        %parallel_loop3A_510 = arith.constant 16 : i32
        %parallel_loop3A_511 = arith.muli %parallel_loop3A_348, %parallel_loop3A_510 : i32
        %parallel_loop3A_512 = arith.constant 1536 : i32
        %parallel_loop3A_513 = arith.addi %parallel_loop3A_512, %parallel_loop3A_511 : i32
        %parallel_loop3A_514 = arith.index_cast %parallel_loop3A_513 : i32 to index
        %parallel_loop3A_515 = tpu.vector_load %arg7[%parallel_loop3A_514] {strides = array<i32>} : memref<4096xf32, #tpu.memory_space<vmem>>, vector<16xf32>,
        tpu.vector_store %arg7[%parallel_loop3A_514], %parallel_loop3A_509 {strides = array<i32>} : memref<4096xf32, #tpu.memory_space<vmem>>, vector<16xf32>,
      } {sc.loop_unroll_factor = 3 : i64, sc.parallel_access}
      %dma_start3A_207 = arith.constant 1 : i32
      %dma_start3A_208 = arith.constant 0 : i32
      %dma_start3A_209 = arith.constant 0 : i32
      %dma_start3A_210 = tpu.memref_slice %arg5[%dma_start3A_207, %dma_start3A_208, %dma_start3A_209] : memref<2x20x512xi32, #tpu.memory_space<vmem>> -> memref<1x20x512xi32, #tpu.memory_space<vmem>>
      %dma_start3A_211 = tpu.memref_squeeze %dma_start3A_210 : memref<1x20x512xi32, #tpu.memory_space<vmem>> -> memref<20x512xi32, #tpu.memory_space<vmem>>
      %dma_start3A_212 = arith.constant 0 : i32
      %dma_start3A_213 = arith.constant 2560 : i32
      %dma_start3A_214 = tpu.memref_slice %arg2[%rem3A_52, %dma_start3A_212, %dma_start3A_213] : memref<26x20x4096xi32, #tpu.memory_space<hbm>> -> memref<1x20x512xi32, #tpu.memory_space<hbm>>
      %dma_start3A_215 = tpu.memref_squeeze %dma_start3A_214 : memref<1x20x512xi32, #tpu.memory_space<hbm>> -> memref<20x512xi32, #tpu.memory_space<hbm>>
      %dma_start3A_216 = arith.constant 0 : i32
      %dma_start3A_217 = arith.constant 0 : i32
      %dma_start3A_218 = tpu.memref_slice %arg5[%dma_start3A_207, %dma_start3A_216, %dma_start3A_217] : memref<2x20x512xi32, #tpu.memory_space<vmem>> -> memref<1x20x512xi32, #tpu.memory_space<vmem>>
      %dma_start3A_219 = tpu.memref_squeeze %dma_start3A_218 : memref<1x20x512xi32, #tpu.memory_space<vmem>> -> memref<20x512xi32, #tpu.memory_space<vmem>>
      %dma_start3A_220 = arith.constant 0 : i32
      %dma_start3A_221 = arith.constant 2560 : i32
      %dma_start3A_222 = tpu.memref_slice %arg2[%rem3A_52, %dma_start3A_220, %dma_start3A_221] : memref<26x20x4096xi32, #tpu.memory_space<hbm>> -> memref<1x20x512xi32, #tpu.memory_space<hbm>>
      %dma_start3A_223 = tpu.memref_squeeze %dma_start3A_222 : memref<1x20x512xi32, #tpu.memory_space<hbm>> -> memref<20x512xi32, #tpu.memory_space<hbm>>
      tpu.enqueue_dma source(%dma_start3A_223 : memref<20x512xi32, #tpu.memory_space<hbm>>) target(%dma_start3A_219 : memref<20x512xi32, #tpu.memory_space<vmem>>) target_semaphore(%arg9 : memref<!tpu.dma_semaphore, #tpu.memory_space<semaphore_mem>>)
      %dma_wait3A_224 = arith.constant 0 : i32
      %dma_wait3A_225 = arith.constant 0 : i32
      %dma_wait3A_226 = arith.constant 0 : i32
      %dma_wait3A_227 = tpu.memref_slice %arg5[%dma_wait3A_224, %dma_wait3A_225, %dma_wait3A_226] : memref<2x20x512xi32, #tpu.memory_space<vmem>> -> memref<1x20x512xi32, #tpu.memory_space<vmem>>
      %dma_wait3A_228 = tpu.memref_squeeze %dma_wait3A_227 : memref<1x20x512xi32, #tpu.memory_space<vmem>> -> memref<20x512xi32, #tpu.memory_space<vmem>>
      %dma_wait3A_229 = arith.constant 0 : i32
      %dma_wait3A_230 = arith.constant 2048 : i32
      %dma_wait3A_231 = tpu.memref_slice %arg2[%rem3A_52, %dma_wait3A_229, %dma_wait3A_230] : memref<26x20x4096xi32, #tpu.memory_space<hbm>> -> memref<1x20x512xi32, #tpu.memory_space<hbm>>
      %dma_wait3A_232 = tpu.memref_squeeze %dma_wait3A_231 : memref<1x20x512xi32, #tpu.memory_space<hbm>> -> memref<20x512xi32, #tpu.memory_space<hbm>>
      %dma_wait3A_233 = arith.constant 0 : i32
      %dma_wait3A_234 = arith.constant 0 : i32
      %dma_wait3A_235 = tpu.memref_slice %arg5[%dma_wait3A_224, %dma_wait3A_233, %dma_wait3A_234] : memref<2x20x512xi32, #tpu.memory_space<vmem>> -> memref<1x20x512xi32, #tpu.memory_space<vmem>>
      %dma_wait3A_236 = tpu.memref_squeeze %dma_wait3A_235 : memref<1x20x512xi32, #tpu.memory_space<vmem>> -> memref<20x512xi32, #tpu.memory_space<vmem>>
      %dma_wait3A_237 = arith.constant 0 : i32
      %dma_wait3A_238 = arith.constant 2048 : i32
      %dma_wait3A_239 = tpu.memref_slice %arg2[%rem3A_52, %dma_wait3A_237, %dma_wait3A_238] : memref<26x20x4096xi32, #tpu.memory_space<hbm>> -> memref<1x20x512xi32, #tpu.memory_space<hbm>>
      %dma_wait3A_240 = tpu.memref_squeeze %dma_wait3A_239 : memref<1x20x512xi32, #tpu.memory_space<hbm>> -> memref<20x512xi32, #tpu.memory_space<hbm>>
      tpu.wait_dma2 semaphore(%arg8 : memref<!tpu.dma_semaphore, #tpu.memory_space<semaphore_mem>>) src(%dma_wait3A_240 : memref<20x512xi32, #tpu.memory_space<hbm>>) dst(%dma_wait3A_236 : memref<20x512xi32, #tpu.memory_space<vmem>>)
      %parallel_loop3A_241 = arith.constant 0 : i32
      %parallel_loop3A_242 = arith.constant 32 : i32
      %parallel_loop3A_243 = arith.constant 1 : i32
      scf.for %parallel_loop3A_348 = %parallel_loop3A_241 to %parallel_loop3A_242 step %parallel_loop3A_243  : i32 {
        %parallel_loop3A_349 = arith.constant 16 : i32
        %parallel_loop3A_350 = arith.muli %parallel_loop3A_348, %parallel_loop3A_349 : i32
        %parallel_loop3A_351 = arith.constant 0 : i32
        %parallel_loop3A_352 = arith.constant 0 : i32
        %parallel_loop3A_353 = arith.index_cast %parallel_loop3A_351 : i32 to index
        %parallel_loop3A_354 = arith.index_cast %parallel_loop3A_352 : i32 to index
        %parallel_loop3A_355 = arith.index_cast %parallel_loop3A_350 : i32 to index
        %parallel_loop3A_356 = tpu.vector_load %arg5[%parallel_loop3A_353, %parallel_loop3A_354, %parallel_loop3A_355] {strides = array<i32>} : memref<2x20x512xi32, #tpu.memory_space<vmem>>, vector<16xi32>,
        %parallel_loop3A_357 = tpu.vector_load_idx %arg6[%parallel_loop3A_356] : memref<100000xf32, #tpu.memory_space<vmem>>[vector<16xi32>], vector<16xf32>,
        %parallel_loop3A_358 = arith.constant 0 : i32
        %parallel_loop3A_359 = arith.constant 1 : i32
        %parallel_loop3A_360 = arith.index_cast %parallel_loop3A_358 : i32 to index
        %parallel_loop3A_361 = arith.index_cast %parallel_loop3A_359 : i32 to index
        %parallel_loop3A_362 = arith.index_cast %parallel_loop3A_350 : i32 to index
        %parallel_loop3A_363 = tpu.vector_load %arg5[%parallel_loop3A_360, %parallel_loop3A_361, %parallel_loop3A_362] {strides = array<i32>} : memref<2x20x512xi32, #tpu.memory_space<vmem>>, vector<16xi32>,
        %parallel_loop3A_364 = tpu.vector_load_idx %arg6[%parallel_loop3A_363] : memref<100000xf32, #tpu.memory_space<vmem>>[vector<16xi32>], vector<16xf32>,
        %parallel_loop3A_365 = arith.constant 0 : i32
        %parallel_loop3A_366 = arith.constant 2 : i32
        %parallel_loop3A_367 = arith.index_cast %parallel_loop3A_365 : i32 to index
        %parallel_loop3A_368 = arith.index_cast %parallel_loop3A_366 : i32 to index
        %parallel_loop3A_369 = arith.index_cast %parallel_loop3A_350 : i32 to index
        %parallel_loop3A_370 = tpu.vector_load %arg5[%parallel_loop3A_367, %parallel_loop3A_368, %parallel_loop3A_369] {strides = array<i32>} : memref<2x20x512xi32, #tpu.memory_space<vmem>>, vector<16xi32>,
        %parallel_loop3A_371 = tpu.vector_load_idx %arg6[%parallel_loop3A_370] : memref<100000xf32, #tpu.memory_space<vmem>>[vector<16xi32>], vector<16xf32>,
        %parallel_loop3A_372 = arith.constant 0 : i32
        %parallel_loop3A_373 = arith.constant 3 : i32
        %parallel_loop3A_374 = arith.index_cast %parallel_loop3A_372 : i32 to index
        %parallel_loop3A_375 = arith.index_cast %parallel_loop3A_373 : i32 to index
        %parallel_loop3A_376 = arith.index_cast %parallel_loop3A_350 : i32 to index
        %parallel_loop3A_377 = tpu.vector_load %arg5[%parallel_loop3A_374, %parallel_loop3A_375, %parallel_loop3A_376] {strides = array<i32>} : memref<2x20x512xi32, #tpu.memory_space<vmem>>, vector<16xi32>,
        %parallel_loop3A_378 = tpu.vector_load_idx %arg6[%parallel_loop3A_377] : memref<100000xf32, #tpu.memory_space<vmem>>[vector<16xi32>], vector<16xf32>,
        %parallel_loop3A_379 = arith.constant 0 : i32
        %parallel_loop3A_380 = arith.constant 4 : i32
        %parallel_loop3A_381 = arith.index_cast %parallel_loop3A_379 : i32 to index
        %parallel_loop3A_382 = arith.index_cast %parallel_loop3A_380 : i32 to index
        %parallel_loop3A_383 = arith.index_cast %parallel_loop3A_350 : i32 to index
        %parallel_loop3A_384 = tpu.vector_load %arg5[%parallel_loop3A_381, %parallel_loop3A_382, %parallel_loop3A_383] {strides = array<i32>} : memref<2x20x512xi32, #tpu.memory_space<vmem>>, vector<16xi32>,
        %parallel_loop3A_385 = tpu.vector_load_idx %arg6[%parallel_loop3A_384] : memref<100000xf32, #tpu.memory_space<vmem>>[vector<16xi32>], vector<16xf32>,
        %parallel_loop3A_386 = arith.addf %parallel_loop3A_357, %parallel_loop3A_385 : vector<16xf32>
        %parallel_loop3A_387 = arith.constant 0 : i32
        %parallel_loop3A_388 = arith.constant 5 : i32
        %parallel_loop3A_389 = arith.index_cast %parallel_loop3A_387 : i32 to index
        %parallel_loop3A_390 = arith.index_cast %parallel_loop3A_388 : i32 to index
        %parallel_loop3A_391 = arith.index_cast %parallel_loop3A_350 : i32 to index
        %parallel_loop3A_392 = tpu.vector_load %arg5[%parallel_loop3A_389, %parallel_loop3A_390, %parallel_loop3A_391] {strides = array<i32>} : memref<2x20x512xi32, #tpu.memory_space<vmem>>, vector<16xi32>,
        %parallel_loop3A_393 = tpu.vector_load_idx %arg6[%parallel_loop3A_392] : memref<100000xf32, #tpu.memory_space<vmem>>[vector<16xi32>], vector<16xf32>,
        %parallel_loop3A_394 = arith.addf %parallel_loop3A_364, %parallel_loop3A_393 : vector<16xf32>
        %parallel_loop3A_395 = arith.constant 0 : i32
        %parallel_loop3A_396 = arith.constant 6 : i32
        %parallel_loop3A_397 = arith.index_cast %parallel_loop3A_395 : i32 to index
        %parallel_loop3A_398 = arith.index_cast %parallel_loop3A_396 : i32 to index
        %parallel_loop3A_399 = arith.index_cast %parallel_loop3A_350 : i32 to index
        %parallel_loop3A_400 = tpu.vector_load %arg5[%parallel_loop3A_397, %parallel_loop3A_398, %parallel_loop3A_399] {strides = array<i32>} : memref<2x20x512xi32, #tpu.memory_space<vmem>>, vector<16xi32>,
        %parallel_loop3A_401 = tpu.vector_load_idx %arg6[%parallel_loop3A_400] : memref<100000xf32, #tpu.memory_space<vmem>>[vector<16xi32>], vector<16xf32>,
        %parallel_loop3A_402 = arith.addf %parallel_loop3A_371, %parallel_loop3A_401 : vector<16xf32>
        %parallel_loop3A_403 = arith.constant 0 : i32
        %parallel_loop3A_404 = arith.constant 7 : i32
        %parallel_loop3A_405 = arith.index_cast %parallel_loop3A_403 : i32 to index
        %parallel_loop3A_406 = arith.index_cast %parallel_loop3A_404 : i32 to index
        %parallel_loop3A_407 = arith.index_cast %parallel_loop3A_350 : i32 to index
        %parallel_loop3A_408 = tpu.vector_load %arg5[%parallel_loop3A_405, %parallel_loop3A_406, %parallel_loop3A_407] {strides = array<i32>} : memref<2x20x512xi32, #tpu.memory_space<vmem>>, vector<16xi32>,
        %parallel_loop3A_409 = tpu.vector_load_idx %arg6[%parallel_loop3A_408] : memref<100000xf32, #tpu.memory_space<vmem>>[vector<16xi32>], vector<16xf32>,
        %parallel_loop3A_410 = arith.addf %parallel_loop3A_378, %parallel_loop3A_409 : vector<16xf32>
        %parallel_loop3A_411 = arith.constant 0 : i32
        %parallel_loop3A_412 = arith.constant 8 : i32
        %parallel_loop3A_413 = arith.index_cast %parallel_loop3A_411 : i32 to index
        %parallel_loop3A_414 = arith.index_cast %parallel_loop3A_412 : i32 to index
        %parallel_loop3A_415 = arith.index_cast %parallel_loop3A_350 : i32 to index
        %parallel_loop3A_416 = tpu.vector_load %arg5[%parallel_loop3A_413, %parallel_loop3A_414, %parallel_loop3A_415] {strides = array<i32>} : memref<2x20x512xi32, #tpu.memory_space<vmem>>, vector<16xi32>,
        %parallel_loop3A_417 = tpu.vector_load_idx %arg6[%parallel_loop3A_416] : memref<100000xf32, #tpu.memory_space<vmem>>[vector<16xi32>], vector<16xf32>,
        %parallel_loop3A_418 = arith.addf %parallel_loop3A_386, %parallel_loop3A_417 : vector<16xf32>
        %parallel_loop3A_419 = arith.constant 0 : i32
        %parallel_loop3A_420 = arith.constant 9 : i32
        %parallel_loop3A_421 = arith.index_cast %parallel_loop3A_419 : i32 to index
        %parallel_loop3A_422 = arith.index_cast %parallel_loop3A_420 : i32 to index
        %parallel_loop3A_423 = arith.index_cast %parallel_loop3A_350 : i32 to index
        %parallel_loop3A_424 = tpu.vector_load %arg5[%parallel_loop3A_421, %parallel_loop3A_422, %parallel_loop3A_423] {strides = array<i32>} : memref<2x20x512xi32, #tpu.memory_space<vmem>>, vector<16xi32>,
        %parallel_loop3A_425 = tpu.vector_load_idx %arg6[%parallel_loop3A_424] : memref<100000xf32, #tpu.memory_space<vmem>>[vector<16xi32>], vector<16xf32>,
        %parallel_loop3A_426 = arith.addf %parallel_loop3A_394, %parallel_loop3A_425 : vector<16xf32>
        %parallel_loop3A_427 = arith.constant 0 : i32
        %parallel_loop3A_428 = arith.constant 10 : i32
        %parallel_loop3A_429 = arith.index_cast %parallel_loop3A_427 : i32 to index
        %parallel_loop3A_430 = arith.index_cast %parallel_loop3A_428 : i32 to index
        %parallel_loop3A_431 = arith.index_cast %parallel_loop3A_350 : i32 to index
        %parallel_loop3A_432 = tpu.vector_load %arg5[%parallel_loop3A_429, %parallel_loop3A_430, %parallel_loop3A_431] {strides = array<i32>} : memref<2x20x512xi32, #tpu.memory_space<vmem>>, vector<16xi32>,
        %parallel_loop3A_433 = tpu.vector_load_idx %arg6[%parallel_loop3A_432] : memref<100000xf32, #tpu.memory_space<vmem>>[vector<16xi32>], vector<16xf32>,
        %parallel_loop3A_434 = arith.addf %parallel_loop3A_402, %parallel_loop3A_433 : vector<16xf32>
        %parallel_loop3A_435 = arith.constant 0 : i32
        %parallel_loop3A_436 = arith.constant 11 : i32
        %parallel_loop3A_437 = arith.index_cast %parallel_loop3A_435 : i32 to index
        %parallel_loop3A_438 = arith.index_cast %parallel_loop3A_436 : i32 to index
        %parallel_loop3A_439 = arith.index_cast %parallel_loop3A_350 : i32 to index
        %parallel_loop3A_440 = tpu.vector_load %arg5[%parallel_loop3A_437, %parallel_loop3A_438, %parallel_loop3A_439] {strides = array<i32>} : memref<2x20x512xi32, #tpu.memory_space<vmem>>, vector<16xi32>,
        %parallel_loop3A_441 = tpu.vector_load_idx %arg6[%parallel_loop3A_440] : memref<100000xf32, #tpu.memory_space<vmem>>[vector<16xi32>], vector<16xf32>,
        %parallel_loop3A_442 = arith.addf %parallel_loop3A_410, %parallel_loop3A_441 : vector<16xf32>
        %parallel_loop3A_443 = arith.constant 0 : i32
        %parallel_loop3A_444 = arith.constant 12 : i32
        %parallel_loop3A_445 = arith.index_cast %parallel_loop3A_443 : i32 to index
        %parallel_loop3A_446 = arith.index_cast %parallel_loop3A_444 : i32 to index
        %parallel_loop3A_447 = arith.index_cast %parallel_loop3A_350 : i32 to index
        %parallel_loop3A_448 = tpu.vector_load %arg5[%parallel_loop3A_445, %parallel_loop3A_446, %parallel_loop3A_447] {strides = array<i32>} : memref<2x20x512xi32, #tpu.memory_space<vmem>>, vector<16xi32>,
        %parallel_loop3A_449 = tpu.vector_load_idx %arg6[%parallel_loop3A_448] : memref<100000xf32, #tpu.memory_space<vmem>>[vector<16xi32>], vector<16xf32>,
        %parallel_loop3A_450 = arith.addf %parallel_loop3A_418, %parallel_loop3A_449 : vector<16xf32>
        %parallel_loop3A_451 = arith.constant 0 : i32
        %parallel_loop3A_452 = arith.constant 13 : i32
        %parallel_loop3A_453 = arith.index_cast %parallel_loop3A_451 : i32 to index
        %parallel_loop3A_454 = arith.index_cast %parallel_loop3A_452 : i32 to index
        %parallel_loop3A_455 = arith.index_cast %parallel_loop3A_350 : i32 to index
        %parallel_loop3A_456 = tpu.vector_load %arg5[%parallel_loop3A_453, %parallel_loop3A_454, %parallel_loop3A_455] {strides = array<i32>} : memref<2x20x512xi32, #tpu.memory_space<vmem>>, vector<16xi32>,
        %parallel_loop3A_457 = tpu.vector_load_idx %arg6[%parallel_loop3A_456] : memref<100000xf32, #tpu.memory_space<vmem>>[vector<16xi32>], vector<16xf32>,
        %parallel_loop3A_458 = arith.addf %parallel_loop3A_426, %parallel_loop3A_457 : vector<16xf32>
        %parallel_loop3A_459 = arith.constant 0 : i32
        %parallel_loop3A_460 = arith.constant 14 : i32
        %parallel_loop3A_461 = arith.index_cast %parallel_loop3A_459 : i32 to index
        %parallel_loop3A_462 = arith.index_cast %parallel_loop3A_460 : i32 to index
        %parallel_loop3A_463 = arith.index_cast %parallel_loop3A_350 : i32 to index
        %parallel_loop3A_464 = tpu.vector_load %arg5[%parallel_loop3A_461, %parallel_loop3A_462, %parallel_loop3A_463] {strides = array<i32>} : memref<2x20x512xi32, #tpu.memory_space<vmem>>, vector<16xi32>,
        %parallel_loop3A_465 = tpu.vector_load_idx %arg6[%parallel_loop3A_464] : memref<100000xf32, #tpu.memory_space<vmem>>[vector<16xi32>], vector<16xf32>,
        %parallel_loop3A_466 = arith.addf %parallel_loop3A_434, %parallel_loop3A_465 : vector<16xf32>
        %parallel_loop3A_467 = arith.constant 0 : i32
        %parallel_loop3A_468 = arith.constant 15 : i32
        %parallel_loop3A_469 = arith.index_cast %parallel_loop3A_467 : i32 to index
        %parallel_loop3A_470 = arith.index_cast %parallel_loop3A_468 : i32 to index
        %parallel_loop3A_471 = arith.index_cast %parallel_loop3A_350 : i32 to index
        %parallel_loop3A_472 = tpu.vector_load %arg5[%parallel_loop3A_469, %parallel_loop3A_470, %parallel_loop3A_471] {strides = array<i32>} : memref<2x20x512xi32, #tpu.memory_space<vmem>>, vector<16xi32>,
        %parallel_loop3A_473 = tpu.vector_load_idx %arg6[%parallel_loop3A_472] : memref<100000xf32, #tpu.memory_space<vmem>>[vector<16xi32>], vector<16xf32>,
        %parallel_loop3A_474 = arith.addf %parallel_loop3A_442, %parallel_loop3A_473 : vector<16xf32>
        %parallel_loop3A_475 = arith.constant 0 : i32
        %parallel_loop3A_476 = arith.constant 16 : i32
        %parallel_loop3A_477 = arith.index_cast %parallel_loop3A_475 : i32 to index
        %parallel_loop3A_478 = arith.index_cast %parallel_loop3A_476 : i32 to index
        %parallel_loop3A_479 = arith.index_cast %parallel_loop3A_350 : i32 to index
        %parallel_loop3A_480 = tpu.vector_load %arg5[%parallel_loop3A_477, %parallel_loop3A_478, %parallel_loop3A_479] {strides = array<i32>} : memref<2x20x512xi32, #tpu.memory_space<vmem>>, vector<16xi32>,
        %parallel_loop3A_481 = tpu.vector_load_idx %arg6[%parallel_loop3A_480] : memref<100000xf32, #tpu.memory_space<vmem>>[vector<16xi32>], vector<16xf32>,
        %parallel_loop3A_482 = arith.addf %parallel_loop3A_450, %parallel_loop3A_481 : vector<16xf32>
        %parallel_loop3A_483 = arith.constant 0 : i32
        %parallel_loop3A_484 = arith.constant 17 : i32
        %parallel_loop3A_485 = arith.index_cast %parallel_loop3A_483 : i32 to index
        %parallel_loop3A_486 = arith.index_cast %parallel_loop3A_484 : i32 to index
        %parallel_loop3A_487 = arith.index_cast %parallel_loop3A_350 : i32 to index
        %parallel_loop3A_488 = tpu.vector_load %arg5[%parallel_loop3A_485, %parallel_loop3A_486, %parallel_loop3A_487] {strides = array<i32>} : memref<2x20x512xi32, #tpu.memory_space<vmem>>, vector<16xi32>,
        %parallel_loop3A_489 = tpu.vector_load_idx %arg6[%parallel_loop3A_488] : memref<100000xf32, #tpu.memory_space<vmem>>[vector<16xi32>], vector<16xf32>,
        %parallel_loop3A_490 = arith.addf %parallel_loop3A_458, %parallel_loop3A_489 : vector<16xf32>
        %parallel_loop3A_491 = arith.constant 0 : i32
        %parallel_loop3A_492 = arith.constant 18 : i32
        %parallel_loop3A_493 = arith.index_cast %parallel_loop3A_491 : i32 to index
        %parallel_loop3A_494 = arith.index_cast %parallel_loop3A_492 : i32 to index
        %parallel_loop3A_495 = arith.index_cast %parallel_loop3A_350 : i32 to index
        %parallel_loop3A_496 = tpu.vector_load %arg5[%parallel_loop3A_493, %parallel_loop3A_494, %parallel_loop3A_495] {strides = array<i32>} : memref<2x20x512xi32, #tpu.memory_space<vmem>>, vector<16xi32>,
        %parallel_loop3A_497 = tpu.vector_load_idx %arg6[%parallel_loop3A_496] : memref<100000xf32, #tpu.memory_space<vmem>>[vector<16xi32>], vector<16xf32>,
        %parallel_loop3A_498 = arith.addf %parallel_loop3A_466, %parallel_loop3A_497 : vector<16xf32>
        %parallel_loop3A_499 = arith.constant 0 : i32
        %parallel_loop3A_500 = arith.constant 19 : i32
        %parallel_loop3A_501 = arith.index_cast %parallel_loop3A_499 : i32 to index
        %parallel_loop3A_502 = arith.index_cast %parallel_loop3A_500 : i32 to index
        %parallel_loop3A_503 = arith.index_cast %parallel_loop3A_350 : i32 to index
        %parallel_loop3A_504 = tpu.vector_load %arg5[%parallel_loop3A_501, %parallel_loop3A_502, %parallel_loop3A_503] {strides = array<i32>} : memref<2x20x512xi32, #tpu.memory_space<vmem>>, vector<16xi32>,
        %parallel_loop3A_505 = tpu.vector_load_idx %arg6[%parallel_loop3A_504] : memref<100000xf32, #tpu.memory_space<vmem>>[vector<16xi32>], vector<16xf32>,
        %parallel_loop3A_506 = arith.addf %parallel_loop3A_474, %parallel_loop3A_505 : vector<16xf32>
        %parallel_loop3A_507 = arith.addf %parallel_loop3A_482, %parallel_loop3A_490 : vector<16xf32>
        %parallel_loop3A_508 = arith.addf %parallel_loop3A_498, %parallel_loop3A_506 : vector<16xf32>
        %parallel_loop3A_509 = arith.addf %parallel_loop3A_507, %parallel_loop3A_508 : vector<16xf32>
        %parallel_loop3A_510 = arith.constant 16 : i32
        %parallel_loop3A_511 = arith.muli %parallel_loop3A_348, %parallel_loop3A_510 : i32
        %parallel_loop3A_512 = arith.constant 2048 : i32
        %parallel_loop3A_513 = arith.addi %parallel_loop3A_512, %parallel_loop3A_511 : i32
        %parallel_loop3A_514 = arith.index_cast %parallel_loop3A_513 : i32 to index
        %parallel_loop3A_515 = tpu.vector_load %arg7[%parallel_loop3A_514] {strides = array<i32>} : memref<4096xf32, #tpu.memory_space<vmem>>, vector<16xf32>,
        tpu.vector_store %arg7[%parallel_loop3A_514], %parallel_loop3A_509 {strides = array<i32>} : memref<4096xf32, #tpu.memory_space<vmem>>, vector<16xf32>,
      } {sc.loop_unroll_factor = 3 : i64, sc.parallel_access}
      %dma_start3A_244 = arith.constant 0 : i32
      %dma_start3A_245 = arith.constant 0 : i32
      %dma_start3A_246 = arith.constant 0 : i32
      %dma_start3A_247 = tpu.memref_slice %arg5[%dma_start3A_244, %dma_start3A_245, %dma_start3A_246] : memref<2x20x512xi32, #tpu.memory_space<vmem>> -> memref<1x20x512xi32, #tpu.memory_space<vmem>>
      %dma_start3A_248 = tpu.memref_squeeze %dma_start3A_247 : memref<1x20x512xi32, #tpu.memory_space<vmem>> -> memref<20x512xi32, #tpu.memory_space<vmem>>
      %dma_start3A_249 = arith.constant 0 : i32
      %dma_start3A_250 = arith.constant 3072 : i32
      %dma_start3A_251 = tpu.memref_slice %arg2[%rem3A_52, %dma_start3A_249, %dma_start3A_250] : memref<26x20x4096xi32, #tpu.memory_space<hbm>> -> memref<1x20x512xi32, #tpu.memory_space<hbm>>
      %dma_start3A_252 = tpu.memref_squeeze %dma_start3A_251 : memref<1x20x512xi32, #tpu.memory_space<hbm>> -> memref<20x512xi32, #tpu.memory_space<hbm>>
      %dma_start3A_253 = arith.constant 0 : i32
      %dma_start3A_254 = arith.constant 0 : i32
      %dma_start3A_255 = tpu.memref_slice %arg5[%dma_start3A_244, %dma_start3A_253, %dma_start3A_254] : memref<2x20x512xi32, #tpu.memory_space<vmem>> -> memref<1x20x512xi32, #tpu.memory_space<vmem>>
      %dma_start3A_256 = tpu.memref_squeeze %dma_start3A_255 : memref<1x20x512xi32, #tpu.memory_space<vmem>> -> memref<20x512xi32, #tpu.memory_space<vmem>>
      %dma_start3A_257 = arith.constant 0 : i32
      %dma_start3A_258 = arith.constant 3072 : i32
      %dma_start3A_259 = tpu.memref_slice %arg2[%rem3A_52, %dma_start3A_257, %dma_start3A_258] : memref<26x20x4096xi32, #tpu.memory_space<hbm>> -> memref<1x20x512xi32, #tpu.memory_space<hbm>>
      %dma_start3A_260 = tpu.memref_squeeze %dma_start3A_259 : memref<1x20x512xi32, #tpu.memory_space<hbm>> -> memref<20x512xi32, #tpu.memory_space<hbm>>
      tpu.enqueue_dma source(%dma_start3A_260 : memref<20x512xi32, #tpu.memory_space<hbm>>) target(%dma_start3A_256 : memref<20x512xi32, #tpu.memory_space<vmem>>) target_semaphore(%arg8 : memref<!tpu.dma_semaphore, #tpu.memory_space<semaphore_mem>>)
      %dma_wait3A_261 = arith.constant 1 : i32
      %dma_wait3A_262 = arith.constant 0 : i32
      %dma_wait3A_263 = arith.constant 0 : i32
      %dma_wait3A_264 = tpu.memref_slice %arg5[%dma_wait3A_261, %dma_wait3A_262, %dma_wait3A_263] : memref<2x20x512xi32, #tpu.memory_space<vmem>> -> memref<1x20x512xi32, #tpu.memory_space<vmem>>
      %dma_wait3A_265 = tpu.memref_squeeze %dma_wait3A_264 : memref<1x20x512xi32, #tpu.memory_space<vmem>> -> memref<20x512xi32, #tpu.memory_space<vmem>>
      %dma_wait3A_266 = arith.constant 0 : i32
      %dma_wait3A_267 = arith.constant 2560 : i32
      %dma_wait3A_268 = tpu.memref_slice %arg2[%rem3A_52, %dma_wait3A_266, %dma_wait3A_267] : memref<26x20x4096xi32, #tpu.memory_space<hbm>> -> memref<1x20x512xi32, #tpu.memory_space<hbm>>
      %dma_wait3A_269 = tpu.memref_squeeze %dma_wait3A_268 : memref<1x20x512xi32, #tpu.memory_space<hbm>> -> memref<20x512xi32, #tpu.memory_space<hbm>>
      %dma_wait3A_270 = arith.constant 0 : i32
      %dma_wait3A_271 = arith.constant 0 : i32
      %dma_wait3A_272 = tpu.memref_slice %arg5[%dma_wait3A_261, %dma_wait3A_270, %dma_wait3A_271] : memref<2x20x512xi32, #tpu.memory_space<vmem>> -> memref<1x20x512xi32, #tpu.memory_space<vmem>>
      %dma_wait3A_273 = tpu.memref_squeeze %dma_wait3A_272 : memref<1x20x512xi32, #tpu.memory_space<vmem>> -> memref<20x512xi32, #tpu.memory_space<vmem>>
      %dma_wait3A_274 = arith.constant 0 : i32
      %dma_wait3A_275 = arith.constant 2560 : i32
      %dma_wait3A_276 = tpu.memref_slice %arg2[%rem3A_52, %dma_wait3A_274, %dma_wait3A_275] : memref<26x20x4096xi32, #tpu.memory_space<hbm>> -> memref<1x20x512xi32, #tpu.memory_space<hbm>>
      %dma_wait3A_277 = tpu.memref_squeeze %dma_wait3A_276 : memref<1x20x512xi32, #tpu.memory_space<hbm>> -> memref<20x512xi32, #tpu.memory_space<hbm>>
      tpu.wait_dma2 semaphore(%arg9 : memref<!tpu.dma_semaphore, #tpu.memory_space<semaphore_mem>>) src(%dma_wait3A_277 : memref<20x512xi32, #tpu.memory_space<hbm>>) dst(%dma_wait3A_273 : memref<20x512xi32, #tpu.memory_space<vmem>>)
      %parallel_loop3A_278 = arith.constant 0 : i32
      %parallel_loop3A_279 = arith.constant 32 : i32
      %parallel_loop3A_280 = arith.constant 1 : i32
      scf.for %parallel_loop3A_348 = %parallel_loop3A_278 to %parallel_loop3A_279 step %parallel_loop3A_280  : i32 {
        %parallel_loop3A_349 = arith.constant 16 : i32
        %parallel_loop3A_350 = arith.muli %parallel_loop3A_348, %parallel_loop3A_349 : i32
        %parallel_loop3A_351 = arith.constant 1 : i32
        %parallel_loop3A_352 = arith.constant 0 : i32
        %parallel_loop3A_353 = arith.index_cast %parallel_loop3A_351 : i32 to index
        %parallel_loop3A_354 = arith.index_cast %parallel_loop3A_352 : i32 to index
        %parallel_loop3A_355 = arith.index_cast %parallel_loop3A_350 : i32 to index
        %parallel_loop3A_356 = tpu.vector_load %arg5[%parallel_loop3A_353, %parallel_loop3A_354, %parallel_loop3A_355] {strides = array<i32>} : memref<2x20x512xi32, #tpu.memory_space<vmem>>, vector<16xi32>,
        %parallel_loop3A_357 = tpu.vector_load_idx %arg6[%parallel_loop3A_356] : memref<100000xf32, #tpu.memory_space<vmem>>[vector<16xi32>], vector<16xf32>,
        %parallel_loop3A_358 = arith.constant 1 : i32
        %parallel_loop3A_359 = arith.constant 1 : i32
        %parallel_loop3A_360 = arith.index_cast %parallel_loop3A_358 : i32 to index
        %parallel_loop3A_361 = arith.index_cast %parallel_loop3A_359 : i32 to index
        %parallel_loop3A_362 = arith.index_cast %parallel_loop3A_350 : i32 to index
        %parallel_loop3A_363 = tpu.vector_load %arg5[%parallel_loop3A_360, %parallel_loop3A_361, %parallel_loop3A_362] {strides = array<i32>} : memref<2x20x512xi32, #tpu.memory_space<vmem>>, vector<16xi32>,
        %parallel_loop3A_364 = tpu.vector_load_idx %arg6[%parallel_loop3A_363] : memref<100000xf32, #tpu.memory_space<vmem>>[vector<16xi32>], vector<16xf32>,
        %parallel_loop3A_365 = arith.constant 1 : i32
        %parallel_loop3A_366 = arith.constant 2 : i32
        %parallel_loop3A_367 = arith.index_cast %parallel_loop3A_365 : i32 to index
        %parallel_loop3A_368 = arith.index_cast %parallel_loop3A_366 : i32 to index
        %parallel_loop3A_369 = arith.index_cast %parallel_loop3A_350 : i32 to index
        %parallel_loop3A_370 = tpu.vector_load %arg5[%parallel_loop3A_367, %parallel_loop3A_368, %parallel_loop3A_369] {strides = array<i32>} : memref<2x20x512xi32, #tpu.memory_space<vmem>>, vector<16xi32>,
        %parallel_loop3A_371 = tpu.vector_load_idx %arg6[%parallel_loop3A_370] : memref<100000xf32, #tpu.memory_space<vmem>>[vector<16xi32>], vector<16xf32>,
        %parallel_loop3A_372 = arith.constant 1 : i32
        %parallel_loop3A_373 = arith.constant 3 : i32
        %parallel_loop3A_374 = arith.index_cast %parallel_loop3A_372 : i32 to index
        %parallel_loop3A_375 = arith.index_cast %parallel_loop3A_373 : i32 to index
        %parallel_loop3A_376 = arith.index_cast %parallel_loop3A_350 : i32 to index
        %parallel_loop3A_377 = tpu.vector_load %arg5[%parallel_loop3A_374, %parallel_loop3A_375, %parallel_loop3A_376] {strides = array<i32>} : memref<2x20x512xi32, #tpu.memory_space<vmem>>, vector<16xi32>,
        %parallel_loop3A_378 = tpu.vector_load_idx %arg6[%parallel_loop3A_377] : memref<100000xf32, #tpu.memory_space<vmem>>[vector<16xi32>], vector<16xf32>,
        %parallel_loop3A_379 = arith.constant 1 : i32
        %parallel_loop3A_380 = arith.constant 4 : i32
        %parallel_loop3A_381 = arith.index_cast %parallel_loop3A_379 : i32 to index
        %parallel_loop3A_382 = arith.index_cast %parallel_loop3A_380 : i32 to index
        %parallel_loop3A_383 = arith.index_cast %parallel_loop3A_350 : i32 to index
        %parallel_loop3A_384 = tpu.vector_load %arg5[%parallel_loop3A_381, %parallel_loop3A_382, %parallel_loop3A_383] {strides = array<i32>} : memref<2x20x512xi32, #tpu.memory_space<vmem>>, vector<16xi32>,
        %parallel_loop3A_385 = tpu.vector_load_idx %arg6[%parallel_loop3A_384] : memref<100000xf32, #tpu.memory_space<vmem>>[vector<16xi32>], vector<16xf32>,
        %parallel_loop3A_386 = arith.addf %parallel_loop3A_357, %parallel_loop3A_385 : vector<16xf32>
        %parallel_loop3A_387 = arith.constant 1 : i32
        %parallel_loop3A_388 = arith.constant 5 : i32
        %parallel_loop3A_389 = arith.index_cast %parallel_loop3A_387 : i32 to index
        %parallel_loop3A_390 = arith.index_cast %parallel_loop3A_388 : i32 to index
        %parallel_loop3A_391 = arith.index_cast %parallel_loop3A_350 : i32 to index
        %parallel_loop3A_392 = tpu.vector_load %arg5[%parallel_loop3A_389, %parallel_loop3A_390, %parallel_loop3A_391] {strides = array<i32>} : memref<2x20x512xi32, #tpu.memory_space<vmem>>, vector<16xi32>,
        %parallel_loop3A_393 = tpu.vector_load_idx %arg6[%parallel_loop3A_392] : memref<100000xf32, #tpu.memory_space<vmem>>[vector<16xi32>], vector<16xf32>,
        %parallel_loop3A_394 = arith.addf %parallel_loop3A_364, %parallel_loop3A_393 : vector<16xf32>
        %parallel_loop3A_395 = arith.constant 1 : i32
        %parallel_loop3A_396 = arith.constant 6 : i32
        %parallel_loop3A_397 = arith.index_cast %parallel_loop3A_395 : i32 to index
        %parallel_loop3A_398 = arith.index_cast %parallel_loop3A_396 : i32 to index
        %parallel_loop3A_399 = arith.index_cast %parallel_loop3A_350 : i32 to index
        %parallel_loop3A_400 = tpu.vector_load %arg5[%parallel_loop3A_397, %parallel_loop3A_398, %parallel_loop3A_399] {strides = array<i32>} : memref<2x20x512xi32, #tpu.memory_space<vmem>>, vector<16xi32>,
        %parallel_loop3A_401 = tpu.vector_load_idx %arg6[%parallel_loop3A_400] : memref<100000xf32, #tpu.memory_space<vmem>>[vector<16xi32>], vector<16xf32>,
        %parallel_loop3A_402 = arith.addf %parallel_loop3A_371, %parallel_loop3A_401 : vector<16xf32>
        %parallel_loop3A_403 = arith.constant 1 : i32
        %parallel_loop3A_404 = arith.constant 7 : i32
        %parallel_loop3A_405 = arith.index_cast %parallel_loop3A_403 : i32 to index
        %parallel_loop3A_406 = arith.index_cast %parallel_loop3A_404 : i32 to index
        %parallel_loop3A_407 = arith.index_cast %parallel_loop3A_350 : i32 to index
        %parallel_loop3A_408 = tpu.vector_load %arg5[%parallel_loop3A_405, %parallel_loop3A_406, %parallel_loop3A_407] {strides = array<i32>} : memref<2x20x512xi32, #tpu.memory_space<vmem>>, vector<16xi32>,
        %parallel_loop3A_409 = tpu.vector_load_idx %arg6[%parallel_loop3A_408] : memref<100000xf32, #tpu.memory_space<vmem>>[vector<16xi32>], vector<16xf32>,
        %parallel_loop3A_410 = arith.addf %parallel_loop3A_378, %parallel_loop3A_409 : vector<16xf32>
        %parallel_loop3A_411 = arith.constant 1 : i32
        %parallel_loop3A_412 = arith.constant 8 : i32
        %parallel_loop3A_413 = arith.index_cast %parallel_loop3A_411 : i32 to index
        %parallel_loop3A_414 = arith.index_cast %parallel_loop3A_412 : i32 to index
        %parallel_loop3A_415 = arith.index_cast %parallel_loop3A_350 : i32 to index
        %parallel_loop3A_416 = tpu.vector_load %arg5[%parallel_loop3A_413, %parallel_loop3A_414, %parallel_loop3A_415] {strides = array<i32>} : memref<2x20x512xi32, #tpu.memory_space<vmem>>, vector<16xi32>,
        %parallel_loop3A_417 = tpu.vector_load_idx %arg6[%parallel_loop3A_416] : memref<100000xf32, #tpu.memory_space<vmem>>[vector<16xi32>], vector<16xf32>,
        %parallel_loop3A_418 = arith.addf %parallel_loop3A_386, %parallel_loop3A_417 : vector<16xf32>
        %parallel_loop3A_419 = arith.constant 1 : i32
        %parallel_loop3A_420 = arith.constant 9 : i32
        %parallel_loop3A_421 = arith.index_cast %parallel_loop3A_419 : i32 to index
        %parallel_loop3A_422 = arith.index_cast %parallel_loop3A_420 : i32 to index
        %parallel_loop3A_423 = arith.index_cast %parallel_loop3A_350 : i32 to index
        %parallel_loop3A_424 = tpu.vector_load %arg5[%parallel_loop3A_421, %parallel_loop3A_422, %parallel_loop3A_423] {strides = array<i32>} : memref<2x20x512xi32, #tpu.memory_space<vmem>>, vector<16xi32>,
        %parallel_loop3A_425 = tpu.vector_load_idx %arg6[%parallel_loop3A_424] : memref<100000xf32, #tpu.memory_space<vmem>>[vector<16xi32>], vector<16xf32>,
        %parallel_loop3A_426 = arith.addf %parallel_loop3A_394, %parallel_loop3A_425 : vector<16xf32>
        %parallel_loop3A_427 = arith.constant 1 : i32
        %parallel_loop3A_428 = arith.constant 10 : i32
        %parallel_loop3A_429 = arith.index_cast %parallel_loop3A_427 : i32 to index
        %parallel_loop3A_430 = arith.index_cast %parallel_loop3A_428 : i32 to index
        %parallel_loop3A_431 = arith.index_cast %parallel_loop3A_350 : i32 to index
        %parallel_loop3A_432 = tpu.vector_load %arg5[%parallel_loop3A_429, %parallel_loop3A_430, %parallel_loop3A_431] {strides = array<i32>} : memref<2x20x512xi32, #tpu.memory_space<vmem>>, vector<16xi32>,
        %parallel_loop3A_433 = tpu.vector_load_idx %arg6[%parallel_loop3A_432] : memref<100000xf32, #tpu.memory_space<vmem>>[vector<16xi32>], vector<16xf32>,
        %parallel_loop3A_434 = arith.addf %parallel_loop3A_402, %parallel_loop3A_433 : vector<16xf32>
        %parallel_loop3A_435 = arith.constant 1 : i32
        %parallel_loop3A_436 = arith.constant 11 : i32
        %parallel_loop3A_437 = arith.index_cast %parallel_loop3A_435 : i32 to index
        %parallel_loop3A_438 = arith.index_cast %parallel_loop3A_436 : i32 to index
        %parallel_loop3A_439 = arith.index_cast %parallel_loop3A_350 : i32 to index
        %parallel_loop3A_440 = tpu.vector_load %arg5[%parallel_loop3A_437, %parallel_loop3A_438, %parallel_loop3A_439] {strides = array<i32>} : memref<2x20x512xi32, #tpu.memory_space<vmem>>, vector<16xi32>,
        %parallel_loop3A_441 = tpu.vector_load_idx %arg6[%parallel_loop3A_440] : memref<100000xf32, #tpu.memory_space<vmem>>[vector<16xi32>], vector<16xf32>,
        %parallel_loop3A_442 = arith.addf %parallel_loop3A_410, %parallel_loop3A_441 : vector<16xf32>
        %parallel_loop3A_443 = arith.constant 1 : i32
        %parallel_loop3A_444 = arith.constant 12 : i32
        %parallel_loop3A_445 = arith.index_cast %parallel_loop3A_443 : i32 to index
        %parallel_loop3A_446 = arith.index_cast %parallel_loop3A_444 : i32 to index
        %parallel_loop3A_447 = arith.index_cast %parallel_loop3A_350 : i32 to index
        %parallel_loop3A_448 = tpu.vector_load %arg5[%parallel_loop3A_445, %parallel_loop3A_446, %parallel_loop3A_447] {strides = array<i32>} : memref<2x20x512xi32, #tpu.memory_space<vmem>>, vector<16xi32>,
        %parallel_loop3A_449 = tpu.vector_load_idx %arg6[%parallel_loop3A_448] : memref<100000xf32, #tpu.memory_space<vmem>>[vector<16xi32>], vector<16xf32>,
        %parallel_loop3A_450 = arith.addf %parallel_loop3A_418, %parallel_loop3A_449 : vector<16xf32>
        %parallel_loop3A_451 = arith.constant 1 : i32
        %parallel_loop3A_452 = arith.constant 13 : i32
        %parallel_loop3A_453 = arith.index_cast %parallel_loop3A_451 : i32 to index
        %parallel_loop3A_454 = arith.index_cast %parallel_loop3A_452 : i32 to index
        %parallel_loop3A_455 = arith.index_cast %parallel_loop3A_350 : i32 to index
        %parallel_loop3A_456 = tpu.vector_load %arg5[%parallel_loop3A_453, %parallel_loop3A_454, %parallel_loop3A_455] {strides = array<i32>} : memref<2x20x512xi32, #tpu.memory_space<vmem>>, vector<16xi32>,
        %parallel_loop3A_457 = tpu.vector_load_idx %arg6[%parallel_loop3A_456] : memref<100000xf32, #tpu.memory_space<vmem>>[vector<16xi32>], vector<16xf32>,
        %parallel_loop3A_458 = arith.addf %parallel_loop3A_426, %parallel_loop3A_457 : vector<16xf32>
        %parallel_loop3A_459 = arith.constant 1 : i32
        %parallel_loop3A_460 = arith.constant 14 : i32
        %parallel_loop3A_461 = arith.index_cast %parallel_loop3A_459 : i32 to index
        %parallel_loop3A_462 = arith.index_cast %parallel_loop3A_460 : i32 to index
        %parallel_loop3A_463 = arith.index_cast %parallel_loop3A_350 : i32 to index
        %parallel_loop3A_464 = tpu.vector_load %arg5[%parallel_loop3A_461, %parallel_loop3A_462, %parallel_loop3A_463] {strides = array<i32>} : memref<2x20x512xi32, #tpu.memory_space<vmem>>, vector<16xi32>,
        %parallel_loop3A_465 = tpu.vector_load_idx %arg6[%parallel_loop3A_464] : memref<100000xf32, #tpu.memory_space<vmem>>[vector<16xi32>], vector<16xf32>,
        %parallel_loop3A_466 = arith.addf %parallel_loop3A_434, %parallel_loop3A_465 : vector<16xf32>
        %parallel_loop3A_467 = arith.constant 1 : i32
        %parallel_loop3A_468 = arith.constant 15 : i32
        %parallel_loop3A_469 = arith.index_cast %parallel_loop3A_467 : i32 to index
        %parallel_loop3A_470 = arith.index_cast %parallel_loop3A_468 : i32 to index
        %parallel_loop3A_471 = arith.index_cast %parallel_loop3A_350 : i32 to index
        %parallel_loop3A_472 = tpu.vector_load %arg5[%parallel_loop3A_469, %parallel_loop3A_470, %parallel_loop3A_471] {strides = array<i32>} : memref<2x20x512xi32, #tpu.memory_space<vmem>>, vector<16xi32>,
        %parallel_loop3A_473 = tpu.vector_load_idx %arg6[%parallel_loop3A_472] : memref<100000xf32, #tpu.memory_space<vmem>>[vector<16xi32>], vector<16xf32>,
        %parallel_loop3A_474 = arith.addf %parallel_loop3A_442, %parallel_loop3A_473 : vector<16xf32>
        %parallel_loop3A_475 = arith.constant 1 : i32
        %parallel_loop3A_476 = arith.constant 16 : i32
        %parallel_loop3A_477 = arith.index_cast %parallel_loop3A_475 : i32 to index
        %parallel_loop3A_478 = arith.index_cast %parallel_loop3A_476 : i32 to index
        %parallel_loop3A_479 = arith.index_cast %parallel_loop3A_350 : i32 to index
        %parallel_loop3A_480 = tpu.vector_load %arg5[%parallel_loop3A_477, %parallel_loop3A_478, %parallel_loop3A_479] {strides = array<i32>} : memref<2x20x512xi32, #tpu.memory_space<vmem>>, vector<16xi32>,
        %parallel_loop3A_481 = tpu.vector_load_idx %arg6[%parallel_loop3A_480] : memref<100000xf32, #tpu.memory_space<vmem>>[vector<16xi32>], vector<16xf32>,
        %parallel_loop3A_482 = arith.addf %parallel_loop3A_450, %parallel_loop3A_481 : vector<16xf32>
        %parallel_loop3A_483 = arith.constant 1 : i32
        %parallel_loop3A_484 = arith.constant 17 : i32
        %parallel_loop3A_485 = arith.index_cast %parallel_loop3A_483 : i32 to index
        %parallel_loop3A_486 = arith.index_cast %parallel_loop3A_484 : i32 to index
        %parallel_loop3A_487 = arith.index_cast %parallel_loop3A_350 : i32 to index
        %parallel_loop3A_488 = tpu.vector_load %arg5[%parallel_loop3A_485, %parallel_loop3A_486, %parallel_loop3A_487] {strides = array<i32>} : memref<2x20x512xi32, #tpu.memory_space<vmem>>, vector<16xi32>,
        %parallel_loop3A_489 = tpu.vector_load_idx %arg6[%parallel_loop3A_488] : memref<100000xf32, #tpu.memory_space<vmem>>[vector<16xi32>], vector<16xf32>,
        %parallel_loop3A_490 = arith.addf %parallel_loop3A_458, %parallel_loop3A_489 : vector<16xf32>
        %parallel_loop3A_491 = arith.constant 1 : i32
        %parallel_loop3A_492 = arith.constant 18 : i32
        %parallel_loop3A_493 = arith.index_cast %parallel_loop3A_491 : i32 to index
        %parallel_loop3A_494 = arith.index_cast %parallel_loop3A_492 : i32 to index
        %parallel_loop3A_495 = arith.index_cast %parallel_loop3A_350 : i32 to index
        %parallel_loop3A_496 = tpu.vector_load %arg5[%parallel_loop3A_493, %parallel_loop3A_494, %parallel_loop3A_495] {strides = array<i32>} : memref<2x20x512xi32, #tpu.memory_space<vmem>>, vector<16xi32>,
        %parallel_loop3A_497 = tpu.vector_load_idx %arg6[%parallel_loop3A_496] : memref<100000xf32, #tpu.memory_space<vmem>>[vector<16xi32>], vector<16xf32>,
        %parallel_loop3A_498 = arith.addf %parallel_loop3A_466, %parallel_loop3A_497 : vector<16xf32>
        %parallel_loop3A_499 = arith.constant 1 : i32
        %parallel_loop3A_500 = arith.constant 19 : i32
        %parallel_loop3A_501 = arith.index_cast %parallel_loop3A_499 : i32 to index
        %parallel_loop3A_502 = arith.index_cast %parallel_loop3A_500 : i32 to index
        %parallel_loop3A_503 = arith.index_cast %parallel_loop3A_350 : i32 to index
        %parallel_loop3A_504 = tpu.vector_load %arg5[%parallel_loop3A_501, %parallel_loop3A_502, %parallel_loop3A_503] {strides = array<i32>} : memref<2x20x512xi32, #tpu.memory_space<vmem>>, vector<16xi32>,
        %parallel_loop3A_505 = tpu.vector_load_idx %arg6[%parallel_loop3A_504] : memref<100000xf32, #tpu.memory_space<vmem>>[vector<16xi32>], vector<16xf32>,
        %parallel_loop3A_506 = arith.addf %parallel_loop3A_474, %parallel_loop3A_505 : vector<16xf32>
        %parallel_loop3A_507 = arith.addf %parallel_loop3A_482, %parallel_loop3A_490 : vector<16xf32>
        %parallel_loop3A_508 = arith.addf %parallel_loop3A_498, %parallel_loop3A_506 : vector<16xf32>
        %parallel_loop3A_509 = arith.addf %parallel_loop3A_507, %parallel_loop3A_508 : vector<16xf32>
        %parallel_loop3A_510 = arith.constant 16 : i32
        %parallel_loop3A_511 = arith.muli %parallel_loop3A_348, %parallel_loop3A_510 : i32
        %parallel_loop3A_512 = arith.constant 2560 : i32
        %parallel_loop3A_513 = arith.addi %parallel_loop3A_512, %parallel_loop3A_511 : i32
        %parallel_loop3A_514 = arith.index_cast %parallel_loop3A_513 : i32 to index
        %parallel_loop3A_515 = tpu.vector_load %arg7[%parallel_loop3A_514] {strides = array<i32>} : memref<4096xf32, #tpu.memory_space<vmem>>, vector<16xf32>,
        tpu.vector_store %arg7[%parallel_loop3A_514], %parallel_loop3A_509 {strides = array<i32>} : memref<4096xf32, #tpu.memory_space<vmem>>, vector<16xf32>,
      } {sc.loop_unroll_factor = 3 : i64, sc.parallel_access}
      %dma_start3A_281 = arith.constant 1 : i32
      %dma_start3A_282 = arith.constant 0 : i32
      %dma_start3A_283 = arith.constant 0 : i32
      %dma_start3A_284 = tpu.memref_slice %arg5[%dma_start3A_281, %dma_start3A_282, %dma_start3A_283] : memref<2x20x512xi32, #tpu.memory_space<vmem>> -> memref<1x20x512xi32, #tpu.memory_space<vmem>>
      %dma_start3A_285 = tpu.memref_squeeze %dma_start3A_284 : memref<1x20x512xi32, #tpu.memory_space<vmem>> -> memref<20x512xi32, #tpu.memory_space<vmem>>
      %dma_start3A_286 = arith.constant 0 : i32
      %dma_start3A_287 = arith.constant 3584 : i32
      %dma_start3A_288 = tpu.memref_slice %arg2[%rem3A_52, %dma_start3A_286, %dma_start3A_287] : memref<26x20x4096xi32, #tpu.memory_space<hbm>> -> memref<1x20x512xi32, #tpu.memory_space<hbm>>
      %dma_start3A_289 = tpu.memref_squeeze %dma_start3A_288 : memref<1x20x512xi32, #tpu.memory_space<hbm>> -> memref<20x512xi32, #tpu.memory_space<hbm>>
      %dma_start3A_290 = arith.constant 0 : i32
      %dma_start3A_291 = arith.constant 0 : i32
      %dma_start3A_292 = tpu.memref_slice %arg5[%dma_start3A_281, %dma_start3A_290, %dma_start3A_291] : memref<2x20x512xi32, #tpu.memory_space<vmem>> -> memref<1x20x512xi32, #tpu.memory_space<vmem>>
      %dma_start3A_293 = tpu.memref_squeeze %dma_start3A_292 : memref<1x20x512xi32, #tpu.memory_space<vmem>> -> memref<20x512xi32, #tpu.memory_space<vmem>>
      %dma_start3A_294 = arith.constant 0 : i32
      %dma_start3A_295 = arith.constant 3584 : i32
      %dma_start3A_296 = tpu.memref_slice %arg2[%rem3A_52, %dma_start3A_294, %dma_start3A_295] : memref<26x20x4096xi32, #tpu.memory_space<hbm>> -> memref<1x20x512xi32, #tpu.memory_space<hbm>>
      %dma_start3A_297 = tpu.memref_squeeze %dma_start3A_296 : memref<1x20x512xi32, #tpu.memory_space<hbm>> -> memref<20x512xi32, #tpu.memory_space<hbm>>
      tpu.enqueue_dma source(%dma_start3A_297 : memref<20x512xi32, #tpu.memory_space<hbm>>) target(%dma_start3A_293 : memref<20x512xi32, #tpu.memory_space<vmem>>) target_semaphore(%arg9 : memref<!tpu.dma_semaphore, #tpu.memory_space<semaphore_mem>>)
      %dma_wait3A_298 = arith.constant 0 : i32
      %dma_wait3A_299 = arith.constant 0 : i32
      %dma_wait3A_300 = arith.constant 0 : i32
      %dma_wait3A_301 = tpu.memref_slice %arg5[%dma_wait3A_298, %dma_wait3A_299, %dma_wait3A_300] : memref<2x20x512xi32, #tpu.memory_space<vmem>> -> memref<1x20x512xi32, #tpu.memory_space<vmem>>
      %dma_wait3A_302 = tpu.memref_squeeze %dma_wait3A_301 : memref<1x20x512xi32, #tpu.memory_space<vmem>> -> memref<20x512xi32, #tpu.memory_space<vmem>>
      %dma_wait3A_303 = arith.constant 0 : i32
      %dma_wait3A_304 = arith.constant 3072 : i32
      %dma_wait3A_305 = tpu.memref_slice %arg2[%rem3A_52, %dma_wait3A_303, %dma_wait3A_304] : memref<26x20x4096xi32, #tpu.memory_space<hbm>> -> memref<1x20x512xi32, #tpu.memory_space<hbm>>
      %dma_wait3A_306 = tpu.memref_squeeze %dma_wait3A_305 : memref<1x20x512xi32, #tpu.memory_space<hbm>> -> memref<20x512xi32, #tpu.memory_space<hbm>>
      %dma_wait3A_307 = arith.constant 0 : i32
      %dma_wait3A_308 = arith.constant 0 : i32
      %dma_wait3A_309 = tpu.memref_slice %arg5[%dma_wait3A_298, %dma_wait3A_307, %dma_wait3A_308] : memref<2x20x512xi32, #tpu.memory_space<vmem>> -> memref<1x20x512xi32, #tpu.memory_space<vmem>>
      %dma_wait3A_310 = tpu.memref_squeeze %dma_wait3A_309 : memref<1x20x512xi32, #tpu.memory_space<vmem>> -> memref<20x512xi32, #tpu.memory_space<vmem>>
      %dma_wait3A_311 = arith.constant 0 : i32
      %dma_wait3A_312 = arith.constant 3072 : i32
      %dma_wait3A_313 = tpu.memref_slice %arg2[%rem3A_52, %dma_wait3A_311, %dma_wait3A_312] : memref<26x20x4096xi32, #tpu.memory_space<hbm>> -> memref<1x20x512xi32, #tpu.memory_space<hbm>>
      %dma_wait3A_314 = tpu.memref_squeeze %dma_wait3A_313 : memref<1x20x512xi32, #tpu.memory_space<hbm>> -> memref<20x512xi32, #tpu.memory_space<hbm>>
      tpu.wait_dma2 semaphore(%arg8 : memref<!tpu.dma_semaphore, #tpu.memory_space<semaphore_mem>>) src(%dma_wait3A_314 : memref<20x512xi32, #tpu.memory_space<hbm>>) dst(%dma_wait3A_310 : memref<20x512xi32, #tpu.memory_space<vmem>>)
      %parallel_loop3A_315 = arith.constant 0 : i32
      %parallel_loop3A_316 = arith.constant 32 : i32
      %parallel_loop3A_317 = arith.constant 1 : i32
      scf.for %parallel_loop3A_348 = %parallel_loop3A_315 to %parallel_loop3A_316 step %parallel_loop3A_317  : i32 {
        %parallel_loop3A_349 = arith.constant 16 : i32
        %parallel_loop3A_350 = arith.muli %parallel_loop3A_348, %parallel_loop3A_349 : i32
        %parallel_loop3A_351 = arith.constant 0 : i32
        %parallel_loop3A_352 = arith.constant 0 : i32
        %parallel_loop3A_353 = arith.index_cast %parallel_loop3A_351 : i32 to index
        %parallel_loop3A_354 = arith.index_cast %parallel_loop3A_352 : i32 to index
        %parallel_loop3A_355 = arith.index_cast %parallel_loop3A_350 : i32 to index
        %parallel_loop3A_356 = tpu.vector_load %arg5[%parallel_loop3A_353, %parallel_loop3A_354, %parallel_loop3A_355] {strides = array<i32>} : memref<2x20x512xi32, #tpu.memory_space<vmem>>, vector<16xi32>,
        %parallel_loop3A_357 = tpu.vector_load_idx %arg6[%parallel_loop3A_356] : memref<100000xf32, #tpu.memory_space<vmem>>[vector<16xi32>], vector<16xf32>,
        %parallel_loop3A_358 = arith.constant 0 : i32
        %parallel_loop3A_359 = arith.constant 1 : i32
        %parallel_loop3A_360 = arith.index_cast %parallel_loop3A_358 : i32 to index
        %parallel_loop3A_361 = arith.index_cast %parallel_loop3A_359 : i32 to index
        %parallel_loop3A_362 = arith.index_cast %parallel_loop3A_350 : i32 to index
        %parallel_loop3A_363 = tpu.vector_load %arg5[%parallel_loop3A_360, %parallel_loop3A_361, %parallel_loop3A_362] {strides = array<i32>} : memref<2x20x512xi32, #tpu.memory_space<vmem>>, vector<16xi32>,
        %parallel_loop3A_364 = tpu.vector_load_idx %arg6[%parallel_loop3A_363] : memref<100000xf32, #tpu.memory_space<vmem>>[vector<16xi32>], vector<16xf32>,
        %parallel_loop3A_365 = arith.constant 0 : i32
        %parallel_loop3A_366 = arith.constant 2 : i32
        %parallel_loop3A_367 = arith.index_cast %parallel_loop3A_365 : i32 to index
        %parallel_loop3A_368 = arith.index_cast %parallel_loop3A_366 : i32 to index
        %parallel_loop3A_369 = arith.index_cast %parallel_loop3A_350 : i32 to index
        %parallel_loop3A_370 = tpu.vector_load %arg5[%parallel_loop3A_367, %parallel_loop3A_368, %parallel_loop3A_369] {strides = array<i32>} : memref<2x20x512xi32, #tpu.memory_space<vmem>>, vector<16xi32>,
        %parallel_loop3A_371 = tpu.vector_load_idx %arg6[%parallel_loop3A_370] : memref<100000xf32, #tpu.memory_space<vmem>>[vector<16xi32>], vector<16xf32>,
        %parallel_loop3A_372 = arith.constant 0 : i32
        %parallel_loop3A_373 = arith.constant 3 : i32
        %parallel_loop3A_374 = arith.index_cast %parallel_loop3A_372 : i32 to index
        %parallel_loop3A_375 = arith.index_cast %parallel_loop3A_373 : i32 to index
        %parallel_loop3A_376 = arith.index_cast %parallel_loop3A_350 : i32 to index
        %parallel_loop3A_377 = tpu.vector_load %arg5[%parallel_loop3A_374, %parallel_loop3A_375, %parallel_loop3A_376] {strides = array<i32>} : memref<2x20x512xi32, #tpu.memory_space<vmem>>, vector<16xi32>,
        %parallel_loop3A_378 = tpu.vector_load_idx %arg6[%parallel_loop3A_377] : memref<100000xf32, #tpu.memory_space<vmem>>[vector<16xi32>], vector<16xf32>,
        %parallel_loop3A_379 = arith.constant 0 : i32
        %parallel_loop3A_380 = arith.constant 4 : i32
        %parallel_loop3A_381 = arith.index_cast %parallel_loop3A_379 : i32 to index
        %parallel_loop3A_382 = arith.index_cast %parallel_loop3A_380 : i32 to index
        %parallel_loop3A_383 = arith.index_cast %parallel_loop3A_350 : i32 to index
        %parallel_loop3A_384 = tpu.vector_load %arg5[%parallel_loop3A_381, %parallel_loop3A_382, %parallel_loop3A_383] {strides = array<i32>} : memref<2x20x512xi32, #tpu.memory_space<vmem>>, vector<16xi32>,
        %parallel_loop3A_385 = tpu.vector_load_idx %arg6[%parallel_loop3A_384] : memref<100000xf32, #tpu.memory_space<vmem>>[vector<16xi32>], vector<16xf32>,
        %parallel_loop3A_386 = arith.addf %parallel_loop3A_357, %parallel_loop3A_385 : vector<16xf32>
        %parallel_loop3A_387 = arith.constant 0 : i32
        %parallel_loop3A_388 = arith.constant 5 : i32
        %parallel_loop3A_389 = arith.index_cast %parallel_loop3A_387 : i32 to index
        %parallel_loop3A_390 = arith.index_cast %parallel_loop3A_388 : i32 to index
        %parallel_loop3A_391 = arith.index_cast %parallel_loop3A_350 : i32 to index
        %parallel_loop3A_392 = tpu.vector_load %arg5[%parallel_loop3A_389, %parallel_loop3A_390, %parallel_loop3A_391] {strides = array<i32>} : memref<2x20x512xi32, #tpu.memory_space<vmem>>, vector<16xi32>,
        %parallel_loop3A_393 = tpu.vector_load_idx %arg6[%parallel_loop3A_392] : memref<100000xf32, #tpu.memory_space<vmem>>[vector<16xi32>], vector<16xf32>,
        %parallel_loop3A_394 = arith.addf %parallel_loop3A_364, %parallel_loop3A_393 : vector<16xf32>
        %parallel_loop3A_395 = arith.constant 0 : i32
        %parallel_loop3A_396 = arith.constant 6 : i32
        %parallel_loop3A_397 = arith.index_cast %parallel_loop3A_395 : i32 to index
        %parallel_loop3A_398 = arith.index_cast %parallel_loop3A_396 : i32 to index
        %parallel_loop3A_399 = arith.index_cast %parallel_loop3A_350 : i32 to index
        %parallel_loop3A_400 = tpu.vector_load %arg5[%parallel_loop3A_397, %parallel_loop3A_398, %parallel_loop3A_399] {strides = array<i32>} : memref<2x20x512xi32, #tpu.memory_space<vmem>>, vector<16xi32>,
        %parallel_loop3A_401 = tpu.vector_load_idx %arg6[%parallel_loop3A_400] : memref<100000xf32, #tpu.memory_space<vmem>>[vector<16xi32>], vector<16xf32>,
        %parallel_loop3A_402 = arith.addf %parallel_loop3A_371, %parallel_loop3A_401 : vector<16xf32>
        %parallel_loop3A_403 = arith.constant 0 : i32
        %parallel_loop3A_404 = arith.constant 7 : i32
        %parallel_loop3A_405 = arith.index_cast %parallel_loop3A_403 : i32 to index
        %parallel_loop3A_406 = arith.index_cast %parallel_loop3A_404 : i32 to index
        %parallel_loop3A_407 = arith.index_cast %parallel_loop3A_350 : i32 to index
        %parallel_loop3A_408 = tpu.vector_load %arg5[%parallel_loop3A_405, %parallel_loop3A_406, %parallel_loop3A_407] {strides = array<i32>} : memref<2x20x512xi32, #tpu.memory_space<vmem>>, vector<16xi32>,
        %parallel_loop3A_409 = tpu.vector_load_idx %arg6[%parallel_loop3A_408] : memref<100000xf32, #tpu.memory_space<vmem>>[vector<16xi32>], vector<16xf32>,
        %parallel_loop3A_410 = arith.addf %parallel_loop3A_378, %parallel_loop3A_409 : vector<16xf32>
        %parallel_loop3A_411 = arith.constant 0 : i32
        %parallel_loop3A_412 = arith.constant 8 : i32
        %parallel_loop3A_413 = arith.index_cast %parallel_loop3A_411 : i32 to index
        %parallel_loop3A_414 = arith.index_cast %parallel_loop3A_412 : i32 to index
        %parallel_loop3A_415 = arith.index_cast %parallel_loop3A_350 : i32 to index
        %parallel_loop3A_416 = tpu.vector_load %arg5[%parallel_loop3A_413, %parallel_loop3A_414, %parallel_loop3A_415] {strides = array<i32>} : memref<2x20x512xi32, #tpu.memory_space<vmem>>, vector<16xi32>,
        %parallel_loop3A_417 = tpu.vector_load_idx %arg6[%parallel_loop3A_416] : memref<100000xf32, #tpu.memory_space<vmem>>[vector<16xi32>], vector<16xf32>,
        %parallel_loop3A_418 = arith.addf %parallel_loop3A_386, %parallel_loop3A_417 : vector<16xf32>
        %parallel_loop3A_419 = arith.constant 0 : i32
        %parallel_loop3A_420 = arith.constant 9 : i32
        %parallel_loop3A_421 = arith.index_cast %parallel_loop3A_419 : i32 to index
        %parallel_loop3A_422 = arith.index_cast %parallel_loop3A_420 : i32 to index
        %parallel_loop3A_423 = arith.index_cast %parallel_loop3A_350 : i32 to index
        %parallel_loop3A_424 = tpu.vector_load %arg5[%parallel_loop3A_421, %parallel_loop3A_422, %parallel_loop3A_423] {strides = array<i32>} : memref<2x20x512xi32, #tpu.memory_space<vmem>>, vector<16xi32>,
        %parallel_loop3A_425 = tpu.vector_load_idx %arg6[%parallel_loop3A_424] : memref<100000xf32, #tpu.memory_space<vmem>>[vector<16xi32>], vector<16xf32>,
        %parallel_loop3A_426 = arith.addf %parallel_loop3A_394, %parallel_loop3A_425 : vector<16xf32>
        %parallel_loop3A_427 = arith.constant 0 : i32
        %parallel_loop3A_428 = arith.constant 10 : i32
        %parallel_loop3A_429 = arith.index_cast %parallel_loop3A_427 : i32 to index
        %parallel_loop3A_430 = arith.index_cast %parallel_loop3A_428 : i32 to index
        %parallel_loop3A_431 = arith.index_cast %parallel_loop3A_350 : i32 to index
        %parallel_loop3A_432 = tpu.vector_load %arg5[%parallel_loop3A_429, %parallel_loop3A_430, %parallel_loop3A_431] {strides = array<i32>} : memref<2x20x512xi32, #tpu.memory_space<vmem>>, vector<16xi32>,
        %parallel_loop3A_433 = tpu.vector_load_idx %arg6[%parallel_loop3A_432] : memref<100000xf32, #tpu.memory_space<vmem>>[vector<16xi32>], vector<16xf32>,
        %parallel_loop3A_434 = arith.addf %parallel_loop3A_402, %parallel_loop3A_433 : vector<16xf32>
        %parallel_loop3A_435 = arith.constant 0 : i32
        %parallel_loop3A_436 = arith.constant 11 : i32
        %parallel_loop3A_437 = arith.index_cast %parallel_loop3A_435 : i32 to index
        %parallel_loop3A_438 = arith.index_cast %parallel_loop3A_436 : i32 to index
        %parallel_loop3A_439 = arith.index_cast %parallel_loop3A_350 : i32 to index
        %parallel_loop3A_440 = tpu.vector_load %arg5[%parallel_loop3A_437, %parallel_loop3A_438, %parallel_loop3A_439] {strides = array<i32>} : memref<2x20x512xi32, #tpu.memory_space<vmem>>, vector<16xi32>,
        %parallel_loop3A_441 = tpu.vector_load_idx %arg6[%parallel_loop3A_440] : memref<100000xf32, #tpu.memory_space<vmem>>[vector<16xi32>], vector<16xf32>,
        %parallel_loop3A_442 = arith.addf %parallel_loop3A_410, %parallel_loop3A_441 : vector<16xf32>
        %parallel_loop3A_443 = arith.constant 0 : i32
        %parallel_loop3A_444 = arith.constant 12 : i32
        %parallel_loop3A_445 = arith.index_cast %parallel_loop3A_443 : i32 to index
        %parallel_loop3A_446 = arith.index_cast %parallel_loop3A_444 : i32 to index
        %parallel_loop3A_447 = arith.index_cast %parallel_loop3A_350 : i32 to index
        %parallel_loop3A_448 = tpu.vector_load %arg5[%parallel_loop3A_445, %parallel_loop3A_446, %parallel_loop3A_447] {strides = array<i32>} : memref<2x20x512xi32, #tpu.memory_space<vmem>>, vector<16xi32>,
        %parallel_loop3A_449 = tpu.vector_load_idx %arg6[%parallel_loop3A_448] : memref<100000xf32, #tpu.memory_space<vmem>>[vector<16xi32>], vector<16xf32>,
        %parallel_loop3A_450 = arith.addf %parallel_loop3A_418, %parallel_loop3A_449 : vector<16xf32>
        %parallel_loop3A_451 = arith.constant 0 : i32
        %parallel_loop3A_452 = arith.constant 13 : i32
        %parallel_loop3A_453 = arith.index_cast %parallel_loop3A_451 : i32 to index
        %parallel_loop3A_454 = arith.index_cast %parallel_loop3A_452 : i32 to index
        %parallel_loop3A_455 = arith.index_cast %parallel_loop3A_350 : i32 to index
        %parallel_loop3A_456 = tpu.vector_load %arg5[%parallel_loop3A_453, %parallel_loop3A_454, %parallel_loop3A_455] {strides = array<i32>} : memref<2x20x512xi32, #tpu.memory_space<vmem>>, vector<16xi32>,
        %parallel_loop3A_457 = tpu.vector_load_idx %arg6[%parallel_loop3A_456] : memref<100000xf32, #tpu.memory_space<vmem>>[vector<16xi32>], vector<16xf32>,
        %parallel_loop3A_458 = arith.addf %parallel_loop3A_426, %parallel_loop3A_457 : vector<16xf32>
        %parallel_loop3A_459 = arith.constant 0 : i32
        %parallel_loop3A_460 = arith.constant 14 : i32
        %parallel_loop3A_461 = arith.index_cast %parallel_loop3A_459 : i32 to index
        %parallel_loop3A_462 = arith.index_cast %parallel_loop3A_460 : i32 to index
        %parallel_loop3A_463 = arith.index_cast %parallel_loop3A_350 : i32 to index
        %parallel_loop3A_464 = tpu.vector_load %arg5[%parallel_loop3A_461, %parallel_loop3A_462, %parallel_loop3A_463] {strides = array<i32>} : memref<2x20x512xi32, #tpu.memory_space<vmem>>, vector<16xi32>,
        %parallel_loop3A_465 = tpu.vector_load_idx %arg6[%parallel_loop3A_464] : memref<100000xf32, #tpu.memory_space<vmem>>[vector<16xi32>], vector<16xf32>,
        %parallel_loop3A_466 = arith.addf %parallel_loop3A_434, %parallel_loop3A_465 : vector<16xf32>
        %parallel_loop3A_467 = arith.constant 0 : i32
        %parallel_loop3A_468 = arith.constant 15 : i32
        %parallel_loop3A_469 = arith.index_cast %parallel_loop3A_467 : i32 to index
        %parallel_loop3A_470 = arith.index_cast %parallel_loop3A_468 : i32 to index
        %parallel_loop3A_471 = arith.index_cast %parallel_loop3A_350 : i32 to index
        %parallel_loop3A_472 = tpu.vector_load %arg5[%parallel_loop3A_469, %parallel_loop3A_470, %parallel_loop3A_471] {strides = array<i32>} : memref<2x20x512xi32, #tpu.memory_space<vmem>>, vector<16xi32>,
        %parallel_loop3A_473 = tpu.vector_load_idx %arg6[%parallel_loop3A_472] : memref<100000xf32, #tpu.memory_space<vmem>>[vector<16xi32>], vector<16xf32>,
        %parallel_loop3A_474 = arith.addf %parallel_loop3A_442, %parallel_loop3A_473 : vector<16xf32>
        %parallel_loop3A_475 = arith.constant 0 : i32
        %parallel_loop3A_476 = arith.constant 16 : i32
        %parallel_loop3A_477 = arith.index_cast %parallel_loop3A_475 : i32 to index
        %parallel_loop3A_478 = arith.index_cast %parallel_loop3A_476 : i32 to index
        %parallel_loop3A_479 = arith.index_cast %parallel_loop3A_350 : i32 to index
        %parallel_loop3A_480 = tpu.vector_load %arg5[%parallel_loop3A_477, %parallel_loop3A_478, %parallel_loop3A_479] {strides = array<i32>} : memref<2x20x512xi32, #tpu.memory_space<vmem>>, vector<16xi32>,
        %parallel_loop3A_481 = tpu.vector_load_idx %arg6[%parallel_loop3A_480] : memref<100000xf32, #tpu.memory_space<vmem>>[vector<16xi32>], vector<16xf32>,
        %parallel_loop3A_482 = arith.addf %parallel_loop3A_450, %parallel_loop3A_481 : vector<16xf32>
        %parallel_loop3A_483 = arith.constant 0 : i32
        %parallel_loop3A_484 = arith.constant 17 : i32
        %parallel_loop3A_485 = arith.index_cast %parallel_loop3A_483 : i32 to index
        %parallel_loop3A_486 = arith.index_cast %parallel_loop3A_484 : i32 to index
        %parallel_loop3A_487 = arith.index_cast %parallel_loop3A_350 : i32 to index
        %parallel_loop3A_488 = tpu.vector_load %arg5[%parallel_loop3A_485, %parallel_loop3A_486, %parallel_loop3A_487] {strides = array<i32>} : memref<2x20x512xi32, #tpu.memory_space<vmem>>, vector<16xi32>,
        %parallel_loop3A_489 = tpu.vector_load_idx %arg6[%parallel_loop3A_488] : memref<100000xf32, #tpu.memory_space<vmem>>[vector<16xi32>], vector<16xf32>,
        %parallel_loop3A_490 = arith.addf %parallel_loop3A_458, %parallel_loop3A_489 : vector<16xf32>
        %parallel_loop3A_491 = arith.constant 0 : i32
        %parallel_loop3A_492 = arith.constant 18 : i32
        %parallel_loop3A_493 = arith.index_cast %parallel_loop3A_491 : i32 to index
        %parallel_loop3A_494 = arith.index_cast %parallel_loop3A_492 : i32 to index
        %parallel_loop3A_495 = arith.index_cast %parallel_loop3A_350 : i32 to index
        %parallel_loop3A_496 = tpu.vector_load %arg5[%parallel_loop3A_493, %parallel_loop3A_494, %parallel_loop3A_495] {strides = array<i32>} : memref<2x20x512xi32, #tpu.memory_space<vmem>>, vector<16xi32>,
        %parallel_loop3A_497 = tpu.vector_load_idx %arg6[%parallel_loop3A_496] : memref<100000xf32, #tpu.memory_space<vmem>>[vector<16xi32>], vector<16xf32>,
        %parallel_loop3A_498 = arith.addf %parallel_loop3A_466, %parallel_loop3A_497 : vector<16xf32>
        %parallel_loop3A_499 = arith.constant 0 : i32
        %parallel_loop3A_500 = arith.constant 19 : i32
        %parallel_loop3A_501 = arith.index_cast %parallel_loop3A_499 : i32 to index
        %parallel_loop3A_502 = arith.index_cast %parallel_loop3A_500 : i32 to index
        %parallel_loop3A_503 = arith.index_cast %parallel_loop3A_350 : i32 to index
        %parallel_loop3A_504 = tpu.vector_load %arg5[%parallel_loop3A_501, %parallel_loop3A_502, %parallel_loop3A_503] {strides = array<i32>} : memref<2x20x512xi32, #tpu.memory_space<vmem>>, vector<16xi32>,
        %parallel_loop3A_505 = tpu.vector_load_idx %arg6[%parallel_loop3A_504] : memref<100000xf32, #tpu.memory_space<vmem>>[vector<16xi32>], vector<16xf32>,
        %parallel_loop3A_506 = arith.addf %parallel_loop3A_474, %parallel_loop3A_505 : vector<16xf32>
        %parallel_loop3A_507 = arith.addf %parallel_loop3A_482, %parallel_loop3A_490 : vector<16xf32>
        %parallel_loop3A_508 = arith.addf %parallel_loop3A_498, %parallel_loop3A_506 : vector<16xf32>
        %parallel_loop3A_509 = arith.addf %parallel_loop3A_507, %parallel_loop3A_508 : vector<16xf32>
        %parallel_loop3A_510 = arith.constant 16 : i32
        %parallel_loop3A_511 = arith.muli %parallel_loop3A_348, %parallel_loop3A_510 : i32
        %parallel_loop3A_512 = arith.constant 3072 : i32
        %parallel_loop3A_513 = arith.addi %parallel_loop3A_512, %parallel_loop3A_511 : i32
        %parallel_loop3A_514 = arith.index_cast %parallel_loop3A_513 : i32 to index
        %parallel_loop3A_515 = tpu.vector_load %arg7[%parallel_loop3A_514] {strides = array<i32>} : memref<4096xf32, #tpu.memory_space<vmem>>, vector<16xf32>,
        tpu.vector_store %arg7[%parallel_loop3A_514], %parallel_loop3A_509 {strides = array<i32>} : memref<4096xf32, #tpu.memory_space<vmem>>, vector<16xf32>,
      } {sc.loop_unroll_factor = 3 : i64, sc.parallel_access}
      %lt3A = arith.constant 25 : i32
      %lt3A_318 = arith.cmpi slt, %scan3A_49, %lt3A : i32
      %convert_element_type3A_319 = arith.extui %lt3A_318 : i1 to i32
      %cond3A_320 = arith.constant 0 : i32
      %cond3A_321 = arith.cmpi ne, %convert_element_type3A_319, %cond3A_320 : i32
      scf.if %cond3A_321 {
        %dma_start3A_348 = arith.constant 0 : i32
        %dma_start3A_349 = arith.constant 0 : i32
        %dma_start3A_350 = arith.constant 0 : i32
        %dma_start3A_351 = tpu.memref_slice %arg5[%dma_start3A_348, %dma_start3A_349, %dma_start3A_350] : memref<2x20x512xi32, #tpu.memory_space<vmem>> -> memref<1x20x512xi32, #tpu.memory_space<vmem>>
        %dma_start3A_352 = tpu.memref_squeeze %dma_start3A_351 : memref<1x20x512xi32, #tpu.memory_space<vmem>> -> memref<20x512xi32, #tpu.memory_space<vmem>>
        %dma_start3A_353 = arith.constant 0 : i32
        %dma_start3A_354 = arith.constant 0 : i32
        %dma_start3A_355 = tpu.memref_slice %arg2[%rem3A_57, %dma_start3A_353, %dma_start3A_354] : memref<26x20x4096xi32, #tpu.memory_space<hbm>> -> memref<1x20x512xi32, #tpu.memory_space<hbm>>
        %dma_start3A_356 = tpu.memref_squeeze %dma_start3A_355 : memref<1x20x512xi32, #tpu.memory_space<hbm>> -> memref<20x512xi32, #tpu.memory_space<hbm>>
        %dma_start3A_357 = arith.constant 0 : i32
        %dma_start3A_358 = arith.constant 0 : i32
        %dma_start3A_359 = tpu.memref_slice %arg5[%dma_start3A_348, %dma_start3A_357, %dma_start3A_358] : memref<2x20x512xi32, #tpu.memory_space<vmem>> -> memref<1x20x512xi32, #tpu.memory_space<vmem>>
        %dma_start3A_360 = tpu.memref_squeeze %dma_start3A_359 : memref<1x20x512xi32, #tpu.memory_space<vmem>> -> memref<20x512xi32, #tpu.memory_space<vmem>>
        %dma_start3A_361 = arith.constant 0 : i32
        %dma_start3A_362 = arith.constant 0 : i32
        %dma_start3A_363 = tpu.memref_slice %arg2[%rem3A_57, %dma_start3A_361, %dma_start3A_362] : memref<26x20x4096xi32, #tpu.memory_space<hbm>> -> memref<1x20x512xi32, #tpu.memory_space<hbm>>
        %dma_start3A_364 = tpu.memref_squeeze %dma_start3A_363 : memref<1x20x512xi32, #tpu.memory_space<hbm>> -> memref<20x512xi32, #tpu.memory_space<hbm>>
        tpu.enqueue_dma source(%dma_start3A_364 : memref<20x512xi32, #tpu.memory_space<hbm>>) target(%dma_start3A_360 : memref<20x512xi32, #tpu.memory_space<vmem>>) target_semaphore(%arg8 : memref<!tpu.dma_semaphore, #tpu.memory_space<semaphore_mem>>)
      } else {
      }
      %dma_wait3A_322 = arith.constant 1 : i32
      %dma_wait3A_323 = arith.constant 0 : i32
      %dma_wait3A_324 = arith.constant 0 : i32
      %dma_wait3A_325 = tpu.memref_slice %arg5[%dma_wait3A_322, %dma_wait3A_323, %dma_wait3A_324] : memref<2x20x512xi32, #tpu.memory_space<vmem>> -> memref<1x20x512xi32, #tpu.memory_space<vmem>>
      %dma_wait3A_326 = tpu.memref_squeeze %dma_wait3A_325 : memref<1x20x512xi32, #tpu.memory_space<vmem>> -> memref<20x512xi32, #tpu.memory_space<vmem>>
      %dma_wait3A_327 = arith.constant 0 : i32
      %dma_wait3A_328 = arith.constant 3584 : i32
      %dma_wait3A_329 = tpu.memref_slice %arg2[%rem3A_52, %dma_wait3A_327, %dma_wait3A_328] : memref<26x20x4096xi32, #tpu.memory_space<hbm>> -> memref<1x20x512xi32, #tpu.memory_space<hbm>>
      %dma_wait3A_330 = tpu.memref_squeeze %dma_wait3A_329 : memref<1x20x512xi32, #tpu.memory_space<hbm>> -> memref<20x512xi32, #tpu.memory_space<hbm>>
      %dma_wait3A_331 = arith.constant 0 : i32
      %dma_wait3A_332 = arith.constant 0 : i32
      %dma_wait3A_333 = tpu.memref_slice %arg5[%dma_wait3A_322, %dma_wait3A_331, %dma_wait3A_332] : memref<2x20x512xi32, #tpu.memory_space<vmem>> -> memref<1x20x512xi32, #tpu.memory_space<vmem>>
      %dma_wait3A_334 = tpu.memref_squeeze %dma_wait3A_333 : memref<1x20x512xi32, #tpu.memory_space<vmem>> -> memref<20x512xi32, #tpu.memory_space<vmem>>
      %dma_wait3A_335 = arith.constant 0 : i32
      %dma_wait3A_336 = arith.constant 3584 : i32
      %dma_wait3A_337 = tpu.memref_slice %arg2[%rem3A_52, %dma_wait3A_335, %dma_wait3A_336] : memref<26x20x4096xi32, #tpu.memory_space<hbm>> -> memref<1x20x512xi32, #tpu.memory_space<hbm>>
      %dma_wait3A_338 = tpu.memref_squeeze %dma_wait3A_337 : memref<1x20x512xi32, #tpu.memory_space<hbm>> -> memref<20x512xi32, #tpu.memory_space<hbm>>
      tpu.wait_dma2 semaphore(%arg9 : memref<!tpu.dma_semaphore, #tpu.memory_space<semaphore_mem>>) src(%dma_wait3A_338 : memref<20x512xi32, #tpu.memory_space<hbm>>) dst(%dma_wait3A_334 : memref<20x512xi32, #tpu.memory_space<vmem>>)
      %parallel_loop3A_339 = arith.constant 0 : i32
      %parallel_loop3A_340 = arith.constant 32 : i32
      %parallel_loop3A_341 = arith.constant 1 : i32
      scf.for %parallel_loop3A_348 = %parallel_loop3A_339 to %parallel_loop3A_340 step %parallel_loop3A_341  : i32 {
        %parallel_loop3A_349 = arith.constant 16 : i32
        %parallel_loop3A_350 = arith.muli %parallel_loop3A_348, %parallel_loop3A_349 : i32
        %parallel_loop3A_351 = arith.constant 1 : i32
        %parallel_loop3A_352 = arith.constant 0 : i32
        %parallel_loop3A_353 = arith.index_cast %parallel_loop3A_351 : i32 to index
        %parallel_loop3A_354 = arith.index_cast %parallel_loop3A_352 : i32 to index
        %parallel_loop3A_355 = arith.index_cast %parallel_loop3A_350 : i32 to index
        %parallel_loop3A_356 = tpu.vector_load %arg5[%parallel_loop3A_353, %parallel_loop3A_354, %parallel_loop3A_355] {strides = array<i32>} : memref<2x20x512xi32, #tpu.memory_space<vmem>>, vector<16xi32>,
        %parallel_loop3A_357 = tpu.vector_load_idx %arg6[%parallel_loop3A_356] : memref<100000xf32, #tpu.memory_space<vmem>>[vector<16xi32>], vector<16xf32>,
        %parallel_loop3A_358 = arith.constant 1 : i32
        %parallel_loop3A_359 = arith.constant 1 : i32
        %parallel_loop3A_360 = arith.index_cast %parallel_loop3A_358 : i32 to index
        %parallel_loop3A_361 = arith.index_cast %parallel_loop3A_359 : i32 to index
        %parallel_loop3A_362 = arith.index_cast %parallel_loop3A_350 : i32 to index
        %parallel_loop3A_363 = tpu.vector_load %arg5[%parallel_loop3A_360, %parallel_loop3A_361, %parallel_loop3A_362] {strides = array<i32>} : memref<2x20x512xi32, #tpu.memory_space<vmem>>, vector<16xi32>,
        %parallel_loop3A_364 = tpu.vector_load_idx %arg6[%parallel_loop3A_363] : memref<100000xf32, #tpu.memory_space<vmem>>[vector<16xi32>], vector<16xf32>,
        %parallel_loop3A_365 = arith.constant 1 : i32
        %parallel_loop3A_366 = arith.constant 2 : i32
        %parallel_loop3A_367 = arith.index_cast %parallel_loop3A_365 : i32 to index
        %parallel_loop3A_368 = arith.index_cast %parallel_loop3A_366 : i32 to index
        %parallel_loop3A_369 = arith.index_cast %parallel_loop3A_350 : i32 to index
        %parallel_loop3A_370 = tpu.vector_load %arg5[%parallel_loop3A_367, %parallel_loop3A_368, %parallel_loop3A_369] {strides = array<i32>} : memref<2x20x512xi32, #tpu.memory_space<vmem>>, vector<16xi32>,
        %parallel_loop3A_371 = tpu.vector_load_idx %arg6[%parallel_loop3A_370] : memref<100000xf32, #tpu.memory_space<vmem>>[vector<16xi32>], vector<16xf32>,
        %parallel_loop3A_372 = arith.constant 1 : i32
        %parallel_loop3A_373 = arith.constant 3 : i32
        %parallel_loop3A_374 = arith.index_cast %parallel_loop3A_372 : i32 to index
        %parallel_loop3A_375 = arith.index_cast %parallel_loop3A_373 : i32 to index
        %parallel_loop3A_376 = arith.index_cast %parallel_loop3A_350 : i32 to index
        %parallel_loop3A_377 = tpu.vector_load %arg5[%parallel_loop3A_374, %parallel_loop3A_375, %parallel_loop3A_376] {strides = array<i32>} : memref<2x20x512xi32, #tpu.memory_space<vmem>>, vector<16xi32>,
        %parallel_loop3A_378 = tpu.vector_load_idx %arg6[%parallel_loop3A_377] : memref<100000xf32, #tpu.memory_space<vmem>>[vector<16xi32>], vector<16xf32>,
        %parallel_loop3A_379 = arith.constant 1 : i32
        %parallel_loop3A_380 = arith.constant 4 : i32
        %parallel_loop3A_381 = arith.index_cast %parallel_loop3A_379 : i32 to index
        %parallel_loop3A_382 = arith.index_cast %parallel_loop3A_380 : i32 to index
        %parallel_loop3A_383 = arith.index_cast %parallel_loop3A_350 : i32 to index
        %parallel_loop3A_384 = tpu.vector_load %arg5[%parallel_loop3A_381, %parallel_loop3A_382, %parallel_loop3A_383] {strides = array<i32>} : memref<2x20x512xi32, #tpu.memory_space<vmem>>, vector<16xi32>,
        %parallel_loop3A_385 = tpu.vector_load_idx %arg6[%parallel_loop3A_384] : memref<100000xf32, #tpu.memory_space<vmem>>[vector<16xi32>], vector<16xf32>,
        %parallel_loop3A_386 = arith.addf %parallel_loop3A_357, %parallel_loop3A_385 : vector<16xf32>
        %parallel_loop3A_387 = arith.constant 1 : i32
        %parallel_loop3A_388 = arith.constant 5 : i32
        %parallel_loop3A_389 = arith.index_cast %parallel_loop3A_387 : i32 to index
        %parallel_loop3A_390 = arith.index_cast %parallel_loop3A_388 : i32 to index
        %parallel_loop3A_391 = arith.index_cast %parallel_loop3A_350 : i32 to index
        %parallel_loop3A_392 = tpu.vector_load %arg5[%parallel_loop3A_389, %parallel_loop3A_390, %parallel_loop3A_391] {strides = array<i32>} : memref<2x20x512xi32, #tpu.memory_space<vmem>>, vector<16xi32>,
        %parallel_loop3A_393 = tpu.vector_load_idx %arg6[%parallel_loop3A_392] : memref<100000xf32, #tpu.memory_space<vmem>>[vector<16xi32>], vector<16xf32>,
        %parallel_loop3A_394 = arith.addf %parallel_loop3A_364, %parallel_loop3A_393 : vector<16xf32>
        %parallel_loop3A_395 = arith.constant 1 : i32
        %parallel_loop3A_396 = arith.constant 6 : i32
        %parallel_loop3A_397 = arith.index_cast %parallel_loop3A_395 : i32 to index
        %parallel_loop3A_398 = arith.index_cast %parallel_loop3A_396 : i32 to index
        %parallel_loop3A_399 = arith.index_cast %parallel_loop3A_350 : i32 to index
        %parallel_loop3A_400 = tpu.vector_load %arg5[%parallel_loop3A_397, %parallel_loop3A_398, %parallel_loop3A_399] {strides = array<i32>} : memref<2x20x512xi32, #tpu.memory_space<vmem>>, vector<16xi32>,
        %parallel_loop3A_401 = tpu.vector_load_idx %arg6[%parallel_loop3A_400] : memref<100000xf32, #tpu.memory_space<vmem>>[vector<16xi32>], vector<16xf32>,
        %parallel_loop3A_402 = arith.addf %parallel_loop3A_371, %parallel_loop3A_401 : vector<16xf32>
        %parallel_loop3A_403 = arith.constant 1 : i32
        %parallel_loop3A_404 = arith.constant 7 : i32
        %parallel_loop3A_405 = arith.index_cast %parallel_loop3A_403 : i32 to index
        %parallel_loop3A_406 = arith.index_cast %parallel_loop3A_404 : i32 to index
        %parallel_loop3A_407 = arith.index_cast %parallel_loop3A_350 : i32 to index
        %parallel_loop3A_408 = tpu.vector_load %arg5[%parallel_loop3A_405, %parallel_loop3A_406, %parallel_loop3A_407] {strides = array<i32>} : memref<2x20x512xi32, #tpu.memory_space<vmem>>, vector<16xi32>,
        %parallel_loop3A_409 = tpu.vector_load_idx %arg6[%parallel_loop3A_408] : memref<100000xf32, #tpu.memory_space<vmem>>[vector<16xi32>], vector<16xf32>,
        %parallel_loop3A_410 = arith.addf %parallel_loop3A_378, %parallel_loop3A_409 : vector<16xf32>
        %parallel_loop3A_411 = arith.constant 1 : i32
        %parallel_loop3A_412 = arith.constant 8 : i32
        %parallel_loop3A_413 = arith.index_cast %parallel_loop3A_411 : i32 to index
        %parallel_loop3A_414 = arith.index_cast %parallel_loop3A_412 : i32 to index
        %parallel_loop3A_415 = arith.index_cast %parallel_loop3A_350 : i32 to index
        %parallel_loop3A_416 = tpu.vector_load %arg5[%parallel_loop3A_413, %parallel_loop3A_414, %parallel_loop3A_415] {strides = array<i32>} : memref<2x20x512xi32, #tpu.memory_space<vmem>>, vector<16xi32>,
        %parallel_loop3A_417 = tpu.vector_load_idx %arg6[%parallel_loop3A_416] : memref<100000xf32, #tpu.memory_space<vmem>>[vector<16xi32>], vector<16xf32>,
        %parallel_loop3A_418 = arith.addf %parallel_loop3A_386, %parallel_loop3A_417 : vector<16xf32>
        %parallel_loop3A_419 = arith.constant 1 : i32
        %parallel_loop3A_420 = arith.constant 9 : i32
        %parallel_loop3A_421 = arith.index_cast %parallel_loop3A_419 : i32 to index
        %parallel_loop3A_422 = arith.index_cast %parallel_loop3A_420 : i32 to index
        %parallel_loop3A_423 = arith.index_cast %parallel_loop3A_350 : i32 to index
        %parallel_loop3A_424 = tpu.vector_load %arg5[%parallel_loop3A_421, %parallel_loop3A_422, %parallel_loop3A_423] {strides = array<i32>} : memref<2x20x512xi32, #tpu.memory_space<vmem>>, vector<16xi32>,
        %parallel_loop3A_425 = tpu.vector_load_idx %arg6[%parallel_loop3A_424] : memref<100000xf32, #tpu.memory_space<vmem>>[vector<16xi32>], vector<16xf32>,
        %parallel_loop3A_426 = arith.addf %parallel_loop3A_394, %parallel_loop3A_425 : vector<16xf32>
        %parallel_loop3A_427 = arith.constant 1 : i32
        %parallel_loop3A_428 = arith.constant 10 : i32
        %parallel_loop3A_429 = arith.index_cast %parallel_loop3A_427 : i32 to index
        %parallel_loop3A_430 = arith.index_cast %parallel_loop3A_428 : i32 to index
        %parallel_loop3A_431 = arith.index_cast %parallel_loop3A_350 : i32 to index
        %parallel_loop3A_432 = tpu.vector_load %arg5[%parallel_loop3A_429, %parallel_loop3A_430, %parallel_loop3A_431] {strides = array<i32>} : memref<2x20x512xi32, #tpu.memory_space<vmem>>, vector<16xi32>,
        %parallel_loop3A_433 = tpu.vector_load_idx %arg6[%parallel_loop3A_432] : memref<100000xf32, #tpu.memory_space<vmem>>[vector<16xi32>], vector<16xf32>,
        %parallel_loop3A_434 = arith.addf %parallel_loop3A_402, %parallel_loop3A_433 : vector<16xf32>
        %parallel_loop3A_435 = arith.constant 1 : i32
        %parallel_loop3A_436 = arith.constant 11 : i32
        %parallel_loop3A_437 = arith.index_cast %parallel_loop3A_435 : i32 to index
        %parallel_loop3A_438 = arith.index_cast %parallel_loop3A_436 : i32 to index
        %parallel_loop3A_439 = arith.index_cast %parallel_loop3A_350 : i32 to index
        %parallel_loop3A_440 = tpu.vector_load %arg5[%parallel_loop3A_437, %parallel_loop3A_438, %parallel_loop3A_439] {strides = array<i32>} : memref<2x20x512xi32, #tpu.memory_space<vmem>>, vector<16xi32>,
        %parallel_loop3A_441 = tpu.vector_load_idx %arg6[%parallel_loop3A_440] : memref<100000xf32, #tpu.memory_space<vmem>>[vector<16xi32>], vector<16xf32>,
        %parallel_loop3A_442 = arith.addf %parallel_loop3A_410, %parallel_loop3A_441 : vector<16xf32>
        %parallel_loop3A_443 = arith.constant 1 : i32
        %parallel_loop3A_444 = arith.constant 12 : i32
        %parallel_loop3A_445 = arith.index_cast %parallel_loop3A_443 : i32 to index
        %parallel_loop3A_446 = arith.index_cast %parallel_loop3A_444 : i32 to index
        %parallel_loop3A_447 = arith.index_cast %parallel_loop3A_350 : i32 to index
        %parallel_loop3A_448 = tpu.vector_load %arg5[%parallel_loop3A_445, %parallel_loop3A_446, %parallel_loop3A_447] {strides = array<i32>} : memref<2x20x512xi32, #tpu.memory_space<vmem>>, vector<16xi32>,
        %parallel_loop3A_449 = tpu.vector_load_idx %arg6[%parallel_loop3A_448] : memref<100000xf32, #tpu.memory_space<vmem>>[vector<16xi32>], vector<16xf32>,
        %parallel_loop3A_450 = arith.addf %parallel_loop3A_418, %parallel_loop3A_449 : vector<16xf32>
        %parallel_loop3A_451 = arith.constant 1 : i32
        %parallel_loop3A_452 = arith.constant 13 : i32
        %parallel_loop3A_453 = arith.index_cast %parallel_loop3A_451 : i32 to index
        %parallel_loop3A_454 = arith.index_cast %parallel_loop3A_452 : i32 to index
        %parallel_loop3A_455 = arith.index_cast %parallel_loop3A_350 : i32 to index
        %parallel_loop3A_456 = tpu.vector_load %arg5[%parallel_loop3A_453, %parallel_loop3A_454, %parallel_loop3A_455] {strides = array<i32>} : memref<2x20x512xi32, #tpu.memory_space<vmem>>, vector<16xi32>,
        %parallel_loop3A_457 = tpu.vector_load_idx %arg6[%parallel_loop3A_456] : memref<100000xf32, #tpu.memory_space<vmem>>[vector<16xi32>], vector<16xf32>,
        %parallel_loop3A_458 = arith.addf %parallel_loop3A_426, %parallel_loop3A_457 : vector<16xf32>
        %parallel_loop3A_459 = arith.constant 1 : i32
        %parallel_loop3A_460 = arith.constant 14 : i32
        %parallel_loop3A_461 = arith.index_cast %parallel_loop3A_459 : i32 to index
        %parallel_loop3A_462 = arith.index_cast %parallel_loop3A_460 : i32 to index
        %parallel_loop3A_463 = arith.index_cast %parallel_loop3A_350 : i32 to index
        %parallel_loop3A_464 = tpu.vector_load %arg5[%parallel_loop3A_461, %parallel_loop3A_462, %parallel_loop3A_463] {strides = array<i32>} : memref<2x20x512xi32, #tpu.memory_space<vmem>>, vector<16xi32>,
        %parallel_loop3A_465 = tpu.vector_load_idx %arg6[%parallel_loop3A_464] : memref<100000xf32, #tpu.memory_space<vmem>>[vector<16xi32>], vector<16xf32>,
        %parallel_loop3A_466 = arith.addf %parallel_loop3A_434, %parallel_loop3A_465 : vector<16xf32>
        %parallel_loop3A_467 = arith.constant 1 : i32
        %parallel_loop3A_468 = arith.constant 15 : i32
        %parallel_loop3A_469 = arith.index_cast %parallel_loop3A_467 : i32 to index
        %parallel_loop3A_470 = arith.index_cast %parallel_loop3A_468 : i32 to index
        %parallel_loop3A_471 = arith.index_cast %parallel_loop3A_350 : i32 to index
        %parallel_loop3A_472 = tpu.vector_load %arg5[%parallel_loop3A_469, %parallel_loop3A_470, %parallel_loop3A_471] {strides = array<i32>} : memref<2x20x512xi32, #tpu.memory_space<vmem>>, vector<16xi32>,
        %parallel_loop3A_473 = tpu.vector_load_idx %arg6[%parallel_loop3A_472] : memref<100000xf32, #tpu.memory_space<vmem>>[vector<16xi32>], vector<16xf32>,
        %parallel_loop3A_474 = arith.addf %parallel_loop3A_442, %parallel_loop3A_473 : vector<16xf32>
        %parallel_loop3A_475 = arith.constant 1 : i32
        %parallel_loop3A_476 = arith.constant 16 : i32
        %parallel_loop3A_477 = arith.index_cast %parallel_loop3A_475 : i32 to index
        %parallel_loop3A_478 = arith.index_cast %parallel_loop3A_476 : i32 to index
        %parallel_loop3A_479 = arith.index_cast %parallel_loop3A_350 : i32 to index
        %parallel_loop3A_480 = tpu.vector_load %arg5[%parallel_loop3A_477, %parallel_loop3A_478, %parallel_loop3A_479] {strides = array<i32>} : memref<2x20x512xi32, #tpu.memory_space<vmem>>, vector<16xi32>,
        %parallel_loop3A_481 = tpu.vector_load_idx %arg6[%parallel_loop3A_480] : memref<100000xf32, #tpu.memory_space<vmem>>[vector<16xi32>], vector<16xf32>,
        %parallel_loop3A_482 = arith.addf %parallel_loop3A_450, %parallel_loop3A_481 : vector<16xf32>
        %parallel_loop3A_483 = arith.constant 1 : i32
        %parallel_loop3A_484 = arith.constant 17 : i32
        %parallel_loop3A_485 = arith.index_cast %parallel_loop3A_483 : i32 to index
        %parallel_loop3A_486 = arith.index_cast %parallel_loop3A_484 : i32 to index
        %parallel_loop3A_487 = arith.index_cast %parallel_loop3A_350 : i32 to index
        %parallel_loop3A_488 = tpu.vector_load %arg5[%parallel_loop3A_485, %parallel_loop3A_486, %parallel_loop3A_487] {strides = array<i32>} : memref<2x20x512xi32, #tpu.memory_space<vmem>>, vector<16xi32>,
        %parallel_loop3A_489 = tpu.vector_load_idx %arg6[%parallel_loop3A_488] : memref<100000xf32, #tpu.memory_space<vmem>>[vector<16xi32>], vector<16xf32>,
        %parallel_loop3A_490 = arith.addf %parallel_loop3A_458, %parallel_loop3A_489 : vector<16xf32>
        %parallel_loop3A_491 = arith.constant 1 : i32
        %parallel_loop3A_492 = arith.constant 18 : i32
        %parallel_loop3A_493 = arith.index_cast %parallel_loop3A_491 : i32 to index
        %parallel_loop3A_494 = arith.index_cast %parallel_loop3A_492 : i32 to index
        %parallel_loop3A_495 = arith.index_cast %parallel_loop3A_350 : i32 to index
        %parallel_loop3A_496 = tpu.vector_load %arg5[%parallel_loop3A_493, %parallel_loop3A_494, %parallel_loop3A_495] {strides = array<i32>} : memref<2x20x512xi32, #tpu.memory_space<vmem>>, vector<16xi32>,
        %parallel_loop3A_497 = tpu.vector_load_idx %arg6[%parallel_loop3A_496] : memref<100000xf32, #tpu.memory_space<vmem>>[vector<16xi32>], vector<16xf32>,
        %parallel_loop3A_498 = arith.addf %parallel_loop3A_466, %parallel_loop3A_497 : vector<16xf32>
        %parallel_loop3A_499 = arith.constant 1 : i32
        %parallel_loop3A_500 = arith.constant 19 : i32
        %parallel_loop3A_501 = arith.index_cast %parallel_loop3A_499 : i32 to index
        %parallel_loop3A_502 = arith.index_cast %parallel_loop3A_500 : i32 to index
        %parallel_loop3A_503 = arith.index_cast %parallel_loop3A_350 : i32 to index
        %parallel_loop3A_504 = tpu.vector_load %arg5[%parallel_loop3A_501, %parallel_loop3A_502, %parallel_loop3A_503] {strides = array<i32>} : memref<2x20x512xi32, #tpu.memory_space<vmem>>, vector<16xi32>,
        %parallel_loop3A_505 = tpu.vector_load_idx %arg6[%parallel_loop3A_504] : memref<100000xf32, #tpu.memory_space<vmem>>[vector<16xi32>], vector<16xf32>,
        %parallel_loop3A_506 = arith.addf %parallel_loop3A_474, %parallel_loop3A_505 : vector<16xf32>
        %parallel_loop3A_507 = arith.addf %parallel_loop3A_482, %parallel_loop3A_490 : vector<16xf32>
        %parallel_loop3A_508 = arith.addf %parallel_loop3A_498, %parallel_loop3A_506 : vector<16xf32>
        %parallel_loop3A_509 = arith.addf %parallel_loop3A_507, %parallel_loop3A_508 : vector<16xf32>
        %parallel_loop3A_510 = arith.constant 16 : i32
        %parallel_loop3A_511 = arith.muli %parallel_loop3A_348, %parallel_loop3A_510 : i32
        %parallel_loop3A_512 = arith.constant 3584 : i32
        %parallel_loop3A_513 = arith.addi %parallel_loop3A_512, %parallel_loop3A_511 : i32
        %parallel_loop3A_514 = arith.index_cast %parallel_loop3A_513 : i32 to index
        %parallel_loop3A_515 = tpu.vector_load %arg7[%parallel_loop3A_514] {strides = array<i32>} : memref<4096xf32, #tpu.memory_space<vmem>>, vector<16xf32>,
        tpu.vector_store %arg7[%parallel_loop3A_514], %parallel_loop3A_509 {strides = array<i32>} : memref<4096xf32, #tpu.memory_space<vmem>>, vector<16xf32>,
      } {sc.loop_unroll_factor = 3 : i64, sc.parallel_access}
      %dma_start3A_342 = arith.constant 0 : i32
      %dma_start3A_343 = tpu.memref_slice %arg4[%rem3A_52, %add3A, %dma_start3A_342] : memref<26x32x4096xf32, #tpu.memory_space<hbm>> -> memref<1x1x4096xf32, #tpu.memory_space<hbm>>
      %dma_start3A_344 = tpu.memref_squeeze %dma_start3A_343 : memref<1x1x4096xf32, #tpu.memory_space<hbm>> -> memref<4096xf32, #tpu.memory_space<hbm>>
      %dma_start3A_345 = arith.constant 0 : i32
      %dma_start3A_346 = tpu.memref_slice %arg4[%rem3A_52, %add3A, %dma_start3A_345] : memref<26x32x4096xf32, #tpu.memory_space<hbm>> -> memref<1x1x4096xf32, #tpu.memory_space<hbm>>
      %dma_start3A_347 = tpu.memref_squeeze %dma_start3A_346 : memref<1x1x4096xf32, #tpu.memory_space<hbm>> -> memref<4096xf32, #tpu.memory_space<hbm>>
      tpu.enqueue_dma source(%arg7 : memref<4096xf32, #tpu.memory_space<vmem>>) target(%dma_start3A_347 : memref<4096xf32, #tpu.memory_space<hbm>>) target_semaphore(%arg10 : memref<!tpu.dma_semaphore, #tpu.memory_space<semaphore_mem>>)
    }
    %scan3A_39 = arith.constant 26 : i32
    %add3A_40 = arith.constant 25 : i32
    %add3A_41 = arith.addi %add3A_40, %select_n3A : i32
    %rem3A_42 = arith.constant 26 : i32
    %rem3A_43 = arith.remsi %add3A_41, %rem3A_42 : i32
    %dma_wait3A = arith.constant 0 : i32
    %dma_wait3A_44 = tpu.memref_slice %arg4[%rem3A_43, %add3A, %dma_wait3A] : memref<26x32x4096xf32, #tpu.memory_space<hbm>> -> memref<1x1x4096xf32, #tpu.memory_space<hbm>>
    %dma_wait3A_45 = tpu.memref_squeeze %dma_wait3A_44 : memref<1x1x4096xf32, #tpu.memory_space<hbm>> -> memref<4096xf32, #tpu.memory_space<hbm>>
    %dma_wait3A_46 = arith.constant 0 : i32
    %dma_wait3A_47 = tpu.memref_slice %arg4[%rem3A_43, %add3A, %dma_wait3A_46] : memref<26x32x4096xf32, #tpu.memory_space<hbm>> -> memref<1x1x4096xf32, #tpu.memory_space<hbm>>
    %dma_wait3A_48 = tpu.memref_squeeze %dma_wait3A_47 : memref<1x1x4096xf32, #tpu.memory_space<hbm>> -> memref<4096xf32, #tpu.memory_space<hbm>>
    tpu.wait_dma2 semaphore(%arg10 : memref<!tpu.dma_semaphore, #tpu.memory_space<semaphore_mem>>) src(%dma_wait3A_48 : memref<4096xf32, #tpu.memory_space<hbm>>) dst(%arg7 : memref<4096xf32, #tpu.memory_space<vmem>>)
    return
  }
}

</mosaic_0001>

<sc_bundles>
// kernel: kernel.3.cloned.1.call-start
scs
__scs_entry_jumppad:
0x0: {  	(pc) =	sbr.rel $0x88, $3  }
0x1: {  	(tag) =	ssettag $0x0;
	lr =	simm.s32 $0x1  }
0x2: {  	[smem:$0x3F9F] =	sst lr;
	_ =	strace $0xD0000000  }
0x3: {  	_ = 	snop  }
0x4: {  	_ = 	snop  }
0x5: {  	_ = 	snop  }
0x6: {  	_ = 	snop  }
0x7: {  	_ = 	snop  }
__scs_overlays_trampoline_lowered:
0x8: {  	[smem:$0x3FAE] =	sst s0  }
0x9: {  	[smem:$0x3FAF] =	sst s1  }
0xa: {  	[smem:$0x3FB0] =	sst s2  }
0xb: {  	[smem:$0x3FB1] =	sst s3  }
0xc: {  	[smem:$0x3FB2] =	sst s4  }
0xd: {  	[smem:$0x3FB3] =	sst s5  }
0xe: {  	[smem:$0x3FB4] =	sst s6  }
0xf: {  	[smem:$0x3FB5] =	sst s7  }
0x10: {  	[smem:$0x3FB6] =	sst s8  }
0x11: {  	[smem:$0x3FB7] =	sst s9;
	s0 =	simm.s32 @!p0 $0x0  }
0x12: {  	s1 =	sld [smem:$0x3F9D];
	s0 =	simm.s32 @p0 $0x1  }
0x13: {  	[smem:$0x3FB8] =	sst s0;
	s0 =	simm.s32 @!p1 $0x0  }
0x14: {  	s2 =	sld [smem:$0x3F9C];
	s0 =	simm.s32 @p1 $0x1  }
0x15: {  	[smem:$0x3FB9] =	sst s0;
	s0 =	simm.s32 @!p2 $0x0  }
0x16: {  	s3 =	sld [smem:$0x3FDB];
	s0 =	simm.s32 @p2 $0x1  }
0x17: {  	s4 =	simm.s32 $0x1BF5;
	[smem:$0x3FBB] =	sst s0  }
0x18: {  	s0 =	sld [smem:$0x3F9E];
	_ =	swait.ge [sflag:s4], $0x0  }
0x19: {  	s7 =	sld [smem:$0x3F9F]  }
0x1a: {  	s8 =	sadd.s32 $0xFFFFE003, lr  }
0x1b: {  	s9 =	sadd.s32 $0xFFFFFEF7, lr;
	s5 =	simm.s32 $0xFFFFFFFF;
	p2 =	slt.u32 s8, $0xFFFFF086  }
0x1c: {  	p1 =	slt.u32 s9, $0xF7A;
	s5 =	simm.s32 @!p2 $0x0  }
0x1d: {  	s5 =	simm.s32 @p1 $0x1;
	p0 =	seq.s32 s7, s2  }
0x1e: {  	s7 =	smul.u32 @!p0 $0xF7A, s2;
	p2 =	seq.s32 @!p0 s5, $0x0  }
0x1f: {  	s9 =	smul.u32 $0xF7A, s1;
	s8 =	simm.s32 @!p0 $0x1BF5;
	p2 =	por !p2, p0  }
0x20: {  	[sflag:s8] =	ssyncset.s32 @!p0 $0xFFFFF086;
	s6 =	sadd.s32 @!p0 s3, s7;
	s7 =	simm.s32 @!p0 $0x108  }
0x21: {  	s3 =	sadd.s32 s3, s9;
	s6 =	sadd.s32 @!p0 $0x88, s6;
	s7 =	simm.s32 @p2 $0x1082  }
0x22: {  	[simem:s7], [sflag:s8] =	dma.local @!p0 [hbm:s6], $0xF7A  }
0x23: {  	s9 =	sor.u32 $0xD0000000, s2;
	s6 =	simm.s32 $0x108;
	_ =	swait.ge @!p0 [sflag:s8], $0x0  }
0x24: {  	s3 =	sadd.s32 $0x88, s3;
	s6 =	simm.s32 @!p1 $0x1082;
	[sflag:s4] =	ssyncset.s32 $0xFFFFF086  }
0x25: {  	[simem:s6], [sflag:s4] =	dma.local [hbm:s3], $0xF7A  }
0x26: {  	[smem:$0x3F9F] =	sst s1;
	(tag) =	ssettag s2;
	_ =	strace s9  }
0x27: {  	s1 =	sld [smem:$0x3FAF]  }
0x28: {  	s2 =	sld [smem:$0x3FB0]  }
0x29: {  	s4 =	sld [smem:$0x3FB2]  }
0x2a: {  	p0 =	seq.s32 s5, $0x0;
	s5 =	sld [smem:$0x3FB3]  }
0x2b: {  	s6 =	sld [smem:$0x3FB4]  }
0x2c: {  	s7 =	sld [smem:$0x3FB5]  }
0x2d: {  	s3 =	simm.s32 $0x108;
	s8 =	sld [smem:$0x3FB6]  }
0x2e: {  	s3 =	simm.s32 @!p0 $0x1082;
	s9 =	sld [smem:$0x3FB7]  }
0x2f: {  	lr =	sadd.s32 s0, s3;
	s0 =	sld [smem:$0x3FAE]  }
0x30: {  	s3 =	sld [smem:$0x3FB1]  }
0x31: {  	[smem:$0x3FBA] =	sst s10  }
0x32: {  	s10 =	sld [smem:$0x3FB8];
	_ =	sdelay $0x3  }
0x33: {  	p0 =	seq.s32 s10, $0x1;
	s10 =	sld [smem:$0x3FBA];
	_ =	sdelay $0x3  }
0x34: {  	[smem:$0x3FBA] =	sst s10  }
0x35: {  	s10 =	sld [smem:$0x3FB9];
	_ =	sdelay $0x3  }
0x36: {  	p1 =	seq.s32 s10, $0x1;
	s10 =	sld [smem:$0x3FBA];
	_ =	sdelay $0x3  }
0x37: {  	[smem:$0x3FBA] =	sst s10  }
0x38: {  	s10 =	sld [smem:$0x3FBB]  }
0x39: {  	_ = 	snop;
	(pc) =	sbr.ind lr, $3  }
0x3a: {  	_ = 	snop  }
0x3b: {  	_ = 	snop  }
0x3c: {  	p2 =	seq.s32 s10, $0x1;
	s10 =	sld [smem:$0x3FBA]  }
0x3d: {  	_ =	shalt  }
0x3e: {  	_ =	shalt  }
0x3f: {  	_ =	shalt  }
0x40: {  	_ =	shalt  }
0x41: {  	_ =	shalt  }
0x42: {  	_ =	shalt  }
0x43: {  	_ =	shalt  }
0x44: {  	_ =	shalt  }
0x45: {  	_ =	shalt  }
0x46: {  	_ =	shalt  }
0x47: {  	_ =	shalt  }
0x48: {  	_ =	shalt  }
0x49: {  	_ =	shalt  }
0x4a: {  	_ =	shalt  }
0x4b: {  	_ =	shalt  }
0x4c: {  	_ =	shalt  }
0x4d: {  	_ =	shalt  }
0x4e: {  	_ =	shalt  }
0x4f: {  	_ =	shalt  }
0x50: {  	_ =	shalt  }
0x51: {  	_ =	shalt  }
0x52: {  	_ =	shalt  }
0x53: {  	_ =	shalt  }
0x54: {  	_ =	shalt  }
0x55: {  	_ =	shalt  }
0x56: {  	_ =	shalt  }
0x57: {  	_ =	shalt  }
0x58: {  	_ =	shalt  }
0x59: {  	_ =	shalt  }
0x5a: {  	_ =	shalt  }
0x5b: {  	_ =	shalt  }
0x5c: {  	_ =	shalt  }
0x5d: {  	_ =	shalt  }
0x5e: {  	_ =	shalt  }
0x5f: {  	_ =	shalt  }
0x60: {  	_ =	shalt  }
0x61: {  	_ =	shalt  }
0x62: {  	_ =	shalt  }
0x63: {  	_ =	shalt  }
0x64: {  	_ =	shalt  }
0x65: {  	_ =	shalt  }
0x66: {  	_ =	shalt  }
0x67: {  	_ =	shalt  }
0x68: {  	_ =	shalt  }
0x69: {  	_ =	shalt  }
0x6a: {  	_ =	shalt  }
0x6b: {  	_ =	shalt  }
0x6c: {  	_ =	shalt  }
0x6d: {  	_ =	shalt  }
0x6e: {  	_ =	shalt  }
0x6f: {  	_ =	shalt  }
0x70: {  	_ =	shalt  }
0x71: {  	_ =	shalt  }
0x72: {  	_ =	shalt  }
0x73: {  	_ =	shalt  }
0x74: {  	_ =	shalt  }
0x75: {  	_ =	shalt  }
0x76: {  	_ =	shalt  }
0x77: {  	_ =	shalt  }
0x78: {  	_ =	shalt  }
0x79: {  	_ =	shalt  }
0x7a: {  	_ =	shalt  }
0x7b: {  	_ =	shalt  }
0x7c: {  	_ =	shalt  }
0x7d: {  	_ =	shalt  }
0x7e: {  	_ =	shalt  }
0x7f: {  	_ =	shalt  }
0x80: {  	_ =	shalt  }
0x81: {  	_ =	shalt  }
0x82: {  	_ =	shalt  }
0x83: {  	_ =	shalt  }
0x84: {  	_ =	shalt  }
0x85: {  	_ =	shalt  }
0x86: {  	_ =	shalt  }
0x87: {  	_ =	shalt  }
.Lfunc_end0:
.L_simem_size_0:
called_computation_lowered:
.L_overlay_start_0:
0x88: {  	s2 =	sld [smem:$0x3FD9]  }
0x89: {  	s3 =	sld [smem:$0x3FFE];
	_ =	sdelay $0x1  }
0x8a: {  	s1 =	srdreg.scid  }
0x8b: {  	s0 =	sand.u32 $0x1, s1  }
0x8c: {  	s18 =	sshll.u32 s0, $0xA;
	s2 =	sadd.s32 s3, s2  }
0x8d: {  	s2 =	sadd.s32 s2, s18  }
0x8e: {  	[smem:$0x3FC6] =	sst s2  }
0x8f: {  	_ = 	snop  }
0x90: {  	s2 =	sld [smem:$0x3FC9]  }
0x91: {  	s19 =	sld [smem:$0x3FC8]  }
0x92: {  	s4 =	sld [smem:$0x3FD0];
	(tm) =	ssettm $0x1  }
0x93: {  	s5 =	sld [smem:$0x3FFB];
	_ =	sdelay $0x3  }
0x94: {  	_ =	strace s5  }
0x95: {  	s5 =	sld [smem:$0x3FFC];
	_ =	sdelay $0x3  }
0x96: {  	_ =	strace s5  }
0x97: {  	s5 =	sld [smem:$0x3FFD];
	_ =	sdelay $0x3  }
0x98: {  	_ =	strace s5  }
0x99: {  	_ =	strace $0x8FFFFFFF  }
0x9a: {  	s20 =	sld [smem:$0x3FDB];
	_ =	sdelay $0x1  }
0x9b: {  	s6 =	simm.s32 $_scs_section_size  }
0x9c: {  	s7 =	simm.s32 $_size__tile_overlayer_lowered;
	s8 =	simm.s32 $_tile_overlayer_lowered  }
0x9d: {  	s23 =	simm.s32 $0x1BFF;
	s22 =	sshll.u32 s8, $0x1;
	s5 =	sadd.s32 s6, s20  }
0x9e: {  	s9 =	simm.s32 $0x0;
	s21 =	sshll.u32 s7, $0x1;
	s7 =	sadd.s32 s22, s5  }
0x9f: {  	[timem:s9], [sflag:s23] =	dma.local [hbm:s7], s21  }
0xa0: {  	_ =	swait.ge [sflag:s23], s21  }
0xa1: {  	s6 =	ssub.s32 $0x0, s21;
	[sflag:s23] =	ssyncset.done $0x0  }
0xa2: {  	[sflag:s23] =	ssyncadd.s32 s6;
	_ =	sdelay $0x1  }
0xa3: {  	s24 =	simm.s32 $0x1B8B  }
0xa4: {  	_ =	swait.ge [sflag:s24], $0x1  }
0xa5: {  	[sflag:s24] =	ssyncset.done $0x0  }
0xa6: {  	s25 =	simm.s32 $0x1B8E;
	[sflag:s24] =	ssyncadd.s32 $0xFFFFFFFF  }
0xa7: {  	s26 =	simm.s32 $execute0_lowered;
	[smem:$0x3FD2] =	sst s25  }
0xa8: {  	s6 =	sshll.u32 s26, $0x1;
	_ =	strace $0x80000046;
	[dreg:$0x1] =	wrdreg $0xFFFFFFFF  }
0xa9: {  	s28 =	simm.s32 $_size_execute0_lowered;
	s5 =	sadd.s32 s5, s6;
	[dreg:$0x0] =	wrdreg $0x0  }
0xaa: {  	s6 =	sshll.u32 s28, $0x1;
	[dreg:$0x2] =	wrdreg s5  }
0xab: {  	[dreg:$0x3] =	wrdreg s6  }
0xac: {  	[dreg:$0x4] =	wrdreg $0xC0  }
0xad: {  	_ =	task [dreg:s9], $0x5FFFF  }
0xae: {  	[dreg:$0x1] =	wrdreg $0xFFFFFFFF  }
0xaf: {  	[dreg:$0x0] =	wrdreg $0x60  }
0xb0: {  	[dreg:$0x2] =	wrdreg s2  }
0xb1: {  	[dreg:$0x3] =	wrdreg s19  }
0xb2: {  	[dreg:$0x4] =	wrdreg s4  }
0xb3: {  	[dreg:$0x5] =	wrdreg $0x9  }
0xb4: {  	_ =	task.clear_ibuf [dreg:s9], $0x6FFFF;
	_ =	strace $0x90000046  }
0xb5: {  	s29 =	simm.s32 $0x9;
	_ =	strace $0x80000048  }
0xb6: {  	_ =	swait.ge [sflag:s29], $0x1  }
0xb7: {  	[sflag:s29] =	ssyncadd.s32 $0xFFFFFFFF  }
0xb8: {  	_ =	strace $0x90000048  }
0xb9: {  	_ =	sfence  }
0xba: {  	s30 =	sld [smem:$0x0];
	_ =	sdelay $0x2  }
0xbb: {  	s31 =	sshll.u32 s1, $0xD;
	s1 =	sshrl.u32 s1, $0x2  }
0xbc: {  	s3 =	sand.u32 $0x4000, s31;
	s1 =	sadd.s32 s1, s30  }
0xbd: {  	s0 =	sor.u32 s3, s0;
	s1 =	sshll.u32 s1, $0x11  }
0xbe: {  	s0 =	sor.u32 s1, s0  }
0xbf: {  	s0 =	sadd.s32 $0x8F2B, s0  }
0xc0: {  	[sflag:s0] =	ssyncadd.remote.s32 $0x1  }
0xc1: {  	_ =	sfence.sel $0xFFFF  }
0xc2: {  	[dreg:$0x0] =	wrdreg $0xFFFFFFFF;
	(pc) =	sbr.abs _section_cstart, $3  }
0xc3: {  	[dreg:$0x1] =	wrdreg $0xFFFFFFFF  }
0xc4: {  	_ =	task.clear_ibuf [dreg:s9], $0x2FFFF;
	_ =	strace $0x9FFFFFFF  }
0xc5: {  	(tm) =	ssettm $0x7FFFFFFF  }
tec
execute0_lowered:
.L_overlay_start_1:
0x0: {  	(tag) =	ssettag $0x1  }
0x1: {  	s0 =	srdreg.scid;
	s3 =	stileid.u32  }
0x2: {  	s0 =	sand.u32 $0x1, s0;
	s1 =	sshll.u32 s3, $0x1  }
0x3: {  	s1 =	sor.u32 s0, s1  }
0x4: {  	s6 =	rddreg [dreg:$0x0];
	s2 =	smul.u32 $0x1A, s1  }
0x5: {  	s4 =	simm.s32 $0x0;
	s19 =	simm.s32 $0x1000;
	s20 =	simm.s32 $0x8000  }
0x6: {  	[smem:$0x7FF] =	sst s4;
	s1 =	sshll.u32 s1, $0x7;
	s2 =	sshrl.u32 s2, $0x5  }
0x7: {  	s7 =	simm.s32 $0x400;
	s1 =	sand.u32 $0x380, s1;
	[dreg:$0x4] =	wrdreg s2  }
0x8: {  	s22 =	sadd.s32 $0x200, s6;
	_ =	strace $0x80000047;
	[dreg:$0x5] =	wrdreg s1  }
0x9: {  	s28 =	simm.s32 $0x2;
	s23 =	sadd.s32 $0x400, s6;
	[dreg:$0x8] =	wrdreg s22  }
0xa: {  	s3 =	sshrl.u32 s3, $0x2;
	s24 =	sadd.s32 $0x600, s6;
	[dreg:$0x9] =	wrdreg s23  }
0xb: {  	s25 =	sadd.s32 $0x800, s6;
	s26 =	sadd.s32 $0xA00, s6;
	[dreg:$0xa] =	wrdreg s24  }
0xc: {  	s29 =	sadd.s32 $0xC00, s6;
	s30 =	sadd.s32 $0xE00, s6;
	[dreg:$0xb] =	wrdreg s25  }
0xd: {  	s4 =	simm.s32 $0x80;
	s0 =	ssub.s32 $0x2, s0;
	[dreg:$0xc] =	wrdreg s26  }
0xe: {  	s21 =	smul.u32 $0xC3800, s3;
	s5 =	sshrl.u32 s0, $0x1;
	[dreg:$0xd] =	wrdreg s29  }
0xf: {  	s31 =	sshll.u32 s3, $0xF;
	s0 =	ssub.s32 s0, s5;
	[dreg:$0xe] =	wrdreg s30  }
0x10: {  	s0 =	smax.u32 s0, $0x1;
	s2 =	smul.u32 $0x3000, s2;
	[dreg:$0xf] =	wrdreg s31  }
0x11: {  	s1 =	sor.u32 s1, s21;
	[dreg:$0x10] =	wrdreg s0;
	s23 =	simm.s32 $0x6000  }
0x12: {  	s25 =	simm.s32 $0x3000;
	s2 =	sadd.s32 s6, s2;
	[dreg:$0x7] =	wrdreg s1  }
0x13: {  	s26 =	simm.s32 $0x1;
	[dreg:$0x6] =	wrdreg s2;
	s2 =	simm.s32 $0x0  }
.LBB2_1:
0x14: {  	s0 =	simm.s32 $0x0;
	s1 =	rddreg [dreg:$0x6]  }
0x15: {  	[tilespmem:s0], [sflag:$0x1] =	stream.strided.gather [hbm4b:s1+s19], $0x3000, s20, s19, $0x38;
	[tilespmem:$0x1F700] =	vst v63  }
0x16: {  	[dreg:$0x11] =	wrdreg s2;
	s0 =	simm.s32 $0x0  }
.LBB2_2:
0x17: {  	s6 =	rddreg [dreg:$0x4]  }
0x18: {  	s1 =	sadd.s32 s6, s0  }
0x19: {  	s2 =	smulhi.u32 $0x4EC4EC4F, s1;
	_ =	sdelay $0x1  }
0x1a: {  	s2 =	sshrl.u32 s2, $0x3  }
0x1b: {  	s2 =	smul.u32 $0x1A, s2;
	_ =	sdelay $0x1  }
0x1c: {  	s1 =	ssub.s32 s1, s2  }
0x1d: {  	s2 =	smul.u32 $0x30E000, s1  }
0x1e: {  	s3 =	rddreg [dreg:$0x7]  }
0x1f: {  	s2 =	sadd.s32 s3, s2  }
0x20: {  	s12 =	rddreg [dreg:$0x1];
	s2 =	sshrl.u32 s2, $0x3  }
0x21: {  	s13 =	simm.s32 $0x4;
	s2 =	sadd.s32 s12, s2  }
0x22: {  	[tilespmem:s23], [sflag:$0x4] =	stream.strided.gather [hbm4b:s2+s4], $0x18700, s7, s4, $0x38;
	[tilespmem:$0x1F700] =	vst v63  }
0x23: {  	_ =	swait.ge [sflag:s13], $0x18700  }
0x24: {  	p0 =	seq.s32 s0, $0x0;
	[sflag:s13] =	ssyncset.done $0x0  }
0x25: {  	s2 =	simm.s32 @!p0 $0x3;
	[sflag:s13] =	ssyncadd.s32 $0xFFFE7900  }
0x26: {  	s18 =	smul.u32 $0x3000, s1;
	_ =	swait.ge @!p0 [sflag:s2], $0x1000  }
0x27: {  	[sflag:s2] =	ssyncset.done @!p0 $0x0;
	s14 =	rddreg [dreg:$0x8]  }
0x28: {  	[sflag:s2] =	ssyncadd.s32 @!p0 $0xFFFFF000;
	s2 =	sadd.s32 s18, s14  }
0x29: {  	[tilespmem:s25], [sflag:$0x2] =	stream.strided.gather [hbm4b:s2+s19], $0x3000, s20, s19, $0x38;
	[tilespmem:$0x1F700] =	vst v63  }
0x2a: {  	s15 =	simm.s32 $0x20;
	s16 =	simm.s32 $0x100;
	_ =	swait.ge [sflag:s26], $0x3000  }
0x2b: {  	s3 =	sand.u32 $0x1C00, s16;
	s2 =	sand.u32 $0x70, s15;
	[sflag:s26] =	ssyncset.done $0x0  }
0x2c: {  	s2 =	sor.u32 s2, s3;
	[sflag:s26] =	ssyncadd.s32 $0xFFFFD000  }
0x2d: {  	v0 =	vld [tilespmem:s2+$0x2000]  }
0x2e: {  	v1 =	vld [tilespmem:s2+$0x2080]  }
0x2f: {  	v2 =	vld [tilespmem:s2+$0x2100]  }
0x30: {  	v3 =	vld [tilespmem:s2+$0x2180]  }
0x31: {  	v4 =	vld [tilespmem:s2+$0x1200]  }
0x32: {  	v5 =	vld [tilespmem:s2+$0x1280]  }
0x33: {  	v6 =	vld [tilespmem:s2+$0x1300]  }
0x34: {  	v7 =	vld [tilespmem:s2+$0x1380]  }
0x35: {  	v8 =	vld [tilespmem:s2+$0x1000]  }
0x36: {  	v9 =	vld [tilespmem:s2+$0x1080]  }
0x37: {  	v10 =	vld [tilespmem:s2+$0x1100]  }
0x38: {  	v11 =	vld [tilespmem:s2+$0x1180]  }
0x39: {  	v12 =	vld [tilespmem:s2+$0x0]  }
0x3a: {  	v13 =	vld [tilespmem:s2+$0x80]  }
0x3b: {  	v14 =	vld [tilespmem:s2+$0x100]  }
0x3c: {  	v15 =	vld [tilespmem:s2+$0x180]  }
0x3d: {  	v16 =	vld [tilespmem:s2+$0x200]  }
0x3e: {  	v17 =	vld [tilespmem:s2+$0x280]  }
0x3f: {  	s17 =	simm.s32 $0x10;
	s21 =	simm.s32 $0x80;
	v18 =	vld [tilespmem:s2+$0x300]  }
0x40: {  	s3 =	sand.u32 $0x1C00, s21;
	v19 =	vld [tilespmem:s2+$0x380];
	s2 =	sand.u32 $0x70, s17  }
0x41: {  	s2 =	sor.u32 s2, s3  }
0x42: {  	v22 =	vld [tilespmem:s2+$0x100]  }
0x43: {  	v23 =	vld [tilespmem:s2+$0x180]  }
0x44: {  	v24 =	vld [tilespmem:s2+$0x200]  }
0x45: {  	s30 =	simm.s32 $0x0;
	v25 =	vld [tilespmem:s2+$0x280]  }
0x46: {  	s22 =	sand.u32 $0x70, s30;
	s24 =	sand.u32 $0xC00, s30;
	v26 =	vld [tilespmem:s2+$0x300]  }
0x47: {  	s3 =	sor.u32 s22, s24;
	v27 =	vld [tilespmem:s2+$0x380]  }
0x48: {  	v28 =	vld [tilespmem:s3+$0x0]  }
0x49: {  	v29 =	vld [tilespmem:s3+$0x80]  }
0x4a: {  	v30 =	vld [tilespmem:s3+$0x100]  }
0x4b: {  	v31 =	vld [tilespmem:s3+$0x180]  }
0x4c: {  	v32 =	vld [tilespmem:s3+$0x200]  }
0x4d: {  	v33 =	vld [tilespmem:s3+$0x280]  }
0x4e: {  	v34 =	vld [tilespmem:s3+$0x300]  }
0x4f: {  	v35 =	vld [tilespmem:s3+$0x380]  }
0x50: {  	v36 =	vld [tilespmem:s2+$0x1000]  }
0x51: {  	v37 =	vld [tilespmem:s2+$0x1080]  }
0x52: {  	v38 =	vld [tilespmem:s2+$0x1100]  }
0x53: {  	v39 =	vld [tilespmem:s2+$0x1180]  }
0x54: {  	v40 =	vld [tilespmem:s3+$0x1000]  }
0x55: {  	v41 =	vld [tilespmem:s3+$0x1080]  }
0x56: {  	v42 =	vld [tilespmem:s3+$0x1100]  }
0x57: {  	v43 =	vld [tilespmem:s3+$0x1180]  }
0x58: {  	v44 =	vld [tilespmem:s2+$0x1200]  }
0x59: {  	v45 =	vld [tilespmem:s2+$0x1280]  }
0x5a: {  	v46 =	vld [tilespmem:s2+$0x1300]  }
0x5b: {  	v47 =	vld [tilespmem:s2+$0x1380]  }
0x5c: {  	v48 =	vld [tilespmem:s3+$0x1200]  }
0x5d: {  	v49 =	vld [tilespmem:s3+$0x1280]  }
0x5e: {  	v50 =	vld [tilespmem:s3+$0x1300]  }
0x5f: {  	v51 =	vld [tilespmem:s3+$0x1380]  }
0x60: {  	v53 =	vld [tilespmem:s2+$0x2000]  }
0x61: {  	v54 =	vld [tilespmem:s2+$0x2080]  }
0x62: {  	v55 =	vld [tilespmem:s2+$0x2100]  }
0x63: {  	v56 =	vld [tilespmem:s2+$0x2180]  }
0x64: {  	v57 =	vld [tilespmem:s3+$0x2000]  }
0x65: {  	v20 =	vld.idx.msk [tilespmem:v0+s23+$0x0], $0xffff  }
0x66: {  	v21 =	vld.idx.msk [tilespmem:v1+s23+$0x0], $0xffff  }
0x67: {  	v4 =	vld.idx.msk [tilespmem:v4+s23+$0x0], $0xffff  }
0x68: {  	v5 =	vld.idx.msk [tilespmem:v5+s23+$0x0], $0xffff  }
0x69: {  	v8 =	vld.idx.msk [tilespmem:v8+s23+$0x0], $0xffff  }
0x6a: {  	v9 =	vld.idx.msk [tilespmem:v9+s23+$0x0], $0xffff  }
0x6b: {  	v0 =	vld.idx.msk [tilespmem:v12+s23+$0x0], $0xffff  }
0x6c: {  	v1 =	vld.idx.msk [tilespmem:v13+s23+$0x0], $0xffff  }
0x6d: {  	v12 =	vld.idx.msk [tilespmem:v14+s23+$0x0], $0xffff  }
0x6e: {  	v13 =	vld.idx.msk [tilespmem:v15+s23+$0x0], $0xffff  }
0x6f: {  	v14 =	vld.idx.msk [tilespmem:v16+s23+$0x0], $0xffff  }
0x70: {  	v15 =	vld.idx.msk [tilespmem:v17+s23+$0x0], $0xffff  }
0x71: {  	v16 =	vld.idx.msk [tilespmem:v18+s23+$0x0], $0xffff  }
0x72: {  	v17 =	vld.idx.msk [tilespmem:v19+s23+$0x0], $0xffff  }
0x73: {  	v10 =	vld.idx.msk [tilespmem:v10+s23+$0x0], $0xffff  }
0x74: {  	v11 =	vld.idx.msk [tilespmem:v11+s23+$0x0], $0xffff  }
0x75: {  	v6 =	vld.idx.msk [tilespmem:v6+s23+$0x0], $0xffff  }
0x76: {  	v7 =	vld.idx.msk [tilespmem:v7+s23+$0x0], $0xffff  }
0x77: {  	v18 =	vld.idx.msk [tilespmem:v2+s23+$0x0], $0xffff  }
0x78: {  	v3 =	vld.idx.msk [tilespmem:v3+s23+$0x0], $0xffff  }
0x79: {  	v2 =	vld [tilespmem:s2+$0x0]  }
0x7a: {  	v19 =	vld [tilespmem:s2+$0x80]  }
0x7b: {  	v22 =	vld.idx.msk [tilespmem:v22+s23+$0x0], $0xffff  }
0x7c: {  	v23 =	vld.idx.msk [tilespmem:v23+s23+$0x0], $0xffff  }
0x7d: {  	v24 =	vld.idx.msk [tilespmem:v24+s23+$0x0], $0xffff  }
0x7e: {  	v25 =	vld.idx.msk [tilespmem:v25+s23+$0x0], $0xffff  }
0x7f: {  	v26 =	vld.idx.msk [tilespmem:v26+s23+$0x0], $0xffff  }
0x80: {  	v27 =	vld.idx.msk [tilespmem:v27+s23+$0x0], $0xffff  }
0x81: {  	v28 =	vld.idx.msk [tilespmem:v28+s23+$0x0], $0xffff  }
0x82: {  	v29 =	vld.idx.msk [tilespmem:v29+s23+$0x0], $0xffff  }
0x83: {  	v30 =	vld.idx.msk [tilespmem:v30+s23+$0x0], $0xffff  }
0x84: {  	v31 =	vld.idx.msk [tilespmem:v31+s23+$0x0], $0xffff  }
0x85: {  	v32 =	vld.idx.msk [tilespmem:v32+s23+$0x0], $0xffff  }
0x86: {  	v33 =	vld.idx.msk [tilespmem:v33+s23+$0x0], $0xffff  }
0x87: {  	v34 =	vld.idx.msk [tilespmem:v34+s23+$0x0], $0xffff  }
0x88: {  	v35 =	vld.idx.msk [tilespmem:v35+s23+$0x0], $0xffff  }
0x89: {  	v58 =	vld.idx.msk [tilespmem:v48+s23+$0x0], $0xffff  }
0x8a: {  	v60 =	vld.idx.msk [tilespmem:v49+s23+$0x0], $0xffff  }
0x8b: {  	v62 =	vld.idx.msk [tilespmem:v50+s23+$0x0], $0xffff  }
0x8c: {  	v15 =	vadd.f32 v15, v1;
	v1 =	vld [tilespmem:s3+$0x2100]  }
0x8d: {  	v14 =	vadd.f32 v14, v0;
	v0 =	vld [tilespmem:s3+$0x2180]  }
0x8e: {  	v13 =	vadd.f32 v17, v13;
	v17 =	vld.idx.msk [tilespmem:v46+s23+$0x0], $0xffff  }
0x8f: {  	v12 =	vadd.f32 v16, v12;
	v46 =	vld.idx.msk [tilespmem:v47+s23+$0x0], $0xffff  }
0x90: {  	v8 =	vadd.f32 v8, v14;
	v9 =	vadd.f32 v9, v15;
	v14 =	vld.idx.msk [tilespmem:v36+s23+$0x0], $0xffff  }
0x91: {  	v10 =	vadd.f32 v10, v12;
	v11 =	vadd.f32 v11, v13;
	v12 =	vld.idx.msk [tilespmem:v37+s23+$0x0], $0xffff  }
0x92: {  	v15 =	vadd.f32 v26, v22;
	v47 =	vadd.f32 v33, v29;
	v52 =	vld.idx.msk [tilespmem:v2+s23+$0x0], $0xffff  }
0x93: {  	v19 =	vld.idx.msk [tilespmem:v19+s23+$0x0], $0xffff;
	v4 =	vadd.f32 v4, v8;
	v5 =	vadd.f32 v5, v9  }
0x94: {  	v8 =	vld.idx.msk [tilespmem:v38+s23+$0x0], $0xffff;
	v6 =	vadd.f32 v6, v10;
	v7 =	vadd.f32 v7, v11  }
0x95: {  	v9 =	vld.idx.msk [tilespmem:v39+s23+$0x0], $0xffff;
	v4 =	vadd.f32 v20, v4;
	v5 =	vadd.f32 v21, v5  }
0x96: {  	v2 =	vld [tilespmem:s3+$0x2080];
	v6 =	vadd.f32 v18, v6;
	v3 =	vadd.f32 v3, v7  }
0x97: {  	v59 =	vadd.f32 v35, v31;
	v10 =	vld.idx.msk [tilespmem:v40+s23+$0x0], $0xffff;
	v18 =	vadd.f32 v27, v23  }
0x98: {  	v7 =	vld.idx.msk [tilespmem:v41+s23+$0x0], $0xffff;
	v4 =	vadd.f32 v5, v4;
	v3 =	vadd.f32 v3, v6  }
0x99: {  	v11 =	vld.idx.msk [tilespmem:v42+s23+$0x0], $0xffff;
	v13 =	vadd.f32 v25, v19;
	v19 =	vadd.f32 v32, v28  }
0x9a: {  	v5 =	vld.idx.msk [tilespmem:v43+s23+$0x0], $0xffff;
	v8 =	vadd.f32 v8, v15;
	v15 =	vadd.f32 v9, v18  }
0x9b: {  	s5 =	sadd.s32 $0x1, s0;
	v6 =	vld.idx.msk [tilespmem:v44+s23+$0x0], $0xffff;
	v16 =	vadd.f32 v3, v4;
	v3 =	vadd.f32 v24, v52  }
0x9c: {  	s29 =	sadd.s32 s6, s5;
	v4 =	vld.idx.msk [tilespmem:v45+s23+$0x0], $0xffff;
	v52 =	vadd.f32 v34, v30;
	v61 =	vadd.f32 v12, v13  }
0x9d: {  	s31 =	smulhi.u32 $0x4EC4EC4F, s29;
	v18 =	vadd.f32 v10, v19;
	v12 =	vld.idx.msk [tilespmem:v51+s23+$0x0], $0xffff;
	v19 =	vadd.f32 v7, v47  }
0x9e: {  	v13 =	vld.idx.msk [tilespmem:v53+s23+$0x0], $0xffff;
	v3 =	vadd.f32 v14, v3;
	v63 =	vadd.f32 v11, v52  }
0x9f: {  	s3 =	sshrl.u32 s31, $0x3;
	v10 =	vld.idx.msk [tilespmem:v55+s23+$0x0], $0xffff;
	v11 =	vadd.f32 v5, v59;
	v5 =	vadd.f32 v46, v15  }
0xa0: {  	s2 =	simm.s32 $0x1E720;
	s3 =	smul.u32 $0x1A, s3;
	v14 =	vld.idx.msk [tilespmem:v54+s23+$0x0], $0xffff;
	v9 =	vadd.f32 v6, v3;
	v3 =	vadd.f32 v17, v8  }
0xa1: {  	s4 =	simm.s32 $0x180;
	[tilespmem:s2+$0x0] =	vst v16;
	v16 =	vld.idx.msk [tilespmem:v57+s23+$0x0], $0xffff;
	v8 =	vadd.f32 v60, v19;
	v6 =	vadd.f32 v62, v63  }
0xa2: {  	s7 =	simm.s32 $0x30;
	s8 =	ssub.s32 s29, s3;
	s3 =	simm.s32 $0x0;
	v15 =	vld.idx.msk [tilespmem:v56+s23+$0x0], $0xffff;
	v7 =	vadd.f32 v4, v61;
	v4 =	vadd.f32 v58, v18  }
.LBB2_3:
0xa3: {  	s9 =	sadd.s32 $0x10, s7;
	s10 =	sadd.s32 $0x20, s7;
	s11 =	sadd.s32 $0x100, s4;
	v11 =	vadd.f32 v12, v11;
	v2 =	vld.idx.msk [tilespmem:v2+s23+$0x0], $0xffff  }
0xa4: {  	s12 =	sadd.s32 $0x80, s4;
	v9 =	vadd.f32 v13, v9;
	s10 =	sand.u32 $0x70, s10;
	s11 =	sand.u32 $0x1C00, s11;
	v1 =	vld.idx.msk [tilespmem:v1+s23+$0x0], $0xffff  }
0xa5: {  	s9 =	sand.u32 $0x70, s9;
	s12 =	sand.u32 $0x1C00, s12;
	v7 =	vadd.f32 v14, v7;
	s11 =	sor.u32 s10, s11;
	v0 =	vld.idx.msk [tilespmem:v0+s23+$0x0], $0xffff  }
0xa6: {  	s13 =	sand.u32 $0x70, s7;
	s14 =	sand.u32 $0xC00, s4;
	s10 =	sor.u32 s9, s12;
	v3 =	vadd.f32 v10, v3;
	v12 =	vld [tilespmem:s11+$0x2000]  }
0xa7: {  	s9 =	sor.u32 s13, s14;
	v5 =	vadd.f32 v15, v5;
	v7 =	vadd.f32 v7, v9;
	v10 =	vld [tilespmem:s11+$0x2080]  }
0xa8: {  	v4 =	vadd.f32 v16, v4;
	v9 =	vld [tilespmem:s11+$0x2100]  }
0xa9: {  	v2 =	vadd.f32 v2, v8;
	v3 =	vadd.f32 v5, v3;
	v13 =	vld [tilespmem:s11+$0x2180]  }
0xaa: {  	v1 =	vadd.f32 v1, v6;
	v5 =	vld [tilespmem:s11+$0x1200]  }
0xab: {  	v0 =	vadd.f32 v0, v11;
	v2 =	vadd.f32 v2, v4;
	v6 =	vld [tilespmem:s11+$0x1280]  }
0xac: {  	v3 =	vadd.f32 v3, v7;
	v4 =	vld [tilespmem:s11+$0x1300]  }
0xad: {  	v0 =	vadd.f32 v0, v1;
	v7 =	vld [tilespmem:s11+$0x1380]  }
0xae: {  	v1 =	vld [tilespmem:s11+$0x1000];
	[tilespmem:s2+$0xFFFFFFF0] =	vst v3  }
0xaf: {  	v0 =	vadd.f32 v0, v2;
	v3 =	vld [tilespmem:s11+$0x1080]  }
0xb0: {  	v2 =	vld [tilespmem:s11+$0x1100]  }
0xb1: {  	v8 =	vld [tilespmem:s11+$0x1180];
	[tilespmem:s2+$0xFFFFFFE0] =	vst v0  }
0xb2: {  	v0 =	vld [tilespmem:s11+$0x0]  }
0xb3: {  	v11 =	vld [tilespmem:s11+$0x80]  }
0xb4: {  	v14 =	vld [tilespmem:s11+$0x100]  }
0xb5: {  	v15 =	vld [tilespmem:s11+$0x180]  }
0xb6: {  	v16 =	vld [tilespmem:s11+$0x200]  }
0xb7: {  	v17 =	vld [tilespmem:s11+$0x280]  }
0xb8: {  	v18 =	vld [tilespmem:s11+$0x300]  }
0xb9: {  	v19 =	vld [tilespmem:s11+$0x380]  }
0xba: {  	v12 =	vld.idx.msk [tilespmem:v12+s23+$0x0], $0xffff  }
0xbb: {  	v10 =	vld.idx.msk [tilespmem:v10+s23+$0x0], $0xffff  }
0xbc: {  	s3 =	sadd.s32 $0x3, s3;
	v5 =	vld.idx.msk [tilespmem:v5+s23+$0x0], $0xffff  }
0xbd: {  	p0 =	slt.u32 s3, $0x1B;
	v6 =	vld.idx.msk [tilespmem:v6+s23+$0x0], $0xffff  }
0xbe: {  	v1 =	vld.idx.msk [tilespmem:v1+s23+$0x0], $0xffff  }
0xbf: {  	v3 =	vld.idx.msk [tilespmem:v3+s23+$0x0], $0xffff  }
0xc0: {  	v0 =	vld.idx.msk [tilespmem:v0+s23+$0x0], $0xffff  }
0xc1: {  	v11 =	vld.idx.msk [tilespmem:v11+s23+$0x0], $0xffff  }
0xc2: {  	v14 =	vld.idx.msk [tilespmem:v14+s23+$0x0], $0xffff  }
0xc3: {  	v15 =	vld.idx.msk [tilespmem:v15+s23+$0x0], $0xffff  }
0xc4: {  	v16 =	vld.idx.msk [tilespmem:v16+s23+$0x0], $0xffff  }
0xc5: {  	v17 =	vld.idx.msk [tilespmem:v17+s23+$0x0], $0xffff  }
0xc6: {  	v18 =	vld.idx.msk [tilespmem:v18+s23+$0x0], $0xffff  }
0xc7: {  	v19 =	vld.idx.msk [tilespmem:v19+s23+$0x0], $0xffff  }
0xc8: {  	v2 =	vld.idx.msk [tilespmem:v2+s23+$0x0], $0xffff  }
0xc9: {  	v8 =	vld.idx.msk [tilespmem:v8+s23+$0x0], $0xffff  }
0xca: {  	v4 =	vld.idx.msk [tilespmem:v4+s23+$0x0], $0xffff  }
0xcb: {  	v7 =	vld.idx.msk [tilespmem:v7+s23+$0x0], $0xffff  }
0xcc: {  	v0 =	vadd.f32 v16, v0;
	v11 =	vadd.f32 v17, v11;
	v9 =	vld.idx.msk [tilespmem:v9+s23+$0x0], $0xffff  }
0xcd: {  	v14 =	vadd.f32 v18, v14;
	v15 =	vadd.f32 v19, v15;
	v13 =	vld.idx.msk [tilespmem:v13+s23+$0x0], $0xffff  }
0xce: {  	v0 =	vadd.f32 v1, v0;
	v1 =	vadd.f32 v3, v11;
	v16 =	vld [tilespmem:s10+$0x0]  }
0xcf: {  	v2 =	vadd.f32 v2, v14;
	v8 =	vadd.f32 v8, v15;
	v3 =	vld [tilespmem:s10+$0x80]  }
0xd0: {  	v0 =	vadd.f32 v5, v0;
	v1 =	vadd.f32 v6, v1;
	v11 =	vld [tilespmem:s10+$0x100]  }
0xd1: {  	v2 =	vadd.f32 v4, v2;
	v4 =	vadd.f32 v7, v8;
	v5 =	vld [tilespmem:s10+$0x180]  }
0xd2: {  	v0 =	vadd.f32 v12, v0;
	v1 =	vadd.f32 v10, v1;
	v6 =	vld [tilespmem:s10+$0x200]  }
0xd3: {  	v2 =	vadd.f32 v9, v2;
	v4 =	vadd.f32 v13, v4;
	v7 =	vld [tilespmem:s10+$0x280]  }
0xd4: {  	v8 =	vld [tilespmem:s10+$0x300]  }
0xd5: {  	v0 =	vadd.f32 v1, v0;
	v1 =	vadd.f32 v4, v2;
	v9 =	vld [tilespmem:s10+$0x380]  }
0xd6: {  	v2 =	vld [tilespmem:s9+$0x0]  }
0xd7: {  	v0 =	vadd.f32 v1, v0;
	v4 =	vld [tilespmem:s9+$0x80]  }
0xd8: {  	s2 =	sadd.s32 $0x30, s2;
	v1 =	vld [tilespmem:s9+$0x100]  }
0xd9: {  	v10 =	vld [tilespmem:s9+$0x180];
	[tilespmem:s2+$0x0] =	vst v0  }
0xda: {  	v0 =	vld [tilespmem:s9+$0x200]  }
0xdb: {  	v12 =	vld [tilespmem:s9+$0x280]  }
0xdc: {  	v13 =	vld [tilespmem:s9+$0x300]  }
0xdd: {  	v14 =	vld [tilespmem:s9+$0x380]  }
0xde: {  	v15 =	vld [tilespmem:s10+$0x1000]  }
0xdf: {  	v17 =	vld [tilespmem:s10+$0x1080]  }
0xe0: {  	v18 =	vld [tilespmem:s10+$0x1100]  }
0xe1: {  	v19 =	vld [tilespmem:s10+$0x1180]  }
0xe2: {  	v20 =	vld [tilespmem:s9+$0x1000]  }
0xe3: {  	v21 =	vld [tilespmem:s9+$0x1080]  }
0xe4: {  	v22 =	vld [tilespmem:s9+$0x1100]  }
0xe5: {  	v23 =	vld [tilespmem:s9+$0x1180]  }
0xe6: {  	v24 =	vld [tilespmem:s10+$0x1200]  }
0xe7: {  	v25 =	vld [tilespmem:s10+$0x1280]  }
0xe8: {  	v26 =	vld [tilespmem:s10+$0x1300]  }
0xe9: {  	v27 =	vld [tilespmem:s10+$0x1380]  }
0xea: {  	v28 =	vld [tilespmem:s9+$0x1200]  }
0xeb: {  	v29 =	vld [tilespmem:s9+$0x1280]  }
0xec: {  	v30 =	vld [tilespmem:s9+$0x1300]  }
0xed: {  	v31 =	vld [tilespmem:s9+$0x1380]  }
0xee: {  	v16 =	vld.idx.msk [tilespmem:v16+s23+$0x0], $0xffff  }
0xef: {  	v3 =	vld.idx.msk [tilespmem:v3+s23+$0x0], $0xffff  }
0xf0: {  	v11 =	vld.idx.msk [tilespmem:v11+s23+$0x0], $0xffff  }
0xf1: {  	v5 =	vld.idx.msk [tilespmem:v5+s23+$0x0], $0xffff  }
0xf2: {  	v6 =	vld.idx.msk [tilespmem:v6+s23+$0x0], $0xffff  }
0xf3: {  	v7 =	vld.idx.msk [tilespmem:v7+s23+$0x0], $0xffff  }
0xf4: {  	v8 =	vld.idx.msk [tilespmem:v8+s23+$0x0], $0xffff  }
0xf5: {  	v9 =	vld.idx.msk [tilespmem:v9+s23+$0x0], $0xffff  }
0xf6: {  	v2 =	vld.idx.msk [tilespmem:v2+s23+$0x0], $0xffff  }
0xf7: {  	v4 =	vld.idx.msk [tilespmem:v4+s23+$0x0], $0xffff  }
0xf8: {  	v6 =	vadd.f32 v6, v16;
	v1 =	vld.idx.msk [tilespmem:v1+s23+$0x0], $0xffff  }
0xf9: {  	v3 =	vadd.f32 v7, v3;
	v10 =	vld.idx.msk [tilespmem:v10+s23+$0x0], $0xffff  }
0xfa: {  	v7 =	vadd.f32 v8, v11;
	v0 =	vld.idx.msk [tilespmem:v0+s23+$0x0], $0xffff  }
0xfb: {  	v5 =	vadd.f32 v9, v5;
	v8 =	vld.idx.msk [tilespmem:v12+s23+$0x0], $0xffff  }
0xfc: {  	v9 =	vld.idx.msk [tilespmem:v13+s23+$0x0], $0xffff  }
0xfd: {  	v11 =	vld.idx.msk [tilespmem:v14+s23+$0x0], $0xffff  }
0xfe: {  	v13 =	vld [tilespmem:s10+$0x2000]  }
0xff: {  	v14 =	vld [tilespmem:s10+$0x2080]  }
0x100: {  	v12 =	vadd.f32 v0, v2;
	v16 =	vld [tilespmem:s10+$0x2100]  }
0x101: {  	v4 =	vadd.f32 v8, v4;
	v32 =	vld [tilespmem:s10+$0x2180]  }
0x102: {  	v8 =	vadd.f32 v9, v1;
	v33 =	vld [tilespmem:s9+$0x2000]  }
0x103: {  	v9 =	vadd.f32 v11, v10;
	v2 =	vld [tilespmem:s9+$0x2080]  }
0x104: {  	v1 =	vld [tilespmem:s9+$0x2100]  }
0x105: {  	v0 =	vld [tilespmem:s9+$0x2180]  }
0x106: {  	v10 =	vld.idx.msk [tilespmem:v15+s23+$0x0], $0xffff  }
0x107: {  	v11 =	vld.idx.msk [tilespmem:v17+s23+$0x0], $0xffff  }
0x108: {  	v15 =	vld.idx.msk [tilespmem:v18+s23+$0x0], $0xffff  }
0x109: {  	v17 =	vld.idx.msk [tilespmem:v19+s23+$0x0], $0xffff  }
0x10a: {  	v18 =	vld.idx.msk [tilespmem:v20+s23+$0x0], $0xffff  }
0x10b: {  	v19 =	vld.idx.msk [tilespmem:v21+s23+$0x0], $0xffff  }
0x10c: {  	v6 =	vadd.f32 v10, v6;
	v20 =	vld.idx.msk [tilespmem:v22+s23+$0x0], $0xffff  }
0x10d: {  	v3 =	vadd.f32 v11, v3;
	v10 =	vld.idx.msk [tilespmem:v23+s23+$0x0], $0xffff  }
0x10e: {  	v15 =	vadd.f32 v15, v7;
	v7 =	vld.idx.msk [tilespmem:v24+s23+$0x0], $0xffff  }
0x10f: {  	v5 =	vadd.f32 v17, v5;
	v17 =	vld.idx.msk [tilespmem:v25+s23+$0x0], $0xffff  }
0x110: {  	v18 =	vadd.f32 v18, v12;
	v21 =	vld.idx.msk [tilespmem:v26+s23+$0x0], $0xffff  }
0x111: {  	v19 =	vadd.f32 v19, v4;
	v4 =	vld.idx.msk [tilespmem:v27+s23+$0x0], $0xffff  }
0x112: {  	v20 =	vadd.f32 v20, v8;
	v8 =	vld.idx.msk [tilespmem:v28+s23+$0x0], $0xffff  }
0x113: {  	v11 =	vadd.f32 v10, v9;
	v22 =	vld.idx.msk [tilespmem:v29+s23+$0x0], $0xffff  }
0x114: {  	v9 =	vadd.f32 v7, v6;
	v23 =	vld.idx.msk [tilespmem:v30+s23+$0x0], $0xffff  }
0x115: {  	v7 =	vadd.f32 v17, v3;
	v12 =	vld.idx.msk [tilespmem:v31+s23+$0x0], $0xffff  }
.Ltmp0:
0x116: {  	v3 =	vadd.f32 v21, v15;
	v13 =	vld.idx.msk [tilespmem:v13+s23+$0x0], $0xffff;
	(pc) =	sbr.rel @p0 .LBB2_3-.Ltmp0, $4  }
0x117: {  	v5 =	vadd.f32 v4, v5;
	v14 =	vld.idx.msk [tilespmem:v14+s23+$0x0], $0xffff  }
0x118: {  	v4 =	vadd.f32 v8, v18;
	v10 =	vld.idx.msk [tilespmem:v16+s23+$0x0], $0xffff  }
0x119: {  	v8 =	vadd.f32 v22, v19;
	v15 =	vld.idx.msk [tilespmem:v32+s23+$0x0], $0xffff  }
0x11a: {  	s4 =	sadd.s32 $0x180, s4;
	s7 =	sadd.s32 $0x30, s7;
	v6 =	vadd.f32 v23, v20;
	v16 =	vld.idx.msk [tilespmem:v33+s23+$0x0], $0xffff  }
0x11b: {  	_ =	sdelay $0x3  }
0x11c: {  	v2 =	vld.idx.msk [tilespmem:v2+s23+$0x0], $0xffff  }
0x11d: {  	v1 =	vld.idx.msk [tilespmem:v1+s23+$0x0], $0xffff  }
0x11e: {  	v0 =	vld.idx.msk [tilespmem:v0+s23+$0x0], $0xffff  }
0x11f: {  	v11 =	vadd.f32 v12, v11  }
0x120: {  	v9 =	vadd.f32 v13, v9;
	v7 =	vadd.f32 v14, v7  }
0x121: {  	v3 =	vadd.f32 v10, v3;
	v5 =	vadd.f32 v15, v5  }
0x122: {  	v4 =	vadd.f32 v16, v4;
	v2 =	vadd.f32 v2, v8  }
0x123: {  	v1 =	vadd.f32 v1, v6;
	v0 =	vadd.f32 v0, v11  }
0x124: {  	v62 =	vadd.f32 v7, v9;
	v3 =	vadd.f32 v5, v3  }
0x125: {  	v2 =	vadd.f32 v2, v4;
	v0 =	vadd.f32 v0, v1  }
0x126: {  	v63 =	vadd.f32 v3, v62  }
0x127: {  	v0 =	vadd.f32 v0, v2  }
0x128: {  	[tilespmem:s2+$0xFFFFFFF0] =	vst v63  }
0x129: {  	[tilespmem:s2+$0xFFFFFFE0] =	vst v0  }
.LBB2_5:
0x12a: {  	s2 =	sshra.s32 s30, $0x2  }
0x12b: {  	v0 =	vld [tilespmem:s2+$0xC60]  }
0x12c: {  	v1 =	vld [tilespmem:s2+$0xCE0]  }
0x12d: {  	v2 =	vld [tilespmem:s2+$0xD60]  }
0x12e: {  	v3 =	vld [tilespmem:s2+$0xDE0]  }
0x12f: {  	v4 =	vld [tilespmem:s2+$0xE60]  }
0x130: {  	v5 =	vld [tilespmem:s2+$0xEE0]  }
0x131: {  	v6 =	vld [tilespmem:s2+$0xF60]  }
0x132: {  	v7 =	vld [tilespmem:s2+$0xFE0]  }
0x133: {  	v8 =	vld [tilespmem:s2+$0x1C60]  }
0x134: {  	v9 =	vld [tilespmem:s2+$0x1CE0]  }
0x135: {  	v10 =	vld [tilespmem:s2+$0x1D60]  }
0x136: {  	v11 =	vld [tilespmem:s2+$0x1DE0]  }
0x137: {  	v12 =	vld [tilespmem:s2+$0x1E60]  }
0x138: {  	v13 =	vld [tilespmem:s2+$0x1EE0]  }
0x139: {  	v14 =	vld [tilespmem:s2+$0x1F60]  }
0x13a: {  	v15 =	vld [tilespmem:s2+$0x1FE0]  }
0x13b: {  	v16 =	vld [tilespmem:s2+$0x2C60]  }
0x13c: {  	v17 =	vld [tilespmem:s2+$0x2CE0]  }
0x13d: {  	v18 =	vld [tilespmem:s2+$0x2D60]  }
0x13e: {  	v19 =	vld [tilespmem:s2+$0x2DE0]  }
0x13f: {  	v0 =	vld.idx.msk [tilespmem:v0+s23+$0x0], $0xffff  }
0x140: {  	v1 =	vld.idx.msk [tilespmem:v1+s23+$0x0], $0xffff  }
0x141: {  	v2 =	vld.idx.msk [tilespmem:v2+s23+$0x0], $0xffff  }
0x142: {  	v3 =	vld.idx.msk [tilespmem:v3+s23+$0x0], $0xffff  }
0x143: {  	v4 =	vld.idx.msk [tilespmem:v4+s23+$0x0], $0xffff  }
0x144: {  	v5 =	vld.idx.msk [tilespmem:v5+s23+$0x0], $0xffff  }
0x145: {  	v6 =	vld.idx.msk [tilespmem:v6+s23+$0x0], $0xffff  }
0x146: {  	v7 =	vld.idx.msk [tilespmem:v7+s23+$0x0], $0xffff  }
0x147: {  	v8 =	vld.idx.msk [tilespmem:v8+s23+$0x0], $0xffff  }
0x148: {  	v9 =	vld.idx.msk [tilespmem:v9+s23+$0x0], $0xffff  }
0x149: {  	v10 =	vld.idx.msk [tilespmem:v10+s23+$0x0], $0xffff  }
0x14a: {  	v11 =	vld.idx.msk [tilespmem:v11+s23+$0x0], $0xffff  }
0x14b: {  	v12 =	vld.idx.msk [tilespmem:v12+s23+$0x0], $0xffff  }
0x14c: {  	v13 =	vld.idx.msk [tilespmem:v13+s23+$0x0], $0xffff  }
0x14d: {  	v14 =	vld.idx.msk [tilespmem:v14+s23+$0x0], $0xffff  }
0x14e: {  	v15 =	vld.idx.msk [tilespmem:v15+s23+$0x0], $0xffff  }
0x14f: {  	v16 =	vld.idx.msk [tilespmem:v16+s23+$0x0], $0xffff  }
0x150: {  	v60 =	vld.idx.msk [tilespmem:v17+s23+$0x0], $0xffff;
	v0 =	vadd.f32 v4, v0;
	v1 =	vadd.f32 v5, v1  }
0x151: {  	v61 =	vld.idx.msk [tilespmem:v18+s23+$0x0], $0xffff;
	v2 =	vadd.f32 v6, v2;
	v3 =	vadd.f32 v7, v3  }
0x152: {  	v62 =	vld.idx.msk [tilespmem:v19+s23+$0x0], $0xffff;
	v0 =	vadd.f32 v8, v0;
	v1 =	vadd.f32 v9, v1  }
0x153: {  	v2 =	vadd.f32 v10, v2;
	v3 =	vadd.f32 v11, v3  }
0x154: {  	v0 =	vadd.f32 v12, v0;
	v1 =	vadd.f32 v13, v1  }
0x155: {  	v2 =	vadd.f32 v14, v2;
	v3 =	vadd.f32 v15, v3  }
0x156: {  	v0 =	vadd.f32 v16, v0;
	v1 =	vadd.f32 v60, v1  }
0x157: {  	v2 =	vadd.f32 v61, v2;
	v3 =	vadd.f32 v62, v3  }
0x158: {  	p0 =	sne.s32 s30, $0x40  }
.Ltmp1:
0x159: {  	v0 =	vadd.f32 v1, v0;
	v63 =	vadd.f32 v3, v2;
	(pc) =	sbr.rel @p0 .LBB2_5-.Ltmp1, $3  }
0x15a: {  	_ = 	snop  }
0x15b: {  	v0 =	vadd.f32 v63, v0;
	_ =	sdelay $0x1  }
0x15c: {  	s30 =	sadd.s32 $0x40, s30;
	[tilespmem:s2+$0x1E8E0] =	vst v0  }
0x15d: {  	s2 =	rddreg [dreg:$0x9]  }
0x15e: {  	s30 =	simm.s32 $0x0;
	s2 =	sadd.s32 s18, s2  }
0x15f: {  	[tilespmem:s30], [sflag:$0x1] =	stream.strided.gather [hbm4b:s2+s19], $0x3000, s20, s19, $0x38;
	[tilespmem:$0x1F700] =	vst v63  }
0x160: {  	s31 =	simm.s32 $0x20;
	s21 =	simm.s32 $0x100;
	_ =	swait.ge [sflag:s28], $0x3000  }
0x161: {  	s3 =	sand.u32 $0x70, s31;
	s2 =	sand.u32 $0x1C00, s21;
	[sflag:s28] =	ssyncset.done $0x0  }
0x162: {  	s2 =	sor.u32 s3, s2;
	[sflag:s28] =	ssyncadd.s32 $0xFFFFD000  }
0x163: {  	v0 =	vld [tilespmem:s2+$0x5000]  }
0x164: {  	v1 =	vld [tilespmem:s2+$0x5080]  }
0x165: {  	v2 =	vld [tilespmem:s2+$0x5100]  }
0x166: {  	v3 =	vld [tilespmem:s2+$0x5180]  }
0x167: {  	v4 =	vld [tilespmem:s2+$0x4200]  }
0x168: {  	v5 =	vld [tilespmem:s2+$0x4280]  }
0x169: {  	v6 =	vld [tilespmem:s2+$0x4300]  }
0x16a: {  	v7 =	vld [tilespmem:s2+$0x4380]  }
0x16b: {  	v8 =	vld [tilespmem:s2+$0x4000]  }
0x16c: {  	v9 =	vld [tilespmem:s2+$0x4080]  }
0x16d: {  	v10 =	vld [tilespmem:s2+$0x4100]  }
0x16e: {  	v11 =	vld [tilespmem:s2+$0x4180]  }
0x16f: {  	v12 =	vld [tilespmem:s2+$0x3000]  }
0x170: {  	v13 =	vld [tilespmem:s2+$0x3080]  }
0x171: {  	v14 =	vld [tilespmem:s2+$0x3100]  }
0x172: {  	v15 =	vld [tilespmem:s2+$0x3180]  }
0x173: {  	v16 =	vld [tilespmem:s2+$0x3200]  }
0x174: {  	s22 =	simm.s32 $0x0;
	v17 =	vld [tilespmem:s2+$0x3280]  }
0x175: {  	s24 =	sand.u32 $0x70, s22;
	s4 =	sand.u32 $0xC00, s30;
	v18 =	vld [tilespmem:s2+$0x3300]  }
0x176: {  	v19 =	vld [tilespmem:s2+$0x3380];
	s2 =	sor.u32 s24, s4  }
0x177: {  	v22 =	vld [tilespmem:s2+$0x3100]  }
0x178: {  	v23 =	vld [tilespmem:s2+$0x3180]  }
0x179: {  	v24 =	vld [tilespmem:s2+$0x3200]  }
0x17a: {  	v25 =	vld [tilespmem:s2+$0x3280]  }
0x17b: {  	v26 =	vld [tilespmem:s2+$0x3300]  }
0x17c: {  	v27 =	vld [tilespmem:s2+$0x3380]  }
0x17d: {  	v36 =	vld [tilespmem:s2+$0x4000]  }
0x17e: {  	v37 =	vld [tilespmem:s2+$0x4080]  }
0x17f: {  	v38 =	vld [tilespmem:s2+$0x4100]  }
0x180: {  	v39 =	vld [tilespmem:s2+$0x4180]  }
0x181: {  	v44 =	vld [tilespmem:s2+$0x4200]  }
0x182: {  	v45 =	vld [tilespmem:s2+$0x4280]  }
0x183: {  	v46 =	vld [tilespmem:s2+$0x4300]  }
0x184: {  	v47 =	vld [tilespmem:s2+$0x4380]  }
0x185: {  	v53 =	vld [tilespmem:s2+$0x5000]  }
0x186: {  	s29 =	simm.s32 $0x80;
	s7 =	simm.s32 $0x10;
	v54 =	vld [tilespmem:s2+$0x5080]  }
0x187: {  	s7 =	sand.u32 $0x70, s7;
	s4 =	sand.u32 $0x1C00, s29;
	v55 =	vld [tilespmem:s2+$0x5100]  }
0x188: {  	s4 =	sor.u32 s7, s4;
	v56 =	vld [tilespmem:s2+$0x5180]  }
0x189: {  	v28 =	vld [tilespmem:s4+$0x3000]  }
0x18a: {  	v29 =	vld [tilespmem:s4+$0x3080]  }
0x18b: {  	v30 =	vld [tilespmem:s4+$0x3100]  }
0x18c: {  	v31 =	vld [tilespmem:s4+$0x3180]  }
0x18d: {  	v32 =	vld [tilespmem:s4+$0x3200]  }
0x18e: {  	v33 =	vld [tilespmem:s4+$0x3280]  }
0x18f: {  	v34 =	vld [tilespmem:s4+$0x3300]  }
0x190: {  	v35 =	vld [tilespmem:s4+$0x3380]  }
0x191: {  	v40 =	vld [tilespmem:s4+$0x4000]  }
0x192: {  	v41 =	vld [tilespmem:s4+$0x4080]  }
0x193: {  	v42 =	vld [tilespmem:s4+$0x4100]  }
0x194: {  	v43 =	vld [tilespmem:s4+$0x4180]  }
0x195: {  	v48 =	vld [tilespmem:s4+$0x4200]  }
0x196: {  	v49 =	vld [tilespmem:s4+$0x4280]  }
0x197: {  	v50 =	vld [tilespmem:s4+$0x4300]  }
0x198: {  	v51 =	vld [tilespmem:s4+$0x4380]  }
0x199: {  	v57 =	vld [tilespmem:s4+$0x5000]  }
0x19a: {  	v20 =	vld.idx.msk [tilespmem:v0+s23+$0x0], $0xffff  }
0x19b: {  	v21 =	vld.idx.msk [tilespmem:v1+s23+$0x0], $0xffff  }
0x19c: {  	v4 =	vld.idx.msk [tilespmem:v4+s23+$0x0], $0xffff  }
0x19d: {  	v5 =	vld.idx.msk [tilespmem:v5+s23+$0x0], $0xffff  }
0x19e: {  	v8 =	vld.idx.msk [tilespmem:v8+s23+$0x0], $0xffff  }
0x19f: {  	v9 =	vld.idx.msk [tilespmem:v9+s23+$0x0], $0xffff  }
0x1a0: {  	v0 =	vld.idx.msk [tilespmem:v12+s23+$0x0], $0xffff  }
0x1a1: {  	v1 =	vld.idx.msk [tilespmem:v13+s23+$0x0], $0xffff  }
0x1a2: {  	v12 =	vld.idx.msk [tilespmem:v14+s23+$0x0], $0xffff  }
0x1a3: {  	v13 =	vld.idx.msk [tilespmem:v15+s23+$0x0], $0xffff  }
0x1a4: {  	v14 =	vld.idx.msk [tilespmem:v16+s23+$0x0], $0xffff  }
0x1a5: {  	v15 =	vld.idx.msk [tilespmem:v17+s23+$0x0], $0xffff  }
0x1a6: {  	v16 =	vld.idx.msk [tilespmem:v18+s23+$0x0], $0xffff  }
0x1a7: {  	v17 =	vld.idx.msk [tilespmem:v19+s23+$0x0], $0xffff  }
0x1a8: {  	v10 =	vld.idx.msk [tilespmem:v10+s23+$0x0], $0xffff  }
0x1a9: {  	v11 =	vld.idx.msk [tilespmem:v11+s23+$0x0], $0xffff  }
0x1aa: {  	v6 =	vld.idx.msk [tilespmem:v6+s23+$0x0], $0xffff  }
0x1ab: {  	v7 =	vld.idx.msk [tilespmem:v7+s23+$0x0], $0xffff  }
0x1ac: {  	v18 =	vld.idx.msk [tilespmem:v2+s23+$0x0], $0xffff  }
0x1ad: {  	v3 =	vld.idx.msk [tilespmem:v3+s23+$0x0], $0xffff  }
0x1ae: {  	v2 =	vld [tilespmem:s2+$0x3000]  }
0x1af: {  	v19 =	vld [tilespmem:s2+$0x3080]  }
0x1b0: {  	v22 =	vld.idx.msk [tilespmem:v22+s23+$0x0], $0xffff  }
0x1b1: {  	v23 =	vld.idx.msk [tilespmem:v23+s23+$0x0], $0xffff  }
0x1b2: {  	v24 =	vld.idx.msk [tilespmem:v24+s23+$0x0], $0xffff  }
0x1b3: {  	v25 =	vld.idx.msk [tilespmem:v25+s23+$0x0], $0xffff  }
0x1b4: {  	v26 =	vld.idx.msk [tilespmem:v26+s23+$0x0], $0xffff  }
0x1b5: {  	v27 =	vld.idx.msk [tilespmem:v27+s23+$0x0], $0xffff  }
0x1b6: {  	v28 =	vld.idx.msk [tilespmem:v28+s23+$0x0], $0xffff  }
0x1b7: {  	v29 =	vld.idx.msk [tilespmem:v29+s23+$0x0], $0xffff  }
0x1b8: {  	v30 =	vld.idx.msk [tilespmem:v30+s23+$0x0], $0xffff  }
0x1b9: {  	v31 =	vld.idx.msk [tilespmem:v31+s23+$0x0], $0xffff  }
0x1ba: {  	v32 =	vld.idx.msk [tilespmem:v32+s23+$0x0], $0xffff  }
0x1bb: {  	v33 =	vld.idx.msk [tilespmem:v33+s23+$0x0], $0xffff  }
0x1bc: {  	v34 =	vld.idx.msk [tilespmem:v34+s23+$0x0], $0xffff  }
0x1bd: {  	v35 =	vld.idx.msk [tilespmem:v35+s23+$0x0], $0xffff  }
0x1be: {  	v59 =	vld.idx.msk [tilespmem:v49+s23+$0x0], $0xffff  }
0x1bf: {  	v62 =	vld.idx.msk [tilespmem:v50+s23+$0x0], $0xffff  }
0x1c0: {  	v15 =	vadd.f32 v15, v1;
	v1 =	vld [tilespmem:s4+$0x5100]  }
0x1c1: {  	v14 =	vadd.f32 v14, v0;
	v0 =	vld [tilespmem:s4+$0x5180]  }
0x1c2: {  	v12 =	vadd.f32 v16, v12;
	v13 =	vadd.f32 v17, v13;
	v17 =	vld.idx.msk [tilespmem:v46+s23+$0x0], $0xffff  }
0x1c3: {  	v8 =	vadd.f32 v8, v14;
	v14 =	vld.idx.msk [tilespmem:v36+s23+$0x0], $0xffff  }
0x1c4: {  	v10 =	vadd.f32 v10, v12;
	v12 =	vld.idx.msk [tilespmem:v37+s23+$0x0], $0xffff  }
0x1c5: {  	v52 =	vld.idx.msk [tilespmem:v2+s23+$0x0], $0xffff  }
0x1c6: {  	v16 =	vadd.f32 v26, v22;
	v9 =	vadd.f32 v9, v15;
	v19 =	vld.idx.msk [tilespmem:v19+s23+$0x0], $0xffff  }
0x1c7: {  	v11 =	vadd.f32 v11, v13;
	v46 =	vadd.f32 v33, v29;
	v2 =	vld [tilespmem:s4+$0x5080]  }
0x1c8: {  	v4 =	vadd.f32 v4, v8;
	v5 =	vadd.f32 v5, v9;
	v8 =	vld.idx.msk [tilespmem:v38+s23+$0x0], $0xffff  }
0x1c9: {  	v6 =	vadd.f32 v6, v10;
	v7 =	vadd.f32 v7, v11;
	v9 =	vld.idx.msk [tilespmem:v39+s23+$0x0], $0xffff  }
0x1ca: {  	v10 =	vld.idx.msk [tilespmem:v40+s23+$0x0], $0xffff;
	v4 =	vadd.f32 v20, v4;
	v5 =	vadd.f32 v21, v5  }
0x1cb: {  	v11 =	vld.idx.msk [tilespmem:v42+s23+$0x0], $0xffff;
	v6 =	vadd.f32 v18, v6;
	v3 =	vadd.f32 v3, v7  }
0x1cc: {  	v58 =	vadd.f32 v35, v31;
	v7 =	vld.idx.msk [tilespmem:v41+s23+$0x0], $0xffff;
	v18 =	vadd.f32 v27, v23  }
0x1cd: {  	v4 =	vadd.f32 v5, v4;
	v3 =	vadd.f32 v3, v6;
	v5 =	vld.idx.msk [tilespmem:v43+s23+$0x0], $0xffff  }
0x1ce: {  	v6 =	vld.idx.msk [tilespmem:v44+s23+$0x0], $0xffff;
	v13 =	vadd.f32 v25, v19;
	v19 =	vadd.f32 v32, v28  }
0x1cf: {  	v61 =	vadd.f32 v8, v16;
	v18 =	vadd.f32 v9, v18;
	v16 =	vld.idx.msk [tilespmem:v51+s23+$0x0], $0xffff  }
0x1d0: {  	v15 =	vadd.f32 v3, v4;
	v3 =	vadd.f32 v24, v52;
	v4 =	vld.idx.msk [tilespmem:v45+s23+$0x0], $0xffff  }
0x1d1: {  	v45 =	vld.idx.msk [tilespmem:v47+s23+$0x0], $0xffff;
	v47 =	vadd.f32 v34, v30;
	v60 =	vadd.f32 v12, v13  }
0x1d2: {  	v52 =	vld.idx.msk [tilespmem:v48+s23+$0x0], $0xffff;
	v19 =	vadd.f32 v10, v19;
	v7 =	vadd.f32 v7, v46  }
0x1d3: {  	v13 =	vld.idx.msk [tilespmem:v54+s23+$0x0], $0xffff;
	v3 =	vadd.f32 v14, v3;
	v63 =	vadd.f32 v11, v47  }
0x1d4: {  	v14 =	vld.idx.msk [tilespmem:v53+s23+$0x0], $0xffff;
	v12 =	vadd.f32 v5, v58;
	v5 =	vadd.f32 v17, v61  }
0x1d5: {  	v10 =	vld.idx.msk [tilespmem:v55+s23+$0x0], $0xffff;
	v7 =	vadd.f32 v59, v7;
	v9 =	vadd.f32 v6, v3  }
0x1d6: {  	s2 =	simm.s32 $0x1E920;
	v11 =	vld.idx.msk [tilespmem:v56+s23+$0x0], $0xffff;
	v6 =	vadd.f32 v62, v63;
	v8 =	vadd.f32 v4, v60  }
0x1d7: {  	s3 =	sand.u32 $0x1F0, s22;
	s7 =	simm.s32 $0x180;
	s4 =	simm.s32 $0x0;
	[tilespmem:s2+$0x0] =	vst v15;
	v15 =	vld.idx.msk [tilespmem:v57+s23+$0x0], $0xffff;
	v3 =	vadd.f32 v45, v18;
	v4 =	vadd.f32 v52, v19  }
.LBB2_7:
0x1d8: {  	s9 =	sadd.s32 $0x80, s7;
	s10 =	sadd.s32 $0x100, s7;
	v12 =	vadd.f32 v16, v12;
	v2 =	vld.idx.msk [tilespmem:v2+s23+$0x0], $0xffff;
	s31 =	sadd.s32 $0x30, s31  }
0x1d9: {  	v9 =	vadd.f32 v14, v9;
	s11 =	sadd.s32 $0xFFFFFFF0, s31;
	s12 =	sand.u32 $0x70, s31;
	s10 =	sand.u32 $0x1C00, s10;
	v1 =	vld.idx.msk [tilespmem:v1+s23+$0x0], $0xffff  }
0x1da: {  	s13 =	sadd.s32 $0xFFFFFFE0, s31;
	v8 =	vadd.f32 v13, v8;
	s14 =	sand.u32 $0x70, s11;
	s11 =	sor.u32 s12, s10;
	v0 =	vld.idx.msk [tilespmem:v0+s23+$0x0], $0xffff  }
0x1db: {  	s9 =	sand.u32 $0x1C00, s9;
	s10 =	sand.u32 $0x70, s13;
	s12 =	sand.u32 $0xC00, s7;
	v5 =	vadd.f32 v10, v5;
	v13 =	vld [tilespmem:s11+$0x5000]  }
0x1dc: {  	s10 =	sor.u32 s10, s12;
	s12 =	sand.u32 $0x1F0, s13;
	s9 =	sor.u32 s14, s9;
	v3 =	vadd.f32 v11, v3;
	v8 =	vadd.f32 v8, v9;
	v10 =	vld [tilespmem:s11+$0x5080]  }
0x1dd: {  	v4 =	vadd.f32 v15, v4;
	v9 =	vld [tilespmem:s11+$0x5100]  }
0x1de: {  	v3 =	vadd.f32 v3, v5;
	v2 =	vadd.f32 v2, v7;
	v11 =	vld [tilespmem:s11+$0x5180]  }
0x1df: {  	v1 =	vadd.f32 v1, v6;
	v5 =	vld [tilespmem:s11+$0x4200]  }
0x1e0: {  	v0 =	vadd.f32 v0, v12;
	v2 =	vadd.f32 v2, v4;
	v6 =	vld [tilespmem:s11+$0x4280]  }
0x1e1: {  	v3 =	vadd.f32 v3, v8;
	v4 =	vld [tilespmem:s11+$0x4300]  }
0x1e2: {  	v0 =	vadd.f32 v0, v1;
	v7 =	vld [tilespmem:s11+$0x4380]  }
0x1e3: {  	v1 =	vld [tilespmem:s11+$0x4000];
	[tilespmem:s3+$0x1E900] =	vst v3;
	s3 =	smov.u32 s12  }
0x1e4: {  	v0 =	vadd.f32 v0, v2;
	v3 =	vld [tilespmem:s11+$0x4080]  }
0x1e5: {  	v2 =	vld [tilespmem:s11+$0x4100]  }
0x1e6: {  	v8 =	vld [tilespmem:s11+$0x4180];
	[tilespmem:s2+$0xFFFFFFF0] =	vst v0  }
0x1e7: {  	v0 =	vld [tilespmem:s11+$0x3000]  }
0x1e8: {  	v12 =	vld [tilespmem:s11+$0x3080]  }
0x1e9: {  	v14 =	vld [tilespmem:s11+$0x3100]  }
0x1ea: {  	v15 =	vld [tilespmem:s11+$0x3180]  }
0x1eb: {  	v16 =	vld [tilespmem:s11+$0x3200]  }
0x1ec: {  	v17 =	vld [tilespmem:s11+$0x3280]  }
0x1ed: {  	v18 =	vld [tilespmem:s11+$0x3300]  }
0x1ee: {  	v19 =	vld [tilespmem:s11+$0x3380]  }
0x1ef: {  	v13 =	vld.idx.msk [tilespmem:v13+s23+$0x0], $0xffff  }
0x1f0: {  	v10 =	vld.idx.msk [tilespmem:v10+s23+$0x0], $0xffff  }
0x1f1: {  	s4 =	sadd.s32 $0x3, s4;
	v5 =	vld.idx.msk [tilespmem:v5+s23+$0x0], $0xffff  }
0x1f2: {  	p0 =	slt.u32 s4, $0x1B;
	v6 =	vld.idx.msk [tilespmem:v6+s23+$0x0], $0xffff  }
0x1f3: {  	v1 =	vld.idx.msk [tilespmem:v1+s23+$0x0], $0xffff  }
0x1f4: {  	v3 =	vld.idx.msk [tilespmem:v3+s23+$0x0], $0xffff  }
0x1f5: {  	v0 =	vld.idx.msk [tilespmem:v0+s23+$0x0], $0xffff  }
0x1f6: {  	v12 =	vld.idx.msk [tilespmem:v12+s23+$0x0], $0xffff  }
0x1f7: {  	v14 =	vld.idx.msk [tilespmem:v14+s23+$0x0], $0xffff  }
0x1f8: {  	v15 =	vld.idx.msk [tilespmem:v15+s23+$0x0], $0xffff  }
0x1f9: {  	v16 =	vld.idx.msk [tilespmem:v16+s23+$0x0], $0xffff  }
0x1fa: {  	v17 =	vld.idx.msk [tilespmem:v17+s23+$0x0], $0xffff  }
0x1fb: {  	v18 =	vld.idx.msk [tilespmem:v18+s23+$0x0], $0xffff  }
0x1fc: {  	v19 =	vld.idx.msk [tilespmem:v19+s23+$0x0], $0xffff  }
0x1fd: {  	v2 =	vld.idx.msk [tilespmem:v2+s23+$0x0], $0xffff  }
0x1fe: {  	v8 =	vld.idx.msk [tilespmem:v8+s23+$0x0], $0xffff  }
0x1ff: {  	v4 =	vld.idx.msk [tilespmem:v4+s23+$0x0], $0xffff  }
0x200: {  	v7 =	vld.idx.msk [tilespmem:v7+s23+$0x0], $0xffff  }
0x201: {  	v0 =	vadd.f32 v16, v0;
	v12 =	vadd.f32 v17, v12;
	v9 =	vld.idx.msk [tilespmem:v9+s23+$0x0], $0xffff  }
0x202: {  	v14 =	vadd.f32 v18, v14;
	v15 =	vadd.f32 v19, v15;
	v11 =	vld.idx.msk [tilespmem:v11+s23+$0x0], $0xffff  }
0x203: {  	v0 =	vadd.f32 v1, v0;
	v1 =	vadd.f32 v3, v12;
	v16 =	vld [tilespmem:s10+$0x3000]  }
0x204: {  	v2 =	vadd.f32 v2, v14;
	v8 =	vadd.f32 v8, v15;
	v3 =	vld [tilespmem:s10+$0x3080]  }
0x205: {  	v0 =	vadd.f32 v5, v0;
	v1 =	vadd.f32 v6, v1;
	v12 =	vld [tilespmem:s10+$0x3100]  }
0x206: {  	v2 =	vadd.f32 v4, v2;
	v4 =	vadd.f32 v7, v8;
	v5 =	vld [tilespmem:s10+$0x3180]  }
0x207: {  	v0 =	vadd.f32 v13, v0;
	v1 =	vadd.f32 v10, v1;
	v6 =	vld [tilespmem:s10+$0x3200]  }
0x208: {  	v2 =	vadd.f32 v9, v2;
	v4 =	vadd.f32 v11, v4;
	v7 =	vld [tilespmem:s10+$0x3280]  }
0x209: {  	v8 =	vld [tilespmem:s10+$0x3300]  }
0x20a: {  	v0 =	vadd.f32 v1, v0;
	v1 =	vadd.f32 v4, v2;
	v9 =	vld [tilespmem:s10+$0x3380]  }
0x20b: {  	v2 =	vld [tilespmem:s9+$0x3000]  }
0x20c: {  	v0 =	vadd.f32 v1, v0;
	v4 =	vld [tilespmem:s9+$0x3080]  }
0x20d: {  	s2 =	sadd.s32 $0x30, s2;
	v1 =	vld [tilespmem:s9+$0x3100]  }
0x20e: {  	v10 =	vld [tilespmem:s9+$0x3180];
	[tilespmem:s2+$0x0] =	vst v0  }
0x20f: {  	v0 =	vld [tilespmem:s9+$0x3200]  }
0x210: {  	v11 =	vld [tilespmem:s9+$0x3280]  }
0x211: {  	v13 =	vld [tilespmem:s9+$0x3300]  }
0x212: {  	v14 =	vld [tilespmem:s9+$0x3380]  }
0x213: {  	v15 =	vld [tilespmem:s10+$0x4000]  }
0x214: {  	v17 =	vld [tilespmem:s10+$0x4080]  }
0x215: {  	v18 =	vld [tilespmem:s10+$0x4100]  }
0x216: {  	v19 =	vld [tilespmem:s10+$0x4180]  }
0x217: {  	v20 =	vld [tilespmem:s9+$0x4000]  }
0x218: {  	v21 =	vld [tilespmem:s9+$0x4080]  }
0x219: {  	v22 =	vld [tilespmem:s9+$0x4100]  }
0x21a: {  	v23 =	vld [tilespmem:s9+$0x4180]  }
0x21b: {  	v24 =	vld [tilespmem:s10+$0x4200]  }
0x21c: {  	v25 =	vld [tilespmem:s10+$0x4280]  }
0x21d: {  	v26 =	vld [tilespmem:s10+$0x4300]  }
0x21e: {  	v27 =	vld [tilespmem:s10+$0x4380]  }
0x21f: {  	v28 =	vld [tilespmem:s9+$0x4200]  }
0x220: {  	v29 =	vld [tilespmem:s9+$0x4280]  }
0x221: {  	v30 =	vld [tilespmem:s9+$0x4300]  }
0x222: {  	v31 =	vld [tilespmem:s9+$0x4380]  }
0x223: {  	v16 =	vld.idx.msk [tilespmem:v16+s23+$0x0], $0xffff  }
0x224: {  	v3 =	vld.idx.msk [tilespmem:v3+s23+$0x0], $0xffff  }
0x225: {  	v12 =	vld.idx.msk [tilespmem:v12+s23+$0x0], $0xffff  }
0x226: {  	v5 =	vld.idx.msk [tilespmem:v5+s23+$0x0], $0xffff  }
0x227: {  	v6 =	vld.idx.msk [tilespmem:v6+s23+$0x0], $0xffff  }
0x228: {  	v7 =	vld.idx.msk [tilespmem:v7+s23+$0x0], $0xffff  }
0x229: {  	v8 =	vld.idx.msk [tilespmem:v8+s23+$0x0], $0xffff  }
0x22a: {  	v9 =	vld.idx.msk [tilespmem:v9+s23+$0x0], $0xffff  }
0x22b: {  	v2 =	vld.idx.msk [tilespmem:v2+s23+$0x0], $0xffff  }
0x22c: {  	v4 =	vld.idx.msk [tilespmem:v4+s23+$0x0], $0xffff  }
0x22d: {  	v6 =	vadd.f32 v6, v16;
	v1 =	vld.idx.msk [tilespmem:v1+s23+$0x0], $0xffff  }
0x22e: {  	v3 =	vadd.f32 v7, v3;
	v7 =	vld.idx.msk [tilespmem:v10+s23+$0x0], $0xffff  }
0x22f: {  	v8 =	vadd.f32 v8, v12;
	v0 =	vld.idx.msk [tilespmem:v0+s23+$0x0], $0xffff  }
0x230: {  	v5 =	vadd.f32 v9, v5;
	v9 =	vld.idx.msk [tilespmem:v11+s23+$0x0], $0xffff  }
0x231: {  	v10 =	vld.idx.msk [tilespmem:v13+s23+$0x0], $0xffff  }
0x232: {  	v11 =	vld.idx.msk [tilespmem:v14+s23+$0x0], $0xffff  }
0x233: {  	v13 =	vld [tilespmem:s10+$0x5000]  }
0x234: {  	v32 =	vld [tilespmem:s10+$0x5080]  }
0x235: {  	v12 =	vadd.f32 v0, v2;
	v33 =	vld [tilespmem:s10+$0x5100]  }
0x236: {  	v4 =	vadd.f32 v9, v4;
	v34 =	vld [tilespmem:s10+$0x5180]  }
0x237: {  	v9 =	vadd.f32 v10, v1;
	v35 =	vld [tilespmem:s9+$0x5000]  }
0x238: {  	v7 =	vadd.f32 v11, v7;
	v2 =	vld [tilespmem:s9+$0x5080]  }
0x239: {  	v1 =	vld [tilespmem:s9+$0x5100]  }
0x23a: {  	v0 =	vld [tilespmem:s9+$0x5180]  }
0x23b: {  	v10 =	vld.idx.msk [tilespmem:v15+s23+$0x0], $0xffff  }
0x23c: {  	v11 =	vld.idx.msk [tilespmem:v17+s23+$0x0], $0xffff  }
0x23d: {  	v14 =	vld.idx.msk [tilespmem:v18+s23+$0x0], $0xffff  }
0x23e: {  	v15 =	vld.idx.msk [tilespmem:v19+s23+$0x0], $0xffff  }
0x23f: {  	v16 =	vld.idx.msk [tilespmem:v20+s23+$0x0], $0xffff  }
0x240: {  	v17 =	vld.idx.msk [tilespmem:v21+s23+$0x0], $0xffff  }
0x241: {  	v6 =	vadd.f32 v10, v6;
	v10 =	vld.idx.msk [tilespmem:v22+s23+$0x0], $0xffff  }
0x242: {  	v3 =	vadd.f32 v11, v3;
	v11 =	vld.idx.msk [tilespmem:v23+s23+$0x0], $0xffff  }
0x243: {  	v14 =	vadd.f32 v14, v8;
	v8 =	vld.idx.msk [tilespmem:v24+s23+$0x0], $0xffff  }
0x244: {  	v15 =	vadd.f32 v15, v5;
	v5 =	vld.idx.msk [tilespmem:v25+s23+$0x0], $0xffff  }
0x245: {  	v19 =	vadd.f32 v16, v12;
	v18 =	vld.idx.msk [tilespmem:v26+s23+$0x0], $0xffff  }
0x246: {  	v17 =	vadd.f32 v17, v4;
	v20 =	vld.idx.msk [tilespmem:v27+s23+$0x0], $0xffff  }
0x247: {  	v21 =	vadd.f32 v10, v9;
	v4 =	vld.idx.msk [tilespmem:v28+s23+$0x0], $0xffff  }
0x248: {  	v12 =	vadd.f32 v11, v7;
	v7 =	vld.idx.msk [tilespmem:v29+s23+$0x0], $0xffff  }
0x249: {  	v9 =	vadd.f32 v8, v6;
	v6 =	vld.idx.msk [tilespmem:v30+s23+$0x0], $0xffff  }
0x24a: {  	v8 =	vadd.f32 v5, v3;
	v16 =	vld.idx.msk [tilespmem:v31+s23+$0x0], $0xffff  }
.Ltmp2:
0x24b: {  	v5 =	vadd.f32 v18, v14;
	v14 =	vld.idx.msk [tilespmem:v13+s23+$0x0], $0xffff;
	(pc) =	sbr.rel @p0 .LBB2_7-.Ltmp2, $4  }
0x24c: {  	v3 =	vadd.f32 v20, v15;
	v13 =	vld.idx.msk [tilespmem:v32+s23+$0x0], $0xffff  }
0x24d: {  	v4 =	vadd.f32 v4, v19;
	v10 =	vld.idx.msk [tilespmem:v33+s23+$0x0], $0xffff  }
0x24e: {  	v7 =	vadd.f32 v7, v17;
	v11 =	vld.idx.msk [tilespmem:v34+s23+$0x0], $0xffff  }
0x24f: {  	s7 =	sadd.s32 $0x180, s7;
	v6 =	vadd.f32 v6, v21;
	v15 =	vld.idx.msk [tilespmem:v35+s23+$0x0], $0xffff  }
0x250: {  	_ =	sdelay $0x3  }
0x251: {  	v2 =	vld.idx.msk [tilespmem:v2+s23+$0x0], $0xffff  }
0x252: {  	v1 =	vld.idx.msk [tilespmem:v1+s23+$0x0], $0xffff  }
0x253: {  	v0 =	vld.idx.msk [tilespmem:v0+s23+$0x0], $0xffff  }
0x254: {  	v12 =	vadd.f32 v16, v12  }
0x255: {  	v9 =	vadd.f32 v14, v9;
	v8 =	vadd.f32 v13, v8  }
0x256: {  	v5 =	vadd.f32 v10, v5;
	v3 =	vadd.f32 v11, v3  }
0x257: {  	v4 =	vadd.f32 v15, v4;
	v2 =	vadd.f32 v2, v7  }
0x258: {  	v1 =	vadd.f32 v1, v6;
	v0 =	vadd.f32 v0, v12  }
0x259: {  	v62 =	vadd.f32 v8, v9;
	v3 =	vadd.f32 v3, v5  }
0x25a: {  	v2 =	vadd.f32 v2, v4;
	v0 =	vadd.f32 v0, v1  }
0x25b: {  	v63 =	vadd.f32 v3, v62  }
0x25c: {  	v0 =	vadd.f32 v0, v2  }
0x25d: {  	[tilespmem:s3+$0x1E900] =	vst v63  }
0x25e: {  	[tilespmem:s2+$0xFFFFFFF0] =	vst v0  }
.LBB2_9:
0x25f: {  	s2 =	sshra.s32 s30, $0x2  }
0x260: {  	v0 =	vld [tilespmem:s2+$0x3C60]  }
0x261: {  	v1 =	vld [tilespmem:s2+$0x3CE0]  }
0x262: {  	v2 =	vld [tilespmem:s2+$0x3D60]  }
0x263: {  	v3 =	vld [tilespmem:s2+$0x3DE0]  }
0x264: {  	v4 =	vld [tilespmem:s2+$0x3E60]  }
0x265: {  	v5 =	vld [tilespmem:s2+$0x3EE0]  }
0x266: {  	v6 =	vld [tilespmem:s2+$0x3F60]  }
0x267: {  	v7 =	vld [tilespmem:s2+$0x3FE0]  }
0x268: {  	v8 =	vld [tilespmem:s2+$0x4C60]  }
0x269: {  	v9 =	vld [tilespmem:s2+$0x4CE0]  }
0x26a: {  	v10 =	vld [tilespmem:s2+$0x4D60]  }
0x26b: {  	v11 =	vld [tilespmem:s2+$0x4DE0]  }
0x26c: {  	v12 =	vld [tilespmem:s2+$0x4E60]  }
0x26d: {  	v13 =	vld [tilespmem:s2+$0x4EE0]  }
0x26e: {  	v14 =	vld [tilespmem:s2+$0x4F60]  }
0x26f: {  	v15 =	vld [tilespmem:s2+$0x4FE0]  }
0x270: {  	v16 =	vld [tilespmem:s2+$0x5C60]  }
0x271: {  	v17 =	vld [tilespmem:s2+$0x5CE0]  }
0x272: {  	v18 =	vld [tilespmem:s2+$0x5D60]  }
0x273: {  	v19 =	vld [tilespmem:s2+$0x5DE0]  }
0x274: {  	v0 =	vld.idx.msk [tilespmem:v0+s23+$0x0], $0xffff  }
0x275: {  	v1 =	vld.idx.msk [tilespmem:v1+s23+$0x0], $0xffff  }
0x276: {  	v2 =	vld.idx.msk [tilespmem:v2+s23+$0x0], $0xffff  }
0x277: {  	v3 =	vld.idx.msk [tilespmem:v3+s23+$0x0], $0xffff  }
0x278: {  	v4 =	vld.idx.msk [tilespmem:v4+s23+$0x0], $0xffff  }
0x279: {  	v5 =	vld.idx.msk [tilespmem:v5+s23+$0x0], $0xffff  }
0x27a: {  	v6 =	vld.idx.msk [tilespmem:v6+s23+$0x0], $0xffff  }
0x27b: {  	v7 =	vld.idx.msk [tilespmem:v7+s23+$0x0], $0xffff  }
0x27c: {  	v8 =	vld.idx.msk [tilespmem:v8+s23+$0x0], $0xffff  }
0x27d: {  	v9 =	vld.idx.msk [tilespmem:v9+s23+$0x0], $0xffff  }
0x27e: {  	v10 =	vld.idx.msk [tilespmem:v10+s23+$0x0], $0xffff  }
0x27f: {  	v11 =	vld.idx.msk [tilespmem:v11+s23+$0x0], $0xffff  }
0x280: {  	v12 =	vld.idx.msk [tilespmem:v12+s23+$0x0], $0xffff  }
0x281: {  	v13 =	vld.idx.msk [tilespmem:v13+s23+$0x0], $0xffff  }
0x282: {  	v14 =	vld.idx.msk [tilespmem:v14+s23+$0x0], $0xffff  }
0x283: {  	v15 =	vld.idx.msk [tilespmem:v15+s23+$0x0], $0xffff  }
0x284: {  	v16 =	vld.idx.msk [tilespmem:v16+s23+$0x0], $0xffff  }
0x285: {  	v60 =	vld.idx.msk [tilespmem:v17+s23+$0x0], $0xffff;
	v0 =	vadd.f32 v4, v0;
	v1 =	vadd.f32 v5, v1  }
0x286: {  	v61 =	vld.idx.msk [tilespmem:v18+s23+$0x0], $0xffff;
	v2 =	vadd.f32 v6, v2;
	v3 =	vadd.f32 v7, v3  }
0x287: {  	v62 =	vld.idx.msk [tilespmem:v19+s23+$0x0], $0xffff;
	v0 =	vadd.f32 v8, v0;
	v1 =	vadd.f32 v9, v1  }
0x288: {  	v2 =	vadd.f32 v10, v2;
	v3 =	vadd.f32 v11, v3  }
0x289: {  	v0 =	vadd.f32 v12, v0;
	v1 =	vadd.f32 v13, v1  }
0x28a: {  	v2 =	vadd.f32 v14, v2;
	v3 =	vadd.f32 v15, v3  }
0x28b: {  	v0 =	vadd.f32 v16, v0;
	v1 =	vadd.f32 v60, v1  }
0x28c: {  	v2 =	vadd.f32 v61, v2;
	v3 =	vadd.f32 v62, v3  }
0x28d: {  	p0 =	sne.s32 s30, $0x40  }
.Ltmp3:
0x28e: {  	v0 =	vadd.f32 v1, v0;
	v63 =	vadd.f32 v3, v2;
	(pc) =	sbr.rel @p0 .LBB2_9-.Ltmp3, $3  }
0x28f: {  	_ = 	snop  }
0x290: {  	v0 =	vadd.f32 v63, v0;
	_ =	sdelay $0x1  }
0x291: {  	s30 =	sadd.s32 $0x40, s30;
	[tilespmem:s2+$0x1EAE0] =	vst v0  }
0x292: {  	s2 =	rddreg [dreg:$0xa]  }
0x293: {  	s2 =	sadd.s32 s18, s2  }
0x294: {  	[tilespmem:s25], [sflag:$0x2] =	stream.strided.gather [hbm4b:s2+s19], $0x3000, s20, s19, $0x38;
	[tilespmem:$0x1F700] =	vst v63  }
0x295: {  	s13 =	simm.s32 $0x20;
	s3 =	simm.s32 $0x100;
	_ =	swait.ge [sflag:s26], $0x3000  }
0x296: {  	s4 =	sand.u32 $0x70, s13;
	s7 =	sand.u32 $0x1C00, s3;
	[sflag:s26] =	ssyncset.done $0x0  }
0x297: {  	s4 =	sor.u32 s4, s7;
	[sflag:s26] =	ssyncadd.s32 $0xFFFFD000  }
0x298: {  	v0 =	vld [tilespmem:s4+$0x2000]  }
0x299: {  	v1 =	vld [tilespmem:s4+$0x2080]  }
0x29a: {  	v2 =	vld [tilespmem:s4+$0x2100]  }
0x29b: {  	v3 =	vld [tilespmem:s4+$0x2180]  }
0x29c: {  	v4 =	vld [tilespmem:s4+$0x1200]  }
0x29d: {  	v5 =	vld [tilespmem:s4+$0x1280]  }
0x29e: {  	v6 =	vld [tilespmem:s4+$0x1300]  }
0x29f: {  	v7 =	vld [tilespmem:s4+$0x1380]  }
0x2a0: {  	v8 =	vld [tilespmem:s4+$0x1000]  }
0x2a1: {  	v9 =	vld [tilespmem:s4+$0x1080]  }
0x2a2: {  	v10 =	vld [tilespmem:s4+$0x1100]  }
0x2a3: {  	v11 =	vld [tilespmem:s4+$0x1180]  }
0x2a4: {  	v12 =	vld [tilespmem:s4+$0x0]  }
0x2a5: {  	v13 =	vld [tilespmem:s4+$0x80]  }
0x2a6: {  	v14 =	vld [tilespmem:s4+$0x100]  }
0x2a7: {  	v15 =	vld [tilespmem:s4+$0x180]  }
0x2a8: {  	v16 =	vld [tilespmem:s4+$0x200]  }
0x2a9: {  	s14 =	simm.s32 $0x10;
	s15 =	simm.s32 $0x80;
	s2 =	sor.u32 s3, s13;
	v17 =	vld [tilespmem:s4+$0x280]  }
0x2aa: {  	s16 =	sand.u32 $0x70, s14;
	s17 =	sand.u32 $0x1C00, s15;
	s2 =	sor.u32 $0x380, s2;
	v18 =	vld [tilespmem:s4+$0x300]  }
0x2ab: {  	s7 =	sor.u32 s16, s17;
	v19 =	vld [tilespmem:s2+$0x0]  }
0x2ac: {  	v22 =	vld [tilespmem:s7+$0x100]  }
0x2ad: {  	v23 =	vld [tilespmem:s7+$0x180]  }
0x2ae: {  	v24 =	vld [tilespmem:s7+$0x200]  }
0x2af: {  	s3 =	sor.u32 s15, s14;
	v25 =	vld [tilespmem:s7+$0x280]  }
0x2b0: {  	s3 =	sor.u32 $0x380, s3;
	v26 =	vld [tilespmem:s7+$0x300]  }
0x2b1: {  	v27 =	vld [tilespmem:s3+$0x0]  }
0x2b2: {  	v36 =	vld [tilespmem:s7+$0x1000]  }
0x2b3: {  	v37 =	vld [tilespmem:s7+$0x1080]  }
0x2b4: {  	v38 =	vld [tilespmem:s7+$0x1100]  }
0x2b5: {  	v39 =	vld [tilespmem:s7+$0x1180]  }
0x2b6: {  	v44 =	vld [tilespmem:s7+$0x1200]  }
0x2b7: {  	v45 =	vld [tilespmem:s7+$0x1280]  }
0x2b8: {  	v46 =	vld [tilespmem:s7+$0x1300]  }
0x2b9: {  	v47 =	vld [tilespmem:s7+$0x1380]  }
0x2ba: {  	v53 =	vld [tilespmem:s7+$0x2000]  }
0x2bb: {  	s21 =	simm.s32 $0x0;
	v54 =	vld [tilespmem:s7+$0x2080]  }
0x2bc: {  	s22 =	sand.u32 $0xC00, s21;
	s9 =	sand.u32 $0x70, s21;
	v55 =	vld [tilespmem:s7+$0x2100]  }
0x2bd: {  	s4 =	sor.u32 s9, s22;
	v56 =	vld [tilespmem:s7+$0x2180]  }
0x2be: {  	v28 =	vld [tilespmem:s4+$0x0]  }
0x2bf: {  	v29 =	vld [tilespmem:s4+$0x80]  }
0x2c0: {  	v30 =	vld [tilespmem:s4+$0x100]  }
0x2c1: {  	v31 =	vld [tilespmem:s4+$0x180]  }
0x2c2: {  	v32 =	vld [tilespmem:s4+$0x200]  }
0x2c3: {  	s24 =	sor.u32 s21, s21;
	v33 =	vld [tilespmem:s4+$0x280]  }
0x2c4: {  	s3 =	sor.u32 $0x380, s24;
	v34 =	vld [tilespmem:s4+$0x300]  }
0x2c5: {  	v35 =	vld [tilespmem:s3+$0x0]  }
0x2c6: {  	v40 =	vld [tilespmem:s4+$0x1000]  }
0x2c7: {  	v41 =	vld [tilespmem:s4+$0x1080]  }
0x2c8: {  	v42 =	vld [tilespmem:s4+$0x1100]  }
0x2c9: {  	v43 =	vld [tilespmem:s4+$0x1180]  }
0x2ca: {  	v48 =	vld [tilespmem:s4+$0x1200]  }
0x2cb: {  	v49 =	vld [tilespmem:s4+$0x1280]  }
0x2cc: {  	v50 =	vld [tilespmem:s4+$0x1300]  }
0x2cd: {  	v51 =	vld [tilespmem:s4+$0x1380]  }
0x2ce: {  	v57 =	vld [tilespmem:s4+$0x2000]  }
0x2cf: {  	v20 =	vld.idx.msk [tilespmem:v0+s23+$0x0], $0xffff  }
0x2d0: {  	v21 =	vld.idx.msk [tilespmem:v1+s23+$0x0], $0xffff  }
0x2d1: {  	v4 =	vld.idx.msk [tilespmem:v4+s23+$0x0], $0xffff  }
0x2d2: {  	v5 =	vld.idx.msk [tilespmem:v5+s23+$0x0], $0xffff  }
0x2d3: {  	v8 =	vld.idx.msk [tilespmem:v8+s23+$0x0], $0xffff  }
0x2d4: {  	v9 =	vld.idx.msk [tilespmem:v9+s23+$0x0], $0xffff  }
0x2d5: {  	v0 =	vld.idx.msk [tilespmem:v12+s23+$0x0], $0xffff  }
0x2d6: {  	v1 =	vld.idx.msk [tilespmem:v13+s23+$0x0], $0xffff  }
0x2d7: {  	v12 =	vld.idx.msk [tilespmem:v14+s23+$0x0], $0xffff  }
0x2d8: {  	v13 =	vld.idx.msk [tilespmem:v15+s23+$0x0], $0xffff  }
0x2d9: {  	v14 =	vld.idx.msk [tilespmem:v16+s23+$0x0], $0xffff  }
0x2da: {  	v15 =	vld.idx.msk [tilespmem:v17+s23+$0x0], $0xffff  }
0x2db: {  	v16 =	vld.idx.msk [tilespmem:v18+s23+$0x0], $0xffff  }
0x2dc: {  	v17 =	vld.idx.msk [tilespmem:v19+s23+$0x0], $0xffff  }
0x2dd: {  	v10 =	vld.idx.msk [tilespmem:v10+s23+$0x0], $0xffff  }
0x2de: {  	v11 =	vld.idx.msk [tilespmem:v11+s23+$0x0], $0xffff  }
0x2df: {  	v6 =	vld.idx.msk [tilespmem:v6+s23+$0x0], $0xffff  }
0x2e0: {  	v7 =	vld.idx.msk [tilespmem:v7+s23+$0x0], $0xffff  }
0x2e1: {  	v18 =	vld.idx.msk [tilespmem:v2+s23+$0x0], $0xffff  }
0x2e2: {  	v3 =	vld.idx.msk [tilespmem:v3+s23+$0x0], $0xffff  }
0x2e3: {  	v2 =	vld [tilespmem:s7+$0x0]  }
0x2e4: {  	v19 =	vld [tilespmem:s7+$0x80]  }
0x2e5: {  	v22 =	vld.idx.msk [tilespmem:v22+s23+$0x0], $0xffff  }
0x2e6: {  	v23 =	vld.idx.msk [tilespmem:v23+s23+$0x0], $0xffff  }
0x2e7: {  	v24 =	vld.idx.msk [tilespmem:v24+s23+$0x0], $0xffff  }
0x2e8: {  	v25 =	vld.idx.msk [tilespmem:v25+s23+$0x0], $0xffff  }
0x2e9: {  	v26 =	vld.idx.msk [tilespmem:v26+s23+$0x0], $0xffff  }
0x2ea: {  	v27 =	vld.idx.msk [tilespmem:v27+s23+$0x0], $0xffff  }
0x2eb: {  	v28 =	vld.idx.msk [tilespmem:v28+s23+$0x0], $0xffff  }
0x2ec: {  	v29 =	vld.idx.msk [tilespmem:v29+s23+$0x0], $0xffff  }
0x2ed: {  	v30 =	vld.idx.msk [tilespmem:v30+s23+$0x0], $0xffff  }
0x2ee: {  	v31 =	vld.idx.msk [tilespmem:v31+s23+$0x0], $0xffff  }
0x2ef: {  	v32 =	vld.idx.msk [tilespmem:v32+s23+$0x0], $0xffff  }
0x2f0: {  	v33 =	vld.idx.msk [tilespmem:v33+s23+$0x0], $0xffff  }
0x2f1: {  	v34 =	vld.idx.msk [tilespmem:v34+s23+$0x0], $0xffff  }
0x2f2: {  	v35 =	vld.idx.msk [tilespmem:v35+s23+$0x0], $0xffff  }
0x2f3: {  	v60 =	vld.idx.msk [tilespmem:v48+s23+$0x0], $0xffff  }
0x2f4: {  	v62 =	vld.idx.msk [tilespmem:v49+s23+$0x0], $0xffff  }
0x2f5: {  	v63 =	vld.idx.msk [tilespmem:v50+s23+$0x0], $0xffff  }
0x2f6: {  	v15 =	vadd.f32 v15, v1;
	v1 =	vld [tilespmem:s4+$0x2100]  }
0x2f7: {  	v14 =	vadd.f32 v14, v0;
	v0 =	vld [tilespmem:s4+$0x2180]  }
0x2f8: {  	v12 =	vadd.f32 v16, v12;
	v13 =	vadd.f32 v17, v13;
	v17 =	vld.idx.msk [tilespmem:v46+s23+$0x0], $0xffff  }
0x2f9: {  	v8 =	vadd.f32 v8, v14;
	v14 =	vld.idx.msk [tilespmem:v36+s23+$0x0], $0xffff  }
0x2fa: {  	v10 =	vadd.f32 v10, v12;
	v12 =	vld.idx.msk [tilespmem:v37+s23+$0x0], $0xffff  }
0x2fb: {  	v16 =	vadd.f32 v26, v22;
	v9 =	vadd.f32 v9, v15;
	v15 =	vld.idx.msk [tilespmem:v45+s23+$0x0], $0xffff  }
0x2fc: {  	v58 =	vadd.f32 v33, v29;
	v59 =	vadd.f32 v34, v30;
	v52 =	vld.idx.msk [tilespmem:v2+s23+$0x0], $0xffff  }
0x2fd: {  	v61 =	vadd.f32 v35, v31;
	v11 =	vadd.f32 v11, v13;
	v19 =	vld.idx.msk [tilespmem:v19+s23+$0x0], $0xffff  }
0x2fe: {  	v4 =	vadd.f32 v4, v8;
	v5 =	vadd.f32 v5, v9;
	v8 =	vld.idx.msk [tilespmem:v38+s23+$0x0], $0xffff  }
0x2ff: {  	v6 =	vadd.f32 v6, v10;
	v7 =	vadd.f32 v7, v11;
	v9 =	vld.idx.msk [tilespmem:v39+s23+$0x0], $0xffff  }
0x300: {  	v11 =	vld.idx.msk [tilespmem:v42+s23+$0x0], $0xffff;
	v4 =	vadd.f32 v20, v4;
	v5 =	vadd.f32 v21, v5  }
0x301: {  	v10 =	vld.idx.msk [tilespmem:v40+s23+$0x0], $0xffff;
	v6 =	vadd.f32 v18, v6;
	v3 =	vadd.f32 v3, v7  }
0x302: {  	v7 =	vld.idx.msk [tilespmem:v41+s23+$0x0], $0xffff;
	v18 =	vadd.f32 v27, v23;
	v4 =	vadd.f32 v5, v4  }
0x303: {  	v2 =	vld [tilespmem:s4+$0x2080];
	v3 =	vadd.f32 v3, v6;
	v13 =	vadd.f32 v25, v19  }
0x304: {  	v5 =	vld.idx.msk [tilespmem:v43+s23+$0x0], $0xffff;
	v19 =	vadd.f32 v32, v28;
	v16 =	vadd.f32 v8, v16  }
0x305: {  	v6 =	vld.idx.msk [tilespmem:v44+s23+$0x0], $0xffff;
	v18 =	vadd.f32 v9, v18;
	v22 =	vadd.f32 v11, v59  }
0x306: {  	v11 =	vld.idx.msk [tilespmem:v54+s23+$0x0], $0xffff;
	v4 =	vadd.f32 v3, v4;
	v3 =	vadd.f32 v24, v52  }
0x307: {  	v52 =	vld.idx.msk [tilespmem:v47+s23+$0x0], $0xffff;
	v19 =	vadd.f32 v10, v19;
	v21 =	vadd.f32 v7, v58  }
0x308: {  	s29 =	simm.s32 $0x1EB20;
	v3 =	vadd.f32 v14, v3;
	v14 =	vadd.f32 v12, v13;
	v13 =	vld.idx.msk [tilespmem:v51+s23+$0x0], $0xffff  }
0x309: {  	v12 =	vld.idx.msk [tilespmem:v53+s23+$0x0], $0xffff;
	[tilespmem:s29+$0x0] =	vst v4;
	v4 =	vadd.f32 v63, v22;
	v10 =	vadd.f32 v5, v61  }
0x30a: {  	s30 =	simm.s32 $0x1C60;
	s31 =	simm.s32 $0x1E0;
	v5 =	vadd.f32 v17, v16;
	v16 =	vld.idx.msk [tilespmem:v57+s23+$0x0], $0xffff;
	v8 =	vadd.f32 v6, v3  }
0x30b: {  	s10 =	simm.s32 $0x180;
	s2 =	sand.u32 $0x1F0, s21;
	s9 =	simm.s32 $0x0;
	v9 =	vadd.f32 v15, v14;
	v14 =	vld.idx.msk [tilespmem:v55+s23+$0x0], $0xffff;
	v3 =	vadd.f32 v60, v19  }
0x30c: {  	s3 =	simm.s32 $0xF00;
	s7 =	simm.s32 $0x30;
	s4 =	simm.s32 $0x1ECE0;
	v15 =	vld.idx.msk [tilespmem:v56+s23+$0x0], $0xffff;
	v6 =	vadd.f32 v62, v21;
	v7 =	vadd.f32 v52, v18  }
.LBB2_11:
0x30d: {  	s11 =	sadd.s32 $0x10, s7;
	s15 =	sadd.s32 $0x20, s7;
	s16 =	sadd.s32 $0x100, s10;
	v10 =	vadd.f32 v13, v10;
	v2 =	vld.idx.msk [tilespmem:v2+s23+$0x0], $0xffff  }
0x30e: {  	s12 =	sadd.s32 $0x80, s10;
	v8 =	vadd.f32 v12, v8;
	s13 =	sand.u32 $0x70, s15;
	s14 =	sand.u32 $0x1C00, s16;
	v1 =	vld.idx.msk [tilespmem:v1+s23+$0x0], $0xffff  }
0x30f: {  	s21 =	sand.u32 $0x70, s11;
	s22 =	sand.u32 $0x1C00, s12;
	v9 =	vadd.f32 v11, v9;
	s17 =	sor.u32 s13, s14;
	v0 =	vld.idx.msk [tilespmem:v0+s23+$0x0], $0xffff  }
0x310: {  	s24 =	sor.u32 s10, s7;
	s11 =	sor.u32 s12, s11;
	s13 =	sand.u32 $0xC00, s10;
	v5 =	vadd.f32 v14, v5;
	v11 =	vld [tilespmem:s17+$0x2000]  }
0x311: {  	s6 =	sand.u32 $0x70, s7;
	s12 =	sor.u32 s21, s22;
	s14 =	sor.u32 $0x380, s11;
	v7 =	vadd.f32 v15, v7;
	v8 =	vadd.f32 v9, v8;
	v12 =	vld [tilespmem:s17+$0x2080]  }
0x312: {  	s11 =	sor.u32 s6, s13;
	s13 =	sor.u32 $0x380, s24;
	s6 =	sand.u32 $0x1F0, s7;
	v3 =	vadd.f32 v16, v3;
	v9 =	vld [tilespmem:s17+$0x2100]  }
0x313: {  	v2 =	vadd.f32 v2, v6;
	v5 =	vadd.f32 v7, v5;
	v13 =	vld [tilespmem:s17+$0x2180]  }
0x314: {  	v1 =	vadd.f32 v1, v4;
	v6 =	vld [tilespmem:s17+$0x1200]  }
0x315: {  	v0 =	vadd.f32 v0, v10;
	v2 =	vadd.f32 v2, v3;
	v4 =	vld [tilespmem:s17+$0x1280]  }
0x316: {  	v5 =	vadd.f32 v5, v8;
	v3 =	vld [tilespmem:s17+$0x1300]  }
0x317: {  	v0 =	vadd.f32 v0, v1;
	v7 =	vld [tilespmem:s17+$0x1380]  }
0x318: {  	v1 =	vld [tilespmem:s17+$0x1000];
	[tilespmem:s29+$0xFFFFFFF0] =	vst v5  }
0x319: {  	v0 =	vadd.f32 v0, v2;
	v5 =	vld [tilespmem:s17+$0x1080]  }
0x31a: {  	v2 =	vld [tilespmem:s17+$0x1100]  }
0x31b: {  	v8 =	vld [tilespmem:s17+$0x1180];
	[tilespmem:s2+$0x1EB00] =	vst v0;
	s2 =	smov.u32 s6  }
0x31c: {  	v0 =	vld [tilespmem:s17+$0x0]  }
0x31d: {  	v10 =	vld [tilespmem:s17+$0x80]  }
0x31e: {  	v14 =	vld [tilespmem:s17+$0x100]  }
0x31f: {  	v15 =	vld [tilespmem:s17+$0x180]  }
0x320: {  	v16 =	vld [tilespmem:s17+$0x200]  }
0x321: {  	s6 =	sor.u32 s16, s15;
	v17 =	vld [tilespmem:s17+$0x280]  }
0x322: {  	s6 =	sor.u32 $0x380, s6;
	v18 =	vld [tilespmem:s17+$0x300]  }
0x323: {  	v19 =	vld [tilespmem:s6+$0x0]  }
0x324: {  	v11 =	vld.idx.msk [tilespmem:v11+s23+$0x0], $0xffff  }
0x325: {  	v12 =	vld.idx.msk [tilespmem:v12+s23+$0x0], $0xffff  }
0x326: {  	s9 =	sadd.s32 $0x3, s9;
	v6 =	vld.idx.msk [tilespmem:v6+s23+$0x0], $0xffff  }
0x327: {  	p0 =	slt.u32 s9, $0x1B;
	v4 =	vld.idx.msk [tilespmem:v4+s23+$0x0], $0xffff  }
0x328: {  	v1 =	vld.idx.msk [tilespmem:v1+s23+$0x0], $0xffff  }
0x329: {  	v5 =	vld.idx.msk [tilespmem:v5+s23+$0x0], $0xffff  }
0x32a: {  	v0 =	vld.idx.msk [tilespmem:v0+s23+$0x0], $0xffff  }
0x32b: {  	v10 =	vld.idx.msk [tilespmem:v10+s23+$0x0], $0xffff  }
0x32c: {  	v14 =	vld.idx.msk [tilespmem:v14+s23+$0x0], $0xffff  }
0x32d: {  	v15 =	vld.idx.msk [tilespmem:v15+s23+$0x0], $0xffff  }
0x32e: {  	v16 =	vld.idx.msk [tilespmem:v16+s23+$0x0], $0xffff  }
0x32f: {  	v17 =	vld.idx.msk [tilespmem:v17+s23+$0x0], $0xffff  }
0x330: {  	v18 =	vld.idx.msk [tilespmem:v18+s23+$0x0], $0xffff  }
0x331: {  	v19 =	vld.idx.msk [tilespmem:v19+s23+$0x0], $0xffff  }
0x332: {  	v2 =	vld.idx.msk [tilespmem:v2+s23+$0x0], $0xffff  }
0x333: {  	v8 =	vld.idx.msk [tilespmem:v8+s23+$0x0], $0xffff  }
0x334: {  	v3 =	vld.idx.msk [tilespmem:v3+s23+$0x0], $0xffff  }
0x335: {  	v7 =	vld.idx.msk [tilespmem:v7+s23+$0x0], $0xffff  }
0x336: {  	v0 =	vadd.f32 v16, v0;
	v10 =	vadd.f32 v17, v10;
	v9 =	vld.idx.msk [tilespmem:v9+s23+$0x0], $0xffff  }
0x337: {  	v14 =	vadd.f32 v18, v14;
	v15 =	vadd.f32 v19, v15;
	v13 =	vld.idx.msk [tilespmem:v13+s23+$0x0], $0xffff  }
0x338: {  	v0 =	vadd.f32 v1, v0;
	v1 =	vadd.f32 v5, v10;
	v16 =	vld [tilespmem:s12+$0x0]  }
0x339: {  	v2 =	vadd.f32 v2, v14;
	v8 =	vadd.f32 v8, v15;
	v5 =	vld [tilespmem:s12+$0x80]  }
0x33a: {  	v0 =	vadd.f32 v6, v0;
	v1 =	vadd.f32 v4, v1;
	v10 =	vld [tilespmem:s12+$0x100]  }
0x33b: {  	v2 =	vadd.f32 v3, v2;
	v3 =	vadd.f32 v7, v8;
	v4 =	vld [tilespmem:s12+$0x180]  }
0x33c: {  	v0 =	vadd.f32 v11, v0;
	v1 =	vadd.f32 v12, v1;
	v6 =	vld [tilespmem:s12+$0x200]  }
0x33d: {  	v2 =	vadd.f32 v9, v2;
	v3 =	vadd.f32 v13, v3;
	v7 =	vld [tilespmem:s12+$0x280]  }
0x33e: {  	v8 =	vld [tilespmem:s12+$0x300]  }
0x33f: {  	v0 =	vadd.f32 v1, v0;
	v1 =	vadd.f32 v3, v2;
	v9 =	vld [tilespmem:s14+$0x0]  }
0x340: {  	v2 =	vld [tilespmem:s11+$0x0]  }
0x341: {  	v0 =	vadd.f32 v1, v0;
	v3 =	vld [tilespmem:s11+$0x80]  }
0x342: {  	s29 =	sadd.s32 $0x30, s29;
	v1 =	vld [tilespmem:s11+$0x100]  }
0x343: {  	v11 =	vld [tilespmem:s11+$0x180];
	[tilespmem:s29+$0x0] =	vst v0  }
0x344: {  	v0 =	vld [tilespmem:s11+$0x200]  }
0x345: {  	v12 =	vld [tilespmem:s11+$0x280]  }
0x346: {  	v13 =	vld [tilespmem:s11+$0x300]  }
0x347: {  	v14 =	vld [tilespmem:s13+$0x0]  }
0x348: {  	v15 =	vld [tilespmem:s12+$0x1000]  }
0x349: {  	v17 =	vld [tilespmem:s12+$0x1080]  }
0x34a: {  	v18 =	vld [tilespmem:s12+$0x1100]  }
0x34b: {  	v19 =	vld [tilespmem:s12+$0x1180]  }
0x34c: {  	v20 =	vld [tilespmem:s11+$0x1000]  }
0x34d: {  	v21 =	vld [tilespmem:s11+$0x1080]  }
0x34e: {  	v22 =	vld [tilespmem:s11+$0x1100]  }
0x34f: {  	v23 =	vld [tilespmem:s11+$0x1180]  }
0x350: {  	v24 =	vld [tilespmem:s12+$0x1200]  }
0x351: {  	v25 =	vld [tilespmem:s12+$0x1280]  }
0x352: {  	v26 =	vld [tilespmem:s12+$0x1300]  }
0x353: {  	v27 =	vld [tilespmem:s12+$0x1380]  }
0x354: {  	v28 =	vld [tilespmem:s11+$0x1200]  }
0x355: {  	v29 =	vld [tilespmem:s11+$0x1280]  }
0x356: {  	v30 =	vld [tilespmem:s11+$0x1300]  }
0x357: {  	v31 =	vld [tilespmem:s11+$0x1380]  }
0x358: {  	v16 =	vld.idx.msk [tilespmem:v16+s23+$0x0], $0xffff  }
0x359: {  	v5 =	vld.idx.msk [tilespmem:v5+s23+$0x0], $0xffff  }
0x35a: {  	v10 =	vld.idx.msk [tilespmem:v10+s23+$0x0], $0xffff  }
0x35b: {  	v4 =	vld.idx.msk [tilespmem:v4+s23+$0x0], $0xffff  }
0x35c: {  	v6 =	vld.idx.msk [tilespmem:v6+s23+$0x0], $0xffff  }
0x35d: {  	v7 =	vld.idx.msk [tilespmem:v7+s23+$0x0], $0xffff  }
0x35e: {  	v8 =	vld.idx.msk [tilespmem:v8+s23+$0x0], $0xffff  }
0x35f: {  	v9 =	vld.idx.msk [tilespmem:v9+s23+$0x0], $0xffff  }
0x360: {  	v2 =	vld.idx.msk [tilespmem:v2+s23+$0x0], $0xffff  }
0x361: {  	v3 =	vld.idx.msk [tilespmem:v3+s23+$0x0], $0xffff  }
0x362: {  	v6 =	vadd.f32 v6, v16;
	v1 =	vld.idx.msk [tilespmem:v1+s23+$0x0], $0xffff  }
0x363: {  	v5 =	vadd.f32 v7, v5;
	v11 =	vld.idx.msk [tilespmem:v11+s23+$0x0], $0xffff  }
0x364: {  	v7 =	vadd.f32 v8, v10;
	v0 =	vld.idx.msk [tilespmem:v0+s23+$0x0], $0xffff  }
0x365: {  	v4 =	vadd.f32 v9, v4;
	v8 =	vld.idx.msk [tilespmem:v12+s23+$0x0], $0xffff  }
0x366: {  	v9 =	vld.idx.msk [tilespmem:v13+s23+$0x0], $0xffff  }
0x367: {  	v10 =	vld.idx.msk [tilespmem:v14+s23+$0x0], $0xffff  }
0x368: {  	v12 =	vld [tilespmem:s12+$0x2000]  }
0x369: {  	v14 =	vld [tilespmem:s12+$0x2080]  }
0x36a: {  	v13 =	vadd.f32 v0, v2;
	v16 =	vld [tilespmem:s12+$0x2100]  }
0x36b: {  	v3 =	vadd.f32 v8, v3;
	v32 =	vld [tilespmem:s12+$0x2180]  }
0x36c: {  	v8 =	vadd.f32 v9, v1;
	v33 =	vld [tilespmem:s11+$0x2000]  }
0x36d: {  	v9 =	vadd.f32 v10, v11;
	v2 =	vld [tilespmem:s11+$0x2080]  }
0x36e: {  	v1 =	vld [tilespmem:s11+$0x2100]  }
0x36f: {  	v0 =	vld [tilespmem:s11+$0x2180]  }
0x370: {  	v10 =	vld.idx.msk [tilespmem:v15+s23+$0x0], $0xffff  }
0x371: {  	v11 =	vld.idx.msk [tilespmem:v17+s23+$0x0], $0xffff  }
0x372: {  	v15 =	vld.idx.msk [tilespmem:v18+s23+$0x0], $0xffff  }
0x373: {  	v17 =	vld.idx.msk [tilespmem:v19+s23+$0x0], $0xffff  }
0x374: {  	v18 =	vld.idx.msk [tilespmem:v20+s23+$0x0], $0xffff  }
0x375: {  	v19 =	vld.idx.msk [tilespmem:v21+s23+$0x0], $0xffff  }
0x376: {  	v6 =	vadd.f32 v10, v6;
	v20 =	vld.idx.msk [tilespmem:v22+s23+$0x0], $0xffff  }
0x377: {  	v5 =	vadd.f32 v11, v5;
	v10 =	vld.idx.msk [tilespmem:v23+s23+$0x0], $0xffff  }
0x378: {  	v7 =	vadd.f32 v15, v7;
	v11 =	vld.idx.msk [tilespmem:v24+s23+$0x0], $0xffff  }
0x379: {  	v4 =	vadd.f32 v17, v4;
	v15 =	vld.idx.msk [tilespmem:v25+s23+$0x0], $0xffff  }
0x37a: {  	v17 =	vadd.f32 v18, v13;
	v18 =	vld.idx.msk [tilespmem:v26+s23+$0x0], $0xffff  }
0x37b: {  	v19 =	vadd.f32 v19, v3;
	v3 =	vld.idx.msk [tilespmem:v27+s23+$0x0], $0xffff  }
0x37c: {  	v20 =	vadd.f32 v20, v8;
	v21 =	vld.idx.msk [tilespmem:v28+s23+$0x0], $0xffff  }
0x37d: {  	v10 =	vadd.f32 v10, v9;
	v22 =	vld.idx.msk [tilespmem:v29+s23+$0x0], $0xffff  }
0x37e: {  	v8 =	vadd.f32 v11, v6;
	v23 =	vld.idx.msk [tilespmem:v30+s23+$0x0], $0xffff  }
0x37f: {  	v9 =	vadd.f32 v15, v5;
	v13 =	vld.idx.msk [tilespmem:v31+s23+$0x0], $0xffff  }
.Ltmp4:
0x380: {  	v5 =	vadd.f32 v18, v7;
	v12 =	vld.idx.msk [tilespmem:v12+s23+$0x0], $0xffff;
	(pc) =	sbr.rel @p0 .LBB2_11-.Ltmp4, $4  }
0x381: {  	v7 =	vadd.f32 v3, v4;
	v11 =	vld.idx.msk [tilespmem:v14+s23+$0x0], $0xffff  }
0x382: {  	v3 =	vadd.f32 v21, v17;
	v14 =	vld.idx.msk [tilespmem:v16+s23+$0x0], $0xffff  }
0x383: {  	v6 =	vadd.f32 v22, v19;
	v15 =	vld.idx.msk [tilespmem:v32+s23+$0x0], $0xffff  }
0x384: {  	s10 =	sadd.s32 $0x180, s10;
	s7 =	sadd.s32 $0x30, s7;
	v4 =	vadd.f32 v23, v20;
	v16 =	vld.idx.msk [tilespmem:v33+s23+$0x0], $0xffff  }
0x385: {  	_ =	sdelay $0x3  }
0x386: {  	v2 =	vld.idx.msk [tilespmem:v2+s23+$0x0], $0xffff  }
0x387: {  	v1 =	vld.idx.msk [tilespmem:v1+s23+$0x0], $0xffff  }
0x388: {  	v0 =	vld.idx.msk [tilespmem:v0+s23+$0x0], $0xffff  }
0x389: {  	v10 =	vadd.f32 v13, v10  }
0x38a: {  	v8 =	vadd.f32 v12, v8;
	v9 =	vadd.f32 v11, v9  }
0x38b: {  	v5 =	vadd.f32 v14, v5;
	v7 =	vadd.f32 v15, v7  }
0x38c: {  	v3 =	vadd.f32 v16, v3;
	v2 =	vadd.f32 v2, v6  }
0x38d: {  	v1 =	vadd.f32 v1, v4;
	v0 =	vadd.f32 v0, v10  }
0x38e: {  	v62 =	vadd.f32 v9, v8;
	v5 =	vadd.f32 v7, v5  }
0x38f: {  	v2 =	vadd.f32 v2, v3;
	v0 =	vadd.f32 v0, v1  }
0x390: {  	v63 =	vadd.f32 v5, v62  }
0x391: {  	v0 =	vadd.f32 v0, v2  }
0x392: {  	[tilespmem:s29+$0xFFFFFFF0] =	vst v63  }
0x393: {  	[tilespmem:s2+$0x1EB00] =	vst v0  }
.LBB2_13:
0x394: {  	v0 =	vld [tilespmem:s30+$0xFFFFF000]  }
0x395: {  	v1 =	vld [tilespmem:s30+$0xFFFFF080]  }
0x396: {  	v2 =	vld [tilespmem:s30+$0xFFFFF100]  }
0x397: {  	v3 =	vld [tilespmem:s30+$0xFFFFF180]  }
0x398: {  	v4 =	vld [tilespmem:s30+$0xFFFFF200]  }
0x399: {  	v5 =	vld [tilespmem:s30+$0xFFFFF280]  }
0x39a: {  	v6 =	vld [tilespmem:s30+$0xFFFFF300]  }
0x39b: {  	v8 =	vld [tilespmem:s30+$0x0]  }
0x39c: {  	v9 =	vld [tilespmem:s30+$0x80]  }
0x39d: {  	v10 =	vld [tilespmem:s30+$0x100]  }
0x39e: {  	v11 =	vld [tilespmem:s30+$0x180]  }
0x39f: {  	v12 =	vld [tilespmem:s30+$0x200]  }
0x3a0: {  	v13 =	vld [tilespmem:s30+$0x280]  }
0x3a1: {  	v14 =	vld [tilespmem:s30+$0x300]  }
0x3a2: {  	v15 =	vld [tilespmem:s30+$0x380]  }
0x3a3: {  	v16 =	vld [tilespmem:s30+$0x1000]  }
0x3a4: {  	v17 =	vld [tilespmem:s30+$0x1080]  }
0x3a5: {  	s2 =	sor.u32 s3, s31;
	v18 =	vld [tilespmem:s30+$0x1100]  }
0x3a6: {  	v19 =	vld [tilespmem:s30+$0x1180];
	s2 =	sor.u32 $0x380, s2  }
0x3a7: {  	v7 =	vld [tilespmem:s2+$0x0]  }
0x3a8: {  	v0 =	vld.idx.msk [tilespmem:v0+s23+$0x0], $0xffff  }
0x3a9: {  	v1 =	vld.idx.msk [tilespmem:v1+s23+$0x0], $0xffff  }
0x3aa: {  	v2 =	vld.idx.msk [tilespmem:v2+s23+$0x0], $0xffff  }
0x3ab: {  	v3 =	vld.idx.msk [tilespmem:v3+s23+$0x0], $0xffff  }
0x3ac: {  	v4 =	vld.idx.msk [tilespmem:v4+s23+$0x0], $0xffff  }
0x3ad: {  	v5 =	vld.idx.msk [tilespmem:v5+s23+$0x0], $0xffff  }
0x3ae: {  	v6 =	vld.idx.msk [tilespmem:v6+s23+$0x0], $0xffff  }
0x3af: {  	v8 =	vld.idx.msk [tilespmem:v8+s23+$0x0], $0xffff  }
0x3b0: {  	v9 =	vld.idx.msk [tilespmem:v9+s23+$0x0], $0xffff  }
0x3b1: {  	v10 =	vld.idx.msk [tilespmem:v10+s23+$0x0], $0xffff  }
0x3b2: {  	v11 =	vld.idx.msk [tilespmem:v11+s23+$0x0], $0xffff  }
0x3b3: {  	v12 =	vld.idx.msk [tilespmem:v12+s23+$0x0], $0xffff  }
0x3b4: {  	v13 =	vld.idx.msk [tilespmem:v13+s23+$0x0], $0xffff  }
0x3b5: {  	v7 =	vld.idx.msk [tilespmem:v7+s23+$0x0], $0xffff  }
0x3b6: {  	v14 =	vld.idx.msk [tilespmem:v14+s23+$0x0], $0xffff  }
0x3b7: {  	v15 =	vld.idx.msk [tilespmem:v15+s23+$0x0], $0xffff  }
0x3b8: {  	v16 =	vld.idx.msk [tilespmem:v16+s23+$0x0], $0xffff  }
0x3b9: {  	v60 =	vld.idx.msk [tilespmem:v17+s23+$0x0], $0xffff;
	v0 =	vadd.f32 v4, v0;
	v1 =	vadd.f32 v5, v1  }
0x3ba: {  	v61 =	vld.idx.msk [tilespmem:v18+s23+$0x0], $0xffff;
	v2 =	vadd.f32 v6, v2;
	v3 =	vadd.f32 v7, v3  }
0x3bb: {  	v62 =	vld.idx.msk [tilespmem:v19+s23+$0x0], $0xffff;
	v0 =	vadd.f32 v8, v0;
	v1 =	vadd.f32 v9, v1  }
0x3bc: {  	v2 =	vadd.f32 v10, v2;
	v3 =	vadd.f32 v11, v3  }
0x3bd: {  	v0 =	vadd.f32 v12, v0;
	v1 =	vadd.f32 v13, v1  }
0x3be: {  	v2 =	vadd.f32 v14, v2;
	v3 =	vadd.f32 v15, v3  }
0x3bf: {  	v0 =	vadd.f32 v16, v0;
	v1 =	vadd.f32 v60, v1  }
0x3c0: {  	v2 =	vadd.f32 v61, v2;
	v3 =	vadd.f32 v62, v3  }
0x3c1: {  	p0 =	sne.s32 s31, $0x1F0  }
.Ltmp5:
0x3c2: {  	v0 =	vadd.f32 v1, v0;
	v63 =	vadd.f32 v3, v2;
	(pc) =	sbr.rel @p0 .LBB2_13-.Ltmp5, $4  }
0x3c3: {  	_ = 	snop  }
0x3c4: {  	v0 =	vadd.f32 v63, v0  }
0x3c5: {  	s3 =	sadd.s32 $0x80, s3  }
0x3c6: {  	s30 =	sadd.s32 $0x10, s30;
	s31 =	sadd.s32 $0x10, s31;
	[tilespmem:s4+$0x0] =	vst v0;
	s4 =	sadd.s32 $0x10, s4  }
0x3c7: {  	s2 =	rddreg [dreg:$0xb]  }
0x3c8: {  	s30 =	simm.s32 $0x0;
	s2 =	sadd.s32 s18, s2  }
0x3c9: {  	[tilespmem:s30], [sflag:$0x1] =	stream.strided.gather [hbm4b:s2+s19], $0x3000, s20, s19, $0x38;
	[tilespmem:$0x1F700] =	vst v63  }
0x3ca: {  	s31 =	simm.s32 $0x20;
	s21 =	simm.s32 $0x100;
	_ =	swait.ge [sflag:s28], $0x3000  }
0x3cb: {  	s3 =	sand.u32 $0x70, s31;
	s2 =	sand.u32 $0x1C00, s21;
	[sflag:s28] =	ssyncset.done $0x0  }
0x3cc: {  	s2 =	sor.u32 s3, s2;
	[sflag:s28] =	ssyncadd.s32 $0xFFFFD000  }
0x3cd: {  	v0 =	vld [tilespmem:s2+$0x5000]  }
0x3ce: {  	v1 =	vld [tilespmem:s2+$0x5080]  }
0x3cf: {  	v2 =	vld [tilespmem:s2+$0x5100]  }
0x3d0: {  	v3 =	vld [tilespmem:s2+$0x5180]  }
0x3d1: {  	v4 =	vld [tilespmem:s2+$0x4200]  }
0x3d2: {  	v5 =	vld [tilespmem:s2+$0x4280]  }
0x3d3: {  	v6 =	vld [tilespmem:s2+$0x4300]  }
0x3d4: {  	v7 =	vld [tilespmem:s2+$0x4380]  }
0x3d5: {  	v8 =	vld [tilespmem:s2+$0x4000]  }
0x3d6: {  	v9 =	vld [tilespmem:s2+$0x4080]  }
0x3d7: {  	v10 =	vld [tilespmem:s2+$0x4100]  }
0x3d8: {  	v11 =	vld [tilespmem:s2+$0x4180]  }
0x3d9: {  	v12 =	vld [tilespmem:s2+$0x3000]  }
0x3da: {  	v13 =	vld [tilespmem:s2+$0x3080]  }
0x3db: {  	v14 =	vld [tilespmem:s2+$0x3100]  }
0x3dc: {  	v15 =	vld [tilespmem:s2+$0x3180]  }
0x3dd: {  	v16 =	vld [tilespmem:s2+$0x3200]  }
0x3de: {  	s22 =	simm.s32 $0x0;
	v17 =	vld [tilespmem:s2+$0x3280]  }
0x3df: {  	s24 =	sand.u32 $0x70, s22;
	s4 =	sand.u32 $0xC00, s30;
	v18 =	vld [tilespmem:s2+$0x3300]  }
0x3e0: {  	v19 =	vld [tilespmem:s2+$0x3380];
	s2 =	sor.u32 s24, s4  }
0x3e1: {  	v22 =	vld [tilespmem:s2+$0x3100]  }
0x3e2: {  	v23 =	vld [tilespmem:s2+$0x3180]  }
0x3e3: {  	v24 =	vld [tilespmem:s2+$0x3200]  }
0x3e4: {  	v25 =	vld [tilespmem:s2+$0x3280]  }
0x3e5: {  	v26 =	vld [tilespmem:s2+$0x3300]  }
0x3e6: {  	v27 =	vld [tilespmem:s2+$0x3380]  }
0x3e7: {  	v36 =	vld [tilespmem:s2+$0x4000]  }
0x3e8: {  	v37 =	vld [tilespmem:s2+$0x4080]  }
0x3e9: {  	v38 =	vld [tilespmem:s2+$0x4100]  }
0x3ea: {  	v39 =	vld [tilespmem:s2+$0x4180]  }
0x3eb: {  	v44 =	vld [tilespmem:s2+$0x4200]  }
0x3ec: {  	v45 =	vld [tilespmem:s2+$0x4280]  }
0x3ed: {  	v46 =	vld [tilespmem:s2+$0x4300]  }
0x3ee: {  	v47 =	vld [tilespmem:s2+$0x4380]  }
0x3ef: {  	v53 =	vld [tilespmem:s2+$0x5000]  }
0x3f0: {  	s29 =	simm.s32 $0x80;
	s6 =	simm.s32 $0x10;
	v54 =	vld [tilespmem:s2+$0x5080]  }
0x3f1: {  	s6 =	sand.u32 $0x70, s6;
	s4 =	sand.u32 $0x1C00, s29;
	v55 =	vld [tilespmem:s2+$0x5100]  }
0x3f2: {  	s4 =	sor.u32 s6, s4;
	v56 =	vld [tilespmem:s2+$0x5180]  }
0x3f3: {  	v28 =	vld [tilespmem:s4+$0x3000]  }
0x3f4: {  	v29 =	vld [tilespmem:s4+$0x3080]  }
0x3f5: {  	v30 =	vld [tilespmem:s4+$0x3100]  }
0x3f6: {  	v31 =	vld [tilespmem:s4+$0x3180]  }
0x3f7: {  	v32 =	vld [tilespmem:s4+$0x3200]  }
0x3f8: {  	v33 =	vld [tilespmem:s4+$0x3280]  }
0x3f9: {  	v34 =	vld [tilespmem:s4+$0x3300]  }
0x3fa: {  	v35 =	vld [tilespmem:s4+$0x3380]  }
0x3fb: {  	v40 =	vld [tilespmem:s4+$0x4000]  }
0x3fc: {  	v41 =	vld [tilespmem:s4+$0x4080]  }
0x3fd: {  	v42 =	vld [tilespmem:s4+$0x4100]  }
0x3fe: {  	v43 =	vld [tilespmem:s4+$0x4180]  }
0x3ff: {  	v48 =	vld [tilespmem:s4+$0x4200]  }
0x400: {  	v49 =	vld [tilespmem:s4+$0x4280]  }
0x401: {  	v50 =	vld [tilespmem:s4+$0x4300]  }
0x402: {  	v51 =	vld [tilespmem:s4+$0x4380]  }
0x403: {  	v57 =	vld [tilespmem:s4+$0x5000]  }
0x404: {  	v20 =	vld.idx.msk [tilespmem:v0+s23+$0x0], $0xffff  }
0x405: {  	v21 =	vld.idx.msk [tilespmem:v1+s23+$0x0], $0xffff  }
0x406: {  	v4 =	vld.idx.msk [tilespmem:v4+s23+$0x0], $0xffff  }
0x407: {  	v5 =	vld.idx.msk [tilespmem:v5+s23+$0x0], $0xffff  }
0x408: {  	v8 =	vld.idx.msk [tilespmem:v8+s23+$0x0], $0xffff  }
0x409: {  	v9 =	vld.idx.msk [tilespmem:v9+s23+$0x0], $0xffff  }
0x40a: {  	v0 =	vld.idx.msk [tilespmem:v12+s23+$0x0], $0xffff  }
0x40b: {  	v1 =	vld.idx.msk [tilespmem:v13+s23+$0x0], $0xffff  }
0x40c: {  	v12 =	vld.idx.msk [tilespmem:v14+s23+$0x0], $0xffff  }
0x40d: {  	v13 =	vld.idx.msk [tilespmem:v15+s23+$0x0], $0xffff  }
0x40e: {  	v14 =	vld.idx.msk [tilespmem:v16+s23+$0x0], $0xffff  }
0x40f: {  	v15 =	vld.idx.msk [tilespmem:v17+s23+$0x0], $0xffff  }
0x410: {  	v16 =	vld.idx.msk [tilespmem:v18+s23+$0x0], $0xffff  }
0x411: {  	v17 =	vld.idx.msk [tilespmem:v19+s23+$0x0], $0xffff  }
0x412: {  	v10 =	vld.idx.msk [tilespmem:v10+s23+$0x0], $0xffff  }
0x413: {  	v11 =	vld.idx.msk [tilespmem:v11+s23+$0x0], $0xffff  }
0x414: {  	v6 =	vld.idx.msk [tilespmem:v6+s23+$0x0], $0xffff  }
0x415: {  	v7 =	vld.idx.msk [tilespmem:v7+s23+$0x0], $0xffff  }
0x416: {  	v18 =	vld.idx.msk [tilespmem:v2+s23+$0x0], $0xffff  }
0x417: {  	v3 =	vld.idx.msk [tilespmem:v3+s23+$0x0], $0xffff  }
0x418: {  	v2 =	vld [tilespmem:s2+$0x3000]  }
0x419: {  	v19 =	vld [tilespmem:s2+$0x3080]  }
0x41a: {  	v22 =	vld.idx.msk [tilespmem:v22+s23+$0x0], $0xffff  }
0x41b: {  	v23 =	vld.idx.msk [tilespmem:v23+s23+$0x0], $0xffff  }
0x41c: {  	v24 =	vld.idx.msk [tilespmem:v24+s23+$0x0], $0xffff  }
0x41d: {  	v25 =	vld.idx.msk [tilespmem:v25+s23+$0x0], $0xffff  }
0x41e: {  	v26 =	vld.idx.msk [tilespmem:v26+s23+$0x0], $0xffff  }
0x41f: {  	v27 =	vld.idx.msk [tilespmem:v27+s23+$0x0], $0xffff  }
0x420: {  	v28 =	vld.idx.msk [tilespmem:v28+s23+$0x0], $0xffff  }
0x421: {  	v29 =	vld.idx.msk [tilespmem:v29+s23+$0x0], $0xffff  }
0x422: {  	v30 =	vld.idx.msk [tilespmem:v30+s23+$0x0], $0xffff  }
0x423: {  	v31 =	vld.idx.msk [tilespmem:v31+s23+$0x0], $0xffff  }
0x424: {  	v32 =	vld.idx.msk [tilespmem:v32+s23+$0x0], $0xffff  }
0x425: {  	v33 =	vld.idx.msk [tilespmem:v33+s23+$0x0], $0xffff  }
0x426: {  	v34 =	vld.idx.msk [tilespmem:v34+s23+$0x0], $0xffff  }
0x427: {  	v35 =	vld.idx.msk [tilespmem:v35+s23+$0x0], $0xffff  }
0x428: {  	v59 =	vld.idx.msk [tilespmem:v49+s23+$0x0], $0xffff  }
0x429: {  	v62 =	vld.idx.msk [tilespmem:v50+s23+$0x0], $0xffff  }
0x42a: {  	v15 =	vadd.f32 v15, v1;
	v1 =	vld [tilespmem:s4+$0x5100]  }
0x42b: {  	v14 =	vadd.f32 v14, v0;
	v0 =	vld [tilespmem:s4+$0x5180]  }
0x42c: {  	v12 =	vadd.f32 v16, v12;
	v13 =	vadd.f32 v17, v13;
	v17 =	vld.idx.msk [tilespmem:v46+s23+$0x0], $0xffff  }
0x42d: {  	v8 =	vadd.f32 v8, v14;
	v14 =	vld.idx.msk [tilespmem:v36+s23+$0x0], $0xffff  }
0x42e: {  	v10 =	vadd.f32 v10, v12;
	v12 =	vld.idx.msk [tilespmem:v37+s23+$0x0], $0xffff  }
0x42f: {  	v52 =	vld.idx.msk [tilespmem:v2+s23+$0x0], $0xffff  }
0x430: {  	v16 =	vadd.f32 v26, v22;
	v9 =	vadd.f32 v9, v15;
	v19 =	vld.idx.msk [tilespmem:v19+s23+$0x0], $0xffff  }
0x431: {  	v11 =	vadd.f32 v11, v13;
	v46 =	vadd.f32 v33, v29;
	v2 =	vld [tilespmem:s4+$0x5080]  }
0x432: {  	v4 =	vadd.f32 v4, v8;
	v5 =	vadd.f32 v5, v9;
	v8 =	vld.idx.msk [tilespmem:v38+s23+$0x0], $0xffff  }
0x433: {  	v6 =	vadd.f32 v6, v10;
	v7 =	vadd.f32 v7, v11;
	v9 =	vld.idx.msk [tilespmem:v39+s23+$0x0], $0xffff  }
0x434: {  	v10 =	vld.idx.msk [tilespmem:v40+s23+$0x0], $0xffff;
	v4 =	vadd.f32 v20, v4;
	v5 =	vadd.f32 v21, v5  }
0x435: {  	v11 =	vld.idx.msk [tilespmem:v42+s23+$0x0], $0xffff;
	v6 =	vadd.f32 v18, v6;
	v3 =	vadd.f32 v3, v7  }
0x436: {  	v58 =	vadd.f32 v35, v31;
	v7 =	vld.idx.msk [tilespmem:v41+s23+$0x0], $0xffff;
	v18 =	vadd.f32 v27, v23  }
0x437: {  	v4 =	vadd.f32 v5, v4;
	v3 =	vadd.f32 v3, v6;
	v5 =	vld.idx.msk [tilespmem:v43+s23+$0x0], $0xffff  }
0x438: {  	v6 =	vld.idx.msk [tilespmem:v44+s23+$0x0], $0xffff;
	v13 =	vadd.f32 v25, v19;
	v19 =	vadd.f32 v32, v28  }
0x439: {  	v61 =	vadd.f32 v8, v16;
	v18 =	vadd.f32 v9, v18;
	v16 =	vld.idx.msk [tilespmem:v51+s23+$0x0], $0xffff  }
0x43a: {  	v15 =	vadd.f32 v3, v4;
	v3 =	vadd.f32 v24, v52;
	v4 =	vld.idx.msk [tilespmem:v45+s23+$0x0], $0xffff  }
0x43b: {  	v45 =	vld.idx.msk [tilespmem:v47+s23+$0x0], $0xffff;
	v47 =	vadd.f32 v34, v30;
	v60 =	vadd.f32 v12, v13  }
0x43c: {  	v52 =	vld.idx.msk [tilespmem:v48+s23+$0x0], $0xffff;
	v19 =	vadd.f32 v10, v19;
	v7 =	vadd.f32 v7, v46  }
0x43d: {  	v13 =	vld.idx.msk [tilespmem:v54+s23+$0x0], $0xffff;
	v3 =	vadd.f32 v14, v3;
	v63 =	vadd.f32 v11, v47  }
0x43e: {  	v14 =	vld.idx.msk [tilespmem:v53+s23+$0x0], $0xffff;
	v12 =	vadd.f32 v5, v58;
	v5 =	vadd.f32 v17, v61  }
0x43f: {  	v10 =	vld.idx.msk [tilespmem:v55+s23+$0x0], $0xffff;
	v7 =	vadd.f32 v59, v7;
	v9 =	vadd.f32 v6, v3  }
0x440: {  	s2 =	simm.s32 $0x1ED20;
	v11 =	vld.idx.msk [tilespmem:v56+s23+$0x0], $0xffff;
	v6 =	vadd.f32 v62, v63;
	v8 =	vadd.f32 v4, v60  }
0x441: {  	s7 =	simm.s32 $0x180;
	s3 =	sand.u32 $0x1F0, s22;
	s4 =	simm.s32 $0x0;
	[tilespmem:s2+$0x0] =	vst v15;
	v15 =	vld.idx.msk [tilespmem:v57+s23+$0x0], $0xffff;
	v3 =	vadd.f32 v45, v18;
	v4 =	vadd.f32 v52, v19  }
.LBB2_15:
0x442: {  	s6 =	sadd.s32 $0x80, s7;
	s9 =	sadd.s32 $0x100, s7;
	v12 =	vadd.f32 v16, v12;
	v2 =	vld.idx.msk [tilespmem:v2+s23+$0x0], $0xffff;
	s31 =	sadd.s32 $0x30, s31  }
0x443: {  	v9 =	vadd.f32 v14, v9;
	s10 =	sadd.s32 $0xFFFFFFF0, s31;
	s11 =	sand.u32 $0x70, s31;
	s9 =	sand.u32 $0x1C00, s9;
	v1 =	vld.idx.msk [tilespmem:v1+s23+$0x0], $0xffff  }
0x444: {  	s12 =	sadd.s32 $0xFFFFFFE0, s31;
	v8 =	vadd.f32 v13, v8;
	s13 =	sand.u32 $0x70, s10;
	s11 =	sor.u32 s11, s9;
	v0 =	vld.idx.msk [tilespmem:v0+s23+$0x0], $0xffff  }
0x445: {  	s6 =	sand.u32 $0x1C00, s6;
	s9 =	sand.u32 $0x70, s12;
	s10 =	sand.u32 $0xC00, s7;
	v5 =	vadd.f32 v10, v5;
	v13 =	vld [tilespmem:s11+$0x5000]  }
0x446: {  	s12 =	sand.u32 $0x1F0, s12;
	s10 =	sor.u32 s9, s10;
	s9 =	sor.u32 s13, s6;
	v3 =	vadd.f32 v11, v3;
	v8 =	vadd.f32 v8, v9;
	v10 =	vld [tilespmem:s11+$0x5080]  }
0x447: {  	v4 =	vadd.f32 v15, v4;
	v9 =	vld [tilespmem:s11+$0x5100]  }
0x448: {  	v3 =	vadd.f32 v3, v5;
	v2 =	vadd.f32 v2, v7;
	v11 =	vld [tilespmem:s11+$0x5180]  }
0x449: {  	v1 =	vadd.f32 v1, v6;
	v5 =	vld [tilespmem:s11+$0x4200]  }
0x44a: {  	v0 =	vadd.f32 v0, v12;
	v2 =	vadd.f32 v2, v4;
	v6 =	vld [tilespmem:s11+$0x4280]  }
0x44b: {  	v3 =	vadd.f32 v3, v8;
	v4 =	vld [tilespmem:s11+$0x4300]  }
0x44c: {  	v0 =	vadd.f32 v0, v1;
	v7 =	vld [tilespmem:s11+$0x4380]  }
0x44d: {  	v1 =	vld [tilespmem:s11+$0x4000];
	[tilespmem:s3+$0x1ED00] =	vst v3;
	s3 =	smov.u32 s12  }
0x44e: {  	v0 =	vadd.f32 v0, v2;
	v3 =	vld [tilespmem:s11+$0x4080]  }
0x44f: {  	v2 =	vld [tilespmem:s11+$0x4100]  }
0x450: {  	v8 =	vld [tilespmem:s11+$0x4180];
	[tilespmem:s2+$0xFFFFFFF0] =	vst v0  }
0x451: {  	v0 =	vld [tilespmem:s11+$0x3000]  }
0x452: {  	v12 =	vld [tilespmem:s11+$0x3080]  }
0x453: {  	v14 =	vld [tilespmem:s11+$0x3100]  }
0x454: {  	v15 =	vld [tilespmem:s11+$0x3180]  }
0x455: {  	v16 =	vld [tilespmem:s11+$0x3200]  }
0x456: {  	v17 =	vld [tilespmem:s11+$0x3280]  }
0x457: {  	v18 =	vld [tilespmem:s11+$0x3300]  }
0x458: {  	v19 =	vld [tilespmem:s11+$0x3380]  }
0x459: {  	v13 =	vld.idx.msk [tilespmem:v13+s23+$0x0], $0xffff  }
0x45a: {  	v10 =	vld.idx.msk [tilespmem:v10+s23+$0x0], $0xffff  }
0x45b: {  	s4 =	sadd.s32 $0x3, s4;
	v5 =	vld.idx.msk [tilespmem:v5+s23+$0x0], $0xffff  }
0x45c: {  	p0 =	slt.u32 s4, $0x1B;
	v6 =	vld.idx.msk [tilespmem:v6+s23+$0x0], $0xffff  }
0x45d: {  	v1 =	vld.idx.msk [tilespmem:v1+s23+$0x0], $0xffff  }
0x45e: {  	v3 =	vld.idx.msk [tilespmem:v3+s23+$0x0], $0xffff  }
0x45f: {  	v0 =	vld.idx.msk [tilespmem:v0+s23+$0x0], $0xffff  }
0x460: {  	v12 =	vld.idx.msk [tilespmem:v12+s23+$0x0], $0xffff  }
0x461: {  	v14 =	vld.idx.msk [tilespmem:v14+s23+$0x0], $0xffff  }
0x462: {  	v15 =	vld.idx.msk [tilespmem:v15+s23+$0x0], $0xffff  }
0x463: {  	v16 =	vld.idx.msk [tilespmem:v16+s23+$0x0], $0xffff  }
0x464: {  	v17 =	vld.idx.msk [tilespmem:v17+s23+$0x0], $0xffff  }
0x465: {  	v18 =	vld.idx.msk [tilespmem:v18+s23+$0x0], $0xffff  }
0x466: {  	v19 =	vld.idx.msk [tilespmem:v19+s23+$0x0], $0xffff  }
0x467: {  	v2 =	vld.idx.msk [tilespmem:v2+s23+$0x0], $0xffff  }
0x468: {  	v8 =	vld.idx.msk [tilespmem:v8+s23+$0x0], $0xffff  }
0x469: {  	v4 =	vld.idx.msk [tilespmem:v4+s23+$0x0], $0xffff  }
0x46a: {  	v7 =	vld.idx.msk [tilespmem:v7+s23+$0x0], $0xffff  }
0x46b: {  	v0 =	vadd.f32 v16, v0;
	v12 =	vadd.f32 v17, v12;
	v9 =	vld.idx.msk [tilespmem:v9+s23+$0x0], $0xffff  }
0x46c: {  	v14 =	vadd.f32 v18, v14;
	v15 =	vadd.f32 v19, v15;
	v11 =	vld.idx.msk [tilespmem:v11+s23+$0x0], $0xffff  }
0x46d: {  	v0 =	vadd.f32 v1, v0;
	v1 =	vadd.f32 v3, v12;
	v16 =	vld [tilespmem:s10+$0x3000]  }
0x46e: {  	v2 =	vadd.f32 v2, v14;
	v8 =	vadd.f32 v8, v15;
	v3 =	vld [tilespmem:s10+$0x3080]  }
0x46f: {  	v0 =	vadd.f32 v5, v0;
	v1 =	vadd.f32 v6, v1;
	v12 =	vld [tilespmem:s10+$0x3100]  }
0x470: {  	v2 =	vadd.f32 v4, v2;
	v4 =	vadd.f32 v7, v8;
	v5 =	vld [tilespmem:s10+$0x3180]  }
0x471: {  	v0 =	vadd.f32 v13, v0;
	v1 =	vadd.f32 v10, v1;
	v6 =	vld [tilespmem:s10+$0x3200]  }
0x472: {  	v2 =	vadd.f32 v9, v2;
	v4 =	vadd.f32 v11, v4;
	v7 =	vld [tilespmem:s10+$0x3280]  }
0x473: {  	v8 =	vld [tilespmem:s10+$0x3300]  }
0x474: {  	v0 =	vadd.f32 v1, v0;
	v1 =	vadd.f32 v4, v2;
	v9 =	vld [tilespmem:s10+$0x3380]  }
0x475: {  	v2 =	vld [tilespmem:s9+$0x3000]  }
0x476: {  	v0 =	vadd.f32 v1, v0;
	v4 =	vld [tilespmem:s9+$0x3080]  }
0x477: {  	s2 =	sadd.s32 $0x30, s2;
	v1 =	vld [tilespmem:s9+$0x3100]  }
0x478: {  	v10 =	vld [tilespmem:s9+$0x3180];
	[tilespmem:s2+$0x0] =	vst v0  }
0x479: {  	v0 =	vld [tilespmem:s9+$0x3200]  }
0x47a: {  	v11 =	vld [tilespmem:s9+$0x3280]  }
0x47b: {  	v13 =	vld [tilespmem:s9+$0x3300]  }
0x47c: {  	v14 =	vld [tilespmem:s9+$0x3380]  }
0x47d: {  	v15 =	vld [tilespmem:s10+$0x4000]  }
0x47e: {  	v17 =	vld [tilespmem:s10+$0x4080]  }
0x47f: {  	v18 =	vld [tilespmem:s10+$0x4100]  }
0x480: {  	v19 =	vld [tilespmem:s10+$0x4180]  }
0x481: {  	v20 =	vld [tilespmem:s9+$0x4000]  }
0x482: {  	v21 =	vld [tilespmem:s9+$0x4080]  }
0x483: {  	v22 =	vld [tilespmem:s9+$0x4100]  }
0x484: {  	v23 =	vld [tilespmem:s9+$0x4180]  }
0x485: {  	v24 =	vld [tilespmem:s10+$0x4200]  }
0x486: {  	v25 =	vld [tilespmem:s10+$0x4280]  }
0x487: {  	v26 =	vld [tilespmem:s10+$0x4300]  }
0x488: {  	v27 =	vld [tilespmem:s10+$0x4380]  }
0x489: {  	v28 =	vld [tilespmem:s9+$0x4200]  }
0x48a: {  	v29 =	vld [tilespmem:s9+$0x4280]  }
0x48b: {  	v30 =	vld [tilespmem:s9+$0x4300]  }
0x48c: {  	v31 =	vld [tilespmem:s9+$0x4380]  }
0x48d: {  	v16 =	vld.idx.msk [tilespmem:v16+s23+$0x0], $0xffff  }
0x48e: {  	v3 =	vld.idx.msk [tilespmem:v3+s23+$0x0], $0xffff  }
0x48f: {  	v12 =	vld.idx.msk [tilespmem:v12+s23+$0x0], $0xffff  }
0x490: {  	v5 =	vld.idx.msk [tilespmem:v5+s23+$0x0], $0xffff  }
0x491: {  	v6 =	vld.idx.msk [tilespmem:v6+s23+$0x0], $0xffff  }
0x492: {  	v7 =	vld.idx.msk [tilespmem:v7+s23+$0x0], $0xffff  }
0x493: {  	v8 =	vld.idx.msk [tilespmem:v8+s23+$0x0], $0xffff  }
0x494: {  	v9 =	vld.idx.msk [tilespmem:v9+s23+$0x0], $0xffff  }
0x495: {  	v2 =	vld.idx.msk [tilespmem:v2+s23+$0x0], $0xffff  }
0x496: {  	v4 =	vld.idx.msk [tilespmem:v4+s23+$0x0], $0xffff  }
0x497: {  	v6 =	vadd.f32 v6, v16;
	v1 =	vld.idx.msk [tilespmem:v1+s23+$0x0], $0xffff  }
0x498: {  	v3 =	vadd.f32 v7, v3;
	v7 =	vld.idx.msk [tilespmem:v10+s23+$0x0], $0xffff  }
0x499: {  	v8 =	vadd.f32 v8, v12;
	v0 =	vld.idx.msk [tilespmem:v0+s23+$0x0], $0xffff  }
0x49a: {  	v5 =	vadd.f32 v9, v5;
	v9 =	vld.idx.msk [tilespmem:v11+s23+$0x0], $0xffff  }
0x49b: {  	v10 =	vld.idx.msk [tilespmem:v13+s23+$0x0], $0xffff  }
0x49c: {  	v11 =	vld.idx.msk [tilespmem:v14+s23+$0x0], $0xffff  }
0x49d: {  	v13 =	vld [tilespmem:s10+$0x5000]  }
0x49e: {  	v32 =	vld [tilespmem:s10+$0x5080]  }
0x49f: {  	v12 =	vadd.f32 v0, v2;
	v33 =	vld [tilespmem:s10+$0x5100]  }
0x4a0: {  	v4 =	vadd.f32 v9, v4;
	v34 =	vld [tilespmem:s10+$0x5180]  }
0x4a1: {  	v9 =	vadd.f32 v10, v1;
	v35 =	vld [tilespmem:s9+$0x5000]  }
0x4a2: {  	v7 =	vadd.f32 v11, v7;
	v2 =	vld [tilespmem:s9+$0x5080]  }
0x4a3: {  	v1 =	vld [tilespmem:s9+$0x5100]  }
0x4a4: {  	v0 =	vld [tilespmem:s9+$0x5180]  }
0x4a5: {  	v10 =	vld.idx.msk [tilespmem:v15+s23+$0x0], $0xffff  }
0x4a6: {  	v11 =	vld.idx.msk [tilespmem:v17+s23+$0x0], $0xffff  }
0x4a7: {  	v14 =	vld.idx.msk [tilespmem:v18+s23+$0x0], $0xffff  }
0x4a8: {  	v15 =	vld.idx.msk [tilespmem:v19+s23+$0x0], $0xffff  }
0x4a9: {  	v16 =	vld.idx.msk [tilespmem:v20+s23+$0x0], $0xffff  }
0x4aa: {  	v17 =	vld.idx.msk [tilespmem:v21+s23+$0x0], $0xffff  }
0x4ab: {  	v6 =	vadd.f32 v10, v6;
	v10 =	vld.idx.msk [tilespmem:v22+s23+$0x0], $0xffff  }
0x4ac: {  	v3 =	vadd.f32 v11, v3;
	v11 =	vld.idx.msk [tilespmem:v23+s23+$0x0], $0xffff  }
0x4ad: {  	v14 =	vadd.f32 v14, v8;
	v8 =	vld.idx.msk [tilespmem:v24+s23+$0x0], $0xffff  }
0x4ae: {  	v15 =	vadd.f32 v15, v5;
	v5 =	vld.idx.msk [tilespmem:v25+s23+$0x0], $0xffff  }
0x4af: {  	v19 =	vadd.f32 v16, v12;
	v18 =	vld.idx.msk [tilespmem:v26+s23+$0x0], $0xffff  }
0x4b0: {  	v17 =	vadd.f32 v17, v4;
	v20 =	vld.idx.msk [tilespmem:v27+s23+$0x0], $0xffff  }
0x4b1: {  	v21 =	vadd.f32 v10, v9;
	v4 =	vld.idx.msk [tilespmem:v28+s23+$0x0], $0xffff  }
0x4b2: {  	v12 =	vadd.f32 v11, v7;
	v7 =	vld.idx.msk [tilespmem:v29+s23+$0x0], $0xffff  }
0x4b3: {  	v9 =	vadd.f32 v8, v6;
	v6 =	vld.idx.msk [tilespmem:v30+s23+$0x0], $0xffff  }
0x4b4: {  	v8 =	vadd.f32 v5, v3;
	v16 =	vld.idx.msk [tilespmem:v31+s23+$0x0], $0xffff  }
.Ltmp6:
0x4b5: {  	v5 =	vadd.f32 v18, v14;
	v14 =	vld.idx.msk [tilespmem:v13+s23+$0x0], $0xffff;
	(pc) =	sbr.rel @p0 .LBB2_15-.Ltmp6, $4  }
0x4b6: {  	v3 =	vadd.f32 v20, v15;
	v13 =	vld.idx.msk [tilespmem:v32+s23+$0x0], $0xffff  }
0x4b7: {  	v4 =	vadd.f32 v4, v19;
	v10 =	vld.idx.msk [tilespmem:v33+s23+$0x0], $0xffff  }
0x4b8: {  	v7 =	vadd.f32 v7, v17;
	v11 =	vld.idx.msk [tilespmem:v34+s23+$0x0], $0xffff  }
0x4b9: {  	s7 =	sadd.s32 $0x180, s7;
	v6 =	vadd.f32 v6, v21;
	v15 =	vld.idx.msk [tilespmem:v35+s23+$0x0], $0xffff  }
0x4ba: {  	_ =	sdelay $0x3  }
0x4bb: {  	v2 =	vld.idx.msk [tilespmem:v2+s23+$0x0], $0xffff  }
0x4bc: {  	v1 =	vld.idx.msk [tilespmem:v1+s23+$0x0], $0xffff  }
0x4bd: {  	v0 =	vld.idx.msk [tilespmem:v0+s23+$0x0], $0xffff  }
0x4be: {  	v12 =	vadd.f32 v16, v12  }
0x4bf: {  	v9 =	vadd.f32 v14, v9;
	v8 =	vadd.f32 v13, v8  }
0x4c0: {  	v5 =	vadd.f32 v10, v5;
	v3 =	vadd.f32 v11, v3  }
0x4c1: {  	v4 =	vadd.f32 v15, v4;
	v2 =	vadd.f32 v2, v7  }
0x4c2: {  	v1 =	vadd.f32 v1, v6;
	v0 =	vadd.f32 v0, v12  }
0x4c3: {  	v62 =	vadd.f32 v8, v9;
	v3 =	vadd.f32 v3, v5  }
0x4c4: {  	v2 =	vadd.f32 v2, v4;
	v0 =	vadd.f32 v0, v1  }
0x4c5: {  	v63 =	vadd.f32 v3, v62  }
0x4c6: {  	v0 =	vadd.f32 v0, v2  }
0x4c7: {  	[tilespmem:s3+$0x1ED00] =	vst v63  }
0x4c8: {  	[tilespmem:s2+$0xFFFFFFF0] =	vst v0  }
.LBB2_17:
0x4c9: {  	s2 =	sshra.s32 s30, $0x2  }
0x4ca: {  	v0 =	vld [tilespmem:s2+$0x3C60]  }
0x4cb: {  	v1 =	vld [tilespmem:s2+$0x3CE0]  }
0x4cc: {  	v2 =	vld [tilespmem:s2+$0x3D60]  }
0x4cd: {  	v3 =	vld [tilespmem:s2+$0x3DE0]  }
0x4ce: {  	v4 =	vld [tilespmem:s2+$0x3E60]  }
0x4cf: {  	v5 =	vld [tilespmem:s2+$0x3EE0]  }
0x4d0: {  	v6 =	vld [tilespmem:s2+$0x3F60]  }
0x4d1: {  	v7 =	vld [tilespmem:s2+$0x3FE0]  }
0x4d2: {  	v8 =	vld [tilespmem:s2+$0x4C60]  }
0x4d3: {  	v9 =	vld [tilespmem:s2+$0x4CE0]  }
0x4d4: {  	v10 =	vld [tilespmem:s2+$0x4D60]  }
0x4d5: {  	v11 =	vld [tilespmem:s2+$0x4DE0]  }
0x4d6: {  	v12 =	vld [tilespmem:s2+$0x4E60]  }
0x4d7: {  	v13 =	vld [tilespmem:s2+$0x4EE0]  }
0x4d8: {  	v14 =	vld [tilespmem:s2+$0x4F60]  }
0x4d9: {  	v15 =	vld [tilespmem:s2+$0x4FE0]  }
0x4da: {  	v16 =	vld [tilespmem:s2+$0x5C60]  }
0x4db: {  	v17 =	vld [tilespmem:s2+$0x5CE0]  }
0x4dc: {  	v18 =	vld [tilespmem:s2+$0x5D60]  }
0x4dd: {  	v19 =	vld [tilespmem:s2+$0x5DE0]  }
0x4de: {  	v0 =	vld.idx.msk [tilespmem:v0+s23+$0x0], $0xffff  }
0x4df: {  	v1 =	vld.idx.msk [tilespmem:v1+s23+$0x0], $0xffff  }
0x4e0: {  	v2 =	vld.idx.msk [tilespmem:v2+s23+$0x0], $0xffff  }
0x4e1: {  	v3 =	vld.idx.msk [tilespmem:v3+s23+$0x0], $0xffff  }
0x4e2: {  	v4 =	vld.idx.msk [tilespmem:v4+s23+$0x0], $0xffff  }
0x4e3: {  	v5 =	vld.idx.msk [tilespmem:v5+s23+$0x0], $0xffff  }
0x4e4: {  	v6 =	vld.idx.msk [tilespmem:v6+s23+$0x0], $0xffff  }
0x4e5: {  	v7 =	vld.idx.msk [tilespmem:v7+s23+$0x0], $0xffff  }
0x4e6: {  	v8 =	vld.idx.msk [tilespmem:v8+s23+$0x0], $0xffff  }
0x4e7: {  	v9 =	vld.idx.msk [tilespmem:v9+s23+$0x0], $0xffff  }
0x4e8: {  	v10 =	vld.idx.msk [tilespmem:v10+s23+$0x0], $0xffff  }
0x4e9: {  	v11 =	vld.idx.msk [tilespmem:v11+s23+$0x0], $0xffff  }
0x4ea: {  	v12 =	vld.idx.msk [tilespmem:v12+s23+$0x0], $0xffff  }
0x4eb: {  	v13 =	vld.idx.msk [tilespmem:v13+s23+$0x0], $0xffff  }
0x4ec: {  	v14 =	vld.idx.msk [tilespmem:v14+s23+$0x0], $0xffff  }
0x4ed: {  	v15 =	vld.idx.msk [tilespmem:v15+s23+$0x0], $0xffff  }
0x4ee: {  	v16 =	vld.idx.msk [tilespmem:v16+s23+$0x0], $0xffff  }
0x4ef: {  	v60 =	vld.idx.msk [tilespmem:v17+s23+$0x0], $0xffff;
	v0 =	vadd.f32 v4, v0;
	v1 =	vadd.f32 v5, v1  }
0x4f0: {  	v61 =	vld.idx.msk [tilespmem:v18+s23+$0x0], $0xffff;
	v2 =	vadd.f32 v6, v2;
	v3 =	vadd.f32 v7, v3  }
0x4f1: {  	v62 =	vld.idx.msk [tilespmem:v19+s23+$0x0], $0xffff;
	v0 =	vadd.f32 v8, v0;
	v1 =	vadd.f32 v9, v1  }
0x4f2: {  	v2 =	vadd.f32 v10, v2;
	v3 =	vadd.f32 v11, v3  }
0x4f3: {  	v0 =	vadd.f32 v12, v0;
	v1 =	vadd.f32 v13, v1  }
0x4f4: {  	v2 =	vadd.f32 v14, v2;
	v3 =	vadd.f32 v15, v3  }
0x4f5: {  	v0 =	vadd.f32 v16, v0;
	v1 =	vadd.f32 v60, v1  }
0x4f6: {  	v2 =	vadd.f32 v61, v2;
	v3 =	vadd.f32 v62, v3  }
0x4f7: {  	p0 =	sne.s32 s30, $0x40  }
.Ltmp7:
0x4f8: {  	v0 =	vadd.f32 v1, v0;
	v63 =	vadd.f32 v3, v2;
	(pc) =	sbr.rel @p0 .LBB2_17-.Ltmp7, $3  }
0x4f9: {  	_ = 	snop  }
0x4fa: {  	v0 =	vadd.f32 v63, v0;
	_ =	sdelay $0x1  }
0x4fb: {  	s30 =	sadd.s32 $0x40, s30;
	[tilespmem:s2+$0x1EEE0] =	vst v0  }
0x4fc: {  	s2 =	rddreg [dreg:$0xc]  }
0x4fd: {  	s2 =	sadd.s32 s18, s2  }
0x4fe: {  	[tilespmem:s25], [sflag:$0x2] =	stream.strided.gather [hbm4b:s2+s19], $0x3000, s20, s19, $0x38;
	[tilespmem:$0x1F700] =	vst v63  }
0x4ff: {  	s14 =	simm.s32 $0x20;
	s3 =	simm.s32 $0x100;
	_ =	swait.ge [sflag:s26], $0x3000  }
0x500: {  	s4 =	sand.u32 $0x70, s14;
	s6 =	sand.u32 $0x1C00, s3;
	[sflag:s26] =	ssyncset.done $0x0  }
0x501: {  	s4 =	sor.u32 s4, s6;
	[sflag:s26] =	ssyncadd.s32 $0xFFFFD000  }
0x502: {  	v0 =	vld [tilespmem:s4+$0x2000]  }
0x503: {  	v1 =	vld [tilespmem:s4+$0x2080]  }
0x504: {  	v2 =	vld [tilespmem:s4+$0x2100]  }
0x505: {  	v3 =	vld [tilespmem:s4+$0x2180]  }
0x506: {  	v4 =	vld [tilespmem:s4+$0x1200]  }
0x507: {  	v5 =	vld [tilespmem:s4+$0x1280]  }
0x508: {  	v6 =	vld [tilespmem:s4+$0x1300]  }
0x509: {  	v7 =	vld [tilespmem:s4+$0x1380]  }
0x50a: {  	v8 =	vld [tilespmem:s4+$0x1000]  }
0x50b: {  	v9 =	vld [tilespmem:s4+$0x1080]  }
0x50c: {  	v10 =	vld [tilespmem:s4+$0x1100]  }
0x50d: {  	v11 =	vld [tilespmem:s4+$0x1180]  }
0x50e: {  	v12 =	vld [tilespmem:s4+$0x0]  }
0x50f: {  	v13 =	vld [tilespmem:s4+$0x80]  }
0x510: {  	v14 =	vld [tilespmem:s4+$0x100]  }
0x511: {  	v15 =	vld [tilespmem:s4+$0x180]  }
0x512: {  	v16 =	vld [tilespmem:s4+$0x200]  }
0x513: {  	s15 =	simm.s32 $0x10;
	s16 =	simm.s32 $0x80;
	s2 =	sor.u32 s3, s14;
	v17 =	vld [tilespmem:s4+$0x280]  }
0x514: {  	s17 =	sand.u32 $0x70, s15;
	s21 =	sand.u32 $0x1C00, s16;
	s2 =	sor.u32 $0x380, s2;
	v18 =	vld [tilespmem:s4+$0x300]  }
0x515: {  	s6 =	sor.u32 s17, s21;
	v19 =	vld [tilespmem:s2+$0x0]  }
0x516: {  	v22 =	vld [tilespmem:s6+$0x100]  }
0x517: {  	v23 =	vld [tilespmem:s6+$0x180]  }
0x518: {  	v24 =	vld [tilespmem:s6+$0x200]  }
0x519: {  	v25 =	vld [tilespmem:s6+$0x280]  }
0x51a: {  	v26 =	vld [tilespmem:s6+$0x300]  }
0x51b: {  	v36 =	vld [tilespmem:s6+$0x1000]  }
0x51c: {  	v37 =	vld [tilespmem:s6+$0x1080]  }
0x51d: {  	v38 =	vld [tilespmem:s6+$0x1100]  }
0x51e: {  	v39 =	vld [tilespmem:s6+$0x1180]  }
0x51f: {  	v44 =	vld [tilespmem:s6+$0x1200]  }
0x520: {  	v45 =	vld [tilespmem:s6+$0x1280]  }
0x521: {  	v46 =	vld [tilespmem:s6+$0x1300]  }
0x522: {  	v47 =	vld [tilespmem:s6+$0x1380]  }
0x523: {  	v53 =	vld [tilespmem:s6+$0x2000]  }
0x524: {  	s22 =	simm.s32 $0x0;
	v54 =	vld [tilespmem:s6+$0x2080]  }
0x525: {  	s24 =	sand.u32 $0xC00, s22;
	s7 =	sand.u32 $0x70, s22;
	v55 =	vld [tilespmem:s6+$0x2100]  }
0x526: {  	s4 =	sor.u32 s7, s24;
	v56 =	vld [tilespmem:s6+$0x2180]  }
0x527: {  	v28 =	vld [tilespmem:s4+$0x0]  }
0x528: {  	v29 =	vld [tilespmem:s4+$0x80]  }
0x529: {  	v30 =	vld [tilespmem:s4+$0x100]  }
0x52a: {  	v31 =	vld [tilespmem:s4+$0x180]  }
0x52b: {  	v32 =	vld [tilespmem:s4+$0x200]  }
0x52c: {  	v33 =	vld [tilespmem:s4+$0x280]  }
0x52d: {  	v34 =	vld [tilespmem:s4+$0x300]  }
0x52e: {  	v40 =	vld [tilespmem:s4+$0x1000]  }
0x52f: {  	v41 =	vld [tilespmem:s4+$0x1080]  }
0x530: {  	v42 =	vld [tilespmem:s4+$0x1100]  }
0x531: {  	v43 =	vld [tilespmem:s4+$0x1180]  }
0x532: {  	v48 =	vld [tilespmem:s4+$0x1200]  }
0x533: {  	v49 =	vld [tilespmem:s4+$0x1280]  }
0x534: {  	v50 =	vld [tilespmem:s4+$0x1300]  }
0x535: {  	s2 =	sor.u32 s16, s15;
	v51 =	vld [tilespmem:s4+$0x1380]  }
0x536: {  	s31 =	sor.u32 s22, s22;
	s2 =	sor.u32 $0x380, s2;
	v57 =	vld [tilespmem:s4+$0x2000]  }
0x537: {  	v27 =	vld [tilespmem:s2+$0x0];
	s2 =	sor.u32 $0x380, s31  }
0x538: {  	v35 =	vld [tilespmem:s2+$0x0]  }
0x539: {  	v20 =	vld.idx.msk [tilespmem:v0+s23+$0x0], $0xffff  }
0x53a: {  	v21 =	vld.idx.msk [tilespmem:v1+s23+$0x0], $0xffff  }
0x53b: {  	v4 =	vld.idx.msk [tilespmem:v4+s23+$0x0], $0xffff  }
0x53c: {  	v5 =	vld.idx.msk [tilespmem:v5+s23+$0x0], $0xffff  }
0x53d: {  	v8 =	vld.idx.msk [tilespmem:v8+s23+$0x0], $0xffff  }
0x53e: {  	v9 =	vld.idx.msk [tilespmem:v9+s23+$0x0], $0xffff  }
0x53f: {  	v0 =	vld.idx.msk [tilespmem:v12+s23+$0x0], $0xffff  }
0x540: {  	v1 =	vld.idx.msk [tilespmem:v13+s23+$0x0], $0xffff  }
0x541: {  	v12 =	vld.idx.msk [tilespmem:v14+s23+$0x0], $0xffff  }
0x542: {  	v13 =	vld.idx.msk [tilespmem:v15+s23+$0x0], $0xffff  }
0x543: {  	v14 =	vld.idx.msk [tilespmem:v16+s23+$0x0], $0xffff  }
0x544: {  	v15 =	vld.idx.msk [tilespmem:v17+s23+$0x0], $0xffff  }
0x545: {  	v16 =	vld.idx.msk [tilespmem:v18+s23+$0x0], $0xffff  }
0x546: {  	v17 =	vld.idx.msk [tilespmem:v19+s23+$0x0], $0xffff  }
0x547: {  	v10 =	vld.idx.msk [tilespmem:v10+s23+$0x0], $0xffff  }
0x548: {  	v11 =	vld.idx.msk [tilespmem:v11+s23+$0x0], $0xffff  }
0x549: {  	v6 =	vld.idx.msk [tilespmem:v6+s23+$0x0], $0xffff  }
0x54a: {  	v7 =	vld.idx.msk [tilespmem:v7+s23+$0x0], $0xffff  }
0x54b: {  	v18 =	vld.idx.msk [tilespmem:v2+s23+$0x0], $0xffff  }
0x54c: {  	v3 =	vld.idx.msk [tilespmem:v3+s23+$0x0], $0xffff  }
0x54d: {  	v2 =	vld [tilespmem:s6+$0x0]  }
0x54e: {  	v19 =	vld [tilespmem:s6+$0x80]  }
0x54f: {  	v22 =	vld.idx.msk [tilespmem:v22+s23+$0x0], $0xffff  }
0x550: {  	v23 =	vld.idx.msk [tilespmem:v23+s23+$0x0], $0xffff  }
0x551: {  	v24 =	vld.idx.msk [tilespmem:v24+s23+$0x0], $0xffff  }
0x552: {  	v25 =	vld.idx.msk [tilespmem:v25+s23+$0x0], $0xffff  }
0x553: {  	v26 =	vld.idx.msk [tilespmem:v26+s23+$0x0], $0xffff  }
0x554: {  	v28 =	vld.idx.msk [tilespmem:v28+s23+$0x0], $0xffff  }
0x555: {  	v29 =	vld.idx.msk [tilespmem:v29+s23+$0x0], $0xffff  }
0x556: {  	v30 =	vld.idx.msk [tilespmem:v30+s23+$0x0], $0xffff  }
0x557: {  	v31 =	vld.idx.msk [tilespmem:v31+s23+$0x0], $0xffff  }
0x558: {  	v32 =	vld.idx.msk [tilespmem:v32+s23+$0x0], $0xffff  }
0x559: {  	v33 =	vld.idx.msk [tilespmem:v33+s23+$0x0], $0xffff  }
0x55a: {  	v34 =	vld.idx.msk [tilespmem:v34+s23+$0x0], $0xffff  }
0x55b: {  	v60 =	vld.idx.msk [tilespmem:v48+s23+$0x0], $0xffff  }
0x55c: {  	v62 =	vld.idx.msk [tilespmem:v49+s23+$0x0], $0xffff  }
0x55d: {  	v63 =	vld.idx.msk [tilespmem:v50+s23+$0x0], $0xffff  }
0x55e: {  	v27 =	vld.idx.msk [tilespmem:v27+s23+$0x0], $0xffff  }
0x55f: {  	v35 =	vld.idx.msk [tilespmem:v35+s23+$0x0], $0xffff  }
0x560: {  	v15 =	vadd.f32 v15, v1;
	v1 =	vld [tilespmem:s4+$0x2100]  }
0x561: {  	v14 =	vadd.f32 v14, v0;
	v0 =	vld [tilespmem:s4+$0x2180]  }
0x562: {  	v12 =	vadd.f32 v16, v12;
	v13 =	vadd.f32 v17, v13;
	v17 =	vld.idx.msk [tilespmem:v46+s23+$0x0], $0xffff  }
0x563: {  	v8 =	vadd.f32 v8, v14;
	v14 =	vld.idx.msk [tilespmem:v36+s23+$0x0], $0xffff  }
0x564: {  	v10 =	vadd.f32 v10, v12;
	v12 =	vld.idx.msk [tilespmem:v37+s23+$0x0], $0xffff  }
0x565: {  	v16 =	vadd.f32 v26, v22;
	v9 =	vadd.f32 v9, v15;
	v15 =	vld.idx.msk [tilespmem:v45+s23+$0x0], $0xffff  }
0x566: {  	v58 =	vadd.f32 v33, v29;
	v59 =	vadd.f32 v34, v30;
	v52 =	vld.idx.msk [tilespmem:v2+s23+$0x0], $0xffff  }
0x567: {  	v11 =	vadd.f32 v11, v13;
	v19 =	vld.idx.msk [tilespmem:v19+s23+$0x0], $0xffff;
	v61 =	vadd.f32 v35, v31  }
0x568: {  	v4 =	vadd.f32 v4, v8;
	v5 =	vadd.f32 v5, v9;
	v8 =	vld.idx.msk [tilespmem:v38+s23+$0x0], $0xffff  }
0x569: {  	v6 =	vadd.f32 v6, v10;
	v7 =	vadd.f32 v7, v11;
	v9 =	vld.idx.msk [tilespmem:v39+s23+$0x0], $0xffff  }
0x56a: {  	v11 =	vld.idx.msk [tilespmem:v42+s23+$0x0], $0xffff;
	v4 =	vadd.f32 v20, v4;
	v5 =	vadd.f32 v21, v5  }
0x56b: {  	v10 =	vld.idx.msk [tilespmem:v40+s23+$0x0], $0xffff;
	v6 =	vadd.f32 v18, v6;
	v3 =	vadd.f32 v3, v7  }
0x56c: {  	v7 =	vld.idx.msk [tilespmem:v41+s23+$0x0], $0xffff;
	v18 =	vadd.f32 v27, v23;
	v4 =	vadd.f32 v5, v4  }
0x56d: {  	v2 =	vld [tilespmem:s4+$0x2080];
	v3 =	vadd.f32 v3, v6;
	v13 =	vadd.f32 v25, v19  }
0x56e: {  	v5 =	vld.idx.msk [tilespmem:v43+s23+$0x0], $0xffff;
	v19 =	vadd.f32 v32, v28;
	v26 =	vadd.f32 v8, v16  }
0x56f: {  	v6 =	vld.idx.msk [tilespmem:v44+s23+$0x0], $0xffff;
	v18 =	vadd.f32 v9, v18;
	v22 =	vadd.f32 v11, v59  }
0x570: {  	v16 =	vld.idx.msk [tilespmem:v51+s23+$0x0], $0xffff;
	v4 =	vadd.f32 v3, v4;
	v3 =	vadd.f32 v24, v52  }
0x571: {  	v52 =	vld.idx.msk [tilespmem:v47+s23+$0x0], $0xffff;
	v19 =	vadd.f32 v10, v19;
	v21 =	vadd.f32 v7, v58  }
0x572: {  	s2 =	simm.s32 $0x1EF20;
	v10 =	vld.idx.msk [tilespmem:v55+s23+$0x0], $0xffff;
	v3 =	vadd.f32 v14, v3;
	v14 =	vadd.f32 v12, v13  }
0x573: {  	v13 =	vld.idx.msk [tilespmem:v53+s23+$0x0], $0xffff;
	[tilespmem:s2+$0x0] =	vst v4;
	v4 =	vadd.f32 v63, v22;
	v11 =	vadd.f32 v5, v61  }
0x574: {  	v12 =	vld.idx.msk [tilespmem:v54+s23+$0x0], $0xffff;
	v5 =	vadd.f32 v17, v26;
	v9 =	vadd.f32 v6, v3  }
0x575: {  	s9 =	simm.s32 $0x0;
	s29 =	simm.s32 $0x180;
	v8 =	vadd.f32 v15, v14;
	v3 =	vadd.f32 v60, v19;
	v14 =	vld.idx.msk [tilespmem:v56+s23+$0x0], $0xffff  }
0x576: {  	s30 =	simm.s32 $0x30;
	s3 =	simm.s32 $0x1F0E0;
	s4 =	sand.u32 $0x1F0, s22;
	v6 =	vadd.f32 v62, v21;
	v15 =	vld.idx.msk [tilespmem:v57+s23+$0x0], $0xffff;
	v7 =	vadd.f32 v52, v18  }
.LBB2_19:
0x577: {  	s6 =	sadd.s32 $0x10, s30;
	s10 =	sadd.s32 $0x20, s30;
	s14 =	sadd.s32 $0x100, s29;
	v11 =	vadd.f32 v16, v11;
	v2 =	vld.idx.msk [tilespmem:v2+s23+$0x0], $0xffff  }
0x578: {  	s7 =	sadd.s32 $0x80, s29;
	v9 =	vadd.f32 v13, v9;
	s11 =	sand.u32 $0x70, s10;
	s12 =	sand.u32 $0x1C00, s14;
	v1 =	vld.idx.msk [tilespmem:v1+s23+$0x0], $0xffff  }
0x579: {  	s13 =	sand.u32 $0x70, s6;
	s16 =	sand.u32 $0x1C00, s7;
	v8 =	vadd.f32 v12, v8;
	s15 =	sor.u32 s11, s12;
	v0 =	vld.idx.msk [tilespmem:v0+s23+$0x0], $0xffff  }
0x57a: {  	s17 =	sor.u32 s29, s30;
	s6 =	sor.u32 s7, s6;
	s11 =	sand.u32 $0xC00, s29;
	v5 =	vadd.f32 v10, v5;
	v12 =	vld [tilespmem:s15+$0x2000]  }
0x57b: {  	s21 =	sand.u32 $0x70, s30;
	s12 =	sor.u32 s13, s16;
	s7 =	sor.u32 $0x380, s6;
	v7 =	vadd.f32 v14, v7;
	v8 =	vadd.f32 v8, v9;
	v10 =	vld [tilespmem:s15+$0x2080]  }
0x57c: {  	s13 =	sor.u32 $0x380, s17;
	s6 =	sand.u32 $0x1F0, s30;
	s11 =	sor.u32 s21, s11;
	v3 =	vadd.f32 v15, v3;
	v9 =	vld [tilespmem:s15+$0x2100]  }
0x57d: {  	v2 =	vadd.f32 v2, v6;
	v5 =	vadd.f32 v7, v5;
	v13 =	vld [tilespmem:s15+$0x2180]  }
0x57e: {  	v1 =	vadd.f32 v1, v4;
	v6 =	vld [tilespmem:s15+$0x1200]  }
0x57f: {  	v0 =	vadd.f32 v0, v11;
	v2 =	vadd.f32 v2, v3;
	v4 =	vld [tilespmem:s15+$0x1280]  }
0x580: {  	v5 =	vadd.f32 v5, v8;
	v3 =	vld [tilespmem:s15+$0x1300]  }
0x581: {  	v0 =	vadd.f32 v0, v1;
	v7 =	vld [tilespmem:s15+$0x1380]  }
0x582: {  	v1 =	vld [tilespmem:s15+$0x1000];
	[tilespmem:s2+$0xFFFFFFF0] =	vst v5  }
0x583: {  	v0 =	vadd.f32 v0, v2;
	v5 =	vld [tilespmem:s15+$0x1080]  }
0x584: {  	v2 =	vld [tilespmem:s15+$0x1100]  }
0x585: {  	v8 =	vld [tilespmem:s15+$0x1180];
	[tilespmem:s4+$0x1EF00] =	vst v0;
	s4 =	smov.u32 s6  }
0x586: {  	v0 =	vld [tilespmem:s15+$0x0]  }
0x587: {  	v11 =	vld [tilespmem:s15+$0x80]  }
0x588: {  	v14 =	vld [tilespmem:s15+$0x100]  }
0x589: {  	v15 =	vld [tilespmem:s15+$0x180]  }
0x58a: {  	v16 =	vld [tilespmem:s15+$0x200]  }
0x58b: {  	s6 =	sor.u32 s14, s10;
	v17 =	vld [tilespmem:s15+$0x280]  }
0x58c: {  	s6 =	sor.u32 $0x380, s6;
	v18 =	vld [tilespmem:s15+$0x300]  }
0x58d: {  	v19 =	vld [tilespmem:s6+$0x0]  }
0x58e: {  	v12 =	vld.idx.msk [tilespmem:v12+s23+$0x0], $0xffff  }
0x58f: {  	v10 =	vld.idx.msk [tilespmem:v10+s23+$0x0], $0xffff  }
0x590: {  	s9 =	sadd.s32 $0x3, s9;
	v6 =	vld.idx.msk [tilespmem:v6+s23+$0x0], $0xffff  }
0x591: {  	p0 =	slt.u32 s9, $0x1B;
	v4 =	vld.idx.msk [tilespmem:v4+s23+$0x0], $0xffff  }
0x592: {  	v1 =	vld.idx.msk [tilespmem:v1+s23+$0x0], $0xffff  }
0x593: {  	v5 =	vld.idx.msk [tilespmem:v5+s23+$0x0], $0xffff  }
0x594: {  	v0 =	vld.idx.msk [tilespmem:v0+s23+$0x0], $0xffff  }
0x595: {  	v11 =	vld.idx.msk [tilespmem:v11+s23+$0x0], $0xffff  }
0x596: {  	v14 =	vld.idx.msk [tilespmem:v14+s23+$0x0], $0xffff  }
0x597: {  	v15 =	vld.idx.msk [tilespmem:v15+s23+$0x0], $0xffff  }
0x598: {  	v16 =	vld.idx.msk [tilespmem:v16+s23+$0x0], $0xffff  }
0x599: {  	v17 =	vld.idx.msk [tilespmem:v17+s23+$0x0], $0xffff  }
0x59a: {  	v18 =	vld.idx.msk [tilespmem:v18+s23+$0x0], $0xffff  }
0x59b: {  	v19 =	vld.idx.msk [tilespmem:v19+s23+$0x0], $0xffff  }
0x59c: {  	v2 =	vld.idx.msk [tilespmem:v2+s23+$0x0], $0xffff  }
0x59d: {  	v8 =	vld.idx.msk [tilespmem:v8+s23+$0x0], $0xffff  }
0x59e: {  	v3 =	vld.idx.msk [tilespmem:v3+s23+$0x0], $0xffff  }
0x59f: {  	v7 =	vld.idx.msk [tilespmem:v7+s23+$0x0], $0xffff  }
0x5a0: {  	v0 =	vadd.f32 v16, v0;
	v11 =	vadd.f32 v17, v11;
	v9 =	vld.idx.msk [tilespmem:v9+s23+$0x0], $0xffff  }
0x5a1: {  	v14 =	vadd.f32 v18, v14;
	v15 =	vadd.f32 v19, v15;
	v13 =	vld.idx.msk [tilespmem:v13+s23+$0x0], $0xffff  }
0x5a2: {  	v0 =	vadd.f32 v1, v0;
	v1 =	vadd.f32 v5, v11;
	v16 =	vld [tilespmem:s12+$0x0]  }
0x5a3: {  	v2 =	vadd.f32 v2, v14;
	v8 =	vadd.f32 v8, v15;
	v5 =	vld [tilespmem:s12+$0x80]  }
0x5a4: {  	v0 =	vadd.f32 v6, v0;
	v1 =	vadd.f32 v4, v1;
	v11 =	vld [tilespmem:s12+$0x100]  }
0x5a5: {  	v2 =	vadd.f32 v3, v2;
	v3 =	vadd.f32 v7, v8;
	v4 =	vld [tilespmem:s12+$0x180]  }
0x5a6: {  	v0 =	vadd.f32 v12, v0;
	v1 =	vadd.f32 v10, v1;
	v6 =	vld [tilespmem:s12+$0x200]  }
0x5a7: {  	v2 =	vadd.f32 v9, v2;
	v3 =	vadd.f32 v13, v3;
	v7 =	vld [tilespmem:s12+$0x280]  }
0x5a8: {  	v8 =	vld [tilespmem:s12+$0x300]  }
0x5a9: {  	v0 =	vadd.f32 v1, v0;
	v1 =	vadd.f32 v3, v2;
	v9 =	vld [tilespmem:s7+$0x0]  }
0x5aa: {  	v2 =	vld [tilespmem:s11+$0x0]  }
0x5ab: {  	v0 =	vadd.f32 v1, v0;
	v3 =	vld [tilespmem:s11+$0x80]  }
0x5ac: {  	s2 =	sadd.s32 $0x30, s2;
	s7 =	simm.s32 $0x1C60;
	v1 =	vld [tilespmem:s11+$0x100]  }
0x5ad: {  	s31 =	simm.s32 $0xF00;
	s10 =	simm.s32 $0x1E0;
	v10 =	vld [tilespmem:s11+$0x180];
	[tilespmem:s2+$0x0] =	vst v0  }
0x5ae: {  	v0 =	vld [tilespmem:s11+$0x200]  }
0x5af: {  	v12 =	vld [tilespmem:s11+$0x280]  }
0x5b0: {  	v13 =	vld [tilespmem:s11+$0x300]  }
0x5b1: {  	v14 =	vld [tilespmem:s13+$0x0]  }
0x5b2: {  	v15 =	vld [tilespmem:s12+$0x1000]  }
0x5b3: {  	v17 =	vld [tilespmem:s12+$0x1080]  }
0x5b4: {  	v18 =	vld [tilespmem:s12+$0x1100]  }
0x5b5: {  	v19 =	vld [tilespmem:s12+$0x1180]  }
0x5b6: {  	v20 =	vld [tilespmem:s11+$0x1000]  }
0x5b7: {  	v21 =	vld [tilespmem:s11+$0x1080]  }
0x5b8: {  	v22 =	vld [tilespmem:s11+$0x1100]  }
0x5b9: {  	v23 =	vld [tilespmem:s11+$0x1180]  }
0x5ba: {  	v24 =	vld [tilespmem:s12+$0x1200]  }
0x5bb: {  	v25 =	vld [tilespmem:s12+$0x1280]  }
0x5bc: {  	v26 =	vld [tilespmem:s12+$0x1300]  }
0x5bd: {  	v27 =	vld [tilespmem:s12+$0x1380]  }
0x5be: {  	v28 =	vld [tilespmem:s11+$0x1200]  }
0x5bf: {  	v29 =	vld [tilespmem:s11+$0x1280]  }
0x5c0: {  	v30 =	vld [tilespmem:s11+$0x1300]  }
0x5c1: {  	v31 =	vld [tilespmem:s11+$0x1380]  }
0x5c2: {  	v16 =	vld.idx.msk [tilespmem:v16+s23+$0x0], $0xffff  }
0x5c3: {  	v5 =	vld.idx.msk [tilespmem:v5+s23+$0x0], $0xffff  }
0x5c4: {  	v11 =	vld.idx.msk [tilespmem:v11+s23+$0x0], $0xffff  }
0x5c5: {  	v4 =	vld.idx.msk [tilespmem:v4+s23+$0x0], $0xffff  }
0x5c6: {  	v6 =	vld.idx.msk [tilespmem:v6+s23+$0x0], $0xffff  }
0x5c7: {  	v7 =	vld.idx.msk [tilespmem:v7+s23+$0x0], $0xffff  }
0x5c8: {  	v8 =	vld.idx.msk [tilespmem:v8+s23+$0x0], $0xffff  }
0x5c9: {  	v9 =	vld.idx.msk [tilespmem:v9+s23+$0x0], $0xffff  }
0x5ca: {  	v2 =	vld.idx.msk [tilespmem:v2+s23+$0x0], $0xffff  }
0x5cb: {  	v3 =	vld.idx.msk [tilespmem:v3+s23+$0x0], $0xffff  }
0x5cc: {  	v6 =	vadd.f32 v6, v16;
	v1 =	vld.idx.msk [tilespmem:v1+s23+$0x0], $0xffff  }
0x5cd: {  	v5 =	vadd.f32 v7, v5;
	v10 =	vld.idx.msk [tilespmem:v10+s23+$0x0], $0xffff  }
0x5ce: {  	v7 =	vadd.f32 v8, v11;
	v0 =	vld.idx.msk [tilespmem:v0+s23+$0x0], $0xffff  }
0x5cf: {  	v4 =	vadd.f32 v9, v4;
	v8 =	vld.idx.msk [tilespmem:v12+s23+$0x0], $0xffff  }
0x5d0: {  	v9 =	vld.idx.msk [tilespmem:v13+s23+$0x0], $0xffff  }
0x5d1: {  	v11 =	vld.idx.msk [tilespmem:v14+s23+$0x0], $0xffff  }
0x5d2: {  	v12 =	vld [tilespmem:s12+$0x2000]  }
0x5d3: {  	v14 =	vld [tilespmem:s12+$0x2080]  }
0x5d4: {  	v13 =	vadd.f32 v0, v2;
	v32 =	vld [tilespmem:s12+$0x2100]  }
0x5d5: {  	v3 =	vadd.f32 v8, v3;
	v33 =	vld [tilespmem:s12+$0x2180]  }
0x5d6: {  	v8 =	vadd.f32 v9, v1;
	v34 =	vld [tilespmem:s11+$0x2000]  }
0x5d7: {  	v9 =	vadd.f32 v11, v10;
	v2 =	vld [tilespmem:s11+$0x2080]  }
0x5d8: {  	v1 =	vld [tilespmem:s11+$0x2100]  }
0x5d9: {  	v0 =	vld [tilespmem:s11+$0x2180]  }
0x5da: {  	v10 =	vld.idx.msk [tilespmem:v15+s23+$0x0], $0xffff  }
0x5db: {  	v11 =	vld.idx.msk [tilespmem:v17+s23+$0x0], $0xffff  }
0x5dc: {  	v15 =	vld.idx.msk [tilespmem:v18+s23+$0x0], $0xffff  }
0x5dd: {  	v16 =	vld.idx.msk [tilespmem:v19+s23+$0x0], $0xffff  }
0x5de: {  	v17 =	vld.idx.msk [tilespmem:v20+s23+$0x0], $0xffff  }
0x5df: {  	v18 =	vld.idx.msk [tilespmem:v21+s23+$0x0], $0xffff  }
0x5e0: {  	v6 =	vadd.f32 v10, v6;
	v19 =	vld.idx.msk [tilespmem:v22+s23+$0x0], $0xffff  }
0x5e1: {  	v5 =	vadd.f32 v11, v5;
	v10 =	vld.idx.msk [tilespmem:v23+s23+$0x0], $0xffff  }
0x5e2: {  	v7 =	vadd.f32 v15, v7;
	v15 =	vld.idx.msk [tilespmem:v24+s23+$0x0], $0xffff  }
0x5e3: {  	v4 =	vadd.f32 v16, v4;
	v20 =	vld.idx.msk [tilespmem:v25+s23+$0x0], $0xffff  }
0x5e4: {  	v17 =	vadd.f32 v17, v13;
	v13 =	vld.idx.msk [tilespmem:v26+s23+$0x0], $0xffff  }
0x5e5: {  	v18 =	vadd.f32 v18, v3;
	v3 =	vld.idx.msk [tilespmem:v27+s23+$0x0], $0xffff  }
0x5e6: {  	v19 =	vadd.f32 v19, v8;
	v21 =	vld.idx.msk [tilespmem:v28+s23+$0x0], $0xffff  }
0x5e7: {  	v11 =	vadd.f32 v10, v9;
	v22 =	vld.idx.msk [tilespmem:v29+s23+$0x0], $0xffff  }
0x5e8: {  	v9 =	vadd.f32 v15, v6;
	v23 =	vld.idx.msk [tilespmem:v30+s23+$0x0], $0xffff  }
0x5e9: {  	v8 =	vadd.f32 v20, v5;
	v16 =	vld.idx.msk [tilespmem:v31+s23+$0x0], $0xffff  }
.Ltmp8:
0x5ea: {  	v5 =	vadd.f32 v13, v7;
	v13 =	vld.idx.msk [tilespmem:v12+s23+$0x0], $0xffff;
	(pc) =	sbr.rel @p0 .LBB2_19-.Ltmp8, $4  }
0x5eb: {  	v7 =	vadd.f32 v3, v4;
	v12 =	vld.idx.msk [tilespmem:v14+s23+$0x0], $0xffff  }
0x5ec: {  	v3 =	vadd.f32 v21, v17;
	v10 =	vld.idx.msk [tilespmem:v32+s23+$0x0], $0xffff  }
0x5ed: {  	v6 =	vadd.f32 v22, v18;
	v14 =	vld.idx.msk [tilespmem:v33+s23+$0x0], $0xffff  }
0x5ee: {  	s29 =	sadd.s32 $0x180, s29;
	s30 =	sadd.s32 $0x30, s30;
	v4 =	vadd.f32 v23, v19;
	v15 =	vld.idx.msk [tilespmem:v34+s23+$0x0], $0xffff  }
0x5ef: {  	_ =	sdelay $0x3  }
0x5f0: {  	v2 =	vld.idx.msk [tilespmem:v2+s23+$0x0], $0xffff  }
0x5f1: {  	v1 =	vld.idx.msk [tilespmem:v1+s23+$0x0], $0xffff  }
0x5f2: {  	v0 =	vld.idx.msk [tilespmem:v0+s23+$0x0], $0xffff  }
0x5f3: {  	v11 =	vadd.f32 v16, v11  }
0x5f4: {  	v9 =	vadd.f32 v13, v9;
	v8 =	vadd.f32 v12, v8  }
0x5f5: {  	v5 =	vadd.f32 v10, v5;
	v7 =	vadd.f32 v14, v7  }
0x5f6: {  	v3 =	vadd.f32 v15, v3;
	v2 =	vadd.f32 v2, v6  }
0x5f7: {  	v1 =	vadd.f32 v1, v4;
	v0 =	vadd.f32 v0, v11  }
0x5f8: {  	v62 =	vadd.f32 v8, v9;
	v5 =	vadd.f32 v7, v5  }
0x5f9: {  	v2 =	vadd.f32 v2, v3;
	v0 =	vadd.f32 v0, v1  }
0x5fa: {  	v63 =	vadd.f32 v5, v62  }
0x5fb: {  	v0 =	vadd.f32 v0, v2  }
0x5fc: {  	[tilespmem:s2+$0xFFFFFFF0] =	vst v63  }
0x5fd: {  	[tilespmem:s4+$0x1EF00] =	vst v0  }
.LBB2_21:
0x5fe: {  	v0 =	vld [tilespmem:s7+$0xFFFFF000]  }
0x5ff: {  	v1 =	vld [tilespmem:s7+$0xFFFFF080]  }
0x600: {  	v2 =	vld [tilespmem:s7+$0xFFFFF100]  }
0x601: {  	v3 =	vld [tilespmem:s7+$0xFFFFF180]  }
0x602: {  	v4 =	vld [tilespmem:s7+$0xFFFFF200]  }
0x603: {  	v5 =	vld [tilespmem:s7+$0xFFFFF280]  }
0x604: {  	v6 =	vld [tilespmem:s7+$0xFFFFF300]  }
0x605: {  	v8 =	vld [tilespmem:s7+$0x0]  }
0x606: {  	v9 =	vld [tilespmem:s7+$0x80]  }
0x607: {  	v10 =	vld [tilespmem:s7+$0x100]  }
0x608: {  	v11 =	vld [tilespmem:s7+$0x180]  }
0x609: {  	v12 =	vld [tilespmem:s7+$0x200]  }
0x60a: {  	v13 =	vld [tilespmem:s7+$0x280]  }
0x60b: {  	v14 =	vld [tilespmem:s7+$0x300]  }
0x60c: {  	v15 =	vld [tilespmem:s7+$0x380]  }
0x60d: {  	v16 =	vld [tilespmem:s7+$0x1000]  }
0x60e: {  	v17 =	vld [tilespmem:s7+$0x1080]  }
0x60f: {  	s2 =	sor.u32 s31, s10;
	v18 =	vld [tilespmem:s7+$0x1100]  }
0x610: {  	v19 =	vld [tilespmem:s7+$0x1180];
	s2 =	sor.u32 $0x380, s2  }
0x611: {  	v7 =	vld [tilespmem:s2+$0x0]  }
0x612: {  	v0 =	vld.idx.msk [tilespmem:v0+s23+$0x0], $0xffff  }
0x613: {  	v1 =	vld.idx.msk [tilespmem:v1+s23+$0x0], $0xffff  }
0x614: {  	v2 =	vld.idx.msk [tilespmem:v2+s23+$0x0], $0xffff  }
0x615: {  	v3 =	vld.idx.msk [tilespmem:v3+s23+$0x0], $0xffff  }
0x616: {  	v4 =	vld.idx.msk [tilespmem:v4+s23+$0x0], $0xffff  }
0x617: {  	v5 =	vld.idx.msk [tilespmem:v5+s23+$0x0], $0xffff  }
0x618: {  	v6 =	vld.idx.msk [tilespmem:v6+s23+$0x0], $0xffff  }
0x619: {  	v8 =	vld.idx.msk [tilespmem:v8+s23+$0x0], $0xffff  }
0x61a: {  	v9 =	vld.idx.msk [tilespmem:v9+s23+$0x0], $0xffff  }
0x61b: {  	v10 =	vld.idx.msk [tilespmem:v10+s23+$0x0], $0xffff  }
0x61c: {  	v11 =	vld.idx.msk [tilespmem:v11+s23+$0x0], $0xffff  }
0x61d: {  	v12 =	vld.idx.msk [tilespmem:v12+s23+$0x0], $0xffff  }
0x61e: {  	v13 =	vld.idx.msk [tilespmem:v13+s23+$0x0], $0xffff  }
0x61f: {  	v7 =	vld.idx.msk [tilespmem:v7+s23+$0x0], $0xffff  }
0x620: {  	v14 =	vld.idx.msk [tilespmem:v14+s23+$0x0], $0xffff  }
0x621: {  	v15 =	vld.idx.msk [tilespmem:v15+s23+$0x0], $0xffff  }
0x622: {  	v16 =	vld.idx.msk [tilespmem:v16+s23+$0x0], $0xffff  }
0x623: {  	v60 =	vld.idx.msk [tilespmem:v17+s23+$0x0], $0xffff;
	v0 =	vadd.f32 v4, v0;
	v1 =	vadd.f32 v5, v1  }
0x624: {  	v61 =	vld.idx.msk [tilespmem:v18+s23+$0x0], $0xffff;
	v2 =	vadd.f32 v6, v2;
	v3 =	vadd.f32 v7, v3  }
0x625: {  	v62 =	vld.idx.msk [tilespmem:v19+s23+$0x0], $0xffff;
	v0 =	vadd.f32 v8, v0;
	v1 =	vadd.f32 v9, v1  }
0x626: {  	v2 =	vadd.f32 v10, v2;
	v3 =	vadd.f32 v11, v3  }
0x627: {  	v0 =	vadd.f32 v12, v0;
	v1 =	vadd.f32 v13, v1  }
0x628: {  	v2 =	vadd.f32 v14, v2;
	v3 =	vadd.f32 v15, v3  }
0x629: {  	v0 =	vadd.f32 v16, v0;
	v1 =	vadd.f32 v60, v1  }
0x62a: {  	v2 =	vadd.f32 v61, v2;
	v3 =	vadd.f32 v62, v3  }
0x62b: {  	p0 =	sne.s32 s10, $0x1F0  }
.Ltmp9:
0x62c: {  	v0 =	vadd.f32 v1, v0;
	v63 =	vadd.f32 v3, v2;
	(pc) =	sbr.rel @p0 .LBB2_21-.Ltmp9, $4  }
0x62d: {  	_ = 	snop  }
0x62e: {  	v0 =	vadd.f32 v63, v0  }
0x62f: {  	s31 =	sadd.s32 $0x80, s31  }
0x630: {  	s7 =	sadd.s32 $0x10, s7;
	s10 =	sadd.s32 $0x10, s10;
	[tilespmem:s3+$0x0] =	vst v0;
	s3 =	sadd.s32 $0x10, s3  }
0x631: {  	s2 =	rddreg [dreg:$0xd]  }
0x632: {  	s30 =	simm.s32 $0x0;
	s2 =	sadd.s32 s18, s2  }
0x633: {  	[tilespmem:s30], [sflag:$0x1] =	stream.strided.gather [hbm4b:s2+s19], $0x3000, s20, s19, $0x38;
	[tilespmem:$0x1F700] =	vst v63  }
0x634: {  	s31 =	simm.s32 $0x20;
	s21 =	simm.s32 $0x100;
	_ =	swait.ge [sflag:s28], $0x3000  }
0x635: {  	s3 =	sand.u32 $0x70, s31;
	s2 =	sand.u32 $0x1C00, s21;
	[sflag:s28] =	ssyncset.done $0x0  }
0x636: {  	s2 =	sor.u32 s3, s2;
	[sflag:s28] =	ssyncadd.s32 $0xFFFFD000  }
0x637: {  	v0 =	vld [tilespmem:s2+$0x5000]  }
0x638: {  	v1 =	vld [tilespmem:s2+$0x5080]  }
0x639: {  	v2 =	vld [tilespmem:s2+$0x5100]  }
0x63a: {  	v3 =	vld [tilespmem:s2+$0x5180]  }
0x63b: {  	v4 =	vld [tilespmem:s2+$0x4200]  }
0x63c: {  	v5 =	vld [tilespmem:s2+$0x4280]  }
0x63d: {  	v6 =	vld [tilespmem:s2+$0x4300]  }
0x63e: {  	v7 =	vld [tilespmem:s2+$0x4380]  }
0x63f: {  	v8 =	vld [tilespmem:s2+$0x4000]  }
0x640: {  	v9 =	vld [tilespmem:s2+$0x4080]  }
0x641: {  	v10 =	vld [tilespmem:s2+$0x4100]  }
0x642: {  	v11 =	vld [tilespmem:s2+$0x4180]  }
0x643: {  	v12 =	vld [tilespmem:s2+$0x3000]  }
0x644: {  	v13 =	vld [tilespmem:s2+$0x3080]  }
0x645: {  	v14 =	vld [tilespmem:s2+$0x3100]  }
0x646: {  	v15 =	vld [tilespmem:s2+$0x3180]  }
0x647: {  	v16 =	vld [tilespmem:s2+$0x3200]  }
0x648: {  	s22 =	simm.s32 $0x0;
	v17 =	vld [tilespmem:s2+$0x3280]  }
0x649: {  	s24 =	sand.u32 $0x70, s22;
	s4 =	sand.u32 $0xC00, s30;
	v18 =	vld [tilespmem:s2+$0x3300]  }
0x64a: {  	v19 =	vld [tilespmem:s2+$0x3380];
	s2 =	sor.u32 s24, s4  }
0x64b: {  	v22 =	vld [tilespmem:s2+$0x3100]  }
0x64c: {  	v23 =	vld [tilespmem:s2+$0x3180]  }
0x64d: {  	v24 =	vld [tilespmem:s2+$0x3200]  }
0x64e: {  	v25 =	vld [tilespmem:s2+$0x3280]  }
0x64f: {  	v26 =	vld [tilespmem:s2+$0x3300]  }
0x650: {  	v27 =	vld [tilespmem:s2+$0x3380]  }
0x651: {  	v36 =	vld [tilespmem:s2+$0x4000]  }
0x652: {  	v37 =	vld [tilespmem:s2+$0x4080]  }
0x653: {  	v38 =	vld [tilespmem:s2+$0x4100]  }
0x654: {  	v39 =	vld [tilespmem:s2+$0x4180]  }
0x655: {  	v44 =	vld [tilespmem:s2+$0x4200]  }
0x656: {  	v45 =	vld [tilespmem:s2+$0x4280]  }
0x657: {  	v46 =	vld [tilespmem:s2+$0x4300]  }
0x658: {  	v47 =	vld [tilespmem:s2+$0x4380]  }
0x659: {  	v53 =	vld [tilespmem:s2+$0x5000]  }
0x65a: {  	s29 =	simm.s32 $0x80;
	s6 =	simm.s32 $0x10;
	v54 =	vld [tilespmem:s2+$0x5080]  }
0x65b: {  	s6 =	sand.u32 $0x70, s6;
	s4 =	sand.u32 $0x1C00, s29;
	v55 =	vld [tilespmem:s2+$0x5100]  }
0x65c: {  	s4 =	sor.u32 s6, s4;
	v56 =	vld [tilespmem:s2+$0x5180]  }
0x65d: {  	v28 =	vld [tilespmem:s4+$0x3000]  }
0x65e: {  	v29 =	vld [tilespmem:s4+$0x3080]  }
0x65f: {  	v30 =	vld [tilespmem:s4+$0x3100]  }
0x660: {  	v31 =	vld [tilespmem:s4+$0x3180]  }
0x661: {  	v32 =	vld [tilespmem:s4+$0x3200]  }
0x662: {  	v33 =	vld [tilespmem:s4+$0x3280]  }
0x663: {  	v34 =	vld [tilespmem:s4+$0x3300]  }
0x664: {  	v35 =	vld [tilespmem:s4+$0x3380]  }
0x665: {  	v40 =	vld [tilespmem:s4+$0x4000]  }
0x666: {  	v41 =	vld [tilespmem:s4+$0x4080]  }
0x667: {  	v42 =	vld [tilespmem:s4+$0x4100]  }
0x668: {  	v43 =	vld [tilespmem:s4+$0x4180]  }
0x669: {  	v48 =	vld [tilespmem:s4+$0x4200]  }
0x66a: {  	v49 =	vld [tilespmem:s4+$0x4280]  }
0x66b: {  	v50 =	vld [tilespmem:s4+$0x4300]  }
0x66c: {  	v51 =	vld [tilespmem:s4+$0x4380]  }
0x66d: {  	v57 =	vld [tilespmem:s4+$0x5000]  }
0x66e: {  	v20 =	vld.idx.msk [tilespmem:v0+s23+$0x0], $0xffff  }
0x66f: {  	v21 =	vld.idx.msk [tilespmem:v1+s23+$0x0], $0xffff  }
0x670: {  	v4 =	vld.idx.msk [tilespmem:v4+s23+$0x0], $0xffff  }
0x671: {  	v5 =	vld.idx.msk [tilespmem:v5+s23+$0x0], $0xffff  }
0x672: {  	v8 =	vld.idx.msk [tilespmem:v8+s23+$0x0], $0xffff  }
0x673: {  	v9 =	vld.idx.msk [tilespmem:v9+s23+$0x0], $0xffff  }
0x674: {  	v0 =	vld.idx.msk [tilespmem:v12+s23+$0x0], $0xffff  }
0x675: {  	v1 =	vld.idx.msk [tilespmem:v13+s23+$0x0], $0xffff  }
0x676: {  	v12 =	vld.idx.msk [tilespmem:v14+s23+$0x0], $0xffff  }
0x677: {  	v13 =	vld.idx.msk [tilespmem:v15+s23+$0x0], $0xffff  }
0x678: {  	v14 =	vld.idx.msk [tilespmem:v16+s23+$0x0], $0xffff  }
0x679: {  	v15 =	vld.idx.msk [tilespmem:v17+s23+$0x0], $0xffff  }
0x67a: {  	v16 =	vld.idx.msk [tilespmem:v18+s23+$0x0], $0xffff  }
0x67b: {  	v17 =	vld.idx.msk [tilespmem:v19+s23+$0x0], $0xffff  }
0x67c: {  	v10 =	vld.idx.msk [tilespmem:v10+s23+$0x0], $0xffff  }
0x67d: {  	v11 =	vld.idx.msk [tilespmem:v11+s23+$0x0], $0xffff  }
0x67e: {  	v6 =	vld.idx.msk [tilespmem:v6+s23+$0x0], $0xffff  }
0x67f: {  	v7 =	vld.idx.msk [tilespmem:v7+s23+$0x0], $0xffff  }
0x680: {  	v18 =	vld.idx.msk [tilespmem:v2+s23+$0x0], $0xffff  }
0x681: {  	v3 =	vld.idx.msk [tilespmem:v3+s23+$0x0], $0xffff  }
0x682: {  	v2 =	vld [tilespmem:s2+$0x3000]  }
0x683: {  	v19 =	vld [tilespmem:s2+$0x3080]  }
0x684: {  	v22 =	vld.idx.msk [tilespmem:v22+s23+$0x0], $0xffff  }
0x685: {  	v23 =	vld.idx.msk [tilespmem:v23+s23+$0x0], $0xffff  }
0x686: {  	v24 =	vld.idx.msk [tilespmem:v24+s23+$0x0], $0xffff  }
0x687: {  	v25 =	vld.idx.msk [tilespmem:v25+s23+$0x0], $0xffff  }
0x688: {  	v26 =	vld.idx.msk [tilespmem:v26+s23+$0x0], $0xffff  }
0x689: {  	v27 =	vld.idx.msk [tilespmem:v27+s23+$0x0], $0xffff  }
0x68a: {  	v28 =	vld.idx.msk [tilespmem:v28+s23+$0x0], $0xffff  }
0x68b: {  	v29 =	vld.idx.msk [tilespmem:v29+s23+$0x0], $0xffff  }
0x68c: {  	v30 =	vld.idx.msk [tilespmem:v30+s23+$0x0], $0xffff  }
0x68d: {  	v31 =	vld.idx.msk [tilespmem:v31+s23+$0x0], $0xffff  }
0x68e: {  	v32 =	vld.idx.msk [tilespmem:v32+s23+$0x0], $0xffff  }
0x68f: {  	v33 =	vld.idx.msk [tilespmem:v33+s23+$0x0], $0xffff  }
0x690: {  	v34 =	vld.idx.msk [tilespmem:v34+s23+$0x0], $0xffff  }
0x691: {  	v35 =	vld.idx.msk [tilespmem:v35+s23+$0x0], $0xffff  }
0x692: {  	v59 =	vld.idx.msk [tilespmem:v49+s23+$0x0], $0xffff  }
0x693: {  	v62 =	vld.idx.msk [tilespmem:v50+s23+$0x0], $0xffff  }
0x694: {  	v15 =	vadd.f32 v15, v1;
	v1 =	vld [tilespmem:s4+$0x5100]  }
0x695: {  	v14 =	vadd.f32 v14, v0;
	v0 =	vld [tilespmem:s4+$0x5180]  }
0x696: {  	v12 =	vadd.f32 v16, v12;
	v13 =	vadd.f32 v17, v13;
	v17 =	vld.idx.msk [tilespmem:v46+s23+$0x0], $0xffff  }
0x697: {  	v8 =	vadd.f32 v8, v14;
	v14 =	vld.idx.msk [tilespmem:v36+s23+$0x0], $0xffff  }
0x698: {  	v10 =	vadd.f32 v10, v12;
	v12 =	vld.idx.msk [tilespmem:v37+s23+$0x0], $0xffff  }
0x699: {  	v52 =	vld.idx.msk [tilespmem:v2+s23+$0x0], $0xffff  }
0x69a: {  	v16 =	vadd.f32 v26, v22;
	v9 =	vadd.f32 v9, v15;
	v19 =	vld.idx.msk [tilespmem:v19+s23+$0x0], $0xffff  }
0x69b: {  	v11 =	vadd.f32 v11, v13;
	v46 =	vadd.f32 v33, v29;
	v2 =	vld [tilespmem:s4+$0x5080]  }
0x69c: {  	v4 =	vadd.f32 v4, v8;
	v5 =	vadd.f32 v5, v9;
	v8 =	vld.idx.msk [tilespmem:v38+s23+$0x0], $0xffff  }
0x69d: {  	v6 =	vadd.f32 v6, v10;
	v7 =	vadd.f32 v7, v11;
	v9 =	vld.idx.msk [tilespmem:v39+s23+$0x0], $0xffff  }
0x69e: {  	v10 =	vld.idx.msk [tilespmem:v40+s23+$0x0], $0xffff;
	v4 =	vadd.f32 v20, v4;
	v5 =	vadd.f32 v21, v5  }
0x69f: {  	v11 =	vld.idx.msk [tilespmem:v42+s23+$0x0], $0xffff;
	v6 =	vadd.f32 v18, v6;
	v3 =	vadd.f32 v3, v7  }
0x6a0: {  	v58 =	vadd.f32 v35, v31;
	v7 =	vld.idx.msk [tilespmem:v41+s23+$0x0], $0xffff;
	v18 =	vadd.f32 v27, v23  }
0x6a1: {  	v4 =	vadd.f32 v5, v4;
	v3 =	vadd.f32 v3, v6;
	v5 =	vld.idx.msk [tilespmem:v43+s23+$0x0], $0xffff  }
0x6a2: {  	v6 =	vld.idx.msk [tilespmem:v44+s23+$0x0], $0xffff;
	v13 =	vadd.f32 v25, v19;
	v19 =	vadd.f32 v32, v28  }
0x6a3: {  	v61 =	vadd.f32 v8, v16;
	v18 =	vadd.f32 v9, v18;
	v16 =	vld.idx.msk [tilespmem:v51+s23+$0x0], $0xffff  }
0x6a4: {  	v15 =	vadd.f32 v3, v4;
	v3 =	vadd.f32 v24, v52;
	v4 =	vld.idx.msk [tilespmem:v45+s23+$0x0], $0xffff  }
0x6a5: {  	v45 =	vld.idx.msk [tilespmem:v47+s23+$0x0], $0xffff;
	v47 =	vadd.f32 v34, v30;
	v60 =	vadd.f32 v12, v13  }
0x6a6: {  	v52 =	vld.idx.msk [tilespmem:v48+s23+$0x0], $0xffff;
	v19 =	vadd.f32 v10, v19;
	v7 =	vadd.f32 v7, v46  }
0x6a7: {  	v13 =	vld.idx.msk [tilespmem:v54+s23+$0x0], $0xffff;
	v3 =	vadd.f32 v14, v3;
	v63 =	vadd.f32 v11, v47  }
0x6a8: {  	v14 =	vld.idx.msk [tilespmem:v53+s23+$0x0], $0xffff;
	v12 =	vadd.f32 v5, v58;
	v5 =	vadd.f32 v17, v61  }
0x6a9: {  	v10 =	vld.idx.msk [tilespmem:v55+s23+$0x0], $0xffff;
	v7 =	vadd.f32 v59, v7;
	v9 =	vadd.f32 v6, v3  }
0x6aa: {  	s2 =	simm.s32 $0x1F120;
	v11 =	vld.idx.msk [tilespmem:v56+s23+$0x0], $0xffff;
	v6 =	vadd.f32 v62, v63;
	v8 =	vadd.f32 v4, v60  }
0x6ab: {  	s7 =	simm.s32 $0x180;
	s3 =	sand.u32 $0x1F0, s22;
	s4 =	simm.s32 $0x0;
	[tilespmem:s2+$0x0] =	vst v15;
	v15 =	vld.idx.msk [tilespmem:v57+s23+$0x0], $0xffff;
	v3 =	vadd.f32 v45, v18;
	v4 =	vadd.f32 v52, v19  }
.LBB2_23:
0x6ac: {  	s6 =	sadd.s32 $0x80, s7;
	s9 =	sadd.s32 $0x100, s7;
	v12 =	vadd.f32 v16, v12;
	v2 =	vld.idx.msk [tilespmem:v2+s23+$0x0], $0xffff;
	s31 =	sadd.s32 $0x30, s31  }
0x6ad: {  	v9 =	vadd.f32 v14, v9;
	s10 =	sadd.s32 $0xFFFFFFF0, s31;
	s11 =	sand.u32 $0x70, s31;
	s9 =	sand.u32 $0x1C00, s9;
	v1 =	vld.idx.msk [tilespmem:v1+s23+$0x0], $0xffff  }
0x6ae: {  	s12 =	sadd.s32 $0xFFFFFFE0, s31;
	v8 =	vadd.f32 v13, v8;
	s13 =	sand.u32 $0x70, s10;
	s11 =	sor.u32 s11, s9;
	v0 =	vld.idx.msk [tilespmem:v0+s23+$0x0], $0xffff  }
0x6af: {  	s6 =	sand.u32 $0x1C00, s6;
	s9 =	sand.u32 $0x70, s12;
	s10 =	sand.u32 $0xC00, s7;
	v5 =	vadd.f32 v10, v5;
	v13 =	vld [tilespmem:s11+$0x5000]  }
0x6b0: {  	s12 =	sand.u32 $0x1F0, s12;
	s10 =	sor.u32 s9, s10;
	s9 =	sor.u32 s13, s6;
	v3 =	vadd.f32 v11, v3;
	v8 =	vadd.f32 v8, v9;
	v10 =	vld [tilespmem:s11+$0x5080]  }
0x6b1: {  	v4 =	vadd.f32 v15, v4;
	v9 =	vld [tilespmem:s11+$0x5100]  }
0x6b2: {  	v3 =	vadd.f32 v3, v5;
	v2 =	vadd.f32 v2, v7;
	v11 =	vld [tilespmem:s11+$0x5180]  }
0x6b3: {  	v1 =	vadd.f32 v1, v6;
	v5 =	vld [tilespmem:s11+$0x4200]  }
0x6b4: {  	v0 =	vadd.f32 v0, v12;
	v2 =	vadd.f32 v2, v4;
	v6 =	vld [tilespmem:s11+$0x4280]  }
0x6b5: {  	v3 =	vadd.f32 v3, v8;
	v4 =	vld [tilespmem:s11+$0x4300]  }
0x6b6: {  	v0 =	vadd.f32 v0, v1;
	v7 =	vld [tilespmem:s11+$0x4380]  }
0x6b7: {  	v1 =	vld [tilespmem:s11+$0x4000];
	[tilespmem:s3+$0x1F100] =	vst v3;
	s3 =	smov.u32 s12  }
0x6b8: {  	v0 =	vadd.f32 v0, v2;
	v3 =	vld [tilespmem:s11+$0x4080]  }
0x6b9: {  	v2 =	vld [tilespmem:s11+$0x4100]  }
0x6ba: {  	v8 =	vld [tilespmem:s11+$0x4180];
	[tilespmem:s2+$0xFFFFFFF0] =	vst v0  }
0x6bb: {  	v0 =	vld [tilespmem:s11+$0x3000]  }
0x6bc: {  	v12 =	vld [tilespmem:s11+$0x3080]  }
0x6bd: {  	v14 =	vld [tilespmem:s11+$0x3100]  }
0x6be: {  	v15 =	vld [tilespmem:s11+$0x3180]  }
0x6bf: {  	v16 =	vld [tilespmem:s11+$0x3200]  }
0x6c0: {  	v17 =	vld [tilespmem:s11+$0x3280]  }
0x6c1: {  	v18 =	vld [tilespmem:s11+$0x3300]  }
0x6c2: {  	v19 =	vld [tilespmem:s11+$0x3380]  }
0x6c3: {  	v13 =	vld.idx.msk [tilespmem:v13+s23+$0x0], $0xffff  }
0x6c4: {  	v10 =	vld.idx.msk [tilespmem:v10+s23+$0x0], $0xffff  }
0x6c5: {  	s4 =	sadd.s32 $0x3, s4;
	v5 =	vld.idx.msk [tilespmem:v5+s23+$0x0], $0xffff  }
0x6c6: {  	p0 =	slt.u32 s4, $0x1B;
	v6 =	vld.idx.msk [tilespmem:v6+s23+$0x0], $0xffff  }
0x6c7: {  	v1 =	vld.idx.msk [tilespmem:v1+s23+$0x0], $0xffff  }
0x6c8: {  	v3 =	vld.idx.msk [tilespmem:v3+s23+$0x0], $0xffff  }
0x6c9: {  	v0 =	vld.idx.msk [tilespmem:v0+s23+$0x0], $0xffff  }
0x6ca: {  	v12 =	vld.idx.msk [tilespmem:v12+s23+$0x0], $0xffff  }
0x6cb: {  	v14 =	vld.idx.msk [tilespmem:v14+s23+$0x0], $0xffff  }
0x6cc: {  	v15 =	vld.idx.msk [tilespmem:v15+s23+$0x0], $0xffff  }
0x6cd: {  	v16 =	vld.idx.msk [tilespmem:v16+s23+$0x0], $0xffff  }
0x6ce: {  	v17 =	vld.idx.msk [tilespmem:v17+s23+$0x0], $0xffff  }
0x6cf: {  	v18 =	vld.idx.msk [tilespmem:v18+s23+$0x0], $0xffff  }
0x6d0: {  	v19 =	vld.idx.msk [tilespmem:v19+s23+$0x0], $0xffff  }
0x6d1: {  	v2 =	vld.idx.msk [tilespmem:v2+s23+$0x0], $0xffff  }
0x6d2: {  	v8 =	vld.idx.msk [tilespmem:v8+s23+$0x0], $0xffff  }
0x6d3: {  	v4 =	vld.idx.msk [tilespmem:v4+s23+$0x0], $0xffff  }
0x6d4: {  	v7 =	vld.idx.msk [tilespmem:v7+s23+$0x0], $0xffff  }
0x6d5: {  	v0 =	vadd.f32 v16, v0;
	v12 =	vadd.f32 v17, v12;
	v9 =	vld.idx.msk [tilespmem:v9+s23+$0x0], $0xffff  }
0x6d6: {  	v14 =	vadd.f32 v18, v14;
	v15 =	vadd.f32 v19, v15;
	v11 =	vld.idx.msk [tilespmem:v11+s23+$0x0], $0xffff  }
0x6d7: {  	v0 =	vadd.f32 v1, v0;
	v1 =	vadd.f32 v3, v12;
	v16 =	vld [tilespmem:s10+$0x3000]  }
0x6d8: {  	v2 =	vadd.f32 v2, v14;
	v8 =	vadd.f32 v8, v15;
	v3 =	vld [tilespmem:s10+$0x3080]  }
0x6d9: {  	v0 =	vadd.f32 v5, v0;
	v1 =	vadd.f32 v6, v1;
	v12 =	vld [tilespmem:s10+$0x3100]  }
0x6da: {  	v2 =	vadd.f32 v4, v2;
	v4 =	vadd.f32 v7, v8;
	v5 =	vld [tilespmem:s10+$0x3180]  }
0x6db: {  	v0 =	vadd.f32 v13, v0;
	v1 =	vadd.f32 v10, v1;
	v6 =	vld [tilespmem:s10+$0x3200]  }
0x6dc: {  	v2 =	vadd.f32 v9, v2;
	v4 =	vadd.f32 v11, v4;
	v7 =	vld [tilespmem:s10+$0x3280]  }
0x6dd: {  	v8 =	vld [tilespmem:s10+$0x3300]  }
0x6de: {  	v0 =	vadd.f32 v1, v0;
	v1 =	vadd.f32 v4, v2;
	v9 =	vld [tilespmem:s10+$0x3380]  }
0x6df: {  	v2 =	vld [tilespmem:s9+$0x3000]  }
0x6e0: {  	v0 =	vadd.f32 v1, v0;
	v4 =	vld [tilespmem:s9+$0x3080]  }
0x6e1: {  	s2 =	sadd.s32 $0x30, s2;
	v1 =	vld [tilespmem:s9+$0x3100]  }
0x6e2: {  	v10 =	vld [tilespmem:s9+$0x3180];
	[tilespmem:s2+$0x0] =	vst v0  }
0x6e3: {  	v0 =	vld [tilespmem:s9+$0x3200]  }
0x6e4: {  	v11 =	vld [tilespmem:s9+$0x3280]  }
0x6e5: {  	v13 =	vld [tilespmem:s9+$0x3300]  }
0x6e6: {  	v14 =	vld [tilespmem:s9+$0x3380]  }
0x6e7: {  	v15 =	vld [tilespmem:s10+$0x4000]  }
0x6e8: {  	v17 =	vld [tilespmem:s10+$0x4080]  }
0x6e9: {  	v18 =	vld [tilespmem:s10+$0x4100]  }
0x6ea: {  	v19 =	vld [tilespmem:s10+$0x4180]  }
0x6eb: {  	v20 =	vld [tilespmem:s9+$0x4000]  }
0x6ec: {  	v21 =	vld [tilespmem:s9+$0x4080]  }
0x6ed: {  	v22 =	vld [tilespmem:s9+$0x4100]  }
0x6ee: {  	v23 =	vld [tilespmem:s9+$0x4180]  }
0x6ef: {  	v24 =	vld [tilespmem:s10+$0x4200]  }
0x6f0: {  	v25 =	vld [tilespmem:s10+$0x4280]  }
0x6f1: {  	v26 =	vld [tilespmem:s10+$0x4300]  }
0x6f2: {  	v27 =	vld [tilespmem:s10+$0x4380]  }
0x6f3: {  	v28 =	vld [tilespmem:s9+$0x4200]  }
0x6f4: {  	v29 =	vld [tilespmem:s9+$0x4280]  }
0x6f5: {  	v30 =	vld [tilespmem:s9+$0x4300]  }
0x6f6: {  	v31 =	vld [tilespmem:s9+$0x4380]  }
0x6f7: {  	v16 =	vld.idx.msk [tilespmem:v16+s23+$0x0], $0xffff  }
0x6f8: {  	v3 =	vld.idx.msk [tilespmem:v3+s23+$0x0], $0xffff  }
0x6f9: {  	v12 =	vld.idx.msk [tilespmem:v12+s23+$0x0], $0xffff  }
0x6fa: {  	v5 =	vld.idx.msk [tilespmem:v5+s23+$0x0], $0xffff  }
0x6fb: {  	v6 =	vld.idx.msk [tilespmem:v6+s23+$0x0], $0xffff  }
0x6fc: {  	v7 =	vld.idx.msk [tilespmem:v7+s23+$0x0], $0xffff  }
0x6fd: {  	v8 =	vld.idx.msk [tilespmem:v8+s23+$0x0], $0xffff  }
0x6fe: {  	v9 =	vld.idx.msk [tilespmem:v9+s23+$0x0], $0xffff  }
0x6ff: {  	v2 =	vld.idx.msk [tilespmem:v2+s23+$0x0], $0xffff  }
0x700: {  	v4 =	vld.idx.msk [tilespmem:v4+s23+$0x0], $0xffff  }
0x701: {  	v6 =	vadd.f32 v6, v16;
	v1 =	vld.idx.msk [tilespmem:v1+s23+$0x0], $0xffff  }
0x702: {  	v3 =	vadd.f32 v7, v3;
	v7 =	vld.idx.msk [tilespmem:v10+s23+$0x0], $0xffff  }
0x703: {  	v8 =	vadd.f32 v8, v12;
	v0 =	vld.idx.msk [tilespmem:v0+s23+$0x0], $0xffff  }
0x704: {  	v5 =	vadd.f32 v9, v5;
	v9 =	vld.idx.msk [tilespmem:v11+s23+$0x0], $0xffff  }
0x705: {  	v10 =	vld.idx.msk [tilespmem:v13+s23+$0x0], $0xffff  }
0x706: {  	v11 =	vld.idx.msk [tilespmem:v14+s23+$0x0], $0xffff  }
0x707: {  	v13 =	vld [tilespmem:s10+$0x5000]  }
0x708: {  	v32 =	vld [tilespmem:s10+$0x5080]  }
0x709: {  	v12 =	vadd.f32 v0, v2;
	v33 =	vld [tilespmem:s10+$0x5100]  }
0x70a: {  	v4 =	vadd.f32 v9, v4;
	v34 =	vld [tilespmem:s10+$0x5180]  }
0x70b: {  	v9 =	vadd.f32 v10, v1;
	v35 =	vld [tilespmem:s9+$0x5000]  }
0x70c: {  	v7 =	vadd.f32 v11, v7;
	v2 =	vld [tilespmem:s9+$0x5080]  }
0x70d: {  	v1 =	vld [tilespmem:s9+$0x5100]  }
0x70e: {  	v0 =	vld [tilespmem:s9+$0x5180]  }
0x70f: {  	v10 =	vld.idx.msk [tilespmem:v15+s23+$0x0], $0xffff  }
0x710: {  	v11 =	vld.idx.msk [tilespmem:v17+s23+$0x0], $0xffff  }
0x711: {  	v14 =	vld.idx.msk [tilespmem:v18+s23+$0x0], $0xffff  }
0x712: {  	v15 =	vld.idx.msk [tilespmem:v19+s23+$0x0], $0xffff  }
0x713: {  	v16 =	vld.idx.msk [tilespmem:v20+s23+$0x0], $0xffff  }
0x714: {  	v17 =	vld.idx.msk [tilespmem:v21+s23+$0x0], $0xffff  }
0x715: {  	v6 =	vadd.f32 v10, v6;
	v10 =	vld.idx.msk [tilespmem:v22+s23+$0x0], $0xffff  }
0x716: {  	v3 =	vadd.f32 v11, v3;
	v11 =	vld.idx.msk [tilespmem:v23+s23+$0x0], $0xffff  }
0x717: {  	v14 =	vadd.f32 v14, v8;
	v8 =	vld.idx.msk [tilespmem:v24+s23+$0x0], $0xffff  }
0x718: {  	v15 =	vadd.f32 v15, v5;
	v5 =	vld.idx.msk [tilespmem:v25+s23+$0x0], $0xffff  }
0x719: {  	v19 =	vadd.f32 v16, v12;
	v18 =	vld.idx.msk [tilespmem:v26+s23+$0x0], $0xffff  }
0x71a: {  	v17 =	vadd.f32 v17, v4;
	v20 =	vld.idx.msk [tilespmem:v27+s23+$0x0], $0xffff  }
0x71b: {  	v21 =	vadd.f32 v10, v9;
	v4 =	vld.idx.msk [tilespmem:v28+s23+$0x0], $0xffff  }
0x71c: {  	v12 =	vadd.f32 v11, v7;
	v7 =	vld.idx.msk [tilespmem:v29+s23+$0x0], $0xffff  }
0x71d: {  	v9 =	vadd.f32 v8, v6;
	v6 =	vld.idx.msk [tilespmem:v30+s23+$0x0], $0xffff  }
0x71e: {  	v8 =	vadd.f32 v5, v3;
	v16 =	vld.idx.msk [tilespmem:v31+s23+$0x0], $0xffff  }
.Ltmp10:
0x71f: {  	v5 =	vadd.f32 v18, v14;
	v14 =	vld.idx.msk [tilespmem:v13+s23+$0x0], $0xffff;
	(pc) =	sbr.rel @p0 .LBB2_23-.Ltmp10, $4  }
0x720: {  	v3 =	vadd.f32 v20, v15;
	v13 =	vld.idx.msk [tilespmem:v32+s23+$0x0], $0xffff  }
0x721: {  	v4 =	vadd.f32 v4, v19;
	v10 =	vld.idx.msk [tilespmem:v33+s23+$0x0], $0xffff  }
0x722: {  	v7 =	vadd.f32 v7, v17;
	v11 =	vld.idx.msk [tilespmem:v34+s23+$0x0], $0xffff  }
0x723: {  	s7 =	sadd.s32 $0x180, s7;
	v6 =	vadd.f32 v6, v21;
	v15 =	vld.idx.msk [tilespmem:v35+s23+$0x0], $0xffff  }
0x724: {  	_ =	sdelay $0x3  }
0x725: {  	v2 =	vld.idx.msk [tilespmem:v2+s23+$0x0], $0xffff  }
0x726: {  	v1 =	vld.idx.msk [tilespmem:v1+s23+$0x0], $0xffff  }
0x727: {  	v0 =	vld.idx.msk [tilespmem:v0+s23+$0x0], $0xffff  }
0x728: {  	v12 =	vadd.f32 v16, v12  }
0x729: {  	v9 =	vadd.f32 v14, v9;
	v8 =	vadd.f32 v13, v8  }
0x72a: {  	v5 =	vadd.f32 v10, v5;
	v3 =	vadd.f32 v11, v3  }
0x72b: {  	v4 =	vadd.f32 v15, v4;
	v2 =	vadd.f32 v2, v7  }
0x72c: {  	v1 =	vadd.f32 v1, v6;
	v0 =	vadd.f32 v0, v12  }
0x72d: {  	v62 =	vadd.f32 v8, v9;
	v3 =	vadd.f32 v3, v5  }
0x72e: {  	v2 =	vadd.f32 v2, v4;
	v0 =	vadd.f32 v0, v1  }
0x72f: {  	v63 =	vadd.f32 v3, v62  }
0x730: {  	v0 =	vadd.f32 v0, v2  }
0x731: {  	[tilespmem:s3+$0x1F100] =	vst v63  }
0x732: {  	[tilespmem:s2+$0xFFFFFFF0] =	vst v0  }
.LBB2_25:
0x733: {  	s2 =	sshra.s32 s30, $0x2  }
0x734: {  	v0 =	vld [tilespmem:s2+$0x3C60]  }
0x735: {  	v1 =	vld [tilespmem:s2+$0x3CE0]  }
0x736: {  	v2 =	vld [tilespmem:s2+$0x3D60]  }
0x737: {  	v3 =	vld [tilespmem:s2+$0x3DE0]  }
0x738: {  	v4 =	vld [tilespmem:s2+$0x3E60]  }
0x739: {  	v5 =	vld [tilespmem:s2+$0x3EE0]  }
0x73a: {  	v6 =	vld [tilespmem:s2+$0x3F60]  }
0x73b: {  	v7 =	vld [tilespmem:s2+$0x3FE0]  }
0x73c: {  	v8 =	vld [tilespmem:s2+$0x4C60]  }
0x73d: {  	v9 =	vld [tilespmem:s2+$0x4CE0]  }
0x73e: {  	v10 =	vld [tilespmem:s2+$0x4D60]  }
0x73f: {  	v11 =	vld [tilespmem:s2+$0x4DE0]  }
0x740: {  	v12 =	vld [tilespmem:s2+$0x4E60]  }
0x741: {  	v13 =	vld [tilespmem:s2+$0x4EE0]  }
0x742: {  	v14 =	vld [tilespmem:s2+$0x4F60]  }
0x743: {  	v15 =	vld [tilespmem:s2+$0x4FE0]  }
0x744: {  	v16 =	vld [tilespmem:s2+$0x5C60]  }
0x745: {  	v17 =	vld [tilespmem:s2+$0x5CE0]  }
0x746: {  	v18 =	vld [tilespmem:s2+$0x5D60]  }
0x747: {  	v19 =	vld [tilespmem:s2+$0x5DE0]  }
0x748: {  	v0 =	vld.idx.msk [tilespmem:v0+s23+$0x0], $0xffff  }
0x749: {  	v1 =	vld.idx.msk [tilespmem:v1+s23+$0x0], $0xffff  }
0x74a: {  	v2 =	vld.idx.msk [tilespmem:v2+s23+$0x0], $0xffff  }
0x74b: {  	v3 =	vld.idx.msk [tilespmem:v3+s23+$0x0], $0xffff  }
0x74c: {  	v4 =	vld.idx.msk [tilespmem:v4+s23+$0x0], $0xffff  }
0x74d: {  	v5 =	vld.idx.msk [tilespmem:v5+s23+$0x0], $0xffff  }
0x74e: {  	v6 =	vld.idx.msk [tilespmem:v6+s23+$0x0], $0xffff  }
0x74f: {  	v7 =	vld.idx.msk [tilespmem:v7+s23+$0x0], $0xffff  }
0x750: {  	v8 =	vld.idx.msk [tilespmem:v8+s23+$0x0], $0xffff  }
0x751: {  	v9 =	vld.idx.msk [tilespmem:v9+s23+$0x0], $0xffff  }
0x752: {  	v10 =	vld.idx.msk [tilespmem:v10+s23+$0x0], $0xffff  }
0x753: {  	v11 =	vld.idx.msk [tilespmem:v11+s23+$0x0], $0xffff  }
0x754: {  	v12 =	vld.idx.msk [tilespmem:v12+s23+$0x0], $0xffff  }
0x755: {  	v13 =	vld.idx.msk [tilespmem:v13+s23+$0x0], $0xffff  }
0x756: {  	v14 =	vld.idx.msk [tilespmem:v14+s23+$0x0], $0xffff  }
0x757: {  	v15 =	vld.idx.msk [tilespmem:v15+s23+$0x0], $0xffff  }
0x758: {  	v16 =	vld.idx.msk [tilespmem:v16+s23+$0x0], $0xffff  }
0x759: {  	v60 =	vld.idx.msk [tilespmem:v17+s23+$0x0], $0xffff;
	v0 =	vadd.f32 v4, v0;
	v1 =	vadd.f32 v5, v1  }
0x75a: {  	v61 =	vld.idx.msk [tilespmem:v18+s23+$0x0], $0xffff;
	v2 =	vadd.f32 v6, v2;
	v3 =	vadd.f32 v7, v3  }
0x75b: {  	v62 =	vld.idx.msk [tilespmem:v19+s23+$0x0], $0xffff;
	v0 =	vadd.f32 v8, v0;
	v1 =	vadd.f32 v9, v1  }
0x75c: {  	v2 =	vadd.f32 v10, v2;
	v3 =	vadd.f32 v11, v3  }
0x75d: {  	v0 =	vadd.f32 v12, v0;
	v1 =	vadd.f32 v13, v1  }
0x75e: {  	v2 =	vadd.f32 v14, v2;
	v3 =	vadd.f32 v15, v3  }
0x75f: {  	v0 =	vadd.f32 v16, v0;
	v1 =	vadd.f32 v60, v1  }
0x760: {  	v2 =	vadd.f32 v61, v2;
	v3 =	vadd.f32 v62, v3  }
0x761: {  	p0 =	sne.s32 s30, $0x40  }
.Ltmp11:
0x762: {  	v0 =	vadd.f32 v1, v0;
	v63 =	vadd.f32 v3, v2;
	(pc) =	sbr.rel @p0 .LBB2_25-.Ltmp11, $3  }
0x763: {  	_ = 	snop  }
0x764: {  	v0 =	vadd.f32 v63, v0;
	_ =	sdelay $0x1  }
0x765: {  	s30 =	sadd.s32 $0x40, s30;
	[tilespmem:s2+$0x1F2E0] =	vst v0  }
0x766: {  	s2 =	rddreg [dreg:$0xe]  }
0x767: {  	s2 =	sadd.s32 s18, s2  }
0x768: {  	[tilespmem:s25], [sflag:$0x2] =	stream.strided.gather [hbm4b:s2+s19], $0x3000, s20, s19, $0x38;
	[tilespmem:$0x1F700] =	vst v63  }
0x769: {  	s16 =	simm.s32 $0x20;
	s3 =	simm.s32 $0x100;
	_ =	swait.ge [sflag:s26], $0x3000  }
0x76a: {  	s4 =	sand.u32 $0x70, s16;
	s6 =	sand.u32 $0x1C00, s3;
	[sflag:s26] =	ssyncset.done $0x0  }
0x76b: {  	s4 =	sor.u32 s4, s6;
	[sflag:s26] =	ssyncadd.s32 $0xFFFFD000  }
0x76c: {  	v0 =	vld [tilespmem:s4+$0x2000]  }
0x76d: {  	v1 =	vld [tilespmem:s4+$0x2080]  }
0x76e: {  	v2 =	vld [tilespmem:s4+$0x2100]  }
0x76f: {  	v3 =	vld [tilespmem:s4+$0x2180]  }
0x770: {  	v4 =	vld [tilespmem:s4+$0x1200]  }
0x771: {  	v5 =	vld [tilespmem:s4+$0x1280]  }
0x772: {  	v6 =	vld [tilespmem:s4+$0x1300]  }
0x773: {  	v7 =	vld [tilespmem:s4+$0x1380]  }
0x774: {  	v8 =	vld [tilespmem:s4+$0x1000]  }
0x775: {  	v9 =	vld [tilespmem:s4+$0x1080]  }
0x776: {  	v10 =	vld [tilespmem:s4+$0x1100]  }
0x777: {  	v11 =	vld [tilespmem:s4+$0x1180]  }
0x778: {  	v12 =	vld [tilespmem:s4+$0x0]  }
0x779: {  	v13 =	vld [tilespmem:s4+$0x80]  }
0x77a: {  	v14 =	vld [tilespmem:s4+$0x100]  }
0x77b: {  	v15 =	vld [tilespmem:s4+$0x180]  }
0x77c: {  	v16 =	vld [tilespmem:s4+$0x200]  }
0x77d: {  	s17 =	simm.s32 $0x10;
	s18 =	simm.s32 $0x80;
	s2 =	sor.u32 s3, s16;
	v17 =	vld [tilespmem:s4+$0x280]  }
0x77e: {  	s21 =	sand.u32 $0x70, s17;
	s22 =	sand.u32 $0x1C00, s18;
	s2 =	sor.u32 $0x380, s2;
	v18 =	vld [tilespmem:s4+$0x300]  }
0x77f: {  	s6 =	sor.u32 s21, s22;
	v19 =	vld [tilespmem:s2+$0x0]  }
0x780: {  	v22 =	vld [tilespmem:s6+$0x100]  }
0x781: {  	v23 =	vld [tilespmem:s6+$0x180]  }
0x782: {  	v24 =	vld [tilespmem:s6+$0x200]  }
0x783: {  	v25 =	vld [tilespmem:s6+$0x280]  }
0x784: {  	v26 =	vld [tilespmem:s6+$0x300]  }
0x785: {  	v36 =	vld [tilespmem:s6+$0x1000]  }
0x786: {  	v37 =	vld [tilespmem:s6+$0x1080]  }
0x787: {  	v38 =	vld [tilespmem:s6+$0x1100]  }
0x788: {  	v39 =	vld [tilespmem:s6+$0x1180]  }
0x789: {  	v44 =	vld [tilespmem:s6+$0x1200]  }
0x78a: {  	v45 =	vld [tilespmem:s6+$0x1280]  }
0x78b: {  	v46 =	vld [tilespmem:s6+$0x1300]  }
0x78c: {  	v47 =	vld [tilespmem:s6+$0x1380]  }
0x78d: {  	v53 =	vld [tilespmem:s6+$0x2000]  }
0x78e: {  	s24 =	simm.s32 $0x0;
	v54 =	vld [tilespmem:s6+$0x2080]  }
0x78f: {  	s30 =	sand.u32 $0xC00, s24;
	s7 =	sand.u32 $0x70, s24;
	v55 =	vld [tilespmem:s6+$0x2100]  }
0x790: {  	s4 =	sor.u32 s7, s30;
	v56 =	vld [tilespmem:s6+$0x2180]  }
0x791: {  	v28 =	vld [tilespmem:s4+$0x0]  }
0x792: {  	v29 =	vld [tilespmem:s4+$0x80]  }
0x793: {  	v30 =	vld [tilespmem:s4+$0x100]  }
0x794: {  	v31 =	vld [tilespmem:s4+$0x180]  }
0x795: {  	v32 =	vld [tilespmem:s4+$0x200]  }
0x796: {  	v33 =	vld [tilespmem:s4+$0x280]  }
0x797: {  	v34 =	vld [tilespmem:s4+$0x300]  }
0x798: {  	v40 =	vld [tilespmem:s4+$0x1000]  }
0x799: {  	v41 =	vld [tilespmem:s4+$0x1080]  }
0x79a: {  	v42 =	vld [tilespmem:s4+$0x1100]  }
0x79b: {  	v43 =	vld [tilespmem:s4+$0x1180]  }
0x79c: {  	v48 =	vld [tilespmem:s4+$0x1200]  }
0x79d: {  	v49 =	vld [tilespmem:s4+$0x1280]  }
0x79e: {  	v50 =	vld [tilespmem:s4+$0x1300]  }
0x79f: {  	s2 =	sor.u32 s18, s17;
	v51 =	vld [tilespmem:s4+$0x1380]  }
0x7a0: {  	s31 =	sor.u32 s24, s24;
	s2 =	sor.u32 $0x380, s2;
	v57 =	vld [tilespmem:s4+$0x2000]  }
0x7a1: {  	v27 =	vld [tilespmem:s2+$0x0];
	s2 =	sor.u32 $0x380, s31  }
0x7a2: {  	v35 =	vld [tilespmem:s2+$0x0]  }
0x7a3: {  	v20 =	vld.idx.msk [tilespmem:v0+s23+$0x0], $0xffff  }
0x7a4: {  	v21 =	vld.idx.msk [tilespmem:v1+s23+$0x0], $0xffff  }
0x7a5: {  	v4 =	vld.idx.msk [tilespmem:v4+s23+$0x0], $0xffff  }
0x7a6: {  	v5 =	vld.idx.msk [tilespmem:v5+s23+$0x0], $0xffff  }
0x7a7: {  	v8 =	vld.idx.msk [tilespmem:v8+s23+$0x0], $0xffff  }
0x7a8: {  	v9 =	vld.idx.msk [tilespmem:v9+s23+$0x0], $0xffff  }
0x7a9: {  	v0 =	vld.idx.msk [tilespmem:v12+s23+$0x0], $0xffff  }
0x7aa: {  	v1 =	vld.idx.msk [tilespmem:v13+s23+$0x0], $0xffff  }
0x7ab: {  	v12 =	vld.idx.msk [tilespmem:v14+s23+$0x0], $0xffff  }
0x7ac: {  	v13 =	vld.idx.msk [tilespmem:v15+s23+$0x0], $0xffff  }
0x7ad: {  	v14 =	vld.idx.msk [tilespmem:v16+s23+$0x0], $0xffff  }
0x7ae: {  	v15 =	vld.idx.msk [tilespmem:v17+s23+$0x0], $0xffff  }
0x7af: {  	v16 =	vld.idx.msk [tilespmem:v18+s23+$0x0], $0xffff  }
0x7b0: {  	v17 =	vld.idx.msk [tilespmem:v19+s23+$0x0], $0xffff  }
0x7b1: {  	v10 =	vld.idx.msk [tilespmem:v10+s23+$0x0], $0xffff  }
0x7b2: {  	v11 =	vld.idx.msk [tilespmem:v11+s23+$0x0], $0xffff  }
0x7b3: {  	v6 =	vld.idx.msk [tilespmem:v6+s23+$0x0], $0xffff  }
0x7b4: {  	v7 =	vld.idx.msk [tilespmem:v7+s23+$0x0], $0xffff  }
0x7b5: {  	v18 =	vld.idx.msk [tilespmem:v2+s23+$0x0], $0xffff  }
0x7b6: {  	v3 =	vld.idx.msk [tilespmem:v3+s23+$0x0], $0xffff  }
0x7b7: {  	v2 =	vld [tilespmem:s6+$0x0]  }
0x7b8: {  	v19 =	vld [tilespmem:s6+$0x80]  }
0x7b9: {  	v22 =	vld.idx.msk [tilespmem:v22+s23+$0x0], $0xffff  }
0x7ba: {  	v23 =	vld.idx.msk [tilespmem:v23+s23+$0x0], $0xffff  }
0x7bb: {  	v24 =	vld.idx.msk [tilespmem:v24+s23+$0x0], $0xffff  }
0x7bc: {  	v25 =	vld.idx.msk [tilespmem:v25+s23+$0x0], $0xffff  }
0x7bd: {  	v26 =	vld.idx.msk [tilespmem:v26+s23+$0x0], $0xffff  }
0x7be: {  	v28 =	vld.idx.msk [tilespmem:v28+s23+$0x0], $0xffff  }
0x7bf: {  	v29 =	vld.idx.msk [tilespmem:v29+s23+$0x0], $0xffff  }
0x7c0: {  	v30 =	vld.idx.msk [tilespmem:v30+s23+$0x0], $0xffff  }
0x7c1: {  	v31 =	vld.idx.msk [tilespmem:v31+s23+$0x0], $0xffff  }
0x7c2: {  	v32 =	vld.idx.msk [tilespmem:v32+s23+$0x0], $0xffff  }
0x7c3: {  	v33 =	vld.idx.msk [tilespmem:v33+s23+$0x0], $0xffff  }
0x7c4: {  	v34 =	vld.idx.msk [tilespmem:v34+s23+$0x0], $0xffff  }
0x7c5: {  	v60 =	vld.idx.msk [tilespmem:v48+s23+$0x0], $0xffff  }
0x7c6: {  	v62 =	vld.idx.msk [tilespmem:v49+s23+$0x0], $0xffff  }
0x7c7: {  	v63 =	vld.idx.msk [tilespmem:v50+s23+$0x0], $0xffff  }
0x7c8: {  	v27 =	vld.idx.msk [tilespmem:v27+s23+$0x0], $0xffff  }
0x7c9: {  	v35 =	vld.idx.msk [tilespmem:v35+s23+$0x0], $0xffff  }
0x7ca: {  	v15 =	vadd.f32 v15, v1;
	v1 =	vld [tilespmem:s4+$0x2100]  }
0x7cb: {  	v14 =	vadd.f32 v14, v0;
	v0 =	vld [tilespmem:s4+$0x2180]  }
0x7cc: {  	v12 =	vadd.f32 v16, v12;
	v13 =	vadd.f32 v17, v13;
	v17 =	vld.idx.msk [tilespmem:v46+s23+$0x0], $0xffff  }
0x7cd: {  	v8 =	vadd.f32 v8, v14;
	v14 =	vld.idx.msk [tilespmem:v36+s23+$0x0], $0xffff  }
0x7ce: {  	v10 =	vadd.f32 v10, v12;
	v12 =	vld.idx.msk [tilespmem:v37+s23+$0x0], $0xffff  }
0x7cf: {  	v16 =	vadd.f32 v26, v22;
	v9 =	vadd.f32 v9, v15;
	v15 =	vld.idx.msk [tilespmem:v45+s23+$0x0], $0xffff  }
0x7d0: {  	v58 =	vadd.f32 v33, v29;
	v59 =	vadd.f32 v34, v30;
	v52 =	vld.idx.msk [tilespmem:v2+s23+$0x0], $0xffff  }
0x7d1: {  	v11 =	vadd.f32 v11, v13;
	v19 =	vld.idx.msk [tilespmem:v19+s23+$0x0], $0xffff;
	v61 =	vadd.f32 v35, v31  }
0x7d2: {  	v4 =	vadd.f32 v4, v8;
	v5 =	vadd.f32 v5, v9;
	v8 =	vld.idx.msk [tilespmem:v38+s23+$0x0], $0xffff  }
0x7d3: {  	v6 =	vadd.f32 v6, v10;
	v7 =	vadd.f32 v7, v11;
	v9 =	vld.idx.msk [tilespmem:v39+s23+$0x0], $0xffff  }
0x7d4: {  	v11 =	vld.idx.msk [tilespmem:v42+s23+$0x0], $0xffff;
	v4 =	vadd.f32 v20, v4;
	v5 =	vadd.f32 v21, v5  }
0x7d5: {  	v10 =	vld.idx.msk [tilespmem:v40+s23+$0x0], $0xffff;
	v6 =	vadd.f32 v18, v6;
	v3 =	vadd.f32 v3, v7  }
0x7d6: {  	v7 =	vld.idx.msk [tilespmem:v41+s23+$0x0], $0xffff;
	v18 =	vadd.f32 v27, v23;
	v4 =	vadd.f32 v5, v4  }
0x7d7: {  	v2 =	vld [tilespmem:s4+$0x2080];
	v3 =	vadd.f32 v3, v6;
	v13 =	vadd.f32 v25, v19  }
0x7d8: {  	v5 =	vld.idx.msk [tilespmem:v43+s23+$0x0], $0xffff;
	v19 =	vadd.f32 v32, v28;
	v26 =	vadd.f32 v8, v16  }
0x7d9: {  	v6 =	vld.idx.msk [tilespmem:v44+s23+$0x0], $0xffff;
	v18 =	vadd.f32 v9, v18;
	v22 =	vadd.f32 v11, v59  }
0x7da: {  	v16 =	vld.idx.msk [tilespmem:v51+s23+$0x0], $0xffff;
	v4 =	vadd.f32 v3, v4;
	v3 =	vadd.f32 v24, v52  }
0x7db: {  	v52 =	vld.idx.msk [tilespmem:v47+s23+$0x0], $0xffff;
	v19 =	vadd.f32 v10, v19;
	v21 =	vadd.f32 v7, v58  }
0x7dc: {  	s2 =	simm.s32 $0x1F320;
	v10 =	vld.idx.msk [tilespmem:v55+s23+$0x0], $0xffff;
	v3 =	vadd.f32 v14, v3;
	v14 =	vadd.f32 v12, v13  }
0x7dd: {  	v13 =	vld.idx.msk [tilespmem:v53+s23+$0x0], $0xffff;
	[tilespmem:s2+$0x0] =	vst v4;
	v4 =	vadd.f32 v63, v22;
	v11 =	vadd.f32 v5, v61  }
0x7de: {  	v12 =	vld.idx.msk [tilespmem:v54+s23+$0x0], $0xffff;
	v5 =	vadd.f32 v17, v26;
	v9 =	vadd.f32 v6, v3  }
0x7df: {  	s9 =	simm.s32 $0x0;
	s29 =	simm.s32 $0x30;
	v8 =	vadd.f32 v15, v14;
	v3 =	vadd.f32 v60, v19;
	v14 =	vld.idx.msk [tilespmem:v56+s23+$0x0], $0xffff  }
0x7e0: {  	s3 =	simm.s32 $0x1F4E0;
	s18 =	simm.s32 $0x180;
	s4 =	sand.u32 $0x1F0, s24;
	v6 =	vadd.f32 v62, v21;
	v15 =	vld.idx.msk [tilespmem:v57+s23+$0x0], $0xffff;
	v7 =	vadd.f32 v52, v18  }
.LBB2_27:
0x7e1: {  	s6 =	sadd.s32 $0x10, s29;
	s10 =	sadd.s32 $0x20, s29;
	s14 =	sadd.s32 $0x100, s18;
	v11 =	vadd.f32 v16, v11;
	v2 =	vld.idx.msk [tilespmem:v2+s23+$0x0], $0xffff  }
0x7e2: {  	s7 =	sadd.s32 $0x80, s18;
	v9 =	vadd.f32 v13, v9;
	s11 =	sand.u32 $0x70, s10;
	s12 =	sand.u32 $0x1C00, s14;
	v1 =	vld.idx.msk [tilespmem:v1+s23+$0x0], $0xffff  }
0x7e3: {  	s13 =	sand.u32 $0x70, s6;
	s16 =	sand.u32 $0x1C00, s7;
	v8 =	vadd.f32 v12, v8;
	s15 =	sor.u32 s11, s12;
	v0 =	vld.idx.msk [tilespmem:v0+s23+$0x0], $0xffff  }
0x7e4: {  	s17 =	sor.u32 s18, s29;
	s6 =	sor.u32 s7, s6;
	s11 =	sand.u32 $0xC00, s18;
	v5 =	vadd.f32 v10, v5;
	v12 =	vld [tilespmem:s15+$0x2000]  }
0x7e5: {  	s21 =	sand.u32 $0x70, s29;
	s12 =	sor.u32 s13, s16;
	s7 =	sor.u32 $0x380, s6;
	v7 =	vadd.f32 v14, v7;
	v8 =	vadd.f32 v8, v9;
	v10 =	vld [tilespmem:s15+$0x2080]  }
0x7e6: {  	s13 =	sor.u32 $0x380, s17;
	s6 =	sand.u32 $0x1F0, s29;
	s11 =	sor.u32 s21, s11;
	v3 =	vadd.f32 v15, v3;
	v9 =	vld [tilespmem:s15+$0x2100]  }
0x7e7: {  	v2 =	vadd.f32 v2, v6;
	v5 =	vadd.f32 v7, v5;
	v13 =	vld [tilespmem:s15+$0x2180]  }
0x7e8: {  	v1 =	vadd.f32 v1, v4;
	v6 =	vld [tilespmem:s15+$0x1200]  }
0x7e9: {  	v0 =	vadd.f32 v0, v11;
	v2 =	vadd.f32 v2, v3;
	v4 =	vld [tilespmem:s15+$0x1280]  }
0x7ea: {  	v5 =	vadd.f32 v5, v8;
	v3 =	vld [tilespmem:s15+$0x1300]  }
0x7eb: {  	v0 =	vadd.f32 v0, v1;
	v7 =	vld [tilespmem:s15+$0x1380]  }
0x7ec: {  	v1 =	vld [tilespmem:s15+$0x1000];
	[tilespmem:s2+$0xFFFFFFF0] =	vst v5  }
0x7ed: {  	v0 =	vadd.f32 v0, v2;
	v5 =	vld [tilespmem:s15+$0x1080]  }
0x7ee: {  	v2 =	vld [tilespmem:s15+$0x1100]  }
0x7ef: {  	v8 =	vld [tilespmem:s15+$0x1180];
	[tilespmem:s4+$0x1F300] =	vst v0;
	s4 =	smov.u32 s6  }
0x7f0: {  	v0 =	vld [tilespmem:s15+$0x0]  }
0x7f1: {  	v11 =	vld [tilespmem:s15+$0x80]  }
0x7f2: {  	v14 =	vld [tilespmem:s15+$0x100]  }
0x7f3: {  	v15 =	vld [tilespmem:s15+$0x180]  }
0x7f4: {  	v16 =	vld [tilespmem:s15+$0x200]  }
0x7f5: {  	s6 =	sor.u32 s14, s10;
	v17 =	vld [tilespmem:s15+$0x280]  }
0x7f6: {  	s6 =	sor.u32 $0x380, s6;
	v18 =	vld [tilespmem:s15+$0x300]  }
0x7f7: {  	v19 =	vld [tilespmem:s6+$0x0]  }
0x7f8: {  	v12 =	vld.idx.msk [tilespmem:v12+s23+$0x0], $0xffff  }
0x7f9: {  	v10 =	vld.idx.msk [tilespmem:v10+s23+$0x0], $0xffff  }
0x7fa: {  	s9 =	sadd.s32 $0x3, s9;
	v6 =	vld.idx.msk [tilespmem:v6+s23+$0x0], $0xffff  }
0x7fb: {  	p0 =	slt.u32 s9, $0x1B;
	v4 =	vld.idx.msk [tilespmem:v4+s23+$0x0], $0xffff  }
0x7fc: {  	v1 =	vld.idx.msk [tilespmem:v1+s23+$0x0], $0xffff  }
0x7fd: {  	v5 =	vld.idx.msk [tilespmem:v5+s23+$0x0], $0xffff  }
0x7fe: {  	v0 =	vld.idx.msk [tilespmem:v0+s23+$0x0], $0xffff  }
0x7ff: {  	v11 =	vld.idx.msk [tilespmem:v11+s23+$0x0], $0xffff  }
0x800: {  	v14 =	vld.idx.msk [tilespmem:v14+s23+$0x0], $0xffff  }
0x801: {  	v15 =	vld.idx.msk [tilespmem:v15+s23+$0x0], $0xffff  }
0x802: {  	v16 =	vld.idx.msk [tilespmem:v16+s23+$0x0], $0xffff  }
0x803: {  	v17 =	vld.idx.msk [tilespmem:v17+s23+$0x0], $0xffff  }
0x804: {  	v18 =	vld.idx.msk [tilespmem:v18+s23+$0x0], $0xffff  }
0x805: {  	v19 =	vld.idx.msk [tilespmem:v19+s23+$0x0], $0xffff  }
0x806: {  	v2 =	vld.idx.msk [tilespmem:v2+s23+$0x0], $0xffff  }
0x807: {  	v8 =	vld.idx.msk [tilespmem:v8+s23+$0x0], $0xffff  }
0x808: {  	v3 =	vld.idx.msk [tilespmem:v3+s23+$0x0], $0xffff  }
0x809: {  	v7 =	vld.idx.msk [tilespmem:v7+s23+$0x0], $0xffff  }
0x80a: {  	v0 =	vadd.f32 v16, v0;
	v11 =	vadd.f32 v17, v11;
	v9 =	vld.idx.msk [tilespmem:v9+s23+$0x0], $0xffff  }
0x80b: {  	v14 =	vadd.f32 v18, v14;
	v15 =	vadd.f32 v19, v15;
	v13 =	vld.idx.msk [tilespmem:v13+s23+$0x0], $0xffff  }
0x80c: {  	v0 =	vadd.f32 v1, v0;
	v1 =	vadd.f32 v5, v11;
	v16 =	vld [tilespmem:s12+$0x0]  }
0x80d: {  	v2 =	vadd.f32 v2, v14;
	v8 =	vadd.f32 v8, v15;
	v5 =	vld [tilespmem:s12+$0x80]  }
0x80e: {  	v0 =	vadd.f32 v6, v0;
	v1 =	vadd.f32 v4, v1;
	v11 =	vld [tilespmem:s12+$0x100]  }
0x80f: {  	v2 =	vadd.f32 v3, v2;
	v3 =	vadd.f32 v7, v8;
	v4 =	vld [tilespmem:s12+$0x180]  }
0x810: {  	v0 =	vadd.f32 v12, v0;
	v1 =	vadd.f32 v10, v1;
	v6 =	vld [tilespmem:s12+$0x200]  }
0x811: {  	v2 =	vadd.f32 v9, v2;
	v3 =	vadd.f32 v13, v3;
	v7 =	vld [tilespmem:s12+$0x280]  }
0x812: {  	v8 =	vld [tilespmem:s12+$0x300]  }
0x813: {  	v0 =	vadd.f32 v1, v0;
	v1 =	vadd.f32 v3, v2;
	v9 =	vld [tilespmem:s7+$0x0]  }
0x814: {  	v2 =	vld [tilespmem:s11+$0x0]  }
0x815: {  	v0 =	vadd.f32 v1, v0;
	v3 =	vld [tilespmem:s11+$0x80]  }
0x816: {  	s2 =	sadd.s32 $0x30, s2;
	s7 =	simm.s32 $0x1C60;
	v1 =	vld [tilespmem:s11+$0x100]  }
0x817: {  	s30 =	simm.s32 $0xF00;
	s10 =	simm.s32 $0x1E0;
	v10 =	vld [tilespmem:s11+$0x180];
	[tilespmem:s2+$0x0] =	vst v0  }
0x818: {  	v0 =	vld [tilespmem:s11+$0x200]  }
0x819: {  	v12 =	vld [tilespmem:s11+$0x280]  }
0x81a: {  	v13 =	vld [tilespmem:s11+$0x300]  }
0x81b: {  	v14 =	vld [tilespmem:s13+$0x0]  }
0x81c: {  	v15 =	vld [tilespmem:s12+$0x1000]  }
0x81d: {  	v17 =	vld [tilespmem:s12+$0x1080]  }
0x81e: {  	v18 =	vld [tilespmem:s12+$0x1100]  }
0x81f: {  	v19 =	vld [tilespmem:s12+$0x1180]  }
0x820: {  	v20 =	vld [tilespmem:s11+$0x1000]  }
0x821: {  	v21 =	vld [tilespmem:s11+$0x1080]  }
0x822: {  	v22 =	vld [tilespmem:s11+$0x1100]  }
0x823: {  	v23 =	vld [tilespmem:s11+$0x1180]  }
0x824: {  	v24 =	vld [tilespmem:s12+$0x1200]  }
0x825: {  	v25 =	vld [tilespmem:s12+$0x1280]  }
0x826: {  	v26 =	vld [tilespmem:s12+$0x1300]  }
0x827: {  	v27 =	vld [tilespmem:s12+$0x1380]  }
0x828: {  	v28 =	vld [tilespmem:s11+$0x1200]  }
0x829: {  	v29 =	vld [tilespmem:s11+$0x1280]  }
0x82a: {  	v30 =	vld [tilespmem:s11+$0x1300]  }
0x82b: {  	v31 =	vld [tilespmem:s11+$0x1380]  }
0x82c: {  	v16 =	vld.idx.msk [tilespmem:v16+s23+$0x0], $0xffff  }
0x82d: {  	v5 =	vld.idx.msk [tilespmem:v5+s23+$0x0], $0xffff  }
0x82e: {  	v11 =	vld.idx.msk [tilespmem:v11+s23+$0x0], $0xffff  }
0x82f: {  	v4 =	vld.idx.msk [tilespmem:v4+s23+$0x0], $0xffff  }
0x830: {  	v6 =	vld.idx.msk [tilespmem:v6+s23+$0x0], $0xffff  }
0x831: {  	v7 =	vld.idx.msk [tilespmem:v7+s23+$0x0], $0xffff  }
0x832: {  	v8 =	vld.idx.msk [tilespmem:v8+s23+$0x0], $0xffff  }
0x833: {  	v9 =	vld.idx.msk [tilespmem:v9+s23+$0x0], $0xffff  }
0x834: {  	v2 =	vld.idx.msk [tilespmem:v2+s23+$0x0], $0xffff  }
0x835: {  	v3 =	vld.idx.msk [tilespmem:v3+s23+$0x0], $0xffff  }
0x836: {  	v6 =	vadd.f32 v6, v16;
	v1 =	vld.idx.msk [tilespmem:v1+s23+$0x0], $0xffff  }
0x837: {  	v5 =	vadd.f32 v7, v5;
	v10 =	vld.idx.msk [tilespmem:v10+s23+$0x0], $0xffff  }
0x838: {  	v7 =	vadd.f32 v8, v11;
	v0 =	vld.idx.msk [tilespmem:v0+s23+$0x0], $0xffff  }
0x839: {  	v4 =	vadd.f32 v9, v4;
	v8 =	vld.idx.msk [tilespmem:v12+s23+$0x0], $0xffff  }
0x83a: {  	v9 =	vld.idx.msk [tilespmem:v13+s23+$0x0], $0xffff  }
0x83b: {  	v11 =	vld.idx.msk [tilespmem:v14+s23+$0x0], $0xffff  }
0x83c: {  	v12 =	vld [tilespmem:s12+$0x2000]  }
0x83d: {  	v14 =	vld [tilespmem:s12+$0x2080]  }
0x83e: {  	v13 =	vadd.f32 v0, v2;
	v32 =	vld [tilespmem:s12+$0x2100]  }
0x83f: {  	v3 =	vadd.f32 v8, v3;
	v33 =	vld [tilespmem:s12+$0x2180]  }
0x840: {  	v8 =	vadd.f32 v9, v1;
	v34 =	vld [tilespmem:s11+$0x2000]  }
0x841: {  	v9 =	vadd.f32 v11, v10;
	v2 =	vld [tilespmem:s11+$0x2080]  }
0x842: {  	v1 =	vld [tilespmem:s11+$0x2100]  }
0x843: {  	v0 =	vld [tilespmem:s11+$0x2180]  }
0x844: {  	v10 =	vld.idx.msk [tilespmem:v15+s23+$0x0], $0xffff  }
0x845: {  	v11 =	vld.idx.msk [tilespmem:v17+s23+$0x0], $0xffff  }
0x846: {  	v15 =	vld.idx.msk [tilespmem:v18+s23+$0x0], $0xffff  }
0x847: {  	v16 =	vld.idx.msk [tilespmem:v19+s23+$0x0], $0xffff  }
0x848: {  	v17 =	vld.idx.msk [tilespmem:v20+s23+$0x0], $0xffff  }
0x849: {  	v18 =	vld.idx.msk [tilespmem:v21+s23+$0x0], $0xffff  }
0x84a: {  	v6 =	vadd.f32 v10, v6;
	v19 =	vld.idx.msk [tilespmem:v22+s23+$0x0], $0xffff  }
0x84b: {  	v5 =	vadd.f32 v11, v5;
	v10 =	vld.idx.msk [tilespmem:v23+s23+$0x0], $0xffff  }
0x84c: {  	v7 =	vadd.f32 v15, v7;
	v15 =	vld.idx.msk [tilespmem:v24+s23+$0x0], $0xffff  }
0x84d: {  	v4 =	vadd.f32 v16, v4;
	v20 =	vld.idx.msk [tilespmem:v25+s23+$0x0], $0xffff  }
0x84e: {  	v17 =	vadd.f32 v17, v13;
	v13 =	vld.idx.msk [tilespmem:v26+s23+$0x0], $0xffff  }
0x84f: {  	v18 =	vadd.f32 v18, v3;
	v3 =	vld.idx.msk [tilespmem:v27+s23+$0x0], $0xffff  }
0x850: {  	v19 =	vadd.f32 v19, v8;
	v21 =	vld.idx.msk [tilespmem:v28+s23+$0x0], $0xffff  }
0x851: {  	v11 =	vadd.f32 v10, v9;
	v22 =	vld.idx.msk [tilespmem:v29+s23+$0x0], $0xffff  }
0x852: {  	v9 =	vadd.f32 v15, v6;
	v23 =	vld.idx.msk [tilespmem:v30+s23+$0x0], $0xffff  }
0x853: {  	v8 =	vadd.f32 v20, v5;
	v16 =	vld.idx.msk [tilespmem:v31+s23+$0x0], $0xffff  }
.Ltmp12:
0x854: {  	v5 =	vadd.f32 v13, v7;
	v13 =	vld.idx.msk [tilespmem:v12+s23+$0x0], $0xffff;
	(pc) =	sbr.rel @p0 .LBB2_27-.Ltmp12, $4  }
0x855: {  	v7 =	vadd.f32 v3, v4;
	v12 =	vld.idx.msk [tilespmem:v14+s23+$0x0], $0xffff  }
0x856: {  	v3 =	vadd.f32 v21, v17;
	v10 =	vld.idx.msk [tilespmem:v32+s23+$0x0], $0xffff  }
0x857: {  	v6 =	vadd.f32 v22, v18;
	v14 =	vld.idx.msk [tilespmem:v33+s23+$0x0], $0xffff  }
0x858: {  	s18 =	sadd.s32 $0x180, s18;
	s29 =	sadd.s32 $0x30, s29;
	v4 =	vadd.f32 v23, v19;
	v15 =	vld.idx.msk [tilespmem:v34+s23+$0x0], $0xffff  }
0x859: {  	_ =	sdelay $0x3  }
0x85a: {  	v2 =	vld.idx.msk [tilespmem:v2+s23+$0x0], $0xffff  }
0x85b: {  	v1 =	vld.idx.msk [tilespmem:v1+s23+$0x0], $0xffff  }
0x85c: {  	v0 =	vld.idx.msk [tilespmem:v0+s23+$0x0], $0xffff  }
0x85d: {  	v11 =	vadd.f32 v16, v11  }
0x85e: {  	v9 =	vadd.f32 v13, v9;
	v8 =	vadd.f32 v12, v8  }
0x85f: {  	v5 =	vadd.f32 v10, v5;
	v7 =	vadd.f32 v14, v7  }
0x860: {  	v3 =	vadd.f32 v15, v3;
	v2 =	vadd.f32 v2, v6  }
0x861: {  	v1 =	vadd.f32 v1, v4;
	v0 =	vadd.f32 v0, v11  }
0x862: {  	v62 =	vadd.f32 v8, v9;
	v5 =	vadd.f32 v7, v5  }
0x863: {  	v2 =	vadd.f32 v2, v3;
	v0 =	vadd.f32 v0, v1  }
0x864: {  	v63 =	vadd.f32 v5, v62  }
0x865: {  	v0 =	vadd.f32 v0, v2  }
0x866: {  	[tilespmem:s2+$0xFFFFFFF0] =	vst v63  }
0x867: {  	[tilespmem:s4+$0x1F300] =	vst v0  }
.LBB2_29:
0x868: {  	v0 =	vld [tilespmem:s7+$0xFFFFF000]  }
0x869: {  	v1 =	vld [tilespmem:s7+$0xFFFFF080]  }
0x86a: {  	v2 =	vld [tilespmem:s7+$0xFFFFF100]  }
0x86b: {  	v3 =	vld [tilespmem:s7+$0xFFFFF180]  }
0x86c: {  	v4 =	vld [tilespmem:s7+$0xFFFFF200]  }
0x86d: {  	v5 =	vld [tilespmem:s7+$0xFFFFF280]  }
0x86e: {  	v6 =	vld [tilespmem:s7+$0xFFFFF300]  }
0x86f: {  	v8 =	vld [tilespmem:s7+$0x0]  }
0x870: {  	v9 =	vld [tilespmem:s7+$0x80]  }
0x871: {  	v10 =	vld [tilespmem:s7+$0x100]  }
0x872: {  	v11 =	vld [tilespmem:s7+$0x180]  }
0x873: {  	v12 =	vld [tilespmem:s7+$0x200]  }
0x874: {  	v13 =	vld [tilespmem:s7+$0x280]  }
0x875: {  	v14 =	vld [tilespmem:s7+$0x300]  }
0x876: {  	v15 =	vld [tilespmem:s7+$0x380]  }
0x877: {  	v16 =	vld [tilespmem:s7+$0x1000]  }
0x878: {  	v17 =	vld [tilespmem:s7+$0x1080]  }
0x879: {  	s2 =	sor.u32 s30, s10;
	v18 =	vld [tilespmem:s7+$0x1100]  }
0x87a: {  	v19 =	vld [tilespmem:s7+$0x1180];
	s2 =	sor.u32 $0x380, s2  }
0x87b: {  	v7 =	vld [tilespmem:s2+$0x0]  }
0x87c: {  	v0 =	vld.idx.msk [tilespmem:v0+s23+$0x0], $0xffff  }
0x87d: {  	v1 =	vld.idx.msk [tilespmem:v1+s23+$0x0], $0xffff  }
0x87e: {  	v2 =	vld.idx.msk [tilespmem:v2+s23+$0x0], $0xffff  }
0x87f: {  	v3 =	vld.idx.msk [tilespmem:v3+s23+$0x0], $0xffff  }
0x880: {  	v4 =	vld.idx.msk [tilespmem:v4+s23+$0x0], $0xffff  }
0x881: {  	v5 =	vld.idx.msk [tilespmem:v5+s23+$0x0], $0xffff  }
0x882: {  	v6 =	vld.idx.msk [tilespmem:v6+s23+$0x0], $0xffff  }
0x883: {  	v8 =	vld.idx.msk [tilespmem:v8+s23+$0x0], $0xffff  }
0x884: {  	v9 =	vld.idx.msk [tilespmem:v9+s23+$0x0], $0xffff  }
0x885: {  	v10 =	vld.idx.msk [tilespmem:v10+s23+$0x0], $0xffff  }
0x886: {  	v11 =	vld.idx.msk [tilespmem:v11+s23+$0x0], $0xffff  }
0x887: {  	v12 =	vld.idx.msk [tilespmem:v12+s23+$0x0], $0xffff  }
0x888: {  	v13 =	vld.idx.msk [tilespmem:v13+s23+$0x0], $0xffff  }
0x889: {  	v7 =	vld.idx.msk [tilespmem:v7+s23+$0x0], $0xffff  }
0x88a: {  	v14 =	vld.idx.msk [tilespmem:v14+s23+$0x0], $0xffff  }
0x88b: {  	v15 =	vld.idx.msk [tilespmem:v15+s23+$0x0], $0xffff  }
0x88c: {  	v16 =	vld.idx.msk [tilespmem:v16+s23+$0x0], $0xffff  }
0x88d: {  	v60 =	vld.idx.msk [tilespmem:v17+s23+$0x0], $0xffff;
	v0 =	vadd.f32 v4, v0;
	v1 =	vadd.f32 v5, v1  }
0x88e: {  	v61 =	vld.idx.msk [tilespmem:v18+s23+$0x0], $0xffff;
	v2 =	vadd.f32 v6, v2;
	v3 =	vadd.f32 v7, v3  }
0x88f: {  	v62 =	vld.idx.msk [tilespmem:v19+s23+$0x0], $0xffff;
	v0 =	vadd.f32 v8, v0;
	v1 =	vadd.f32 v9, v1  }
0x890: {  	v2 =	vadd.f32 v10, v2;
	v3 =	vadd.f32 v11, v3  }
0x891: {  	v0 =	vadd.f32 v12, v0;
	v1 =	vadd.f32 v13, v1  }
0x892: {  	v2 =	vadd.f32 v14, v2;
	v3 =	vadd.f32 v15, v3  }
0x893: {  	v0 =	vadd.f32 v16, v0;
	v1 =	vadd.f32 v60, v1  }
0x894: {  	v2 =	vadd.f32 v61, v2;
	v3 =	vadd.f32 v62, v3  }
0x895: {  	p0 =	sne.s32 s10, $0x1F0  }
.Ltmp13:
0x896: {  	v0 =	vadd.f32 v1, v0;
	v63 =	vadd.f32 v3, v2;
	(pc) =	sbr.rel @p0 .LBB2_29-.Ltmp13, $4  }
0x897: {  	_ = 	snop  }
0x898: {  	v0 =	vadd.f32 v63, v0  }
0x899: {  	s30 =	sadd.s32 $0x80, s30  }
0x89a: {  	s7 =	sadd.s32 $0x10, s7;
	s10 =	sadd.s32 $0x10, s10;
	[tilespmem:s3+$0x0] =	vst v0;
	s3 =	sadd.s32 $0x10, s3  }
0x89b: {  	p0 =	seq.s32 s0, $0x19  }
0x89c: {  	s0 =	smul.u32 @!p0 $0x3000, s8  }
0x89d: {  	s2 =	rddreg [dreg:$0x0];
	s3 =	simm.s32 @!p0 $0x8000  }
0x89e: {  	s4 =	simm.s32 @!p0 $0x0;
	s0 =	sadd.s32 @!p0 s2, s0;
	s2 =	simm.s32 @!p0 $0x1000  }
0x89f: {  	[tilespmem:s4], [sflag:$0x1] =	stream.strided.gather @!p0 [hbm4b:s0+s2], $0x3000, s3, s2, $0x38;
	[tilespmem:$0x1F700] =	vst v63  }
0x8a0: {  	s21 =	simm.s32 $0x100;
	s8 =	simm.s32 $0x20;
	_ =	swait.ge [sflag:s28], $0x3000  }
0x8a1: {  	s22 =	sand.u32 $0x70, s8;
	s0 =	sand.u32 $0x1C00, s21;
	[sflag:s28] =	ssyncset.done $0x0  }
0x8a2: {  	s0 =	sor.u32 s22, s0;
	[sflag:s28] =	ssyncadd.s32 $0xFFFFD000  }
0x8a3: {  	v0 =	vld [tilespmem:s0+$0x5000]  }
0x8a4: {  	v1 =	vld [tilespmem:s0+$0x5080]  }
0x8a5: {  	v2 =	vld [tilespmem:s0+$0x5100]  }
0x8a6: {  	v3 =	vld [tilespmem:s0+$0x5180]  }
0x8a7: {  	v4 =	vld [tilespmem:s0+$0x4200]  }
0x8a8: {  	v5 =	vld [tilespmem:s0+$0x4280]  }
0x8a9: {  	v6 =	vld [tilespmem:s0+$0x4300]  }
0x8aa: {  	v7 =	vld [tilespmem:s0+$0x4380]  }
0x8ab: {  	v8 =	vld [tilespmem:s0+$0x4000]  }
0x8ac: {  	v9 =	vld [tilespmem:s0+$0x4080]  }
0x8ad: {  	v10 =	vld [tilespmem:s0+$0x4100]  }
0x8ae: {  	v11 =	vld [tilespmem:s0+$0x4180]  }
0x8af: {  	v12 =	vld [tilespmem:s0+$0x3000]  }
0x8b0: {  	v13 =	vld [tilespmem:s0+$0x3080]  }
0x8b1: {  	v14 =	vld [tilespmem:s0+$0x3100]  }
0x8b2: {  	v15 =	vld [tilespmem:s0+$0x3180]  }
0x8b3: {  	v16 =	vld [tilespmem:s0+$0x3200]  }
0x8b4: {  	s31 =	simm.s32 $0x80;
	s6 =	simm.s32 $0x10;
	v17 =	vld [tilespmem:s0+$0x3280]  }
0x8b5: {  	s6 =	sand.u32 $0x70, s6;
	s4 =	sand.u32 $0x1C00, s31;
	v18 =	vld [tilespmem:s0+$0x3300]  }
0x8b6: {  	s4 =	sor.u32 s6, s4;
	v19 =	vld [tilespmem:s0+$0x3380]  }
0x8b7: {  	v28 =	vld [tilespmem:s4+$0x3000]  }
0x8b8: {  	v29 =	vld [tilespmem:s4+$0x3080]  }
0x8b9: {  	v30 =	vld [tilespmem:s4+$0x3100]  }
0x8ba: {  	v31 =	vld [tilespmem:s4+$0x3180]  }
0x8bb: {  	v32 =	vld [tilespmem:s4+$0x3200]  }
0x8bc: {  	v33 =	vld [tilespmem:s4+$0x3280]  }
0x8bd: {  	v34 =	vld [tilespmem:s4+$0x3300]  }
0x8be: {  	v35 =	vld [tilespmem:s4+$0x3380]  }
0x8bf: {  	v40 =	vld [tilespmem:s4+$0x4000]  }
0x8c0: {  	v41 =	vld [tilespmem:s4+$0x4080]  }
0x8c1: {  	v42 =	vld [tilespmem:s4+$0x4100]  }
0x8c2: {  	v43 =	vld [tilespmem:s4+$0x4180]  }
0x8c3: {  	v48 =	vld [tilespmem:s4+$0x4200]  }
0x8c4: {  	v49 =	vld [tilespmem:s4+$0x4280]  }
0x8c5: {  	s24 =	simm.s32 $0x0;
	s0 =	simm.s32 $0x0;
	v50 =	vld [tilespmem:s4+$0x4300]  }
0x8c6: {  	s29 =	sand.u32 $0x70, s24;
	v51 =	vld [tilespmem:s4+$0x4380];
	s30 =	sand.u32 $0xC00, s0  }
0x8c7: {  	v57 =	vld [tilespmem:s4+$0x5000];
	s2 =	sor.u32 s29, s30  }
0x8c8: {  	v22 =	vld [tilespmem:s2+$0x3100]  }
0x8c9: {  	v23 =	vld [tilespmem:s2+$0x3180]  }
0x8ca: {  	v24 =	vld [tilespmem:s2+$0x3200]  }
0x8cb: {  	v25 =	vld [tilespmem:s2+$0x3280]  }
0x8cc: {  	v26 =	vld [tilespmem:s2+$0x3300]  }
0x8cd: {  	v27 =	vld [tilespmem:s2+$0x3380]  }
0x8ce: {  	v36 =	vld [tilespmem:s2+$0x4000]  }
0x8cf: {  	v37 =	vld [tilespmem:s2+$0x4080]  }
0x8d0: {  	v38 =	vld [tilespmem:s2+$0x4100]  }
0x8d1: {  	v39 =	vld [tilespmem:s2+$0x4180]  }
0x8d2: {  	v44 =	vld [tilespmem:s2+$0x4200]  }
0x8d3: {  	v45 =	vld [tilespmem:s2+$0x4280]  }
0x8d4: {  	v46 =	vld [tilespmem:s2+$0x4300]  }
0x8d5: {  	v47 =	vld [tilespmem:s2+$0x4380]  }
0x8d6: {  	v53 =	vld [tilespmem:s2+$0x5000]  }
0x8d7: {  	v54 =	vld [tilespmem:s2+$0x5080]  }
0x8d8: {  	v55 =	vld [tilespmem:s2+$0x5100]  }
0x8d9: {  	v56 =	vld [tilespmem:s2+$0x5180]  }
0x8da: {  	v20 =	vld.idx.msk [tilespmem:v0+s23+$0x0], $0xffff  }
0x8db: {  	v21 =	vld.idx.msk [tilespmem:v1+s23+$0x0], $0xffff  }
0x8dc: {  	v4 =	vld.idx.msk [tilespmem:v4+s23+$0x0], $0xffff  }
0x8dd: {  	v5 =	vld.idx.msk [tilespmem:v5+s23+$0x0], $0xffff  }
0x8de: {  	v8 =	vld.idx.msk [tilespmem:v8+s23+$0x0], $0xffff  }
0x8df: {  	v9 =	vld.idx.msk [tilespmem:v9+s23+$0x0], $0xffff  }
0x8e0: {  	v0 =	vld.idx.msk [tilespmem:v12+s23+$0x0], $0xffff  }
0x8e1: {  	v1 =	vld.idx.msk [tilespmem:v13+s23+$0x0], $0xffff  }
0x8e2: {  	v12 =	vld.idx.msk [tilespmem:v14+s23+$0x0], $0xffff  }
0x8e3: {  	v13 =	vld.idx.msk [tilespmem:v15+s23+$0x0], $0xffff  }
0x8e4: {  	v14 =	vld.idx.msk [tilespmem:v16+s23+$0x0], $0xffff  }
0x8e5: {  	v15 =	vld.idx.msk [tilespmem:v17+s23+$0x0], $0xffff  }
0x8e6: {  	v16 =	vld.idx.msk [tilespmem:v18+s23+$0x0], $0xffff  }
0x8e7: {  	v17 =	vld.idx.msk [tilespmem:v19+s23+$0x0], $0xffff  }
0x8e8: {  	v10 =	vld.idx.msk [tilespmem:v10+s23+$0x0], $0xffff  }
0x8e9: {  	v11 =	vld.idx.msk [tilespmem:v11+s23+$0x0], $0xffff  }
0x8ea: {  	v6 =	vld.idx.msk [tilespmem:v6+s23+$0x0], $0xffff  }
0x8eb: {  	v7 =	vld.idx.msk [tilespmem:v7+s23+$0x0], $0xffff  }
0x8ec: {  	v18 =	vld.idx.msk [tilespmem:v2+s23+$0x0], $0xffff  }
0x8ed: {  	v3 =	vld.idx.msk [tilespmem:v3+s23+$0x0], $0xffff  }
0x8ee: {  	v2 =	vld [tilespmem:s2+$0x3000]  }
0x8ef: {  	v19 =	vld [tilespmem:s2+$0x3080]  }
0x8f0: {  	v28 =	vld.idx.msk [tilespmem:v28+s23+$0x0], $0xffff  }
0x8f1: {  	v29 =	vld.idx.msk [tilespmem:v29+s23+$0x0], $0xffff  }
0x8f2: {  	v30 =	vld.idx.msk [tilespmem:v30+s23+$0x0], $0xffff  }
0x8f3: {  	v31 =	vld.idx.msk [tilespmem:v31+s23+$0x0], $0xffff  }
0x8f4: {  	v32 =	vld.idx.msk [tilespmem:v32+s23+$0x0], $0xffff  }
0x8f5: {  	v33 =	vld.idx.msk [tilespmem:v33+s23+$0x0], $0xffff  }
0x8f6: {  	v34 =	vld.idx.msk [tilespmem:v34+s23+$0x0], $0xffff  }
0x8f7: {  	v35 =	vld.idx.msk [tilespmem:v35+s23+$0x0], $0xffff  }
0x8f8: {  	v59 =	vld.idx.msk [tilespmem:v49+s23+$0x0], $0xffff  }
0x8f9: {  	v62 =	vld.idx.msk [tilespmem:v50+s23+$0x0], $0xffff  }
0x8fa: {  	v22 =	vld.idx.msk [tilespmem:v22+s23+$0x0], $0xffff  }
0x8fb: {  	v23 =	vld.idx.msk [tilespmem:v23+s23+$0x0], $0xffff  }
0x8fc: {  	v24 =	vld.idx.msk [tilespmem:v24+s23+$0x0], $0xffff  }
0x8fd: {  	v25 =	vld.idx.msk [tilespmem:v25+s23+$0x0], $0xffff  }
0x8fe: {  	v26 =	vld.idx.msk [tilespmem:v26+s23+$0x0], $0xffff  }
0x8ff: {  	v27 =	vld.idx.msk [tilespmem:v27+s23+$0x0], $0xffff  }
0x900: {  	v15 =	vadd.f32 v15, v1;
	v1 =	vld [tilespmem:s4+$0x5100]  }
0x901: {  	v14 =	vadd.f32 v14, v0;
	v0 =	vld [tilespmem:s4+$0x5180]  }
0x902: {  	v12 =	vadd.f32 v16, v12;
	v13 =	vadd.f32 v17, v13;
	v17 =	vld.idx.msk [tilespmem:v46+s23+$0x0], $0xffff  }
0x903: {  	v8 =	vadd.f32 v8, v14;
	v14 =	vld.idx.msk [tilespmem:v36+s23+$0x0], $0xffff  }
0x904: {  	v10 =	vadd.f32 v10, v12;
	v12 =	vld.idx.msk [tilespmem:v37+s23+$0x0], $0xffff  }
0x905: {  	v52 =	vld.idx.msk [tilespmem:v2+s23+$0x0], $0xffff  }
0x906: {  	v46 =	vadd.f32 v33, v29;
	v9 =	vadd.f32 v9, v15;
	v19 =	vld.idx.msk [tilespmem:v19+s23+$0x0], $0xffff  }
0x907: {  	v58 =	vadd.f32 v35, v31;
	v11 =	vadd.f32 v11, v13;
	v2 =	vld [tilespmem:s4+$0x5080]  }
0x908: {  	v4 =	vadd.f32 v4, v8;
	v5 =	vadd.f32 v5, v9;
	v8 =	vld.idx.msk [tilespmem:v38+s23+$0x0], $0xffff  }
0x909: {  	v6 =	vadd.f32 v6, v10;
	v7 =	vadd.f32 v7, v11;
	v9 =	vld.idx.msk [tilespmem:v39+s23+$0x0], $0xffff  }
0x90a: {  	v10 =	vld.idx.msk [tilespmem:v40+s23+$0x0], $0xffff;
	v4 =	vadd.f32 v20, v4;
	v5 =	vadd.f32 v21, v5  }
0x90b: {  	v11 =	vld.idx.msk [tilespmem:v42+s23+$0x0], $0xffff;
	v6 =	vadd.f32 v18, v6;
	v3 =	vadd.f32 v3, v7  }
0x90c: {  	v16 =	vadd.f32 v26, v22;
	v7 =	vld.idx.msk [tilespmem:v41+s23+$0x0], $0xffff;
	v18 =	vadd.f32 v27, v23  }
0x90d: {  	v4 =	vadd.f32 v5, v4;
	v3 =	vadd.f32 v3, v6;
	v5 =	vld.idx.msk [tilespmem:v43+s23+$0x0], $0xffff  }
0x90e: {  	v6 =	vld.idx.msk [tilespmem:v44+s23+$0x0], $0xffff;
	v13 =	vadd.f32 v25, v19;
	v19 =	vadd.f32 v32, v28  }
0x90f: {  	v61 =	vadd.f32 v8, v16;
	v18 =	vadd.f32 v9, v18;
	v16 =	vld.idx.msk [tilespmem:v51+s23+$0x0], $0xffff  }
0x910: {  	v15 =	vadd.f32 v3, v4;
	v3 =	vadd.f32 v24, v52;
	v4 =	vld.idx.msk [tilespmem:v45+s23+$0x0], $0xffff  }
0x911: {  	v45 =	vld.idx.msk [tilespmem:v47+s23+$0x0], $0xffff;
	v47 =	vadd.f32 v34, v30;
	v60 =	vadd.f32 v12, v13  }
0x912: {  	v52 =	vld.idx.msk [tilespmem:v48+s23+$0x0], $0xffff;
	v19 =	vadd.f32 v10, v19;
	v7 =	vadd.f32 v7, v46  }
0x913: {  	v13 =	vld.idx.msk [tilespmem:v54+s23+$0x0], $0xffff;
	v3 =	vadd.f32 v14, v3;
	v63 =	vadd.f32 v11, v47  }
0x914: {  	v14 =	vld.idx.msk [tilespmem:v53+s23+$0x0], $0xffff;
	v12 =	vadd.f32 v5, v58;
	v5 =	vadd.f32 v17, v61  }
0x915: {  	v10 =	vld.idx.msk [tilespmem:v55+s23+$0x0], $0xffff;
	v7 =	vadd.f32 v59, v7;
	v9 =	vadd.f32 v6, v3  }
0x916: {  	s2 =	simm.s32 $0x1F520;
	v11 =	vld.idx.msk [tilespmem:v56+s23+$0x0], $0xffff;
	v6 =	vadd.f32 v62, v63;
	v8 =	vadd.f32 v4, v60  }
0x917: {  	s7 =	simm.s32 $0x180;
	s3 =	sand.u32 $0x1F0, s24;
	s4 =	simm.s32 $0x0;
	[tilespmem:s2+$0x0] =	vst v15;
	v15 =	vld.idx.msk [tilespmem:v57+s23+$0x0], $0xffff;
	v3 =	vadd.f32 v45, v18;
	v4 =	vadd.f32 v52, v19  }
.LBB2_31:
0x918: {  	s6 =	sadd.s32 $0x80, s7;
	s9 =	sadd.s32 $0x100, s7;
	v12 =	vadd.f32 v16, v12;
	v2 =	vld.idx.msk [tilespmem:v2+s23+$0x0], $0xffff;
	s8 =	sadd.s32 $0x30, s8  }
0x919: {  	v9 =	vadd.f32 v14, v9;
	s10 =	sadd.s32 $0xFFFFFFF0, s8;
	s11 =	sand.u32 $0x70, s8;
	s9 =	sand.u32 $0x1C00, s9;
	v1 =	vld.idx.msk [tilespmem:v1+s23+$0x0], $0xffff  }
0x91a: {  	s12 =	sadd.s32 $0xFFFFFFE0, s8;
	v8 =	vadd.f32 v13, v8;
	s13 =	sand.u32 $0x70, s10;
	s11 =	sor.u32 s11, s9;
	v0 =	vld.idx.msk [tilespmem:v0+s23+$0x0], $0xffff  }
0x91b: {  	s6 =	sand.u32 $0x1C00, s6;
	s9 =	sand.u32 $0x70, s12;
	s10 =	sand.u32 $0xC00, s7;
	v5 =	vadd.f32 v10, v5;
	v13 =	vld [tilespmem:s11+$0x5000]  }
0x91c: {  	s12 =	sand.u32 $0x1F0, s12;
	s10 =	sor.u32 s9, s10;
	s9 =	sor.u32 s13, s6;
	v3 =	vadd.f32 v11, v3;
	v8 =	vadd.f32 v8, v9;
	v10 =	vld [tilespmem:s11+$0x5080]  }
0x91d: {  	v4 =	vadd.f32 v15, v4;
	v9 =	vld [tilespmem:s11+$0x5100]  }
0x91e: {  	v3 =	vadd.f32 v3, v5;
	v2 =	vadd.f32 v2, v7;
	v11 =	vld [tilespmem:s11+$0x5180]  }
0x91f: {  	v1 =	vadd.f32 v1, v6;
	v5 =	vld [tilespmem:s11+$0x4200]  }
0x920: {  	v0 =	vadd.f32 v0, v12;
	v2 =	vadd.f32 v2, v4;
	v6 =	vld [tilespmem:s11+$0x4280]  }
0x921: {  	v3 =	vadd.f32 v3, v8;
	v4 =	vld [tilespmem:s11+$0x4300]  }
0x922: {  	v0 =	vadd.f32 v0, v1;
	v7 =	vld [tilespmem:s11+$0x4380]  }
0x923: {  	v1 =	vld [tilespmem:s11+$0x4000];
	[tilespmem:s3+$0x1F500] =	vst v3;
	s3 =	smov.u32 s12  }
0x924: {  	v0 =	vadd.f32 v0, v2;
	v3 =	vld [tilespmem:s11+$0x4080]  }
0x925: {  	v2 =	vld [tilespmem:s11+$0x4100]  }
0x926: {  	v8 =	vld [tilespmem:s11+$0x4180];
	[tilespmem:s2+$0xFFFFFFF0] =	vst v0  }
0x927: {  	v0 =	vld [tilespmem:s11+$0x3000]  }
0x928: {  	v12 =	vld [tilespmem:s11+$0x3080]  }
0x929: {  	v14 =	vld [tilespmem:s11+$0x3100]  }
0x92a: {  	v15 =	vld [tilespmem:s11+$0x3180]  }
0x92b: {  	v16 =	vld [tilespmem:s11+$0x3200]  }
0x92c: {  	v17 =	vld [tilespmem:s11+$0x3280]  }
0x92d: {  	v18 =	vld [tilespmem:s11+$0x3300]  }
0x92e: {  	v19 =	vld [tilespmem:s11+$0x3380]  }
0x92f: {  	v13 =	vld.idx.msk [tilespmem:v13+s23+$0x0], $0xffff  }
0x930: {  	v10 =	vld.idx.msk [tilespmem:v10+s23+$0x0], $0xffff  }
0x931: {  	s4 =	sadd.s32 $0x3, s4;
	v5 =	vld.idx.msk [tilespmem:v5+s23+$0x0], $0xffff  }
0x932: {  	p0 =	slt.u32 s4, $0x1B;
	v6 =	vld.idx.msk [tilespmem:v6+s23+$0x0], $0xffff  }
0x933: {  	v1 =	vld.idx.msk [tilespmem:v1+s23+$0x0], $0xffff  }
0x934: {  	v3 =	vld.idx.msk [tilespmem:v3+s23+$0x0], $0xffff  }
0x935: {  	v0 =	vld.idx.msk [tilespmem:v0+s23+$0x0], $0xffff  }
0x936: {  	v12 =	vld.idx.msk [tilespmem:v12+s23+$0x0], $0xffff  }
0x937: {  	v14 =	vld.idx.msk [tilespmem:v14+s23+$0x0], $0xffff  }
0x938: {  	v15 =	vld.idx.msk [tilespmem:v15+s23+$0x0], $0xffff  }
0x939: {  	v16 =	vld.idx.msk [tilespmem:v16+s23+$0x0], $0xffff  }
0x93a: {  	v17 =	vld.idx.msk [tilespmem:v17+s23+$0x0], $0xffff  }
0x93b: {  	v18 =	vld.idx.msk [tilespmem:v18+s23+$0x0], $0xffff  }
0x93c: {  	v19 =	vld.idx.msk [tilespmem:v19+s23+$0x0], $0xffff  }
0x93d: {  	v2 =	vld.idx.msk [tilespmem:v2+s23+$0x0], $0xffff  }
0x93e: {  	v8 =	vld.idx.msk [tilespmem:v8+s23+$0x0], $0xffff  }
0x93f: {  	v4 =	vld.idx.msk [tilespmem:v4+s23+$0x0], $0xffff  }
0x940: {  	v7 =	vld.idx.msk [tilespmem:v7+s23+$0x0], $0xffff  }
0x941: {  	v0 =	vadd.f32 v16, v0;
	v12 =	vadd.f32 v17, v12;
	v9 =	vld.idx.msk [tilespmem:v9+s23+$0x0], $0xffff  }
0x942: {  	v14 =	vadd.f32 v18, v14;
	v15 =	vadd.f32 v19, v15;
	v11 =	vld.idx.msk [tilespmem:v11+s23+$0x0], $0xffff  }
0x943: {  	v0 =	vadd.f32 v1, v0;
	v1 =	vadd.f32 v3, v12;
	v16 =	vld [tilespmem:s10+$0x3000]  }
0x944: {  	v2 =	vadd.f32 v2, v14;
	v8 =	vadd.f32 v8, v15;
	v3 =	vld [tilespmem:s10+$0x3080]  }
0x945: {  	v0 =	vadd.f32 v5, v0;
	v1 =	vadd.f32 v6, v1;
	v12 =	vld [tilespmem:s10+$0x3100]  }
0x946: {  	v2 =	vadd.f32 v4, v2;
	v4 =	vadd.f32 v7, v8;
	v5 =	vld [tilespmem:s10+$0x3180]  }
0x947: {  	v0 =	vadd.f32 v13, v0;
	v1 =	vadd.f32 v10, v1;
	v6 =	vld [tilespmem:s10+$0x3200]  }
0x948: {  	v2 =	vadd.f32 v9, v2;
	v4 =	vadd.f32 v11, v4;
	v7 =	vld [tilespmem:s10+$0x3280]  }
0x949: {  	v8 =	vld [tilespmem:s10+$0x3300]  }
0x94a: {  	v0 =	vadd.f32 v1, v0;
	v1 =	vadd.f32 v4, v2;
	v9 =	vld [tilespmem:s10+$0x3380]  }
0x94b: {  	v2 =	vld [tilespmem:s9+$0x3000]  }
0x94c: {  	v0 =	vadd.f32 v1, v0;
	v4 =	vld [tilespmem:s9+$0x3080]  }
0x94d: {  	s2 =	sadd.s32 $0x30, s2;
	v1 =	vld [tilespmem:s9+$0x3100]  }
0x94e: {  	v10 =	vld [tilespmem:s9+$0x3180];
	[tilespmem:s2+$0x0] =	vst v0  }
0x94f: {  	v0 =	vld [tilespmem:s9+$0x3200]  }
0x950: {  	v11 =	vld [tilespmem:s9+$0x3280]  }
0x951: {  	v13 =	vld [tilespmem:s9+$0x3300]  }
0x952: {  	v14 =	vld [tilespmem:s9+$0x3380]  }
0x953: {  	v15 =	vld [tilespmem:s10+$0x4000]  }
0x954: {  	v17 =	vld [tilespmem:s10+$0x4080]  }
0x955: {  	v18 =	vld [tilespmem:s10+$0x4100]  }
0x956: {  	v19 =	vld [tilespmem:s10+$0x4180]  }
0x957: {  	v20 =	vld [tilespmem:s9+$0x4000]  }
0x958: {  	v21 =	vld [tilespmem:s9+$0x4080]  }
0x959: {  	v22 =	vld [tilespmem:s9+$0x4100]  }
0x95a: {  	v23 =	vld [tilespmem:s9+$0x4180]  }
0x95b: {  	v24 =	vld [tilespmem:s10+$0x4200]  }
0x95c: {  	v25 =	vld [tilespmem:s10+$0x4280]  }
0x95d: {  	v26 =	vld [tilespmem:s10+$0x4300]  }
0x95e: {  	v27 =	vld [tilespmem:s10+$0x4380]  }
0x95f: {  	v28 =	vld [tilespmem:s9+$0x4200]  }
0x960: {  	v29 =	vld [tilespmem:s9+$0x4280]  }
0x961: {  	v30 =	vld [tilespmem:s9+$0x4300]  }
0x962: {  	v31 =	vld [tilespmem:s9+$0x4380]  }
0x963: {  	v16 =	vld.idx.msk [tilespmem:v16+s23+$0x0], $0xffff  }
0x964: {  	v3 =	vld.idx.msk [tilespmem:v3+s23+$0x0], $0xffff  }
0x965: {  	v12 =	vld.idx.msk [tilespmem:v12+s23+$0x0], $0xffff  }
0x966: {  	v5 =	vld.idx.msk [tilespmem:v5+s23+$0x0], $0xffff  }
0x967: {  	v6 =	vld.idx.msk [tilespmem:v6+s23+$0x0], $0xffff  }
0x968: {  	v7 =	vld.idx.msk [tilespmem:v7+s23+$0x0], $0xffff  }
0x969: {  	v8 =	vld.idx.msk [tilespmem:v8+s23+$0x0], $0xffff  }
0x96a: {  	v9 =	vld.idx.msk [tilespmem:v9+s23+$0x0], $0xffff  }
0x96b: {  	v2 =	vld.idx.msk [tilespmem:v2+s23+$0x0], $0xffff  }
0x96c: {  	v4 =	vld.idx.msk [tilespmem:v4+s23+$0x0], $0xffff  }
0x96d: {  	v6 =	vadd.f32 v6, v16;
	v1 =	vld.idx.msk [tilespmem:v1+s23+$0x0], $0xffff  }
0x96e: {  	v3 =	vadd.f32 v7, v3;
	v7 =	vld.idx.msk [tilespmem:v10+s23+$0x0], $0xffff  }
0x96f: {  	v8 =	vadd.f32 v8, v12;
	v0 =	vld.idx.msk [tilespmem:v0+s23+$0x0], $0xffff  }
0x970: {  	v5 =	vadd.f32 v9, v5;
	v9 =	vld.idx.msk [tilespmem:v11+s23+$0x0], $0xffff  }
0x971: {  	v10 =	vld.idx.msk [tilespmem:v13+s23+$0x0], $0xffff  }
0x972: {  	v11 =	vld.idx.msk [tilespmem:v14+s23+$0x0], $0xffff  }
0x973: {  	v13 =	vld [tilespmem:s10+$0x5000]  }
0x974: {  	v32 =	vld [tilespmem:s10+$0x5080]  }
0x975: {  	v12 =	vadd.f32 v0, v2;
	v33 =	vld [tilespmem:s10+$0x5100]  }
0x976: {  	v4 =	vadd.f32 v9, v4;
	v34 =	vld [tilespmem:s10+$0x5180]  }
0x977: {  	v9 =	vadd.f32 v10, v1;
	v35 =	vld [tilespmem:s9+$0x5000]  }
0x978: {  	v7 =	vadd.f32 v11, v7;
	v2 =	vld [tilespmem:s9+$0x5080]  }
0x979: {  	v1 =	vld [tilespmem:s9+$0x5100]  }
0x97a: {  	v0 =	vld [tilespmem:s9+$0x5180]  }
0x97b: {  	v10 =	vld.idx.msk [tilespmem:v15+s23+$0x0], $0xffff  }
0x97c: {  	v11 =	vld.idx.msk [tilespmem:v17+s23+$0x0], $0xffff  }
0x97d: {  	v14 =	vld.idx.msk [tilespmem:v18+s23+$0x0], $0xffff  }
0x97e: {  	v15 =	vld.idx.msk [tilespmem:v19+s23+$0x0], $0xffff  }
0x97f: {  	v16 =	vld.idx.msk [tilespmem:v20+s23+$0x0], $0xffff  }
0x980: {  	v17 =	vld.idx.msk [tilespmem:v21+s23+$0x0], $0xffff  }
0x981: {  	v6 =	vadd.f32 v10, v6;
	v10 =	vld.idx.msk [tilespmem:v22+s23+$0x0], $0xffff  }
0x982: {  	v3 =	vadd.f32 v11, v3;
	v11 =	vld.idx.msk [tilespmem:v23+s23+$0x0], $0xffff  }
0x983: {  	v14 =	vadd.f32 v14, v8;
	v8 =	vld.idx.msk [tilespmem:v24+s23+$0x0], $0xffff  }
0x984: {  	v15 =	vadd.f32 v15, v5;
	v5 =	vld.idx.msk [tilespmem:v25+s23+$0x0], $0xffff  }
0x985: {  	v19 =	vadd.f32 v16, v12;
	v18 =	vld.idx.msk [tilespmem:v26+s23+$0x0], $0xffff  }
0x986: {  	v17 =	vadd.f32 v17, v4;
	v20 =	vld.idx.msk [tilespmem:v27+s23+$0x0], $0xffff  }
0x987: {  	v21 =	vadd.f32 v10, v9;
	v4 =	vld.idx.msk [tilespmem:v28+s23+$0x0], $0xffff  }
0x988: {  	v12 =	vadd.f32 v11, v7;
	v7 =	vld.idx.msk [tilespmem:v29+s23+$0x0], $0xffff  }
0x989: {  	v9 =	vadd.f32 v8, v6;
	v6 =	vld.idx.msk [tilespmem:v30+s23+$0x0], $0xffff  }
0x98a: {  	v8 =	vadd.f32 v5, v3;
	v16 =	vld.idx.msk [tilespmem:v31+s23+$0x0], $0xffff  }
.Ltmp14:
0x98b: {  	v5 =	vadd.f32 v18, v14;
	v14 =	vld.idx.msk [tilespmem:v13+s23+$0x0], $0xffff;
	(pc) =	sbr.rel @p0 .LBB2_31-.Ltmp14, $4  }
0x98c: {  	v3 =	vadd.f32 v20, v15;
	v13 =	vld.idx.msk [tilespmem:v32+s23+$0x0], $0xffff  }
0x98d: {  	v4 =	vadd.f32 v4, v19;
	v10 =	vld.idx.msk [tilespmem:v33+s23+$0x0], $0xffff  }
0x98e: {  	v7 =	vadd.f32 v7, v17;
	v11 =	vld.idx.msk [tilespmem:v34+s23+$0x0], $0xffff  }
0x98f: {  	s7 =	sadd.s32 $0x180, s7;
	v6 =	vadd.f32 v6, v21;
	v15 =	vld.idx.msk [tilespmem:v35+s23+$0x0], $0xffff  }
0x990: {  	_ =	sdelay $0x3  }
0x991: {  	v2 =	vld.idx.msk [tilespmem:v2+s23+$0x0], $0xffff  }
0x992: {  	v1 =	vld.idx.msk [tilespmem:v1+s23+$0x0], $0xffff  }
0x993: {  	v0 =	vld.idx.msk [tilespmem:v0+s23+$0x0], $0xffff  }
0x994: {  	v12 =	vadd.f32 v16, v12  }
0x995: {  	v9 =	vadd.f32 v14, v9;
	v8 =	vadd.f32 v13, v8  }
0x996: {  	v5 =	vadd.f32 v10, v5;
	v3 =	vadd.f32 v11, v3  }
0x997: {  	v4 =	vadd.f32 v15, v4;
	v2 =	vadd.f32 v2, v7  }
0x998: {  	v1 =	vadd.f32 v1, v6;
	v0 =	vadd.f32 v0, v12  }
0x999: {  	v62 =	vadd.f32 v8, v9;
	v3 =	vadd.f32 v3, v5  }
0x99a: {  	v2 =	vadd.f32 v2, v4;
	v0 =	vadd.f32 v0, v1  }
0x99b: {  	v63 =	vadd.f32 v3, v62  }
0x99c: {  	v0 =	vadd.f32 v0, v2  }
0x99d: {  	[tilespmem:s3+$0x1F500] =	vst v63  }
0x99e: {  	[tilespmem:s2+$0xFFFFFFF0] =	vst v0  }
.LBB2_33:
0x99f: {  	s2 =	sshra.s32 s0, $0x2  }
0x9a0: {  	v0 =	vld [tilespmem:s2+$0x3C60]  }
0x9a1: {  	v1 =	vld [tilespmem:s2+$0x3CE0]  }
0x9a2: {  	v2 =	vld [tilespmem:s2+$0x3D60]  }
0x9a3: {  	v3 =	vld [tilespmem:s2+$0x3DE0]  }
0x9a4: {  	v4 =	vld [tilespmem:s2+$0x3E60]  }
0x9a5: {  	v5 =	vld [tilespmem:s2+$0x3EE0]  }
0x9a6: {  	v6 =	vld [tilespmem:s2+$0x3F60]  }
0x9a7: {  	v7 =	vld [tilespmem:s2+$0x3FE0]  }
0x9a8: {  	v8 =	vld [tilespmem:s2+$0x4C60]  }
0x9a9: {  	v9 =	vld [tilespmem:s2+$0x4CE0]  }
0x9aa: {  	v10 =	vld [tilespmem:s2+$0x4D60]  }
0x9ab: {  	v11 =	vld [tilespmem:s2+$0x4DE0]  }
0x9ac: {  	v12 =	vld [tilespmem:s2+$0x4E60]  }
0x9ad: {  	v13 =	vld [tilespmem:s2+$0x4EE0]  }
0x9ae: {  	v14 =	vld [tilespmem:s2+$0x4F60]  }
0x9af: {  	v15 =	vld [tilespmem:s2+$0x4FE0]  }
0x9b0: {  	v16 =	vld [tilespmem:s2+$0x5C60]  }
0x9b1: {  	v17 =	vld [tilespmem:s2+$0x5CE0]  }
0x9b2: {  	v18 =	vld [tilespmem:s2+$0x5D60]  }
0x9b3: {  	v19 =	vld [tilespmem:s2+$0x5DE0]  }
0x9b4: {  	v0 =	vld.idx.msk [tilespmem:v0+s23+$0x0], $0xffff  }
0x9b5: {  	v1 =	vld.idx.msk [tilespmem:v1+s23+$0x0], $0xffff  }
0x9b6: {  	v2 =	vld.idx.msk [tilespmem:v2+s23+$0x0], $0xffff  }
0x9b7: {  	v3 =	vld.idx.msk [tilespmem:v3+s23+$0x0], $0xffff  }
0x9b8: {  	v4 =	vld.idx.msk [tilespmem:v4+s23+$0x0], $0xffff  }
0x9b9: {  	v5 =	vld.idx.msk [tilespmem:v5+s23+$0x0], $0xffff  }
0x9ba: {  	v6 =	vld.idx.msk [tilespmem:v6+s23+$0x0], $0xffff  }
0x9bb: {  	v7 =	vld.idx.msk [tilespmem:v7+s23+$0x0], $0xffff  }
0x9bc: {  	v8 =	vld.idx.msk [tilespmem:v8+s23+$0x0], $0xffff  }
0x9bd: {  	v9 =	vld.idx.msk [tilespmem:v9+s23+$0x0], $0xffff  }
0x9be: {  	v10 =	vld.idx.msk [tilespmem:v10+s23+$0x0], $0xffff  }
0x9bf: {  	v11 =	vld.idx.msk [tilespmem:v11+s23+$0x0], $0xffff  }
0x9c0: {  	v12 =	vld.idx.msk [tilespmem:v12+s23+$0x0], $0xffff  }
0x9c1: {  	v13 =	vld.idx.msk [tilespmem:v13+s23+$0x0], $0xffff  }
0x9c2: {  	v14 =	vld.idx.msk [tilespmem:v14+s23+$0x0], $0xffff  }
0x9c3: {  	v15 =	vld.idx.msk [tilespmem:v15+s23+$0x0], $0xffff  }
0x9c4: {  	v16 =	vld.idx.msk [tilespmem:v16+s23+$0x0], $0xffff  }
0x9c5: {  	v60 =	vld.idx.msk [tilespmem:v17+s23+$0x0], $0xffff;
	v0 =	vadd.f32 v4, v0;
	v1 =	vadd.f32 v5, v1  }
0x9c6: {  	v61 =	vld.idx.msk [tilespmem:v18+s23+$0x0], $0xffff;
	v2 =	vadd.f32 v6, v2;
	v3 =	vadd.f32 v7, v3  }
0x9c7: {  	v62 =	vld.idx.msk [tilespmem:v19+s23+$0x0], $0xffff;
	v0 =	vadd.f32 v8, v0;
	v1 =	vadd.f32 v9, v1  }
0x9c8: {  	v2 =	vadd.f32 v10, v2;
	v3 =	vadd.f32 v11, v3  }
0x9c9: {  	v0 =	vadd.f32 v12, v0;
	v1 =	vadd.f32 v13, v1  }
0x9ca: {  	v2 =	vadd.f32 v14, v2;
	v3 =	vadd.f32 v15, v3  }
0x9cb: {  	v0 =	vadd.f32 v16, v0;
	v1 =	vadd.f32 v60, v1  }
0x9cc: {  	v2 =	vadd.f32 v61, v2;
	v3 =	vadd.f32 v62, v3  }
0x9cd: {  	p0 =	sne.s32 s0, $0x40  }
.Ltmp15:
0x9ce: {  	v0 =	vadd.f32 v1, v0;
	v63 =	vadd.f32 v3, v2;
	(pc) =	sbr.rel @p0 .LBB2_33-.Ltmp15, $3  }
0x9cf: {  	_ = 	snop  }
0x9d0: {  	v0 =	vadd.f32 v63, v0;
	_ =	sdelay $0x1  }
0x9d1: {  	s0 =	sadd.s32 $0x40, s0;
	[tilespmem:s2+$0x1F6E0] =	vst v0  }
0x9d2: {  	s0 =	sshll.u32 s1, $0x11;
	s24 =	rddreg [dreg:$0xf]  }
0x9d3: {  	s29 =	rddreg [dreg:$0x5];
	p0 =	sne.s32 s5, $0x1A;
	s0 =	sor.u32 s0, s24  }
.Ltmp16:
0x9d4: {  	s0 =	sor.u32 s29, s0;
	(pc) =	sbr.rel @p0 .LBB2_2-.Ltmp16, $4  }
0x9d5: {  	s30 =	rddreg [dreg:$0x2];
	s4 =	simm.s32 $0x80;
	s0 =	sshrl.u32 s0, $0x3  }
0x9d6: {  	s7 =	simm.s32 $0x400;
	s31 =	simm.s32 $0x1E700;
	s0 =	sadd.s32 s30, s0  }
0x9d7: {  	[hbm4b:s0+s4] =	stream.strided.scatter [tilespmem:s31], [sflag:$0x3], $0x1000, s7, s4, $0x38;
	[tilespmem:$0x1F700] =	vst v63  }
0x9d8: {  	s0 =	smov.u32 s5  }
0x9d9: {  	s1 =	simm.s32 $0x3  }
0x9da: {  	_ =	swait.ge [sflag:s1], $0x1000  }
0x9db: {  	s2 =	rddreg [dreg:$0x11]  }
0x9dc: {  	s0 =	rddreg [dreg:$0x10];
	s2 =	sadd.s32 $0x1, s2  }
0x9dd: {  	p0 =	sne.s32 s2, s0  }
.Ltmp17:
0x9de: {  	_ = 	snop;
	(pc) =	sbr.rel @p0 .LBB2_1-.Ltmp17, $3  }
0x9df: {  	_ =	sdelay $0x1  }
0x9e0: {  	[sflag:s1] =	ssyncset.done $0x0  }
0x9e1: {  	[sflag:s1] =	ssyncadd.s32 $0xFFFFF000  }
0x9e2: {  	_ =	sfence.sel $0x180000  }
0x9e3: {  	[bflag:$0x0] =	sbarrier.arrive $0xFFFF  }
0x9e4: {  	_ =	strace $0x90000047  }
0x9e5: {  	s0 =	stileid.u32;
	[bflag:$0x2] =	sbarrier.arrive $0xFFFF  }
0x9e6: {  	p0 =	sne.s32 s0, $0x0;
	s0 =	rddreg [dreg:$0x3]  }
0x9e7: {  	s0 =	sadd.s32 @!p0 $0x100000, s0  }
0x9e8: {  	[sflag:s0] =	ssyncadd.tile.s32 @!p0 $0x1;
	_ =	shalt  }
.Lfunc_end2:
_tile_overlayer_lowered:
.L_overlay_start_2:
0x9e9: {  	(tag) =	ssettag $0x2  }
0x9ea: {  	s0 =	rddreg [dreg:$0x0];
	s2 =	stileid.u32  }
0x9eb: {  	s1 =	rddreg [dreg:$0x1];
	p0 =	sne.s32 s2, $0x0  }
0x9ec: {  	s3 =	rddreg [dreg:$0x2];
	[bflag:$0x3] =	sbarrier.arrive $0xFFFF;
	s2 =	simm.s32 @!p0 $0x1C04  }
0x9ed: {  	[timem:s3], [sflag:s2] =	dma.local @!p0 [hbm:s0], s1  }
0x9ee: {  	s0 =	simm.s32 @!p0 $0x4  }
0x9ef: {  	_ =	swait.ge @!p0 [sflag:s0], s1  }
0x9f0: {  	s1 =	ssub.s32 @!p0 $0x0, s1;
	[sflag:s0] =	ssyncset.done @!p0 $0x0  }
0x9f1: {  	[sflag:s0] =	ssyncadd.s32 @!p0 s1  }
0x9f2: {  	[bflag:$0x3] =	sbarrier.arrive $0xFFFF  }
0x9f3: {  	_ =	shalt  }

</sc_bundles>
